<compile_context>
chip_gen: v7x
topology: tpu7x:2x2x1
jax: 0.10.2.dev20260603
libtpu: 0.0.44.dev20260713+nightly
codegen_flags: <defaults>
</compile_context>

<pallas_src>
import functools

import jax
import jax.numpy as jnp
from jax import lax
from jax.experimental import pallas as pl
from jax.experimental.pallas import tpu as pltpu
from jax.experimental.pallas import tpu_sc as plsc

B = 4096
SEQ = 200
SEQP = 208
D = 64
C = 30
CHUNKS = (104, 96)
NLANE = 16
NVREG = D // NLANE
TROW = 128


VB = 128
NBLK = (1000000 // VB)


def _make_sc_pack():
    info = plsc.get_sparse_core_info()
    nc, ns = info.num_cores, info.num_subcores
    nw = nc * ns

    mesh = plsc.VectorSubcoreMesh(core_axis_name="c", subcore_axis_name="s")

    @functools.partial(
        pl.kernel,
        out_type=jax.ShapeDtypeStruct((500000, TROW), jnp.float32),
        mesh=mesh,
        compiler_params=pltpu.CompilerParams(needs_layout_passes=False),
        scratch_types=[
            pltpu.VMEM((4, 64, 136), jnp.float32),
            pltpu.VMEM((4, VB // 2, TROW), jnp.float32),
            pltpu.SemaphoreType.DMA,
            pltpu.SemaphoreType.DMA,
            pltpu.SemaphoreType.DMA,
            pltpu.SemaphoreType.DMA,
            pltpu.SemaphoreType.DMA,
            pltpu.SemaphoreType.DMA,
            pltpu.SemaphoreType.DMA,
            pltpu.SemaphoreType.DMA,
        ],
    )
    def pack(tt_hbm, tail_hbm, out_hbm, in_v, out_v, isem0, isem1, isem2,
             isem3, osem0, osem1, osem2, osem3):
        wid = lax.axis_index("s") * nc + lax.axis_index("c")
        per = NBLK // nw
        extra = NBLK - per * nw
        bstart = wid * per + lax.min(wid, extra)
        n = per + jnp.where(wid < extra, 1, 0)

        @pl.when(wid == 0)
        def _():
            pltpu.sync_copy(tail_hbm, out_hbm.at[pl.ds((NBLK // 2) * VB, 32)])

        def fire_in(blk, buf, sem):
            pltpu.async_copy(
                tt_hbm.at[:, pl.ds(blk * VB, VB)],
                in_v.at[buf, :, pl.ds(0, VB)], sem,
            )

        def drain_in(buf, sem):
            pltpu.make_async_copy(
                tt_hbm.at[:, pl.ds(0, VB)],
                in_v.at[buf, :, pl.ds(0, VB)], sem,
            ).wait()

        def fire_out(blk, buf, sem):
            pltpu.async_copy(
                out_v.at[buf], out_hbm.at[pl.ds(blk * (VB // 2), VB // 2)],
                sem,
            )

        def drain_out(buf, sem):
            pltpu.make_async_copy(
                out_v.at[buf], out_hbm.at[pl.ds(0, VB // 2)], sem,
            ).wait()

        lanes = lax.iota(jnp.int32, NLANE)
        dims = [jnp.full((NLANE,), NLANE * kk, jnp.int32) + lanes
                for kk in range(NVREG)]

        def do_block(blk, buf):
            @plsc.parallel_loop(0, VB // 2, unroll=8)
            def row_body(j):
                bq = jnp.full((NLANE,), 2 * j, jnp.int32)
                for h in range(2):
                    q = bq + h
                    vs = [plsc.load_gather(in_v.at[buf], [dims[kk], q])
                          for kk in range(NVREG)]
                    for kk in range(NVREG):
                        out_v[buf, j, pl.ds(64 * h + NLANE * kk, NLANE)] = vs[kk]

        isems = (isem0, isem1, isem2, isem3)
        osems = (osem0, osem1, osem2, osem3)
        for s in range(3):
            @pl.when(s < n)
            def _(s=s):
                fire_in(bstart + s, s, isems[s])

        def quad_body(p, carry):
            i0 = 4 * p
            for s in range(4):
                i = i0 + s
                blk = bstart + i

                @pl.when(i < n)
                def _(i=i, blk=blk, s=s):
                    drain_in(s, isems[s])

                    @pl.when(i + 3 < n)
                    def _():
                        fire_in(blk + 3, (s + 3) % 4, isems[(s + 3) % 4])

                    @pl.when(i >= 4)
                    def _():
                        drain_out(s, osems[s])

                    do_block(blk, s)
                    fire_out(blk, s, osems[s])

            return carry

        lax.fori_loop(0, (n + 3) // 4, quad_body, 0)
        for s in range(4):
            @pl.when(s < n)
            def _(s=s):
                drain_out(s, osems[s])

    return pack


def _make_sc_pool():
    info = plsc.get_sparse_core_info()
    nc, ns = info.num_cores, info.num_subcores
    nw = nc * ns
    tpw = B // nw

    mesh = plsc.VectorSubcoreMesh(core_axis_name="c", subcore_axis_name="s")

    @functools.partial(
        pl.kernel,
        out_type=jax.ShapeDtypeStruct((B, D), jnp.float32),
        mesh=mesh,
        compiler_params=pltpu.CompilerParams(use_tc_tiling_on_sc=False),
        scratch_types=[
            pltpu.VMEM((tpw * SEQ,), jnp.int32),
            pltpu.VMEM((2, SEQ, D), jnp.float32),
            pltpu.VMEM((tpw, D), jnp.float32),
            pltpu.SemaphoreType.DMA,
        ],
    )
    def pool(idx_hbm, table_hbm, out_hbm, idx_v, rows_v, out_v, sem):
        wid = lax.axis_index("s") * nc + lax.axis_index("c")
        base = wid * tpw
        pltpu.sync_copy(idx_hbm.at[pl.ds(base * SEQ, tpw * SEQ)], idx_v)

        def fire(t, buf):
            pos = 0
            for clen in CHUNKS:
                pltpu.async_copy(
                    table_hbm.at[idx_v.at[pl.ds(t * SEQ + pos, clen)]],
                    rows_v.at[buf, pl.ds(pos, clen)],
                    sem,
                )
                pos += clen

        def drain(buf):
            pos = 0
            for clen in CHUNKS:
                pltpu.make_async_copy(
                    table_hbm.at[idx_v.at[pl.ds(0, clen)]],
                    rows_v.at[buf, pl.ds(pos, clen)],
                    sem,
                ).wait()
                pos += clen

        fire(0, 0)

        def text_body(t, carry):
            buf = lax.rem(t, 2)
            drain(buf)
            @pl.when(t + 1 < tpw)
            def _():
                fire(t + 1, 1 - buf)

            def row_body(r, accs):
                return tuple(
                    accs[k] + rows_v[buf, r, pl.ds(NLANE * k, NLANE)]
                    for k in range(NVREG)
                )

            accs = lax.fori_loop(
                0, SEQ, row_body,
                tuple(jnp.zeros((NLANE,), jnp.float32) for _ in range(NVREG)),
            )
            for k in range(NVREG):
                out_v[t, pl.ds(NLANE * k, NLANE)] = accs[k]
            return carry

        lax.fori_loop(0, tpw, text_body, 0)
        pltpu.sync_copy(out_v, out_hbm.at[pl.ds(base, tpw)])

    return pool


def _classifier_body(x_ref, w_ref, b_ref, probs_ref, pred_ref):
    x = x_ref[...] / jnp.float32(SEQ)
    logits = lax.dot_general(
        x, w_ref[...], (((1,), (1,)), ((), ())),
        preferred_element_type=jnp.float32,
    ) + b_ref[...]
    m = jnp.max(logits, axis=1, keepdims=True)
    e = jnp.exp(logits - m)
    p = e / jnp.sum(e, axis=1, keepdims=True)
    probs_ref[...] = p
    pm = jnp.max(p, axis=1, keepdims=True)
    iota = lax.broadcasted_iota(jnp.int32, p.shape, 1)
    pred_ref[...] = jnp.min(jnp.where(p == pm, iota, C), axis=1, keepdims=True)


def _tc_classifier(xsum, w, b2):
    return pl.pallas_call(
        _classifier_body,
        out_shape=(
            jax.ShapeDtypeStruct((B, C), jnp.float32),
            jax.ShapeDtypeStruct((B, 1), jnp.int32),
        ),
    )(xsum, w, b2)


def kernel(indices, table, W, b):
    idx_flat = indices.astype(jnp.int32).reshape(B * SEQ)
    table_t = table.T
    tail2 = table[NBLK * VB:].reshape(32, TROW)
    table2 = _make_sc_pack()(table_t, tail2)
    table_lin = table2.reshape(1000000, D)
    xsum = _make_sc_pool()(idx_flat, table_lin)
    probs, pred = _tc_classifier(xsum, W, b.reshape(1, C))
    return (pred.reshape(B), probs)

# --- scband reference (transcript-rebuilt; emitter-appended) ---
"""Pipeline reference for scband-fast-text-71356586656423 (READ-ONLY COPY).

The authoritative reference and input builder live on the scoring server;
editing this copy changes nothing except your own understanding.
"""

import jax, jax.numpy as jnp
import numpy as np

VOCAB = 1000000
EMBED_DIM = 64
NUM_CLASSES = 30
BATCH = 4096
SEQ = 200

def setup_inputs(seed: int = 0) -> dict:
    key = jax.random.key(seed)
    k1, k2, k3 = jax.random.split(key, 3)
    indices = jax.random.randint(k1, (BATCH, SEQ), 0, VOCAB)
    # learned parameters sized per init_kwargs, matching _init_weights (std=0.01, zero bias)
    table = jax.random.normal(k2, (VOCAB, EMBED_DIM), dtype=jnp.float32) * 0.01
    W = jax.random.normal(k3, (NUM_CLASSES, EMBED_DIM), dtype=jnp.float32) * 0.01
    b = jnp.zeros((NUM_CLASSES,), dtype=jnp.float32)
    return {"indices": indices, "table": table, "W": W, "b": b}

def reference(indices, table, W, b):
    # FastText forward, tensorized: gather subword/word embeddings, mean-pool,
    # linear classifier, softmax, argmax. Batched over BATCH texts.
    vecs = jnp.take(table, indices, axis=0)          # [B, L, D] embedding gather
    text_vec = jnp.mean(vecs, axis=1)                # [B, D] average pooling over tokens
    logits = text_vec @ W.T + b                      # [B, C] linear classifier
    probs = jax.nn.softmax(logits, axis=-1)          # [B, C]
    pred = jnp.argmax(probs, axis=-1)                # [B]
    return (pred, probs)

if __name__ == "__main__":
    import jax
    _d = setup_inputs()
    print(jax.jit(kernel)(*tuple(_d.values())))

</pallas_src>

<mosaic_0001>
#map = affine_map<(d0, d1) -> (0, 0)>
module attributes {stable_mosaic.version = 14 : i64} {
  func.func @pack(%arg0: i32, %arg1: i32, %arg2: memref<64x1000000xf32, #tpu.memory_space<hbm>>, %arg3: memref<32x128xf32, #tpu.memory_space<hbm>>, %arg4: memref<500000x128xf32, #tpu.memory_space<hbm>>, %arg5: memref<4x64x136xf32, #tpu.memory_space<vmem>>, %arg6: memref<4x64x128xf32, #tpu.memory_space<vmem>>, %arg7: memref<!tpu.dma_semaphore, #tpu.memory_space<semaphore_mem>>, %arg8: memref<!tpu.dma_semaphore, #tpu.memory_space<semaphore_mem>>, %arg9: memref<!tpu.dma_semaphore, #tpu.memory_space<semaphore_mem>>, %arg10: memref<!tpu.dma_semaphore, #tpu.memory_space<semaphore_mem>>, %arg11: memref<!tpu.dma_semaphore, #tpu.memory_space<semaphore_mem>>, %arg12: memref<!tpu.dma_semaphore, #tpu.memory_space<semaphore_mem>>, %arg13: memref<!tpu.dma_semaphore, #tpu.memory_space<semaphore_mem>>, %arg14: memref<!tpu.dma_semaphore, #tpu.memory_space<semaphore_mem>>) attributes {dimension_semantics = [#tpu.dimension_semantics<core_parallel>, #tpu.dimension_semantics<subcore_parallel>], iteration_bounds = array<i64: 2, 16>, scalar_prefetch = 0 : i64, scratch_operands = 10 : i64, tpu.core_type = #tpu.core_type<sc_vector_subcore>, window_params = [{transform_indices = #map}, {transform_indices = #map}, {transform_indices = #map}]} {
    %mul3A = arith.constant 2 : i32
    %mul3A_0 = arith.muli %arg1, %mul3A : i32
    %add3A = arith.addi %mul3A_0, %arg0 : i32
    %mul3A_1 = arith.constant 244 : i32
    %mul3A_2 = arith.muli %add3A, %mul3A_1 : i32
    %min3A = arith.constant 4 : i32
    %min3A_3 = arith.minsi %add3A, %min3A : i32
    %add3A_4 = arith.addi %mul3A_2, %min3A_3 : i32
    %lt3A = arith.constant 4 : i32
    %lt3A_5 = arith.cmpi slt, %add3A, %lt3A : i32
    %jit3A = arith.constant 1 : i32
    %jit3A_6 = arith.constant 0 : i32
    %select_n3A = arith.select %lt3A_5, %jit3A, %jit3A_6 : i32
    %add3A_7 = arith.constant 244 : i32
    %add3A_8 = arith.addi %add3A_7, %select_n3A : i32
    %eq3A = arith.constant 0 : i32
    %eq3A_9 = arith.cmpi eq, %add3A, %eq3A : i32
    %convert_element_type3A = arith.extui %eq3A_9 : i1 to i32
    %cond3A = arith.constant 0 : i32
    %cond3A_10 = arith.cmpi ne, %convert_element_type3A, %cond3A : i32
    scf.if %cond3A_10 {
      "tpu.region"() ({
        %run_scoped3A = tpu.sem_alloc : memref<!tpu.dma_semaphore, #tpu.memory_space<semaphore_mem>>
        %dma_start3A = arith.constant 499968 : i32
        %dma_start3A_85 = arith.constant 0 : i32
        %dma_start3A_86 = tpu.memref_slice %arg4[%dma_start3A, %dma_start3A_85] : memref<500000x128xf32, #tpu.memory_space<hbm>> -> memref<32x128xf32, #tpu.memory_space<hbm>>
        tpu.enqueue_dma source(%arg3 : memref<32x128xf32, #tpu.memory_space<hbm>>) target(%dma_start3A_86 : memref<32x128xf32, #tpu.memory_space<hbm>>) target_semaphore(%run_scoped3A : memref<!tpu.dma_semaphore, #tpu.memory_space<semaphore_mem>>)
        %dma_wait3A = arith.constant 499968 : i32
        %dma_wait3A_87 = arith.constant 0 : i32
        %dma_wait3A_88 = tpu.memref_slice %arg4[%dma_wait3A, %dma_wait3A_87] : memref<500000x128xf32, #tpu.memory_space<hbm>> -> memref<32x128xf32, #tpu.memory_space<hbm>>
        tpu.wait_dma2 semaphore(%run_scoped3A : memref<!tpu.dma_semaphore, #tpu.memory_space<semaphore_mem>>) src(%arg3 : memref<32x128xf32, #tpu.memory_space<hbm>>) dst(%dma_wait3A_88 : memref<32x128xf32, #tpu.memory_space<hbm>>)
        tpu.yield
      }) : () -> ()
    } else {
    }
    %iota3A = tpu.iota {dimensions = array<i32: 0>} : vector<16xi32>
    %broadcast_in_dim3A = arith.constant 0 : i32
    %broadcast_in_dim3A_11 = vector.broadcast %broadcast_in_dim3A : i32 to vector<16xi32>
    %add3A_12 = arith.addi %broadcast_in_dim3A_11, %iota3A : vector<16xi32>
    %broadcast_in_dim3A_13 = arith.constant 16 : i32
    %broadcast_in_dim3A_14 = vector.broadcast %broadcast_in_dim3A_13 : i32 to vector<16xi32>
    %add3A_15 = arith.addi %broadcast_in_dim3A_14, %iota3A : vector<16xi32>
    %broadcast_in_dim3A_16 = arith.constant 32 : i32
    %broadcast_in_dim3A_17 = vector.broadcast %broadcast_in_dim3A_16 : i32 to vector<16xi32>
    %add3A_18 = arith.addi %broadcast_in_dim3A_17, %iota3A : vector<16xi32>
    %broadcast_in_dim3A_19 = arith.constant 48 : i32
    %broadcast_in_dim3A_20 = vector.broadcast %broadcast_in_dim3A_19 : i32 to vector<16xi32>
    %add3A_21 = arith.addi %broadcast_in_dim3A_20, %iota3A : vector<16xi32>
    %gt3A = arith.constant 0 : i32
    %gt3A_22 = arith.cmpi sgt, %add3A_8, %gt3A : i32
    %convert_element_type3A_23 = arith.extui %gt3A_22 : i1 to i32
    %cond3A_24 = arith.constant 0 : i32
    %cond3A_25 = arith.cmpi ne, %convert_element_type3A_23, %cond3A_24 : i32
    scf.if %cond3A_25 {
      %add3A_85 = arith.constant 0 : i32
      %add3A_86 = arith.addi %add3A_4, %add3A_85 : i32
      %mul3A_87 = arith.constant 128 : i32
      %mul3A_88 = arith.muli %add3A_86, %mul3A_87 : i32
      %dma_start3A = arith.constant 0 : i32
      %dma_start3A_89 = arith.constant 0 : i32
      %dma_start3A_90 = arith.constant 0 : i32
      %dma_start3A_91 = tpu.memref_slice %arg5[%dma_start3A, %dma_start3A_89, %dma_start3A_90] : memref<4x64x136xf32, #tpu.memory_space<vmem>> -> memref<1x64x128xf32, #tpu.memory_space<vmem>>
      %dma_start3A_92 = tpu.memref_squeeze %dma_start3A_91 : memref<1x64x128xf32, #tpu.memory_space<vmem>> -> memref<64x128xf32, #tpu.memory_space<vmem>>
      %dma_start3A_93 = arith.constant 0 : i32
      %dma_start3A_94 = tpu.memref_slice %arg2[%dma_start3A_93, %mul3A_88] : memref<64x1000000xf32, #tpu.memory_space<hbm>> -> memref<64x128xf32, #tpu.memory_space<hbm>>
      %dma_start3A_95 = arith.constant 0 : i32
      %dma_start3A_96 = arith.constant 0 : i32
      %dma_start3A_97 = tpu.memref_slice %arg5[%dma_start3A, %dma_start3A_95, %dma_start3A_96] : memref<4x64x136xf32, #tpu.memory_space<vmem>> -> memref<1x64x128xf32, #tpu.memory_space<vmem>>
      %dma_start3A_98 = tpu.memref_squeeze %dma_start3A_97 : memref<1x64x128xf32, #tpu.memory_space<vmem>> -> memref<64x128xf32, #tpu.memory_space<vmem>>
      %dma_start3A_99 = arith.constant 0 : i32
      %dma_start3A_100 = tpu.memref_slice %arg2[%dma_start3A_99, %mul3A_88] : memref<64x1000000xf32, #tpu.memory_space<hbm>> -> memref<64x128xf32, #tpu.memory_space<hbm>>
      tpu.enqueue_dma source(%dma_start3A_100 : memref<64x128xf32, #tpu.memory_space<hbm>>) target(%dma_start3A_98 : memref<64x128xf32, #tpu.memory_space<vmem>>) target_semaphore(%arg7 : memref<!tpu.dma_semaphore, #tpu.memory_space<semaphore_mem>>)
    } else {
    }
    %gt3A_26 = arith.constant 1 : i32
    %gt3A_27 = arith.cmpi sgt, %add3A_8, %gt3A_26 : i32
    %convert_element_type3A_28 = arith.extui %gt3A_27 : i1 to i32
    %cond3A_29 = arith.constant 0 : i32
    %cond3A_30 = arith.cmpi ne, %convert_element_type3A_28, %cond3A_29 : i32
    scf.if %cond3A_30 {
      %add3A_85 = arith.constant 1 : i32
      %add3A_86 = arith.addi %add3A_4, %add3A_85 : i32
      %mul3A_87 = arith.constant 128 : i32
      %mul3A_88 = arith.muli %add3A_86, %mul3A_87 : i32
      %dma_start3A = arith.constant 1 : i32
      %dma_start3A_89 = arith.constant 0 : i32
      %dma_start3A_90 = arith.constant 0 : i32
      %dma_start3A_91 = tpu.memref_slice %arg5[%dma_start3A, %dma_start3A_89, %dma_start3A_90] : memref<4x64x136xf32, #tpu.memory_space<vmem>> -> memref<1x64x128xf32, #tpu.memory_space<vmem>>
      %dma_start3A_92 = tpu.memref_squeeze %dma_start3A_91 : memref<1x64x128xf32, #tpu.memory_space<vmem>> -> memref<64x128xf32, #tpu.memory_space<vmem>>
      %dma_start3A_93 = arith.constant 0 : i32
      %dma_start3A_94 = tpu.memref_slice %arg2[%dma_start3A_93, %mul3A_88] : memref<64x1000000xf32, #tpu.memory_space<hbm>> -> memref<64x128xf32, #tpu.memory_space<hbm>>
      %dma_start3A_95 = arith.constant 0 : i32
      %dma_start3A_96 = arith.constant 0 : i32
      %dma_start3A_97 = tpu.memref_slice %arg5[%dma_start3A, %dma_start3A_95, %dma_start3A_96] : memref<4x64x136xf32, #tpu.memory_space<vmem>> -> memref<1x64x128xf32, #tpu.memory_space<vmem>>
      %dma_start3A_98 = tpu.memref_squeeze %dma_start3A_97 : memref<1x64x128xf32, #tpu.memory_space<vmem>> -> memref<64x128xf32, #tpu.memory_space<vmem>>
      %dma_start3A_99 = arith.constant 0 : i32
      %dma_start3A_100 = tpu.memref_slice %arg2[%dma_start3A_99, %mul3A_88] : memref<64x1000000xf32, #tpu.memory_space<hbm>> -> memref<64x128xf32, #tpu.memory_space<hbm>>
      tpu.enqueue_dma source(%dma_start3A_100 : memref<64x128xf32, #tpu.memory_space<hbm>>) target(%dma_start3A_98 : memref<64x128xf32, #tpu.memory_space<vmem>>) target_semaphore(%arg8 : memref<!tpu.dma_semaphore, #tpu.memory_space<semaphore_mem>>)
    } else {
    }
    %gt3A_31 = arith.constant 2 : i32
    %gt3A_32 = arith.cmpi sgt, %add3A_8, %gt3A_31 : i32
    %convert_element_type3A_33 = arith.extui %gt3A_32 : i1 to i32
    %cond3A_34 = arith.constant 0 : i32
    %cond3A_35 = arith.cmpi ne, %convert_element_type3A_33, %cond3A_34 : i32
    scf.if %cond3A_35 {
      %add3A_85 = arith.constant 2 : i32
      %add3A_86 = arith.addi %add3A_4, %add3A_85 : i32
      %mul3A_87 = arith.constant 128 : i32
      %mul3A_88 = arith.muli %add3A_86, %mul3A_87 : i32
      %dma_start3A = arith.constant 2 : i32
      %dma_start3A_89 = arith.constant 0 : i32
      %dma_start3A_90 = arith.constant 0 : i32
      %dma_start3A_91 = tpu.memref_slice %arg5[%dma_start3A, %dma_start3A_89, %dma_start3A_90] : memref<4x64x136xf32, #tpu.memory_space<vmem>> -> memref<1x64x128xf32, #tpu.memory_space<vmem>>
      %dma_start3A_92 = tpu.memref_squeeze %dma_start3A_91 : memref<1x64x128xf32, #tpu.memory_space<vmem>> -> memref<64x128xf32, #tpu.memory_space<vmem>>
      %dma_start3A_93 = arith.constant 0 : i32
      %dma_start3A_94 = tpu.memref_slice %arg2[%dma_start3A_93, %mul3A_88] : memref<64x1000000xf32, #tpu.memory_space<hbm>> -> memref<64x128xf32, #tpu.memory_space<hbm>>
      %dma_start3A_95 = arith.constant 0 : i32
      %dma_start3A_96 = arith.constant 0 : i32
      %dma_start3A_97 = tpu.memref_slice %arg5[%dma_start3A, %dma_start3A_95, %dma_start3A_96] : memref<4x64x136xf32, #tpu.memory_space<vmem>> -> memref<1x64x128xf32, #tpu.memory_space<vmem>>
      %dma_start3A_98 = tpu.memref_squeeze %dma_start3A_97 : memref<1x64x128xf32, #tpu.memory_space<vmem>> -> memref<64x128xf32, #tpu.memory_space<vmem>>
      %dma_start3A_99 = arith.constant 0 : i32
      %dma_start3A_100 = tpu.memref_slice %arg2[%dma_start3A_99, %mul3A_88] : memref<64x1000000xf32, #tpu.memory_space<hbm>> -> memref<64x128xf32, #tpu.memory_space<hbm>>
      tpu.enqueue_dma source(%dma_start3A_100 : memref<64x128xf32, #tpu.memory_space<hbm>>) target(%dma_start3A_98 : memref<64x128xf32, #tpu.memory_space<vmem>>) target_semaphore(%arg9 : memref<!tpu.dma_semaphore, #tpu.memory_space<semaphore_mem>>)
    } else {
    }
    %add3A_36 = arith.constant 3 : i32
    %add3A_37 = arith.addi %add3A_8, %add3A_36 : i32
    %jit3A_38 = arith.constant 4 : i32
    %div3A = arith.divsi %add3A_37, %jit3A_38 : i32
    %sign3A = arith.constant 0 : i32
    %sign3A_39 = arith.cmpi sgt, %add3A_37, %sign3A : i32
    %sign3A_40 = arith.extui %sign3A_39 : i1 to i32
    %sign3A_41 = arith.constant 0 : i32
    %sign3A_42 = arith.cmpi slt, %add3A_37, %sign3A_41 : i32
    %sign3A_43 = arith.extui %sign3A_42 : i1 to i32
    %sign3A_44 = arith.subi %sign3A_40, %sign3A_43 : i32
    %sign3A_45 = arith.constant 0 : i32
    %sign3A_46 = arith.cmpi sgt, %jit3A_38, %sign3A_45 : i32
    %sign3A_47 = arith.extui %sign3A_46 : i1 to i32
    %sign3A_48 = arith.constant 0 : i32
    %sign3A_49 = arith.cmpi slt, %jit3A_38, %sign3A_48 : i32
    %sign3A_50 = arith.extui %sign3A_49 : i1 to i32
    %sign3A_51 = arith.subi %sign3A_47, %sign3A_50 : i32
    %ne3A = arith.cmpi ne, %sign3A_44, %sign3A_51 : i32
    %rem3A = arith.remsi %add3A_37, %jit3A_38 : i32
    %ne3A_52 = arith.constant 0 : i32
    %ne3A_53 = arith.cmpi ne, %rem3A, %ne3A_52 : i32
    %and3A = arith.andi %ne3A, %ne3A_53 : i1
    %sub3A = arith.constant 1 : i32
    %sub3A_54 = arith.subi %div3A, %sub3A : i32
    %select_n3A_55 = arith.select %and3A, %sub3A_54, %div3A : i32
    %while3A = arith.constant 0 : i32
    %while3A_56 = arith.constant 0 : i32
    %while3A_57 = arith.subi %select_n3A_55, %while3A_56 : i32
    %while3A_58 = arith.addi %while3A_56, %while3A_57 : i32
    %while3A_59 = arith.constant 1 : i32
    %while3A_60 = arith.divsi %while3A_57, %while3A_59 : i32
    %while3A_61 = arith.muli %while3A_60, %while3A_59 : i32
    %while3A_62 = arith.addi %while3A_56, %while3A_61 : i32
    %while3A_63 = arith.constant 1 : i32
    scf.for %while3A_85 = %while3A_56 to %while3A_62 step %while3A_63  : i32 {
      %mul3A_86 = arith.constant 4 : i32
      %mul3A_87 = arith.muli %mul3A_86, %while3A_85 : i32
      %add3A_88 = arith.constant 0 : i32
      %add3A_89 = arith.addi %mul3A_87, %add3A_88 : i32
      %add3A_90 = arith.addi %add3A_4, %add3A_89 : i32
      %lt3A_91 = arith.cmpi slt, %add3A_89, %add3A_8 : i32
      %convert_element_type3A_92 = arith.extui %lt3A_91 : i1 to i32
      %cond3A_93 = arith.constant 0 : i32
      %cond3A_94 = arith.cmpi ne, %convert_element_type3A_92, %cond3A_93 : i32
      scf.if %cond3A_94 {
        %dma_wait3A = arith.constant 0 : i32
        %dma_wait3A_116 = arith.constant 0 : i32
        %dma_wait3A_117 = arith.constant 0 : i32
        %dma_wait3A_118 = tpu.memref_slice %arg5[%dma_wait3A, %dma_wait3A_116, %dma_wait3A_117] : memref<4x64x136xf32, #tpu.memory_space<vmem>> -> memref<1x64x128xf32, #tpu.memory_space<vmem>>
        %dma_wait3A_119 = tpu.memref_squeeze %dma_wait3A_118 : memref<1x64x128xf32, #tpu.memory_space<vmem>> -> memref<64x128xf32, #tpu.memory_space<vmem>>
        %dma_wait3A_120 = arith.constant 0 : i32
        %dma_wait3A_121 = arith.constant 0 : i32
        %dma_wait3A_122 = tpu.memref_slice %arg2[%dma_wait3A_120, %dma_wait3A_121] : memref<64x1000000xf32, #tpu.memory_space<hbm>> -> memref<64x128xf32, #tpu.memory_space<hbm>>
        %dma_wait3A_123 = arith.constant 0 : i32
        %dma_wait3A_124 = arith.constant 0 : i32
        %dma_wait3A_125 = tpu.memref_slice %arg5[%dma_wait3A, %dma_wait3A_123, %dma_wait3A_124] : memref<4x64x136xf32, #tpu.memory_space<vmem>> -> memref<1x64x128xf32, #tpu.memory_space<vmem>>
        %dma_wait3A_126 = tpu.memref_squeeze %dma_wait3A_125 : memref<1x64x128xf32, #tpu.memory_space<vmem>> -> memref<64x128xf32, #tpu.memory_space<vmem>>
        %dma_wait3A_127 = arith.constant 0 : i32
        %dma_wait3A_128 = arith.constant 0 : i32
        %dma_wait3A_129 = tpu.memref_slice %arg2[%dma_wait3A_127, %dma_wait3A_128] : memref<64x1000000xf32, #tpu.memory_space<hbm>> -> memref<64x128xf32, #tpu.memory_space<hbm>>
        tpu.wait_dma2 semaphore(%arg7 : memref<!tpu.dma_semaphore, #tpu.memory_space<semaphore_mem>>) src(%dma_wait3A_129 : memref<64x128xf32, #tpu.memory_space<hbm>>) dst(%dma_wait3A_126 : memref<64x128xf32, #tpu.memory_space<vmem>>)
        %add3A_130 = arith.constant 3 : i32
        %add3A_131 = arith.addi %add3A_89, %add3A_130 : i32
        %lt3A_132 = arith.cmpi slt, %add3A_131, %add3A_8 : i32
        %convert_element_type3A_133 = arith.extui %lt3A_132 : i1 to i32
        %cond3A_134 = arith.constant 0 : i32
        %cond3A_135 = arith.cmpi ne, %convert_element_type3A_133, %cond3A_134 : i32
        scf.if %cond3A_135 {
          %add3A_156 = arith.constant 3 : i32
          %add3A_157 = arith.addi %add3A_90, %add3A_156 : i32
          %mul3A_158 = arith.constant 128 : i32
          %mul3A_159 = arith.muli %add3A_157, %mul3A_158 : i32
          %dma_start3A_160 = arith.constant 3 : i32
          %dma_start3A_161 = arith.constant 0 : i32
          %dma_start3A_162 = arith.constant 0 : i32
          %dma_start3A_163 = tpu.memref_slice %arg5[%dma_start3A_160, %dma_start3A_161, %dma_start3A_162] : memref<4x64x136xf32, #tpu.memory_space<vmem>> -> memref<1x64x128xf32, #tpu.memory_space<vmem>>
          %dma_start3A_164 = tpu.memref_squeeze %dma_start3A_163 : memref<1x64x128xf32, #tpu.memory_space<vmem>> -> memref<64x128xf32, #tpu.memory_space<vmem>>
          %dma_start3A_165 = arith.constant 0 : i32
          %dma_start3A_166 = tpu.memref_slice %arg2[%dma_start3A_165, %mul3A_159] : memref<64x1000000xf32, #tpu.memory_space<hbm>> -> memref<64x128xf32, #tpu.memory_space<hbm>>
          %dma_start3A_167 = arith.constant 0 : i32
          %dma_start3A_168 = arith.constant 0 : i32
          %dma_start3A_169 = tpu.memref_slice %arg5[%dma_start3A_160, %dma_start3A_167, %dma_start3A_168] : memref<4x64x136xf32, #tpu.memory_space<vmem>> -> memref<1x64x128xf32, #tpu.memory_space<vmem>>
          %dma_start3A_170 = tpu.memref_squeeze %dma_start3A_169 : memref<1x64x128xf32, #tpu.memory_space<vmem>> -> memref<64x128xf32, #tpu.memory_space<vmem>>
          %dma_start3A_171 = arith.constant 0 : i32
          %dma_start3A_172 = tpu.memref_slice %arg2[%dma_start3A_171, %mul3A_159] : memref<64x1000000xf32, #tpu.memory_space<hbm>> -> memref<64x128xf32, #tpu.memory_space<hbm>>
          tpu.enqueue_dma source(%dma_start3A_172 : memref<64x128xf32, #tpu.memory_space<hbm>>) target(%dma_start3A_170 : memref<64x128xf32, #tpu.memory_space<vmem>>) target_semaphore(%arg10 : memref<!tpu.dma_semaphore, #tpu.memory_space<semaphore_mem>>)
        } else {
        }
        %ge3A = arith.constant 4 : i32
        %ge3A_136 = arith.cmpi sge, %add3A_89, %ge3A : i32
        %convert_element_type3A_137 = arith.extui %ge3A_136 : i1 to i32
        %cond3A_138 = arith.constant 0 : i32
        %cond3A_139 = arith.cmpi ne, %convert_element_type3A_137, %cond3A_138 : i32
        scf.if %cond3A_139 {
          %dma_wait3A_156 = arith.constant 0 : i32
          %dma_wait3A_157 = arith.constant 0 : i32
          %dma_wait3A_158 = arith.constant 0 : i32
          %dma_wait3A_159 = tpu.memref_slice %arg6[%dma_wait3A_156, %dma_wait3A_157, %dma_wait3A_158] : memref<4x64x128xf32, #tpu.memory_space<vmem>> -> memref<1x64x128xf32, #tpu.memory_space<vmem>>
          %dma_wait3A_160 = tpu.memref_squeeze %dma_wait3A_159 : memref<1x64x128xf32, #tpu.memory_space<vmem>> -> memref<64x128xf32, #tpu.memory_space<vmem>>
          %dma_wait3A_161 = arith.constant 0 : i32
          %dma_wait3A_162 = arith.constant 0 : i32
          %dma_wait3A_163 = tpu.memref_slice %arg4[%dma_wait3A_161, %dma_wait3A_162] : memref<500000x128xf32, #tpu.memory_space<hbm>> -> memref<64x128xf32, #tpu.memory_space<hbm>>
          %dma_wait3A_164 = arith.constant 0 : i32
          %dma_wait3A_165 = arith.constant 0 : i32
          %dma_wait3A_166 = tpu.memref_slice %arg4[%dma_wait3A_164, %dma_wait3A_165] : memref<500000x128xf32, #tpu.memory_space<hbm>> -> memref<64x128xf32, #tpu.memory_space<hbm>>
          %dma_wait3A_167 = arith.constant 0 : i32
          %dma_wait3A_168 = arith.constant 0 : i32
          %dma_wait3A_169 = tpu.memref_slice %arg6[%dma_wait3A_156, %dma_wait3A_167, %dma_wait3A_168] : memref<4x64x128xf32, #tpu.memory_space<vmem>> -> memref<1x64x128xf32, #tpu.memory_space<vmem>>
          %dma_wait3A_170 = tpu.memref_squeeze %dma_wait3A_169 : memref<1x64x128xf32, #tpu.memory_space<vmem>> -> memref<64x128xf32, #tpu.memory_space<vmem>>
          tpu.wait_dma2 semaphore(%arg11 : memref<!tpu.dma_semaphore, #tpu.memory_space<semaphore_mem>>) src(%dma_wait3A_170 : memref<64x128xf32, #tpu.memory_space<vmem>>) dst(%dma_wait3A_166 : memref<64x128xf32, #tpu.memory_space<hbm>>)
        } else {
        }
        %parallel_loop3A = arith.constant 0 : i32
        %parallel_loop3A_140 = arith.constant 64 : i32
        %parallel_loop3A_141 = arith.constant 1 : i32
        scf.for %parallel_loop3A_156 = %parallel_loop3A to %parallel_loop3A_140 step %parallel_loop3A_141  : i32 {
          %parallel_loop3A_157 = arith.constant 2 : i32
          %parallel_loop3A_158 = arith.muli %parallel_loop3A_157, %parallel_loop3A_156 : i32
          %parallel_loop3A_159 = vector.broadcast %parallel_loop3A_158 : i32 to vector<16xi32>
          %parallel_loop3A_160 = arith.constant 0 : i32
          %parallel_loop3A_161 = vector.broadcast %parallel_loop3A_160 : i32 to vector<16xi32>
          %parallel_loop3A_162 = arith.addi %parallel_loop3A_159, %parallel_loop3A_161 : vector<16xi32>
          %parallel_loop3A_163 = arith.constant 0 : i32
          %parallel_loop3A_164 = arith.constant 0 : i32
          %parallel_loop3A_165 = arith.constant 0 : i32
          %parallel_loop3A_166 = tpu.memref_slice %arg5[%parallel_loop3A_163, %parallel_loop3A_164, %parallel_loop3A_165] : memref<4x64x136xf32, #tpu.memory_space<vmem>> -> memref<1x64x136xf32, #tpu.memory_space<vmem>>
          %parallel_loop3A_167 = tpu.memref_squeeze %parallel_loop3A_166 : memref<1x64x136xf32, #tpu.memory_space<vmem>> -> memref<64x136xf32, #tpu.memory_space<vmem>>
          %parallel_loop3A_168 = tpu.vector_load_idx %parallel_loop3A_167[%add3A_12, %parallel_loop3A_162] : memref<64x136xf32, #tpu.memory_space<vmem>>[vector<16xi32>, vector<16xi32>], vector<16xf32>,
          %parallel_loop3A_169 = arith.constant 0 : i32
          %parallel_loop3A_170 = arith.constant 0 : i32
          %parallel_loop3A_171 = arith.constant 0 : i32
          %parallel_loop3A_172 = tpu.memref_slice %arg5[%parallel_loop3A_169, %parallel_loop3A_170, %parallel_loop3A_171] : memref<4x64x136xf32, #tpu.memory_space<vmem>> -> memref<1x64x136xf32, #tpu.memory_space<vmem>>
          %parallel_loop3A_173 = tpu.memref_squeeze %parallel_loop3A_172 : memref<1x64x136xf32, #tpu.memory_space<vmem>> -> memref<64x136xf32, #tpu.memory_space<vmem>>
          %parallel_loop3A_174 = tpu.vector_load_idx %parallel_loop3A_173[%add3A_15, %parallel_loop3A_162] : memref<64x136xf32, #tpu.memory_space<vmem>>[vector<16xi32>, vector<16xi32>], vector<16xf32>,
          %parallel_loop3A_175 = arith.constant 0 : i32
          %parallel_loop3A_176 = arith.constant 0 : i32
          %parallel_loop3A_177 = arith.constant 0 : i32
          %parallel_loop3A_178 = tpu.memref_slice %arg5[%parallel_loop3A_175, %parallel_loop3A_176, %parallel_loop3A_177] : memref<4x64x136xf32, #tpu.memory_space<vmem>> -> memref<1x64x136xf32, #tpu.memory_space<vmem>>
          %parallel_loop3A_179 = tpu.memref_squeeze %parallel_loop3A_178 : memref<1x64x136xf32, #tpu.memory_space<vmem>> -> memref<64x136xf32, #tpu.memory_space<vmem>>
          %parallel_loop3A_180 = tpu.vector_load_idx %parallel_loop3A_179[%add3A_18, %parallel_loop3A_162] : memref<64x136xf32, #tpu.memory_space<vmem>>[vector<16xi32>, vector<16xi32>], vector<16xf32>,
          %parallel_loop3A_181 = arith.constant 0 : i32
          %parallel_loop3A_182 = arith.constant 0 : i32
          %parallel_loop3A_183 = arith.constant 0 : i32
          %parallel_loop3A_184 = tpu.memref_slice %arg5[%parallel_loop3A_181, %parallel_loop3A_182, %parallel_loop3A_183] : memref<4x64x136xf32, #tpu.memory_space<vmem>> -> memref<1x64x136xf32, #tpu.memory_space<vmem>>
          %parallel_loop3A_185 = tpu.memref_squeeze %parallel_loop3A_184 : memref<1x64x136xf32, #tpu.memory_space<vmem>> -> memref<64x136xf32, #tpu.memory_space<vmem>>
          %parallel_loop3A_186 = tpu.vector_load_idx %parallel_loop3A_185[%add3A_21, %parallel_loop3A_162] : memref<64x136xf32, #tpu.memory_space<vmem>>[vector<16xi32>, vector<16xi32>], vector<16xf32>,
          %parallel_loop3A_187 = arith.constant 0 : i32
          %parallel_loop3A_188 = arith.index_cast %parallel_loop3A_187 : i32 to index
          %parallel_loop3A_189 = arith.index_cast %parallel_loop3A_156 : i32 to index
          %parallel_loop3A_190 = arith.constant 0 : index
          %parallel_loop3A_191 = tpu.vector_load %arg6[%parallel_loop3A_188, %parallel_loop3A_189, %parallel_loop3A_190] {strides = array<i32>} : memref<4x64x128xf32, #tpu.memory_space<vmem>>, vector<16xf32>,
          tpu.vector_store %arg6[%parallel_loop3A_188, %parallel_loop3A_189, %parallel_loop3A_190], %parallel_loop3A_168 {strides = array<i32>} : memref<4x64x128xf32, #tpu.memory_space<vmem>>, vector<16xf32>,
          %parallel_loop3A_192 = arith.constant 0 : i32
          %parallel_loop3A_193 = arith.index_cast %parallel_loop3A_192 : i32 to index
          %parallel_loop3A_194 = arith.index_cast %parallel_loop3A_156 : i32 to index
          %parallel_loop3A_195 = arith.constant 16 : index
          %parallel_loop3A_196 = tpu.vector_load %arg6[%parallel_loop3A_193, %parallel_loop3A_194, %parallel_loop3A_195] {strides = array<i32>} : memref<4x64x128xf32, #tpu.memory_space<vmem>>, vector<16xf32>,
          tpu.vector_store %arg6[%parallel_loop3A_193, %parallel_loop3A_194, %parallel_loop3A_195], %parallel_loop3A_174 {strides = array<i32>} : memref<4x64x128xf32, #tpu.memory_space<vmem>>, vector<16xf32>,
          %parallel_loop3A_197 = arith.constant 0 : i32
          %parallel_loop3A_198 = arith.index_cast %parallel_loop3A_197 : i32 to index
          %parallel_loop3A_199 = arith.index_cast %parallel_loop3A_156 : i32 to index
          %parallel_loop3A_200 = arith.constant 32 : index
          %parallel_loop3A_201 = tpu.vector_load %arg6[%parallel_loop3A_198, %parallel_loop3A_199, %parallel_loop3A_200] {strides = array<i32>} : memref<4x64x128xf32, #tpu.memory_space<vmem>>, vector<16xf32>,
          tpu.vector_store %arg6[%parallel_loop3A_198, %parallel_loop3A_199, %parallel_loop3A_200], %parallel_loop3A_180 {strides = array<i32>} : memref<4x64x128xf32, #tpu.memory_space<vmem>>, vector<16xf32>,
          %parallel_loop3A_202 = arith.constant 0 : i32
          %parallel_loop3A_203 = arith.index_cast %parallel_loop3A_202 : i32 to index
          %parallel_loop3A_204 = arith.index_cast %parallel_loop3A_156 : i32 to index
          %parallel_loop3A_205 = arith.constant 48 : index
          %parallel_loop3A_206 = tpu.vector_load %arg6[%parallel_loop3A_203, %parallel_loop3A_204, %parallel_loop3A_205] {strides = array<i32>} : memref<4x64x128xf32, #tpu.memory_space<vmem>>, vector<16xf32>,
          tpu.vector_store %arg6[%parallel_loop3A_203, %parallel_loop3A_204, %parallel_loop3A_205], %parallel_loop3A_186 {strides = array<i32>} : memref<4x64x128xf32, #tpu.memory_space<vmem>>, vector<16xf32>,
          %parallel_loop3A_207 = arith.constant 1 : i32
          %parallel_loop3A_208 = vector.broadcast %parallel_loop3A_207 : i32 to vector<16xi32>
          %parallel_loop3A_209 = arith.addi %parallel_loop3A_159, %parallel_loop3A_208 : vector<16xi32>
          %parallel_loop3A_210 = arith.constant 0 : i32
          %parallel_loop3A_211 = arith.constant 0 : i32
          %parallel_loop3A_212 = arith.constant 0 : i32
          %parallel_loop3A_213 = tpu.memref_slice %arg5[%parallel_loop3A_210, %parallel_loop3A_211, %parallel_loop3A_212] : memref<4x64x136xf32, #tpu.memory_space<vmem>> -> memref<1x64x136xf32, #tpu.memory_space<vmem>>
          %parallel_loop3A_214 = tpu.memref_squeeze %parallel_loop3A_213 : memref<1x64x136xf32, #tpu.memory_space<vmem>> -> memref<64x136xf32, #tpu.memory_space<vmem>>
          %parallel_loop3A_215 = tpu.vector_load_idx %parallel_loop3A_214[%add3A_12, %parallel_loop3A_209] : memref<64x136xf32, #tpu.memory_space<vmem>>[vector<16xi32>, vector<16xi32>], vector<16xf32>,
          %parallel_loop3A_216 = arith.constant 0 : i32
          %parallel_loop3A_217 = arith.constant 0 : i32
          %parallel_loop3A_218 = arith.constant 0 : i32
          %parallel_loop3A_219 = tpu.memref_slice %arg5[%parallel_loop3A_216, %parallel_loop3A_217, %parallel_loop3A_218] : memref<4x64x136xf32, #tpu.memory_space<vmem>> -> memref<1x64x136xf32, #tpu.memory_space<vmem>>
          %parallel_loop3A_220 = tpu.memref_squeeze %parallel_loop3A_219 : memref<1x64x136xf32, #tpu.memory_space<vmem>> -> memref<64x136xf32, #tpu.memory_space<vmem>>
          %parallel_loop3A_221 = tpu.vector_load_idx %parallel_loop3A_220[%add3A_15, %parallel_loop3A_209] : memref<64x136xf32, #tpu.memory_space<vmem>>[vector<16xi32>, vector<16xi32>], vector<16xf32>,
          %parallel_loop3A_222 = arith.constant 0 : i32
          %parallel_loop3A_223 = arith.constant 0 : i32
          %parallel_loop3A_224 = arith.constant 0 : i32
          %parallel_loop3A_225 = tpu.memref_slice %arg5[%parallel_loop3A_222, %parallel_loop3A_223, %parallel_loop3A_224] : memref<4x64x136xf32, #tpu.memory_space<vmem>> -> memref<1x64x136xf32, #tpu.memory_space<vmem>>
          %parallel_loop3A_226 = tpu.memref_squeeze %parallel_loop3A_225 : memref<1x64x136xf32, #tpu.memory_space<vmem>> -> memref<64x136xf32, #tpu.memory_space<vmem>>
          %parallel_loop3A_227 = tpu.vector_load_idx %parallel_loop3A_226[%add3A_18, %parallel_loop3A_209] : memref<64x136xf32, #tpu.memory_space<vmem>>[vector<16xi32>, vector<16xi32>], vector<16xf32>,
          %parallel_loop3A_228 = arith.constant 0 : i32
          %parallel_loop3A_229 = arith.constant 0 : i32
          %parallel_loop3A_230 = arith.constant 0 : i32
          %parallel_loop3A_231 = tpu.memref_slice %arg5[%parallel_loop3A_228, %parallel_loop3A_229, %parallel_loop3A_230] : memref<4x64x136xf32, #tpu.memory_space<vmem>> -> memref<1x64x136xf32, #tpu.memory_space<vmem>>
          %parallel_loop3A_232 = tpu.memref_squeeze %parallel_loop3A_231 : memref<1x64x136xf32, #tpu.memory_space<vmem>> -> memref<64x136xf32, #tpu.memory_space<vmem>>
          %parallel_loop3A_233 = tpu.vector_load_idx %parallel_loop3A_232[%add3A_21, %parallel_loop3A_209] : memref<64x136xf32, #tpu.memory_space<vmem>>[vector<16xi32>, vector<16xi32>], vector<16xf32>,
          %parallel_loop3A_234 = arith.constant 0 : i32
          %parallel_loop3A_235 = arith.index_cast %parallel_loop3A_234 : i32 to index
          %parallel_loop3A_236 = arith.index_cast %parallel_loop3A_156 : i32 to index
          %parallel_loop3A_237 = arith.constant 64 : index
          %parallel_loop3A_238 = tpu.vector_load %arg6[%parallel_loop3A_235, %parallel_loop3A_236, %parallel_loop3A_237] {strides = array<i32>} : memref<4x64x128xf32, #tpu.memory_space<vmem>>, vector<16xf32>,
          tpu.vector_store %arg6[%parallel_loop3A_235, %parallel_loop3A_236, %parallel_loop3A_237], %parallel_loop3A_215 {strides = array<i32>} : memref<4x64x128xf32, #tpu.memory_space<vmem>>, vector<16xf32>,
          %parallel_loop3A_239 = arith.constant 0 : i32
          %parallel_loop3A_240 = arith.index_cast %parallel_loop3A_239 : i32 to index
          %parallel_loop3A_241 = arith.index_cast %parallel_loop3A_156 : i32 to index
          %parallel_loop3A_242 = arith.constant 80 : index
          %parallel_loop3A_243 = tpu.vector_load %arg6[%parallel_loop3A_240, %parallel_loop3A_241, %parallel_loop3A_242] {strides = array<i32>} : memref<4x64x128xf32, #tpu.memory_space<vmem>>, vector<16xf32>,
          tpu.vector_store %arg6[%parallel_loop3A_240, %parallel_loop3A_241, %parallel_loop3A_242], %parallel_loop3A_221 {strides = array<i32>} : memref<4x64x128xf32, #tpu.memory_space<vmem>>, vector<16xf32>,
          %parallel_loop3A_244 = arith.constant 0 : i32
          %parallel_loop3A_245 = arith.index_cast %parallel_loop3A_244 : i32 to index
          %parallel_loop3A_246 = arith.index_cast %parallel_loop3A_156 : i32 to index
          %parallel_loop3A_247 = arith.constant 96 : index
          %parallel_loop3A_248 = tpu.vector_load %arg6[%parallel_loop3A_245, %parallel_loop3A_246, %parallel_loop3A_247] {strides = array<i32>} : memref<4x64x128xf32, #tpu.memory_space<vmem>>, vector<16xf32>,
          tpu.vector_store %arg6[%parallel_loop3A_245, %parallel_loop3A_246, %parallel_loop3A_247], %parallel_loop3A_227 {strides = array<i32>} : memref<4x64x128xf32, #tpu.memory_space<vmem>>, vector<16xf32>,
          %parallel_loop3A_249 = arith.constant 0 : i32
          %parallel_loop3A_250 = arith.index_cast %parallel_loop3A_249 : i32 to index
          %parallel_loop3A_251 = arith.index_cast %parallel_loop3A_156 : i32 to index
          %parallel_loop3A_252 = arith.constant 112 : index
          %parallel_loop3A_253 = tpu.vector_load %arg6[%parallel_loop3A_250, %parallel_loop3A_251, %parallel_loop3A_252] {strides = array<i32>} : memref<4x64x128xf32, #tpu.memory_space<vmem>>, vector<16xf32>,
          tpu.vector_store %arg6[%parallel_loop3A_250, %parallel_loop3A_251, %parallel_loop3A_252], %parallel_loop3A_233 {strides = array<i32>} : memref<4x64x128xf32, #tpu.memory_space<vmem>>, vector<16xf32>,
        } {sc.loop_unroll_factor = 8 : i64, sc.parallel_access}
        %mul3A_142 = arith.constant 64 : i32
        %mul3A_143 = arith.muli %add3A_90, %mul3A_142 : i32
        %dma_start3A = arith.constant 0 : i32
        %dma_start3A_144 = arith.constant 0 : i32
        %dma_start3A_145 = arith.constant 0 : i32
        %dma_start3A_146 = tpu.memref_slice %arg6[%dma_start3A, %dma_start3A_144, %dma_start3A_145] : memref<4x64x128xf32, #tpu.memory_space<vmem>> -> memref<1x64x128xf32, #tpu.memory_space<vmem>>
        %dma_start3A_147 = tpu.memref_squeeze %dma_start3A_146 : memref<1x64x128xf32, #tpu.memory_space<vmem>> -> memref<64x128xf32, #tpu.memory_space<vmem>>
        %dma_start3A_148 = arith.constant 0 : i32
        %dma_start3A_149 = tpu.memref_slice %arg4[%mul3A_143, %dma_start3A_148] : memref<500000x128xf32, #tpu.memory_space<hbm>> -> memref<64x128xf32, #tpu.memory_space<hbm>>
        %dma_start3A_150 = arith.constant 0 : i32
        %dma_start3A_151 = tpu.memref_slice %arg4[%mul3A_143, %dma_start3A_150] : memref<500000x128xf32, #tpu.memory_space<hbm>> -> memref<64x128xf32, #tpu.memory_space<hbm>>
        %dma_start3A_152 = arith.constant 0 : i32
        %dma_start3A_153 = arith.constant 0 : i32
        %dma_start3A_154 = tpu.memref_slice %arg6[%dma_start3A, %dma_start3A_152, %dma_start3A_153] : memref<4x64x128xf32, #tpu.memory_space<vmem>> -> memref<1x64x128xf32, #tpu.memory_space<vmem>>
        %dma_start3A_155 = tpu.memref_squeeze %dma_start3A_154 : memref<1x64x128xf32, #tpu.memory_space<vmem>> -> memref<64x128xf32, #tpu.memory_space<vmem>>
        tpu.enqueue_dma source(%dma_start3A_155 : memref<64x128xf32, #tpu.memory_space<vmem>>) target(%dma_start3A_151 : memref<64x128xf32, #tpu.memory_space<hbm>>) target_semaphore(%arg11 : memref<!tpu.dma_semaphore, #tpu.memory_space<semaphore_mem>>)
      } else {
      }
      %add3A_95 = arith.constant 1 : i32
      %add3A_96 = arith.addi %mul3A_87, %add3A_95 : i32
      %add3A_97 = arith.addi %add3A_4, %add3A_96 : i32
      %lt3A_98 = arith.cmpi slt, %add3A_96, %add3A_8 : i32
      %convert_element_type3A_99 = arith.extui %lt3A_98 : i1 to i32
      %cond3A_100 = arith.constant 0 : i32
      %cond3A_101 = arith.cmpi ne, %convert_element_type3A_99, %cond3A_100 : i32
      scf.if %cond3A_101 {
        %dma_wait3A = arith.constant 1 : i32
        %dma_wait3A_116 = arith.constant 0 : i32
        %dma_wait3A_117 = arith.constant 0 : i32
        %dma_wait3A_118 = tpu.memref_slice %arg5[%dma_wait3A, %dma_wait3A_116, %dma_wait3A_117] : memref<4x64x136xf32, #tpu.memory_space<vmem>> -> memref<1x64x128xf32, #tpu.memory_space<vmem>>
        %dma_wait3A_119 = tpu.memref_squeeze %dma_wait3A_118 : memref<1x64x128xf32, #tpu.memory_space<vmem>> -> memref<64x128xf32, #tpu.memory_space<vmem>>
        %dma_wait3A_120 = arith.constant 0 : i32
        %dma_wait3A_121 = arith.constant 0 : i32
        %dma_wait3A_122 = tpu.memref_slice %arg2[%dma_wait3A_120, %dma_wait3A_121] : memref<64x1000000xf32, #tpu.memory_space<hbm>> -> memref<64x128xf32, #tpu.memory_space<hbm>>
        %dma_wait3A_123 = arith.constant 0 : i32
        %dma_wait3A_124 = arith.constant 0 : i32
        %dma_wait3A_125 = tpu.memref_slice %arg5[%dma_wait3A, %dma_wait3A_123, %dma_wait3A_124] : memref<4x64x136xf32, #tpu.memory_space<vmem>> -> memref<1x64x128xf32, #tpu.memory_space<vmem>>
        %dma_wait3A_126 = tpu.memref_squeeze %dma_wait3A_125 : memref<1x64x128xf32, #tpu.memory_space<vmem>> -> memref<64x128xf32, #tpu.memory_space<vmem>>
        %dma_wait3A_127 = arith.constant 0 : i32
        %dma_wait3A_128 = arith.constant 0 : i32
        %dma_wait3A_129 = tpu.memref_slice %arg2[%dma_wait3A_127, %dma_wait3A_128] : memref<64x1000000xf32, #tpu.memory_space<hbm>> -> memref<64x128xf32, #tpu.memory_space<hbm>>
        tpu.wait_dma2 semaphore(%arg8 : memref<!tpu.dma_semaphore, #tpu.memory_space<semaphore_mem>>) src(%dma_wait3A_129 : memref<64x128xf32, #tpu.memory_space<hbm>>) dst(%dma_wait3A_126 : memref<64x128xf32, #tpu.memory_space<vmem>>)
        %add3A_130 = arith.constant 3 : i32
        %add3A_131 = arith.addi %add3A_96, %add3A_130 : i32
        %lt3A_132 = arith.cmpi slt, %add3A_131, %add3A_8 : i32
        %convert_element_type3A_133 = arith.extui %lt3A_132 : i1 to i32
        %cond3A_134 = arith.constant 0 : i32
        %cond3A_135 = arith.cmpi ne, %convert_element_type3A_133, %cond3A_134 : i32
        scf.if %cond3A_135 {
          %add3A_156 = arith.constant 3 : i32
          %add3A_157 = arith.addi %add3A_97, %add3A_156 : i32
          %mul3A_158 = arith.constant 128 : i32
          %mul3A_159 = arith.muli %add3A_157, %mul3A_158 : i32
          %dma_start3A_160 = arith.constant 0 : i32
          %dma_start3A_161 = arith.constant 0 : i32
          %dma_start3A_162 = arith.constant 0 : i32
          %dma_start3A_163 = tpu.memref_slice %arg5[%dma_start3A_160, %dma_start3A_161, %dma_start3A_162] : memref<4x64x136xf32, #tpu.memory_space<vmem>> -> memref<1x64x128xf32, #tpu.memory_space<vmem>>
          %dma_start3A_164 = tpu.memref_squeeze %dma_start3A_163 : memref<1x64x128xf32, #tpu.memory_space<vmem>> -> memref<64x128xf32, #tpu.memory_space<vmem>>
          %dma_start3A_165 = arith.constant 0 : i32
          %dma_start3A_166 = tpu.memref_slice %arg2[%dma_start3A_165, %mul3A_159] : memref<64x1000000xf32, #tpu.memory_space<hbm>> -> memref<64x128xf32, #tpu.memory_space<hbm>>
          %dma_start3A_167 = arith.constant 0 : i32
          %dma_start3A_168 = arith.constant 0 : i32
          %dma_start3A_169 = tpu.memref_slice %arg5[%dma_start3A_160, %dma_start3A_167, %dma_start3A_168] : memref<4x64x136xf32, #tpu.memory_space<vmem>> -> memref<1x64x128xf32, #tpu.memory_space<vmem>>
          %dma_start3A_170 = tpu.memref_squeeze %dma_start3A_169 : memref<1x64x128xf32, #tpu.memory_space<vmem>> -> memref<64x128xf32, #tpu.memory_space<vmem>>
          %dma_start3A_171 = arith.constant 0 : i32
          %dma_start3A_172 = tpu.memref_slice %arg2[%dma_start3A_171, %mul3A_159] : memref<64x1000000xf32, #tpu.memory_space<hbm>> -> memref<64x128xf32, #tpu.memory_space<hbm>>
          tpu.enqueue_dma source(%dma_start3A_172 : memref<64x128xf32, #tpu.memory_space<hbm>>) target(%dma_start3A_170 : memref<64x128xf32, #tpu.memory_space<vmem>>) target_semaphore(%arg7 : memref<!tpu.dma_semaphore, #tpu.memory_space<semaphore_mem>>)
        } else {
        }
        %ge3A = arith.constant 4 : i32
        %ge3A_136 = arith.cmpi sge, %add3A_96, %ge3A : i32
        %convert_element_type3A_137 = arith.extui %ge3A_136 : i1 to i32
        %cond3A_138 = arith.constant 0 : i32
        %cond3A_139 = arith.cmpi ne, %convert_element_type3A_137, %cond3A_138 : i32
        scf.if %cond3A_139 {
          %dma_wait3A_156 = arith.constant 1 : i32
          %dma_wait3A_157 = arith.constant 0 : i32
          %dma_wait3A_158 = arith.constant 0 : i32
          %dma_wait3A_159 = tpu.memref_slice %arg6[%dma_wait3A_156, %dma_wait3A_157, %dma_wait3A_158] : memref<4x64x128xf32, #tpu.memory_space<vmem>> -> memref<1x64x128xf32, #tpu.memory_space<vmem>>
          %dma_wait3A_160 = tpu.memref_squeeze %dma_wait3A_159 : memref<1x64x128xf32, #tpu.memory_space<vmem>> -> memref<64x128xf32, #tpu.memory_space<vmem>>
          %dma_wait3A_161 = arith.constant 0 : i32
          %dma_wait3A_162 = arith.constant 0 : i32
          %dma_wait3A_163 = tpu.memref_slice %arg4[%dma_wait3A_161, %dma_wait3A_162] : memref<500000x128xf32, #tpu.memory_space<hbm>> -> memref<64x128xf32, #tpu.memory_space<hbm>>
          %dma_wait3A_164 = arith.constant 0 : i32
          %dma_wait3A_165 = arith.constant 0 : i32
          %dma_wait3A_166 = tpu.memref_slice %arg4[%dma_wait3A_164, %dma_wait3A_165] : memref<500000x128xf32, #tpu.memory_space<hbm>> -> memref<64x128xf32, #tpu.memory_space<hbm>>
          %dma_wait3A_167 = arith.constant 0 : i32
          %dma_wait3A_168 = arith.constant 0 : i32
          %dma_wait3A_169 = tpu.memref_slice %arg6[%dma_wait3A_156, %dma_wait3A_167, %dma_wait3A_168] : memref<4x64x128xf32, #tpu.memory_space<vmem>> -> memref<1x64x128xf32, #tpu.memory_space<vmem>>
          %dma_wait3A_170 = tpu.memref_squeeze %dma_wait3A_169 : memref<1x64x128xf32, #tpu.memory_space<vmem>> -> memref<64x128xf32, #tpu.memory_space<vmem>>
          tpu.wait_dma2 semaphore(%arg12 : memref<!tpu.dma_semaphore, #tpu.memory_space<semaphore_mem>>) src(%dma_wait3A_170 : memref<64x128xf32, #tpu.memory_space<vmem>>) dst(%dma_wait3A_166 : memref<64x128xf32, #tpu.memory_space<hbm>>)
        } else {
        }
        %parallel_loop3A = arith.constant 0 : i32
        %parallel_loop3A_140 = arith.constant 64 : i32
        %parallel_loop3A_141 = arith.constant 1 : i32
        scf.for %parallel_loop3A_156 = %parallel_loop3A to %parallel_loop3A_140 step %parallel_loop3A_141  : i32 {
          %parallel_loop3A_157 = arith.constant 2 : i32
          %parallel_loop3A_158 = arith.muli %parallel_loop3A_157, %parallel_loop3A_156 : i32
          %parallel_loop3A_159 = vector.broadcast %parallel_loop3A_158 : i32 to vector<16xi32>
          %parallel_loop3A_160 = arith.constant 0 : i32
          %parallel_loop3A_161 = vector.broadcast %parallel_loop3A_160 : i32 to vector<16xi32>
          %parallel_loop3A_162 = arith.addi %parallel_loop3A_159, %parallel_loop3A_161 : vector<16xi32>
          %parallel_loop3A_163 = arith.constant 1 : i32
          %parallel_loop3A_164 = arith.constant 0 : i32
          %parallel_loop3A_165 = arith.constant 0 : i32
          %parallel_loop3A_166 = tpu.memref_slice %arg5[%parallel_loop3A_163, %parallel_loop3A_164, %parallel_loop3A_165] : memref<4x64x136xf32, #tpu.memory_space<vmem>> -> memref<1x64x136xf32, #tpu.memory_space<vmem>>
          %parallel_loop3A_167 = tpu.memref_squeeze %parallel_loop3A_166 : memref<1x64x136xf32, #tpu.memory_space<vmem>> -> memref<64x136xf32, #tpu.memory_space<vmem>>
          %parallel_loop3A_168 = tpu.vector_load_idx %parallel_loop3A_167[%add3A_12, %parallel_loop3A_162] : memref<64x136xf32, #tpu.memory_space<vmem>>[vector<16xi32>, vector<16xi32>], vector<16xf32>,
          %parallel_loop3A_169 = arith.constant 1 : i32
          %parallel_loop3A_170 = arith.constant 0 : i32
          %parallel_loop3A_171 = arith.constant 0 : i32
          %parallel_loop3A_172 = tpu.memref_slice %arg5[%parallel_loop3A_169, %parallel_loop3A_170, %parallel_loop3A_171] : memref<4x64x136xf32, #tpu.memory_space<vmem>> -> memref<1x64x136xf32, #tpu.memory_space<vmem>>
          %parallel_loop3A_173 = tpu.memref_squeeze %parallel_loop3A_172 : memref<1x64x136xf32, #tpu.memory_space<vmem>> -> memref<64x136xf32, #tpu.memory_space<vmem>>
          %parallel_loop3A_174 = tpu.vector_load_idx %parallel_loop3A_173[%add3A_15, %parallel_loop3A_162] : memref<64x136xf32, #tpu.memory_space<vmem>>[vector<16xi32>, vector<16xi32>], vector<16xf32>,
          %parallel_loop3A_175 = arith.constant 1 : i32
          %parallel_loop3A_176 = arith.constant 0 : i32
          %parallel_loop3A_177 = arith.constant 0 : i32
          %parallel_loop3A_178 = tpu.memref_slice %arg5[%parallel_loop3A_175, %parallel_loop3A_176, %parallel_loop3A_177] : memref<4x64x136xf32, #tpu.memory_space<vmem>> -> memref<1x64x136xf32, #tpu.memory_space<vmem>>
          %parallel_loop3A_179 = tpu.memref_squeeze %parallel_loop3A_178 : memref<1x64x136xf32, #tpu.memory_space<vmem>> -> memref<64x136xf32, #tpu.memory_space<vmem>>
          %parallel_loop3A_180 = tpu.vector_load_idx %parallel_loop3A_179[%add3A_18, %parallel_loop3A_162] : memref<64x136xf32, #tpu.memory_space<vmem>>[vector<16xi32>, vector<16xi32>], vector<16xf32>,
          %parallel_loop3A_181 = arith.constant 1 : i32
          %parallel_loop3A_182 = arith.constant 0 : i32
          %parallel_loop3A_183 = arith.constant 0 : i32
          %parallel_loop3A_184 = tpu.memref_slice %arg5[%parallel_loop3A_181, %parallel_loop3A_182, %parallel_loop3A_183] : memref<4x64x136xf32, #tpu.memory_space<vmem>> -> memref<1x64x136xf32, #tpu.memory_space<vmem>>
          %parallel_loop3A_185 = tpu.memref_squeeze %parallel_loop3A_184 : memref<1x64x136xf32, #tpu.memory_space<vmem>> -> memref<64x136xf32, #tpu.memory_space<vmem>>
          %parallel_loop3A_186 = tpu.vector_load_idx %parallel_loop3A_185[%add3A_21, %parallel_loop3A_162] : memref<64x136xf32, #tpu.memory_space<vmem>>[vector<16xi32>, vector<16xi32>], vector<16xf32>,
          %parallel_loop3A_187 = arith.constant 1 : i32
          %parallel_loop3A_188 = arith.index_cast %parallel_loop3A_187 : i32 to index
          %parallel_loop3A_189 = arith.index_cast %parallel_loop3A_156 : i32 to index
          %parallel_loop3A_190 = arith.constant 0 : index
          %parallel_loop3A_191 = tpu.vector_load %arg6[%parallel_loop3A_188, %parallel_loop3A_189, %parallel_loop3A_190] {strides = array<i32>} : memref<4x64x128xf32, #tpu.memory_space<vmem>>, vector<16xf32>,
          tpu.vector_store %arg6[%parallel_loop3A_188, %parallel_loop3A_189, %parallel_loop3A_190], %parallel_loop3A_168 {strides = array<i32>} : memref<4x64x128xf32, #tpu.memory_space<vmem>>, vector<16xf32>,
          %parallel_loop3A_192 = arith.constant 1 : i32
          %parallel_loop3A_193 = arith.index_cast %parallel_loop3A_192 : i32 to index
          %parallel_loop3A_194 = arith.index_cast %parallel_loop3A_156 : i32 to index
          %parallel_loop3A_195 = arith.constant 16 : index
          %parallel_loop3A_196 = tpu.vector_load %arg6[%parallel_loop3A_193, %parallel_loop3A_194, %parallel_loop3A_195] {strides = array<i32>} : memref<4x64x128xf32, #tpu.memory_space<vmem>>, vector<16xf32>,
          tpu.vector_store %arg6[%parallel_loop3A_193, %parallel_loop3A_194, %parallel_loop3A_195], %parallel_loop3A_174 {strides = array<i32>} : memref<4x64x128xf32, #tpu.memory_space<vmem>>, vector<16xf32>,
          %parallel_loop3A_197 = arith.constant 1 : i32
          %parallel_loop3A_198 = arith.index_cast %parallel_loop3A_197 : i32 to index
          %parallel_loop3A_199 = arith.index_cast %parallel_loop3A_156 : i32 to index
          %parallel_loop3A_200 = arith.constant 32 : index
          %parallel_loop3A_201 = tpu.vector_load %arg6[%parallel_loop3A_198, %parallel_loop3A_199, %parallel_loop3A_200] {strides = array<i32>} : memref<4x64x128xf32, #tpu.memory_space<vmem>>, vector<16xf32>,
          tpu.vector_store %arg6[%parallel_loop3A_198, %parallel_loop3A_199, %parallel_loop3A_200], %parallel_loop3A_180 {strides = array<i32>} : memref<4x64x128xf32, #tpu.memory_space<vmem>>, vector<16xf32>,
          %parallel_loop3A_202 = arith.constant 1 : i32
          %parallel_loop3A_203 = arith.index_cast %parallel_loop3A_202 : i32 to index
          %parallel_loop3A_204 = arith.index_cast %parallel_loop3A_156 : i32 to index
          %parallel_loop3A_205 = arith.constant 48 : index
          %parallel_loop3A_206 = tpu.vector_load %arg6[%parallel_loop3A_203, %parallel_loop3A_204, %parallel_loop3A_205] {strides = array<i32>} : memref<4x64x128xf32, #tpu.memory_space<vmem>>, vector<16xf32>,
          tpu.vector_store %arg6[%parallel_loop3A_203, %parallel_loop3A_204, %parallel_loop3A_205], %parallel_loop3A_186 {strides = array<i32>} : memref<4x64x128xf32, #tpu.memory_space<vmem>>, vector<16xf32>,
          %parallel_loop3A_207 = arith.constant 1 : i32
          %parallel_loop3A_208 = vector.broadcast %parallel_loop3A_207 : i32 to vector<16xi32>
          %parallel_loop3A_209 = arith.addi %parallel_loop3A_159, %parallel_loop3A_208 : vector<16xi32>
          %parallel_loop3A_210 = arith.constant 1 : i32
          %parallel_loop3A_211 = arith.constant 0 : i32
          %parallel_loop3A_212 = arith.constant 0 : i32
          %parallel_loop3A_213 = tpu.memref_slice %arg5[%parallel_loop3A_210, %parallel_loop3A_211, %parallel_loop3A_212] : memref<4x64x136xf32, #tpu.memory_space<vmem>> -> memref<1x64x136xf32, #tpu.memory_space<vmem>>
          %parallel_loop3A_214 = tpu.memref_squeeze %parallel_loop3A_213 : memref<1x64x136xf32, #tpu.memory_space<vmem>> -> memref<64x136xf32, #tpu.memory_space<vmem>>
          %parallel_loop3A_215 = tpu.vector_load_idx %parallel_loop3A_214[%add3A_12, %parallel_loop3A_209] : memref<64x136xf32, #tpu.memory_space<vmem>>[vector<16xi32>, vector<16xi32>], vector<16xf32>,
          %parallel_loop3A_216 = arith.constant 1 : i32
          %parallel_loop3A_217 = arith.constant 0 : i32
          %parallel_loop3A_218 = arith.constant 0 : i32
          %parallel_loop3A_219 = tpu.memref_slice %arg5[%parallel_loop3A_216, %parallel_loop3A_217, %parallel_loop3A_218] : memref<4x64x136xf32, #tpu.memory_space<vmem>> -> memref<1x64x136xf32, #tpu.memory_space<vmem>>
          %parallel_loop3A_220 = tpu.memref_squeeze %parallel_loop3A_219 : memref<1x64x136xf32, #tpu.memory_space<vmem>> -> memref<64x136xf32, #tpu.memory_space<vmem>>
          %parallel_loop3A_221 = tpu.vector_load_idx %parallel_loop3A_220[%add3A_15, %parallel_loop3A_209] : memref<64x136xf32, #tpu.memory_space<vmem>>[vector<16xi32>, vector<16xi32>], vector<16xf32>,
          %parallel_loop3A_222 = arith.constant 1 : i32
          %parallel_loop3A_223 = arith.constant 0 : i32
          %parallel_loop3A_224 = arith.constant 0 : i32
          %parallel_loop3A_225 = tpu.memref_slice %arg5[%parallel_loop3A_222, %parallel_loop3A_223, %parallel_loop3A_224] : memref<4x64x136xf32, #tpu.memory_space<vmem>> -> memref<1x64x136xf32, #tpu.memory_space<vmem>>
          %parallel_loop3A_226 = tpu.memref_squeeze %parallel_loop3A_225 : memref<1x64x136xf32, #tpu.memory_space<vmem>> -> memref<64x136xf32, #tpu.memory_space<vmem>>
          %parallel_loop3A_227 = tpu.vector_load_idx %parallel_loop3A_226[%add3A_18, %parallel_loop3A_209] : memref<64x136xf32, #tpu.memory_space<vmem>>[vector<16xi32>, vector<16xi32>], vector<16xf32>,
          %parallel_loop3A_228 = arith.constant 1 : i32
          %parallel_loop3A_229 = arith.constant 0 : i32
          %parallel_loop3A_230 = arith.constant 0 : i32
          %parallel_loop3A_231 = tpu.memref_slice %arg5[%parallel_loop3A_228, %parallel_loop3A_229, %parallel_loop3A_230] : memref<4x64x136xf32, #tpu.memory_space<vmem>> -> memref<1x64x136xf32, #tpu.memory_space<vmem>>
          %parallel_loop3A_232 = tpu.memref_squeeze %parallel_loop3A_231 : memref<1x64x136xf32, #tpu.memory_space<vmem>> -> memref<64x136xf32, #tpu.memory_space<vmem>>
          %parallel_loop3A_233 = tpu.vector_load_idx %parallel_loop3A_232[%add3A_21, %parallel_loop3A_209] : memref<64x136xf32, #tpu.memory_space<vmem>>[vector<16xi32>, vector<16xi32>], vector<16xf32>,
          %parallel_loop3A_234 = arith.constant 1 : i32
          %parallel_loop3A_235 = arith.index_cast %parallel_loop3A_234 : i32 to index
          %parallel_loop3A_236 = arith.index_cast %parallel_loop3A_156 : i32 to index
          %parallel_loop3A_237 = arith.constant 64 : index
          %parallel_loop3A_238 = tpu.vector_load %arg6[%parallel_loop3A_235, %parallel_loop3A_236, %parallel_loop3A_237] {strides = array<i32>} : memref<4x64x128xf32, #tpu.memory_space<vmem>>, vector<16xf32>,
          tpu.vector_store %arg6[%parallel_loop3A_235, %parallel_loop3A_236, %parallel_loop3A_237], %parallel_loop3A_215 {strides = array<i32>} : memref<4x64x128xf32, #tpu.memory_space<vmem>>, vector<16xf32>,
          %parallel_loop3A_239 = arith.constant 1 : i32
          %parallel_loop3A_240 = arith.index_cast %parallel_loop3A_239 : i32 to index
          %parallel_loop3A_241 = arith.index_cast %parallel_loop3A_156 : i32 to index
          %parallel_loop3A_242 = arith.constant 80 : index
          %parallel_loop3A_243 = tpu.vector_load %arg6[%parallel_loop3A_240, %parallel_loop3A_241, %parallel_loop3A_242] {strides = array<i32>} : memref<4x64x128xf32, #tpu.memory_space<vmem>>, vector<16xf32>,
          tpu.vector_store %arg6[%parallel_loop3A_240, %parallel_loop3A_241, %parallel_loop3A_242], %parallel_loop3A_221 {strides = array<i32>} : memref<4x64x128xf32, #tpu.memory_space<vmem>>, vector<16xf32>,
          %parallel_loop3A_244 = arith.constant 1 : i32
          %parallel_loop3A_245 = arith.index_cast %parallel_loop3A_244 : i32 to index
          %parallel_loop3A_246 = arith.index_cast %parallel_loop3A_156 : i32 to index
          %parallel_loop3A_247 = arith.constant 96 : index
          %parallel_loop3A_248 = tpu.vector_load %arg6[%parallel_loop3A_245, %parallel_loop3A_246, %parallel_loop3A_247] {strides = array<i32>} : memref<4x64x128xf32, #tpu.memory_space<vmem>>, vector<16xf32>,
          tpu.vector_store %arg6[%parallel_loop3A_245, %parallel_loop3A_246, %parallel_loop3A_247], %parallel_loop3A_227 {strides = array<i32>} : memref<4x64x128xf32, #tpu.memory_space<vmem>>, vector<16xf32>,
          %parallel_loop3A_249 = arith.constant 1 : i32
          %parallel_loop3A_250 = arith.index_cast %parallel_loop3A_249 : i32 to index
          %parallel_loop3A_251 = arith.index_cast %parallel_loop3A_156 : i32 to index
          %parallel_loop3A_252 = arith.constant 112 : index
          %parallel_loop3A_253 = tpu.vector_load %arg6[%parallel_loop3A_250, %parallel_loop3A_251, %parallel_loop3A_252] {strides = array<i32>} : memref<4x64x128xf32, #tpu.memory_space<vmem>>, vector<16xf32>,
          tpu.vector_store %arg6[%parallel_loop3A_250, %parallel_loop3A_251, %parallel_loop3A_252], %parallel_loop3A_233 {strides = array<i32>} : memref<4x64x128xf32, #tpu.memory_space<vmem>>, vector<16xf32>,
        } {sc.loop_unroll_factor = 8 : i64, sc.parallel_access}
        %mul3A_142 = arith.constant 64 : i32
        %mul3A_143 = arith.muli %add3A_97, %mul3A_142 : i32
        %dma_start3A = arith.constant 1 : i32
        %dma_start3A_144 = arith.constant 0 : i32
        %dma_start3A_145 = arith.constant 0 : i32
        %dma_start3A_146 = tpu.memref_slice %arg6[%dma_start3A, %dma_start3A_144, %dma_start3A_145] : memref<4x64x128xf32, #tpu.memory_space<vmem>> -> memref<1x64x128xf32, #tpu.memory_space<vmem>>
        %dma_start3A_147 = tpu.memref_squeeze %dma_start3A_146 : memref<1x64x128xf32, #tpu.memory_space<vmem>> -> memref<64x128xf32, #tpu.memory_space<vmem>>
        %dma_start3A_148 = arith.constant 0 : i32
        %dma_start3A_149 = tpu.memref_slice %arg4[%mul3A_143, %dma_start3A_148] : memref<500000x128xf32, #tpu.memory_space<hbm>> -> memref<64x128xf32, #tpu.memory_space<hbm>>
        %dma_start3A_150 = arith.constant 0 : i32
        %dma_start3A_151 = tpu.memref_slice %arg4[%mul3A_143, %dma_start3A_150] : memref<500000x128xf32, #tpu.memory_space<hbm>> -> memref<64x128xf32, #tpu.memory_space<hbm>>
        %dma_start3A_152 = arith.constant 0 : i32
        %dma_start3A_153 = arith.constant 0 : i32
        %dma_start3A_154 = tpu.memref_slice %arg6[%dma_start3A, %dma_start3A_152, %dma_start3A_153] : memref<4x64x128xf32, #tpu.memory_space<vmem>> -> memref<1x64x128xf32, #tpu.memory_space<vmem>>
        %dma_start3A_155 = tpu.memref_squeeze %dma_start3A_154 : memref<1x64x128xf32, #tpu.memory_space<vmem>> -> memref<64x128xf32, #tpu.memory_space<vmem>>
        tpu.enqueue_dma source(%dma_start3A_155 : memref<64x128xf32, #tpu.memory_space<vmem>>) target(%dma_start3A_151 : memref<64x128xf32, #tpu.memory_space<hbm>>) target_semaphore(%arg12 : memref<!tpu.dma_semaphore, #tpu.memory_space<semaphore_mem>>)
      } else {
      }
      %add3A_102 = arith.constant 2 : i32
      %add3A_103 = arith.addi %mul3A_87, %add3A_102 : i32
      %add3A_104 = arith.addi %add3A_4, %add3A_103 : i32
      %lt3A_105 = arith.cmpi slt, %add3A_103, %add3A_8 : i32
      %convert_element_type3A_106 = arith.extui %lt3A_105 : i1 to i32
      %cond3A_107 = arith.constant 0 : i32
      %cond3A_108 = arith.cmpi ne, %convert_element_type3A_106, %cond3A_107 : i32
      scf.if %cond3A_108 {
        %dma_wait3A = arith.constant 2 : i32
        %dma_wait3A_116 = arith.constant 0 : i32
        %dma_wait3A_117 = arith.constant 0 : i32
        %dma_wait3A_118 = tpu.memref_slice %arg5[%dma_wait3A, %dma_wait3A_116, %dma_wait3A_117] : memref<4x64x136xf32, #tpu.memory_space<vmem>> -> memref<1x64x128xf32, #tpu.memory_space<vmem>>
        %dma_wait3A_119 = tpu.memref_squeeze %dma_wait3A_118 : memref<1x64x128xf32, #tpu.memory_space<vmem>> -> memref<64x128xf32, #tpu.memory_space<vmem>>
        %dma_wait3A_120 = arith.constant 0 : i32
        %dma_wait3A_121 = arith.constant 0 : i32
        %dma_wait3A_122 = tpu.memref_slice %arg2[%dma_wait3A_120, %dma_wait3A_121] : memref<64x1000000xf32, #tpu.memory_space<hbm>> -> memref<64x128xf32, #tpu.memory_space<hbm>>
        %dma_wait3A_123 = arith.constant 0 : i32
        %dma_wait3A_124 = arith.constant 0 : i32
        %dma_wait3A_125 = tpu.memref_slice %arg5[%dma_wait3A, %dma_wait3A_123, %dma_wait3A_124] : memref<4x64x136xf32, #tpu.memory_space<vmem>> -> memref<1x64x128xf32, #tpu.memory_space<vmem>>
        %dma_wait3A_126 = tpu.memref_squeeze %dma_wait3A_125 : memref<1x64x128xf32, #tpu.memory_space<vmem>> -> memref<64x128xf32, #tpu.memory_space<vmem>>
        %dma_wait3A_127 = arith.constant 0 : i32
        %dma_wait3A_128 = arith.constant 0 : i32
        %dma_wait3A_129 = tpu.memref_slice %arg2[%dma_wait3A_127, %dma_wait3A_128] : memref<64x1000000xf32, #tpu.memory_space<hbm>> -> memref<64x128xf32, #tpu.memory_space<hbm>>
        tpu.wait_dma2 semaphore(%arg9 : memref<!tpu.dma_semaphore, #tpu.memory_space<semaphore_mem>>) src(%dma_wait3A_129 : memref<64x128xf32, #tpu.memory_space<hbm>>) dst(%dma_wait3A_126 : memref<64x128xf32, #tpu.memory_space<vmem>>)
        %add3A_130 = arith.constant 3 : i32
        %add3A_131 = arith.addi %add3A_103, %add3A_130 : i32
        %lt3A_132 = arith.cmpi slt, %add3A_131, %add3A_8 : i32
        %convert_element_type3A_133 = arith.extui %lt3A_132 : i1 to i32
        %cond3A_134 = arith.constant 0 : i32
        %cond3A_135 = arith.cmpi ne, %convert_element_type3A_133, %cond3A_134 : i32
        scf.if %cond3A_135 {
          %add3A_156 = arith.constant 3 : i32
          %add3A_157 = arith.addi %add3A_104, %add3A_156 : i32
          %mul3A_158 = arith.constant 128 : i32
          %mul3A_159 = arith.muli %add3A_157, %mul3A_158 : i32
          %dma_start3A_160 = arith.constant 1 : i32
          %dma_start3A_161 = arith.constant 0 : i32
          %dma_start3A_162 = arith.constant 0 : i32
          %dma_start3A_163 = tpu.memref_slice %arg5[%dma_start3A_160, %dma_start3A_161, %dma_start3A_162] : memref<4x64x136xf32, #tpu.memory_space<vmem>> -> memref<1x64x128xf32, #tpu.memory_space<vmem>>
          %dma_start3A_164 = tpu.memref_squeeze %dma_start3A_163 : memref<1x64x128xf32, #tpu.memory_space<vmem>> -> memref<64x128xf32, #tpu.memory_space<vmem>>
          %dma_start3A_165 = arith.constant 0 : i32
          %dma_start3A_166 = tpu.memref_slice %arg2[%dma_start3A_165, %mul3A_159] : memref<64x1000000xf32, #tpu.memory_space<hbm>> -> memref<64x128xf32, #tpu.memory_space<hbm>>
          %dma_start3A_167 = arith.constant 0 : i32
          %dma_start3A_168 = arith.constant 0 : i32
          %dma_start3A_169 = tpu.memref_slice %arg5[%dma_start3A_160, %dma_start3A_167, %dma_start3A_168] : memref<4x64x136xf32, #tpu.memory_space<vmem>> -> memref<1x64x128xf32, #tpu.memory_space<vmem>>
          %dma_start3A_170 = tpu.memref_squeeze %dma_start3A_169 : memref<1x64x128xf32, #tpu.memory_space<vmem>> -> memref<64x128xf32, #tpu.memory_space<vmem>>
          %dma_start3A_171 = arith.constant 0 : i32
          %dma_start3A_172 = tpu.memref_slice %arg2[%dma_start3A_171, %mul3A_159] : memref<64x1000000xf32, #tpu.memory_space<hbm>> -> memref<64x128xf32, #tpu.memory_space<hbm>>
          tpu.enqueue_dma source(%dma_start3A_172 : memref<64x128xf32, #tpu.memory_space<hbm>>) target(%dma_start3A_170 : memref<64x128xf32, #tpu.memory_space<vmem>>) target_semaphore(%arg8 : memref<!tpu.dma_semaphore, #tpu.memory_space<semaphore_mem>>)
        } else {
        }
        %ge3A = arith.constant 4 : i32
        %ge3A_136 = arith.cmpi sge, %add3A_103, %ge3A : i32
        %convert_element_type3A_137 = arith.extui %ge3A_136 : i1 to i32
        %cond3A_138 = arith.constant 0 : i32
        %cond3A_139 = arith.cmpi ne, %convert_element_type3A_137, %cond3A_138 : i32
        scf.if %cond3A_139 {
          %dma_wait3A_156 = arith.constant 2 : i32
          %dma_wait3A_157 = arith.constant 0 : i32
          %dma_wait3A_158 = arith.constant 0 : i32
          %dma_wait3A_159 = tpu.memref_slice %arg6[%dma_wait3A_156, %dma_wait3A_157, %dma_wait3A_158] : memref<4x64x128xf32, #tpu.memory_space<vmem>> -> memref<1x64x128xf32, #tpu.memory_space<vmem>>
          %dma_wait3A_160 = tpu.memref_squeeze %dma_wait3A_159 : memref<1x64x128xf32, #tpu.memory_space<vmem>> -> memref<64x128xf32, #tpu.memory_space<vmem>>
          %dma_wait3A_161 = arith.constant 0 : i32
          %dma_wait3A_162 = arith.constant 0 : i32
          %dma_wait3A_163 = tpu.memref_slice %arg4[%dma_wait3A_161, %dma_wait3A_162] : memref<500000x128xf32, #tpu.memory_space<hbm>> -> memref<64x128xf32, #tpu.memory_space<hbm>>
          %dma_wait3A_164 = arith.constant 0 : i32
          %dma_wait3A_165 = arith.constant 0 : i32
          %dma_wait3A_166 = tpu.memref_slice %arg4[%dma_wait3A_164, %dma_wait3A_165] : memref<500000x128xf32, #tpu.memory_space<hbm>> -> memref<64x128xf32, #tpu.memory_space<hbm>>
          %dma_wait3A_167 = arith.constant 0 : i32
          %dma_wait3A_168 = arith.constant 0 : i32
          %dma_wait3A_169 = tpu.memref_slice %arg6[%dma_wait3A_156, %dma_wait3A_167, %dma_wait3A_168] : memref<4x64x128xf32, #tpu.memory_space<vmem>> -> memref<1x64x128xf32, #tpu.memory_space<vmem>>
          %dma_wait3A_170 = tpu.memref_squeeze %dma_wait3A_169 : memref<1x64x128xf32, #tpu.memory_space<vmem>> -> memref<64x128xf32, #tpu.memory_space<vmem>>
          tpu.wait_dma2 semaphore(%arg13 : memref<!tpu.dma_semaphore, #tpu.memory_space<semaphore_mem>>) src(%dma_wait3A_170 : memref<64x128xf32, #tpu.memory_space<vmem>>) dst(%dma_wait3A_166 : memref<64x128xf32, #tpu.memory_space<hbm>>)
        } else {
        }
        %parallel_loop3A = arith.constant 0 : i32
        %parallel_loop3A_140 = arith.constant 64 : i32
        %parallel_loop3A_141 = arith.constant 1 : i32
        scf.for %parallel_loop3A_156 = %parallel_loop3A to %parallel_loop3A_140 step %parallel_loop3A_141  : i32 {
          %parallel_loop3A_157 = arith.constant 2 : i32
          %parallel_loop3A_158 = arith.muli %parallel_loop3A_157, %parallel_loop3A_156 : i32
          %parallel_loop3A_159 = vector.broadcast %parallel_loop3A_158 : i32 to vector<16xi32>
          %parallel_loop3A_160 = arith.constant 0 : i32
          %parallel_loop3A_161 = vector.broadcast %parallel_loop3A_160 : i32 to vector<16xi32>
          %parallel_loop3A_162 = arith.addi %parallel_loop3A_159, %parallel_loop3A_161 : vector<16xi32>
          %parallel_loop3A_163 = arith.constant 2 : i32
          %parallel_loop3A_164 = arith.constant 0 : i32
          %parallel_loop3A_165 = arith.constant 0 : i32
          %parallel_loop3A_166 = tpu.memref_slice %arg5[%parallel_loop3A_163, %parallel_loop3A_164, %parallel_loop3A_165] : memref<4x64x136xf32, #tpu.memory_space<vmem>> -> memref<1x64x136xf32, #tpu.memory_space<vmem>>
          %parallel_loop3A_167 = tpu.memref_squeeze %parallel_loop3A_166 : memref<1x64x136xf32, #tpu.memory_space<vmem>> -> memref<64x136xf32, #tpu.memory_space<vmem>>
          %parallel_loop3A_168 = tpu.vector_load_idx %parallel_loop3A_167[%add3A_12, %parallel_loop3A_162] : memref<64x136xf32, #tpu.memory_space<vmem>>[vector<16xi32>, vector<16xi32>], vector<16xf32>,
          %parallel_loop3A_169 = arith.constant 2 : i32
          %parallel_loop3A_170 = arith.constant 0 : i32
          %parallel_loop3A_171 = arith.constant 0 : i32
          %parallel_loop3A_172 = tpu.memref_slice %arg5[%parallel_loop3A_169, %parallel_loop3A_170, %parallel_loop3A_171] : memref<4x64x136xf32, #tpu.memory_space<vmem>> -> memref<1x64x136xf32, #tpu.memory_space<vmem>>
          %parallel_loop3A_173 = tpu.memref_squeeze %parallel_loop3A_172 : memref<1x64x136xf32, #tpu.memory_space<vmem>> -> memref<64x136xf32, #tpu.memory_space<vmem>>
          %parallel_loop3A_174 = tpu.vector_load_idx %parallel_loop3A_173[%add3A_15, %parallel_loop3A_162] : memref<64x136xf32, #tpu.memory_space<vmem>>[vector<16xi32>, vector<16xi32>], vector<16xf32>,
          %parallel_loop3A_175 = arith.constant 2 : i32
          %parallel_loop3A_176 = arith.constant 0 : i32
          %parallel_loop3A_177 = arith.constant 0 : i32
          %parallel_loop3A_178 = tpu.memref_slice %arg5[%parallel_loop3A_175, %parallel_loop3A_176, %parallel_loop3A_177] : memref<4x64x136xf32, #tpu.memory_space<vmem>> -> memref<1x64x136xf32, #tpu.memory_space<vmem>>
          %parallel_loop3A_179 = tpu.memref_squeeze %parallel_loop3A_178 : memref<1x64x136xf32, #tpu.memory_space<vmem>> -> memref<64x136xf32, #tpu.memory_space<vmem>>
          %parallel_loop3A_180 = tpu.vector_load_idx %parallel_loop3A_179[%add3A_18, %parallel_loop3A_162] : memref<64x136xf32, #tpu.memory_space<vmem>>[vector<16xi32>, vector<16xi32>], vector<16xf32>,
          %parallel_loop3A_181 = arith.constant 2 : i32
          %parallel_loop3A_182 = arith.constant 0 : i32
          %parallel_loop3A_183 = arith.constant 0 : i32
          %parallel_loop3A_184 = tpu.memref_slice %arg5[%parallel_loop3A_181, %parallel_loop3A_182, %parallel_loop3A_183] : memref<4x64x136xf32, #tpu.memory_space<vmem>> -> memref<1x64x136xf32, #tpu.memory_space<vmem>>
          %parallel_loop3A_185 = tpu.memref_squeeze %parallel_loop3A_184 : memref<1x64x136xf32, #tpu.memory_space<vmem>> -> memref<64x136xf32, #tpu.memory_space<vmem>>
          %parallel_loop3A_186 = tpu.vector_load_idx %parallel_loop3A_185[%add3A_21, %parallel_loop3A_162] : memref<64x136xf32, #tpu.memory_space<vmem>>[vector<16xi32>, vector<16xi32>], vector<16xf32>,
          %parallel_loop3A_187 = arith.constant 2 : i32
          %parallel_loop3A_188 = arith.index_cast %parallel_loop3A_187 : i32 to index
          %parallel_loop3A_189 = arith.index_cast %parallel_loop3A_156 : i32 to index
          %parallel_loop3A_190 = arith.constant 0 : index
          %parallel_loop3A_191 = tpu.vector_load %arg6[%parallel_loop3A_188, %parallel_loop3A_189, %parallel_loop3A_190] {strides = array<i32>} : memref<4x64x128xf32, #tpu.memory_space<vmem>>, vector<16xf32>,
          tpu.vector_store %arg6[%parallel_loop3A_188, %parallel_loop3A_189, %parallel_loop3A_190], %parallel_loop3A_168 {strides = array<i32>} : memref<4x64x128xf32, #tpu.memory_space<vmem>>, vector<16xf32>,
          %parallel_loop3A_192 = arith.constant 2 : i32
          %parallel_loop3A_193 = arith.index_cast %parallel_loop3A_192 : i32 to index
          %parallel_loop3A_194 = arith.index_cast %parallel_loop3A_156 : i32 to index
          %parallel_loop3A_195 = arith.constant 16 : index
          %parallel_loop3A_196 = tpu.vector_load %arg6[%parallel_loop3A_193, %parallel_loop3A_194, %parallel_loop3A_195] {strides = array<i32>} : memref<4x64x128xf32, #tpu.memory_space<vmem>>, vector<16xf32>,
          tpu.vector_store %arg6[%parallel_loop3A_193, %parallel_loop3A_194, %parallel_loop3A_195], %parallel_loop3A_174 {strides = array<i32>} : memref<4x64x128xf32, #tpu.memory_space<vmem>>, vector<16xf32>,
          %parallel_loop3A_197 = arith.constant 2 : i32
          %parallel_loop3A_198 = arith.index_cast %parallel_loop3A_197 : i32 to index
          %parallel_loop3A_199 = arith.index_cast %parallel_loop3A_156 : i32 to index
          %parallel_loop3A_200 = arith.constant 32 : index
          %parallel_loop3A_201 = tpu.vector_load %arg6[%parallel_loop3A_198, %parallel_loop3A_199, %parallel_loop3A_200] {strides = array<i32>} : memref<4x64x128xf32, #tpu.memory_space<vmem>>, vector<16xf32>,
          tpu.vector_store %arg6[%parallel_loop3A_198, %parallel_loop3A_199, %parallel_loop3A_200], %parallel_loop3A_180 {strides = array<i32>} : memref<4x64x128xf32, #tpu.memory_space<vmem>>, vector<16xf32>,
          %parallel_loop3A_202 = arith.constant 2 : i32
          %parallel_loop3A_203 = arith.index_cast %parallel_loop3A_202 : i32 to index
          %parallel_loop3A_204 = arith.index_cast %parallel_loop3A_156 : i32 to index
          %parallel_loop3A_205 = arith.constant 48 : index
          %parallel_loop3A_206 = tpu.vector_load %arg6[%parallel_loop3A_203, %parallel_loop3A_204, %parallel_loop3A_205] {strides = array<i32>} : memref<4x64x128xf32, #tpu.memory_space<vmem>>, vector<16xf32>,
          tpu.vector_store %arg6[%parallel_loop3A_203, %parallel_loop3A_204, %parallel_loop3A_205], %parallel_loop3A_186 {strides = array<i32>} : memref<4x64x128xf32, #tpu.memory_space<vmem>>, vector<16xf32>,
          %parallel_loop3A_207 = arith.constant 1 : i32
          %parallel_loop3A_208 = vector.broadcast %parallel_loop3A_207 : i32 to vector<16xi32>
          %parallel_loop3A_209 = arith.addi %parallel_loop3A_159, %parallel_loop3A_208 : vector<16xi32>
          %parallel_loop3A_210 = arith.constant 2 : i32
          %parallel_loop3A_211 = arith.constant 0 : i32
          %parallel_loop3A_212 = arith.constant 0 : i32
          %parallel_loop3A_213 = tpu.memref_slice %arg5[%parallel_loop3A_210, %parallel_loop3A_211, %parallel_loop3A_212] : memref<4x64x136xf32, #tpu.memory_space<vmem>> -> memref<1x64x136xf32, #tpu.memory_space<vmem>>
          %parallel_loop3A_214 = tpu.memref_squeeze %parallel_loop3A_213 : memref<1x64x136xf32, #tpu.memory_space<vmem>> -> memref<64x136xf32, #tpu.memory_space<vmem>>
          %parallel_loop3A_215 = tpu.vector_load_idx %parallel_loop3A_214[%add3A_12, %parallel_loop3A_209] : memref<64x136xf32, #tpu.memory_space<vmem>>[vector<16xi32>, vector<16xi32>], vector<16xf32>,
          %parallel_loop3A_216 = arith.constant 2 : i32
          %parallel_loop3A_217 = arith.constant 0 : i32
          %parallel_loop3A_218 = arith.constant 0 : i32
          %parallel_loop3A_219 = tpu.memref_slice %arg5[%parallel_loop3A_216, %parallel_loop3A_217, %parallel_loop3A_218] : memref<4x64x136xf32, #tpu.memory_space<vmem>> -> memref<1x64x136xf32, #tpu.memory_space<vmem>>
          %parallel_loop3A_220 = tpu.memref_squeeze %parallel_loop3A_219 : memref<1x64x136xf32, #tpu.memory_space<vmem>> -> memref<64x136xf32, #tpu.memory_space<vmem>>
          %parallel_loop3A_221 = tpu.vector_load_idx %parallel_loop3A_220[%add3A_15, %parallel_loop3A_209] : memref<64x136xf32, #tpu.memory_space<vmem>>[vector<16xi32>, vector<16xi32>], vector<16xf32>,
          %parallel_loop3A_222 = arith.constant 2 : i32
          %parallel_loop3A_223 = arith.constant 0 : i32
          %parallel_loop3A_224 = arith.constant 0 : i32
          %parallel_loop3A_225 = tpu.memref_slice %arg5[%parallel_loop3A_222, %parallel_loop3A_223, %parallel_loop3A_224] : memref<4x64x136xf32, #tpu.memory_space<vmem>> -> memref<1x64x136xf32, #tpu.memory_space<vmem>>
          %parallel_loop3A_226 = tpu.memref_squeeze %parallel_loop3A_225 : memref<1x64x136xf32, #tpu.memory_space<vmem>> -> memref<64x136xf32, #tpu.memory_space<vmem>>
          %parallel_loop3A_227 = tpu.vector_load_idx %parallel_loop3A_226[%add3A_18, %parallel_loop3A_209] : memref<64x136xf32, #tpu.memory_space<vmem>>[vector<16xi32>, vector<16xi32>], vector<16xf32>,
          %parallel_loop3A_228 = arith.constant 2 : i32
          %parallel_loop3A_229 = arith.constant 0 : i32
          %parallel_loop3A_230 = arith.constant 0 : i32
          %parallel_loop3A_231 = tpu.memref_slice %arg5[%parallel_loop3A_228, %parallel_loop3A_229, %parallel_loop3A_230] : memref<4x64x136xf32, #tpu.memory_space<vmem>> -> memref<1x64x136xf32, #tpu.memory_space<vmem>>
          %parallel_loop3A_232 = tpu.memref_squeeze %parallel_loop3A_231 : memref<1x64x136xf32, #tpu.memory_space<vmem>> -> memref<64x136xf32, #tpu.memory_space<vmem>>
          %parallel_loop3A_233 = tpu.vector_load_idx %parallel_loop3A_232[%add3A_21, %parallel_loop3A_209] : memref<64x136xf32, #tpu.memory_space<vmem>>[vector<16xi32>, vector<16xi32>], vector<16xf32>,
          %parallel_loop3A_234 = arith.constant 2 : i32
          %parallel_loop3A_235 = arith.index_cast %parallel_loop3A_234 : i32 to index
          %parallel_loop3A_236 = arith.index_cast %parallel_loop3A_156 : i32 to index
          %parallel_loop3A_237 = arith.constant 64 : index
          %parallel_loop3A_238 = tpu.vector_load %arg6[%parallel_loop3A_235, %parallel_loop3A_236, %parallel_loop3A_237] {strides = array<i32>} : memref<4x64x128xf32, #tpu.memory_space<vmem>>, vector<16xf32>,
          tpu.vector_store %arg6[%parallel_loop3A_235, %parallel_loop3A_236, %parallel_loop3A_237], %parallel_loop3A_215 {strides = array<i32>} : memref<4x64x128xf32, #tpu.memory_space<vmem>>, vector<16xf32>,
          %parallel_loop3A_239 = arith.constant 2 : i32
          %parallel_loop3A_240 = arith.index_cast %parallel_loop3A_239 : i32 to index
          %parallel_loop3A_241 = arith.index_cast %parallel_loop3A_156 : i32 to index
          %parallel_loop3A_242 = arith.constant 80 : index
          %parallel_loop3A_243 = tpu.vector_load %arg6[%parallel_loop3A_240, %parallel_loop3A_241, %parallel_loop3A_242] {strides = array<i32>} : memref<4x64x128xf32, #tpu.memory_space<vmem>>, vector<16xf32>,
          tpu.vector_store %arg6[%parallel_loop3A_240, %parallel_loop3A_241, %parallel_loop3A_242], %parallel_loop3A_221 {strides = array<i32>} : memref<4x64x128xf32, #tpu.memory_space<vmem>>, vector<16xf32>,
          %parallel_loop3A_244 = arith.constant 2 : i32
          %parallel_loop3A_245 = arith.index_cast %parallel_loop3A_244 : i32 to index
          %parallel_loop3A_246 = arith.index_cast %parallel_loop3A_156 : i32 to index
          %parallel_loop3A_247 = arith.constant 96 : index
          %parallel_loop3A_248 = tpu.vector_load %arg6[%parallel_loop3A_245, %parallel_loop3A_246, %parallel_loop3A_247] {strides = array<i32>} : memref<4x64x128xf32, #tpu.memory_space<vmem>>, vector<16xf32>,
          tpu.vector_store %arg6[%parallel_loop3A_245, %parallel_loop3A_246, %parallel_loop3A_247], %parallel_loop3A_227 {strides = array<i32>} : memref<4x64x128xf32, #tpu.memory_space<vmem>>, vector<16xf32>,
          %parallel_loop3A_249 = arith.constant 2 : i32
          %parallel_loop3A_250 = arith.index_cast %parallel_loop3A_249 : i32 to index
          %parallel_loop3A_251 = arith.index_cast %parallel_loop3A_156 : i32 to index
          %parallel_loop3A_252 = arith.constant 112 : index
          %parallel_loop3A_253 = tpu.vector_load %arg6[%parallel_loop3A_250, %parallel_loop3A_251, %parallel_loop3A_252] {strides = array<i32>} : memref<4x64x128xf32, #tpu.memory_space<vmem>>, vector<16xf32>,
          tpu.vector_store %arg6[%parallel_loop3A_250, %parallel_loop3A_251, %parallel_loop3A_252], %parallel_loop3A_233 {strides = array<i32>} : memref<4x64x128xf32, #tpu.memory_space<vmem>>, vector<16xf32>,
        } {sc.loop_unroll_factor = 8 : i64, sc.parallel_access}
        %mul3A_142 = arith.constant 64 : i32
        %mul3A_143 = arith.muli %add3A_104, %mul3A_142 : i32
        %dma_start3A = arith.constant 2 : i32
        %dma_start3A_144 = arith.constant 0 : i32
        %dma_start3A_145 = arith.constant 0 : i32
        %dma_start3A_146 = tpu.memref_slice %arg6[%dma_start3A, %dma_start3A_144, %dma_start3A_145] : memref<4x64x128xf32, #tpu.memory_space<vmem>> -> memref<1x64x128xf32, #tpu.memory_space<vmem>>
        %dma_start3A_147 = tpu.memref_squeeze %dma_start3A_146 : memref<1x64x128xf32, #tpu.memory_space<vmem>> -> memref<64x128xf32, #tpu.memory_space<vmem>>
        %dma_start3A_148 = arith.constant 0 : i32
        %dma_start3A_149 = tpu.memref_slice %arg4[%mul3A_143, %dma_start3A_148] : memref<500000x128xf32, #tpu.memory_space<hbm>> -> memref<64x128xf32, #tpu.memory_space<hbm>>
        %dma_start3A_150 = arith.constant 0 : i32
        %dma_start3A_151 = tpu.memref_slice %arg4[%mul3A_143, %dma_start3A_150] : memref<500000x128xf32, #tpu.memory_space<hbm>> -> memref<64x128xf32, #tpu.memory_space<hbm>>
        %dma_start3A_152 = arith.constant 0 : i32
        %dma_start3A_153 = arith.constant 0 : i32
        %dma_start3A_154 = tpu.memref_slice %arg6[%dma_start3A, %dma_start3A_152, %dma_start3A_153] : memref<4x64x128xf32, #tpu.memory_space<vmem>> -> memref<1x64x128xf32, #tpu.memory_space<vmem>>
        %dma_start3A_155 = tpu.memref_squeeze %dma_start3A_154 : memref<1x64x128xf32, #tpu.memory_space<vmem>> -> memref<64x128xf32, #tpu.memory_space<vmem>>
        tpu.enqueue_dma source(%dma_start3A_155 : memref<64x128xf32, #tpu.memory_space<vmem>>) target(%dma_start3A_151 : memref<64x128xf32, #tpu.memory_space<hbm>>) target_semaphore(%arg13 : memref<!tpu.dma_semaphore, #tpu.memory_space<semaphore_mem>>)
      } else {
      }
      %add3A_109 = arith.constant 3 : i32
      %add3A_110 = arith.addi %mul3A_87, %add3A_109 : i32
      %add3A_111 = arith.addi %add3A_4, %add3A_110 : i32
      %lt3A_112 = arith.cmpi slt, %add3A_110, %add3A_8 : i32
      %convert_element_type3A_113 = arith.extui %lt3A_112 : i1 to i32
      %cond3A_114 = arith.constant 0 : i32
      %cond3A_115 = arith.cmpi ne, %convert_element_type3A_113, %cond3A_114 : i32
      scf.if %cond3A_115 {
        %dma_wait3A = arith.constant 3 : i32
        %dma_wait3A_116 = arith.constant 0 : i32
        %dma_wait3A_117 = arith.constant 0 : i32
        %dma_wait3A_118 = tpu.memref_slice %arg5[%dma_wait3A, %dma_wait3A_116, %dma_wait3A_117] : memref<4x64x136xf32, #tpu.memory_space<vmem>> -> memref<1x64x128xf32, #tpu.memory_space<vmem>>
        %dma_wait3A_119 = tpu.memref_squeeze %dma_wait3A_118 : memref<1x64x128xf32, #tpu.memory_space<vmem>> -> memref<64x128xf32, #tpu.memory_space<vmem>>
        %dma_wait3A_120 = arith.constant 0 : i32
        %dma_wait3A_121 = arith.constant 0 : i32
        %dma_wait3A_122 = tpu.memref_slice %arg2[%dma_wait3A_120, %dma_wait3A_121] : memref<64x1000000xf32, #tpu.memory_space<hbm>> -> memref<64x128xf32, #tpu.memory_space<hbm>>
        %dma_wait3A_123 = arith.constant 0 : i32
        %dma_wait3A_124 = arith.constant 0 : i32
        %dma_wait3A_125 = tpu.memref_slice %arg5[%dma_wait3A, %dma_wait3A_123, %dma_wait3A_124] : memref<4x64x136xf32, #tpu.memory_space<vmem>> -> memref<1x64x128xf32, #tpu.memory_space<vmem>>
        %dma_wait3A_126 = tpu.memref_squeeze %dma_wait3A_125 : memref<1x64x128xf32, #tpu.memory_space<vmem>> -> memref<64x128xf32, #tpu.memory_space<vmem>>
        %dma_wait3A_127 = arith.constant 0 : i32
        %dma_wait3A_128 = arith.constant 0 : i32
        %dma_wait3A_129 = tpu.memref_slice %arg2[%dma_wait3A_127, %dma_wait3A_128] : memref<64x1000000xf32, #tpu.memory_space<hbm>> -> memref<64x128xf32, #tpu.memory_space<hbm>>
        tpu.wait_dma2 semaphore(%arg10 : memref<!tpu.dma_semaphore, #tpu.memory_space<semaphore_mem>>) src(%dma_wait3A_129 : memref<64x128xf32, #tpu.memory_space<hbm>>) dst(%dma_wait3A_126 : memref<64x128xf32, #tpu.memory_space<vmem>>)
        %add3A_130 = arith.constant 3 : i32
        %add3A_131 = arith.addi %add3A_110, %add3A_130 : i32
        %lt3A_132 = arith.cmpi slt, %add3A_131, %add3A_8 : i32
        %convert_element_type3A_133 = arith.extui %lt3A_132 : i1 to i32
        %cond3A_134 = arith.constant 0 : i32
        %cond3A_135 = arith.cmpi ne, %convert_element_type3A_133, %cond3A_134 : i32
        scf.if %cond3A_135 {
          %add3A_156 = arith.constant 3 : i32
          %add3A_157 = arith.addi %add3A_111, %add3A_156 : i32
          %mul3A_158 = arith.constant 128 : i32
          %mul3A_159 = arith.muli %add3A_157, %mul3A_158 : i32
          %dma_start3A_160 = arith.constant 2 : i32
          %dma_start3A_161 = arith.constant 0 : i32
          %dma_start3A_162 = arith.constant 0 : i32
          %dma_start3A_163 = tpu.memref_slice %arg5[%dma_start3A_160, %dma_start3A_161, %dma_start3A_162] : memref<4x64x136xf32, #tpu.memory_space<vmem>> -> memref<1x64x128xf32, #tpu.memory_space<vmem>>
          %dma_start3A_164 = tpu.memref_squeeze %dma_start3A_163 : memref<1x64x128xf32, #tpu.memory_space<vmem>> -> memref<64x128xf32, #tpu.memory_space<vmem>>
          %dma_start3A_165 = arith.constant 0 : i32
          %dma_start3A_166 = tpu.memref_slice %arg2[%dma_start3A_165, %mul3A_159] : memref<64x1000000xf32, #tpu.memory_space<hbm>> -> memref<64x128xf32, #tpu.memory_space<hbm>>
          %dma_start3A_167 = arith.constant 0 : i32
          %dma_start3A_168 = arith.constant 0 : i32
          %dma_start3A_169 = tpu.memref_slice %arg5[%dma_start3A_160, %dma_start3A_167, %dma_start3A_168] : memref<4x64x136xf32, #tpu.memory_space<vmem>> -> memref<1x64x128xf32, #tpu.memory_space<vmem>>
          %dma_start3A_170 = tpu.memref_squeeze %dma_start3A_169 : memref<1x64x128xf32, #tpu.memory_space<vmem>> -> memref<64x128xf32, #tpu.memory_space<vmem>>
          %dma_start3A_171 = arith.constant 0 : i32
          %dma_start3A_172 = tpu.memref_slice %arg2[%dma_start3A_171, %mul3A_159] : memref<64x1000000xf32, #tpu.memory_space<hbm>> -> memref<64x128xf32, #tpu.memory_space<hbm>>
          tpu.enqueue_dma source(%dma_start3A_172 : memref<64x128xf32, #tpu.memory_space<hbm>>) target(%dma_start3A_170 : memref<64x128xf32, #tpu.memory_space<vmem>>) target_semaphore(%arg9 : memref<!tpu.dma_semaphore, #tpu.memory_space<semaphore_mem>>)
        } else {
        }
        %ge3A = arith.constant 4 : i32
        %ge3A_136 = arith.cmpi sge, %add3A_110, %ge3A : i32
        %convert_element_type3A_137 = arith.extui %ge3A_136 : i1 to i32
        %cond3A_138 = arith.constant 0 : i32
        %cond3A_139 = arith.cmpi ne, %convert_element_type3A_137, %cond3A_138 : i32
        scf.if %cond3A_139 {
          %dma_wait3A_156 = arith.constant 3 : i32
          %dma_wait3A_157 = arith.constant 0 : i32
          %dma_wait3A_158 = arith.constant 0 : i32
          %dma_wait3A_159 = tpu.memref_slice %arg6[%dma_wait3A_156, %dma_wait3A_157, %dma_wait3A_158] : memref<4x64x128xf32, #tpu.memory_space<vmem>> -> memref<1x64x128xf32, #tpu.memory_space<vmem>>
          %dma_wait3A_160 = tpu.memref_squeeze %dma_wait3A_159 : memref<1x64x128xf32, #tpu.memory_space<vmem>> -> memref<64x128xf32, #tpu.memory_space<vmem>>
          %dma_wait3A_161 = arith.constant 0 : i32
          %dma_wait3A_162 = arith.constant 0 : i32
          %dma_wait3A_163 = tpu.memref_slice %arg4[%dma_wait3A_161, %dma_wait3A_162] : memref<500000x128xf32, #tpu.memory_space<hbm>> -> memref<64x128xf32, #tpu.memory_space<hbm>>
          %dma_wait3A_164 = arith.constant 0 : i32
          %dma_wait3A_165 = arith.constant 0 : i32
          %dma_wait3A_166 = tpu.memref_slice %arg4[%dma_wait3A_164, %dma_wait3A_165] : memref<500000x128xf32, #tpu.memory_space<hbm>> -> memref<64x128xf32, #tpu.memory_space<hbm>>
          %dma_wait3A_167 = arith.constant 0 : i32
          %dma_wait3A_168 = arith.constant 0 : i32
          %dma_wait3A_169 = tpu.memref_slice %arg6[%dma_wait3A_156, %dma_wait3A_167, %dma_wait3A_168] : memref<4x64x128xf32, #tpu.memory_space<vmem>> -> memref<1x64x128xf32, #tpu.memory_space<vmem>>
          %dma_wait3A_170 = tpu.memref_squeeze %dma_wait3A_169 : memref<1x64x128xf32, #tpu.memory_space<vmem>> -> memref<64x128xf32, #tpu.memory_space<vmem>>
          tpu.wait_dma2 semaphore(%arg14 : memref<!tpu.dma_semaphore, #tpu.memory_space<semaphore_mem>>) src(%dma_wait3A_170 : memref<64x128xf32, #tpu.memory_space<vmem>>) dst(%dma_wait3A_166 : memref<64x128xf32, #tpu.memory_space<hbm>>)
        } else {
        }
        %parallel_loop3A = arith.constant 0 : i32
        %parallel_loop3A_140 = arith.constant 64 : i32
        %parallel_loop3A_141 = arith.constant 1 : i32
        scf.for %parallel_loop3A_156 = %parallel_loop3A to %parallel_loop3A_140 step %parallel_loop3A_141  : i32 {
          %parallel_loop3A_157 = arith.constant 2 : i32
          %parallel_loop3A_158 = arith.muli %parallel_loop3A_157, %parallel_loop3A_156 : i32
          %parallel_loop3A_159 = vector.broadcast %parallel_loop3A_158 : i32 to vector<16xi32>
          %parallel_loop3A_160 = arith.constant 0 : i32
          %parallel_loop3A_161 = vector.broadcast %parallel_loop3A_160 : i32 to vector<16xi32>
          %parallel_loop3A_162 = arith.addi %parallel_loop3A_159, %parallel_loop3A_161 : vector<16xi32>
          %parallel_loop3A_163 = arith.constant 3 : i32
          %parallel_loop3A_164 = arith.constant 0 : i32
          %parallel_loop3A_165 = arith.constant 0 : i32
          %parallel_loop3A_166 = tpu.memref_slice %arg5[%parallel_loop3A_163, %parallel_loop3A_164, %parallel_loop3A_165] : memref<4x64x136xf32, #tpu.memory_space<vmem>> -> memref<1x64x136xf32, #tpu.memory_space<vmem>>
          %parallel_loop3A_167 = tpu.memref_squeeze %parallel_loop3A_166 : memref<1x64x136xf32, #tpu.memory_space<vmem>> -> memref<64x136xf32, #tpu.memory_space<vmem>>
          %parallel_loop3A_168 = tpu.vector_load_idx %parallel_loop3A_167[%add3A_12, %parallel_loop3A_162] : memref<64x136xf32, #tpu.memory_space<vmem>>[vector<16xi32>, vector<16xi32>], vector<16xf32>,
          %parallel_loop3A_169 = arith.constant 3 : i32
          %parallel_loop3A_170 = arith.constant 0 : i32
          %parallel_loop3A_171 = arith.constant 0 : i32
          %parallel_loop3A_172 = tpu.memref_slice %arg5[%parallel_loop3A_169, %parallel_loop3A_170, %parallel_loop3A_171] : memref<4x64x136xf32, #tpu.memory_space<vmem>> -> memref<1x64x136xf32, #tpu.memory_space<vmem>>
          %parallel_loop3A_173 = tpu.memref_squeeze %parallel_loop3A_172 : memref<1x64x136xf32, #tpu.memory_space<vmem>> -> memref<64x136xf32, #tpu.memory_space<vmem>>
          %parallel_loop3A_174 = tpu.vector_load_idx %parallel_loop3A_173[%add3A_15, %parallel_loop3A_162] : memref<64x136xf32, #tpu.memory_space<vmem>>[vector<16xi32>, vector<16xi32>], vector<16xf32>,
          %parallel_loop3A_175 = arith.constant 3 : i32
          %parallel_loop3A_176 = arith.constant 0 : i32
          %parallel_loop3A_177 = arith.constant 0 : i32
          %parallel_loop3A_178 = tpu.memref_slice %arg5[%parallel_loop3A_175, %parallel_loop3A_176, %parallel_loop3A_177] : memref<4x64x136xf32, #tpu.memory_space<vmem>> -> memref<1x64x136xf32, #tpu.memory_space<vmem>>
          %parallel_loop3A_179 = tpu.memref_squeeze %parallel_loop3A_178 : memref<1x64x136xf32, #tpu.memory_space<vmem>> -> memref<64x136xf32, #tpu.memory_space<vmem>>
          %parallel_loop3A_180 = tpu.vector_load_idx %parallel_loop3A_179[%add3A_18, %parallel_loop3A_162] : memref<64x136xf32, #tpu.memory_space<vmem>>[vector<16xi32>, vector<16xi32>], vector<16xf32>,
          %parallel_loop3A_181 = arith.constant 3 : i32
          %parallel_loop3A_182 = arith.constant 0 : i32
          %parallel_loop3A_183 = arith.constant 0 : i32
          %parallel_loop3A_184 = tpu.memref_slice %arg5[%parallel_loop3A_181, %parallel_loop3A_182, %parallel_loop3A_183] : memref<4x64x136xf32, #tpu.memory_space<vmem>> -> memref<1x64x136xf32, #tpu.memory_space<vmem>>
          %parallel_loop3A_185 = tpu.memref_squeeze %parallel_loop3A_184 : memref<1x64x136xf32, #tpu.memory_space<vmem>> -> memref<64x136xf32, #tpu.memory_space<vmem>>
          %parallel_loop3A_186 = tpu.vector_load_idx %parallel_loop3A_185[%add3A_21, %parallel_loop3A_162] : memref<64x136xf32, #tpu.memory_space<vmem>>[vector<16xi32>, vector<16xi32>], vector<16xf32>,
          %parallel_loop3A_187 = arith.constant 3 : i32
          %parallel_loop3A_188 = arith.index_cast %parallel_loop3A_187 : i32 to index
          %parallel_loop3A_189 = arith.index_cast %parallel_loop3A_156 : i32 to index
          %parallel_loop3A_190 = arith.constant 0 : index
          %parallel_loop3A_191 = tpu.vector_load %arg6[%parallel_loop3A_188, %parallel_loop3A_189, %parallel_loop3A_190] {strides = array<i32>} : memref<4x64x128xf32, #tpu.memory_space<vmem>>, vector<16xf32>,
          tpu.vector_store %arg6[%parallel_loop3A_188, %parallel_loop3A_189, %parallel_loop3A_190], %parallel_loop3A_168 {strides = array<i32>} : memref<4x64x128xf32, #tpu.memory_space<vmem>>, vector<16xf32>,
          %parallel_loop3A_192 = arith.constant 3 : i32
          %parallel_loop3A_193 = arith.index_cast %parallel_loop3A_192 : i32 to index
          %parallel_loop3A_194 = arith.index_cast %parallel_loop3A_156 : i32 to index
          %parallel_loop3A_195 = arith.constant 16 : index
          %parallel_loop3A_196 = tpu.vector_load %arg6[%parallel_loop3A_193, %parallel_loop3A_194, %parallel_loop3A_195] {strides = array<i32>} : memref<4x64x128xf32, #tpu.memory_space<vmem>>, vector<16xf32>,
          tpu.vector_store %arg6[%parallel_loop3A_193, %parallel_loop3A_194, %parallel_loop3A_195], %parallel_loop3A_174 {strides = array<i32>} : memref<4x64x128xf32, #tpu.memory_space<vmem>>, vector<16xf32>,
          %parallel_loop3A_197 = arith.constant 3 : i32
          %parallel_loop3A_198 = arith.index_cast %parallel_loop3A_197 : i32 to index
          %parallel_loop3A_199 = arith.index_cast %parallel_loop3A_156 : i32 to index
          %parallel_loop3A_200 = arith.constant 32 : index
          %parallel_loop3A_201 = tpu.vector_load %arg6[%parallel_loop3A_198, %parallel_loop3A_199, %parallel_loop3A_200] {strides = array<i32>} : memref<4x64x128xf32, #tpu.memory_space<vmem>>, vector<16xf32>,
          tpu.vector_store %arg6[%parallel_loop3A_198, %parallel_loop3A_199, %parallel_loop3A_200], %parallel_loop3A_180 {strides = array<i32>} : memref<4x64x128xf32, #tpu.memory_space<vmem>>, vector<16xf32>,
          %parallel_loop3A_202 = arith.constant 3 : i32
          %parallel_loop3A_203 = arith.index_cast %parallel_loop3A_202 : i32 to index
          %parallel_loop3A_204 = arith.index_cast %parallel_loop3A_156 : i32 to index
          %parallel_loop3A_205 = arith.constant 48 : index
          %parallel_loop3A_206 = tpu.vector_load %arg6[%parallel_loop3A_203, %parallel_loop3A_204, %parallel_loop3A_205] {strides = array<i32>} : memref<4x64x128xf32, #tpu.memory_space<vmem>>, vector<16xf32>,
          tpu.vector_store %arg6[%parallel_loop3A_203, %parallel_loop3A_204, %parallel_loop3A_205], %parallel_loop3A_186 {strides = array<i32>} : memref<4x64x128xf32, #tpu.memory_space<vmem>>, vector<16xf32>,
          %parallel_loop3A_207 = arith.constant 1 : i32
          %parallel_loop3A_208 = vector.broadcast %parallel_loop3A_207 : i32 to vector<16xi32>
          %parallel_loop3A_209 = arith.addi %parallel_loop3A_159, %parallel_loop3A_208 : vector<16xi32>
          %parallel_loop3A_210 = arith.constant 3 : i32
          %parallel_loop3A_211 = arith.constant 0 : i32
          %parallel_loop3A_212 = arith.constant 0 : i32
          %parallel_loop3A_213 = tpu.memref_slice %arg5[%parallel_loop3A_210, %parallel_loop3A_211, %parallel_loop3A_212] : memref<4x64x136xf32, #tpu.memory_space<vmem>> -> memref<1x64x136xf32, #tpu.memory_space<vmem>>
          %parallel_loop3A_214 = tpu.memref_squeeze %parallel_loop3A_213 : memref<1x64x136xf32, #tpu.memory_space<vmem>> -> memref<64x136xf32, #tpu.memory_space<vmem>>
          %parallel_loop3A_215 = tpu.vector_load_idx %parallel_loop3A_214[%add3A_12, %parallel_loop3A_209] : memref<64x136xf32, #tpu.memory_space<vmem>>[vector<16xi32>, vector<16xi32>], vector<16xf32>,
          %parallel_loop3A_216 = arith.constant 3 : i32
          %parallel_loop3A_217 = arith.constant 0 : i32
          %parallel_loop3A_218 = arith.constant 0 : i32
          %parallel_loop3A_219 = tpu.memref_slice %arg5[%parallel_loop3A_216, %parallel_loop3A_217, %parallel_loop3A_218] : memref<4x64x136xf32, #tpu.memory_space<vmem>> -> memref<1x64x136xf32, #tpu.memory_space<vmem>>
          %parallel_loop3A_220 = tpu.memref_squeeze %parallel_loop3A_219 : memref<1x64x136xf32, #tpu.memory_space<vmem>> -> memref<64x136xf32, #tpu.memory_space<vmem>>
          %parallel_loop3A_221 = tpu.vector_load_idx %parallel_loop3A_220[%add3A_15, %parallel_loop3A_209] : memref<64x136xf32, #tpu.memory_space<vmem>>[vector<16xi32>, vector<16xi32>], vector<16xf32>,
          %parallel_loop3A_222 = arith.constant 3 : i32
          %parallel_loop3A_223 = arith.constant 0 : i32
          %parallel_loop3A_224 = arith.constant 0 : i32
          %parallel_loop3A_225 = tpu.memref_slice %arg5[%parallel_loop3A_222, %parallel_loop3A_223, %parallel_loop3A_224] : memref<4x64x136xf32, #tpu.memory_space<vmem>> -> memref<1x64x136xf32, #tpu.memory_space<vmem>>
          %parallel_loop3A_226 = tpu.memref_squeeze %parallel_loop3A_225 : memref<1x64x136xf32, #tpu.memory_space<vmem>> -> memref<64x136xf32, #tpu.memory_space<vmem>>
          %parallel_loop3A_227 = tpu.vector_load_idx %parallel_loop3A_226[%add3A_18, %parallel_loop3A_209] : memref<64x136xf32, #tpu.memory_space<vmem>>[vector<16xi32>, vector<16xi32>], vector<16xf32>,
          %parallel_loop3A_228 = arith.constant 3 : i32
          %parallel_loop3A_229 = arith.constant 0 : i32
          %parallel_loop3A_230 = arith.constant 0 : i32
          %parallel_loop3A_231 = tpu.memref_slice %arg5[%parallel_loop3A_228, %parallel_loop3A_229, %parallel_loop3A_230] : memref<4x64x136xf32, #tpu.memory_space<vmem>> -> memref<1x64x136xf32, #tpu.memory_space<vmem>>
          %parallel_loop3A_232 = tpu.memref_squeeze %parallel_loop3A_231 : memref<1x64x136xf32, #tpu.memory_space<vmem>> -> memref<64x136xf32, #tpu.memory_space<vmem>>
          %parallel_loop3A_233 = tpu.vector_load_idx %parallel_loop3A_232[%add3A_21, %parallel_loop3A_209] : memref<64x136xf32, #tpu.memory_space<vmem>>[vector<16xi32>, vector<16xi32>], vector<16xf32>,
          %parallel_loop3A_234 = arith.constant 3 : i32
          %parallel_loop3A_235 = arith.index_cast %parallel_loop3A_234 : i32 to index
          %parallel_loop3A_236 = arith.index_cast %parallel_loop3A_156 : i32 to index
          %parallel_loop3A_237 = arith.constant 64 : index
          %parallel_loop3A_238 = tpu.vector_load %arg6[%parallel_loop3A_235, %parallel_loop3A_236, %parallel_loop3A_237] {strides = array<i32>} : memref<4x64x128xf32, #tpu.memory_space<vmem>>, vector<16xf32>,
          tpu.vector_store %arg6[%parallel_loop3A_235, %parallel_loop3A_236, %parallel_loop3A_237], %parallel_loop3A_215 {strides = array<i32>} : memref<4x64x128xf32, #tpu.memory_space<vmem>>, vector<16xf32>,
          %parallel_loop3A_239 = arith.constant 3 : i32
          %parallel_loop3A_240 = arith.index_cast %parallel_loop3A_239 : i32 to index
          %parallel_loop3A_241 = arith.index_cast %parallel_loop3A_156 : i32 to index
          %parallel_loop3A_242 = arith.constant 80 : index
          %parallel_loop3A_243 = tpu.vector_load %arg6[%parallel_loop3A_240, %parallel_loop3A_241, %parallel_loop3A_242] {strides = array<i32>} : memref<4x64x128xf32, #tpu.memory_space<vmem>>, vector<16xf32>,
          tpu.vector_store %arg6[%parallel_loop3A_240, %parallel_loop3A_241, %parallel_loop3A_242], %parallel_loop3A_221 {strides = array<i32>} : memref<4x64x128xf32, #tpu.memory_space<vmem>>, vector<16xf32>,
          %parallel_loop3A_244 = arith.constant 3 : i32
          %parallel_loop3A_245 = arith.index_cast %parallel_loop3A_244 : i32 to index
          %parallel_loop3A_246 = arith.index_cast %parallel_loop3A_156 : i32 to index
          %parallel_loop3A_247 = arith.constant 96 : index
          %parallel_loop3A_248 = tpu.vector_load %arg6[%parallel_loop3A_245, %parallel_loop3A_246, %parallel_loop3A_247] {strides = array<i32>} : memref<4x64x128xf32, #tpu.memory_space<vmem>>, vector<16xf32>,
          tpu.vector_store %arg6[%parallel_loop3A_245, %parallel_loop3A_246, %parallel_loop3A_247], %parallel_loop3A_227 {strides = array<i32>} : memref<4x64x128xf32, #tpu.memory_space<vmem>>, vector<16xf32>,
          %parallel_loop3A_249 = arith.constant 3 : i32
          %parallel_loop3A_250 = arith.index_cast %parallel_loop3A_249 : i32 to index
          %parallel_loop3A_251 = arith.index_cast %parallel_loop3A_156 : i32 to index
          %parallel_loop3A_252 = arith.constant 112 : index
          %parallel_loop3A_253 = tpu.vector_load %arg6[%parallel_loop3A_250, %parallel_loop3A_251, %parallel_loop3A_252] {strides = array<i32>} : memref<4x64x128xf32, #tpu.memory_space<vmem>>, vector<16xf32>,
          tpu.vector_store %arg6[%parallel_loop3A_250, %parallel_loop3A_251, %parallel_loop3A_252], %parallel_loop3A_233 {strides = array<i32>} : memref<4x64x128xf32, #tpu.memory_space<vmem>>, vector<16xf32>,
        } {sc.loop_unroll_factor = 8 : i64, sc.parallel_access}
        %mul3A_142 = arith.constant 64 : i32
        %mul3A_143 = arith.muli %add3A_111, %mul3A_142 : i32
        %dma_start3A = arith.constant 3 : i32
        %dma_start3A_144 = arith.constant 0 : i32
        %dma_start3A_145 = arith.constant 0 : i32
        %dma_start3A_146 = tpu.memref_slice %arg6[%dma_start3A, %dma_start3A_144, %dma_start3A_145] : memref<4x64x128xf32, #tpu.memory_space<vmem>> -> memref<1x64x128xf32, #tpu.memory_space<vmem>>
        %dma_start3A_147 = tpu.memref_squeeze %dma_start3A_146 : memref<1x64x128xf32, #tpu.memory_space<vmem>> -> memref<64x128xf32, #tpu.memory_space<vmem>>
        %dma_start3A_148 = arith.constant 0 : i32
        %dma_start3A_149 = tpu.memref_slice %arg4[%mul3A_143, %dma_start3A_148] : memref<500000x128xf32, #tpu.memory_space<hbm>> -> memref<64x128xf32, #tpu.memory_space<hbm>>
        %dma_start3A_150 = arith.constant 0 : i32
        %dma_start3A_151 = tpu.memref_slice %arg4[%mul3A_143, %dma_start3A_150] : memref<500000x128xf32, #tpu.memory_space<hbm>> -> memref<64x128xf32, #tpu.memory_space<hbm>>
        %dma_start3A_152 = arith.constant 0 : i32
        %dma_start3A_153 = arith.constant 0 : i32
        %dma_start3A_154 = tpu.memref_slice %arg6[%dma_start3A, %dma_start3A_152, %dma_start3A_153] : memref<4x64x128xf32, #tpu.memory_space<vmem>> -> memref<1x64x128xf32, #tpu.memory_space<vmem>>
        %dma_start3A_155 = tpu.memref_squeeze %dma_start3A_154 : memref<1x64x128xf32, #tpu.memory_space<vmem>> -> memref<64x128xf32, #tpu.memory_space<vmem>>
        tpu.enqueue_dma source(%dma_start3A_155 : memref<64x128xf32, #tpu.memory_space<vmem>>) target(%dma_start3A_151 : memref<64x128xf32, #tpu.memory_space<hbm>>) target_semaphore(%arg14 : memref<!tpu.dma_semaphore, #tpu.memory_space<semaphore_mem>>)
      } else {
      }
    }
    %while3A_64 = arith.constant 1 : i32
    scf.for %while3A_85 = %while3A_62 to %while3A_58 step %while3A_64  : i32 {
      %mul3A_86 = arith.constant 4 : i32
      %mul3A_87 = arith.muli %mul3A_86, %while3A_85 : i32
      %add3A_88 = arith.constant 0 : i32
      %add3A_89 = arith.addi %mul3A_87, %add3A_88 : i32
      %add3A_90 = arith.addi %add3A_4, %add3A_89 : i32
      %lt3A_91 = arith.cmpi slt, %add3A_89, %add3A_8 : i32
      %convert_element_type3A_92 = arith.extui %lt3A_91 : i1 to i32
      %cond3A_93 = arith.constant 0 : i32
      %cond3A_94 = arith.cmpi ne, %convert_element_type3A_92, %cond3A_93 : i32
      scf.if %cond3A_94 {
        %dma_wait3A = arith.constant 0 : i32
        %dma_wait3A_116 = arith.constant 0 : i32
        %dma_wait3A_117 = arith.constant 0 : i32
        %dma_wait3A_118 = tpu.memref_slice %arg5[%dma_wait3A, %dma_wait3A_116, %dma_wait3A_117] : memref<4x64x136xf32, #tpu.memory_space<vmem>> -> memref<1x64x128xf32, #tpu.memory_space<vmem>>
        %dma_wait3A_119 = tpu.memref_squeeze %dma_wait3A_118 : memref<1x64x128xf32, #tpu.memory_space<vmem>> -> memref<64x128xf32, #tpu.memory_space<vmem>>
        %dma_wait3A_120 = arith.constant 0 : i32
        %dma_wait3A_121 = arith.constant 0 : i32
        %dma_wait3A_122 = tpu.memref_slice %arg2[%dma_wait3A_120, %dma_wait3A_121] : memref<64x1000000xf32, #tpu.memory_space<hbm>> -> memref<64x128xf32, #tpu.memory_space<hbm>>
        %dma_wait3A_123 = arith.constant 0 : i32
        %dma_wait3A_124 = arith.constant 0 : i32
        %dma_wait3A_125 = tpu.memref_slice %arg5[%dma_wait3A, %dma_wait3A_123, %dma_wait3A_124] : memref<4x64x136xf32, #tpu.memory_space<vmem>> -> memref<1x64x128xf32, #tpu.memory_space<vmem>>
        %dma_wait3A_126 = tpu.memref_squeeze %dma_wait3A_125 : memref<1x64x128xf32, #tpu.memory_space<vmem>> -> memref<64x128xf32, #tpu.memory_space<vmem>>
        %dma_wait3A_127 = arith.constant 0 : i32
        %dma_wait3A_128 = arith.constant 0 : i32
        %dma_wait3A_129 = tpu.memref_slice %arg2[%dma_wait3A_127, %dma_wait3A_128] : memref<64x1000000xf32, #tpu.memory_space<hbm>> -> memref<64x128xf32, #tpu.memory_space<hbm>>
        tpu.wait_dma2 semaphore(%arg7 : memref<!tpu.dma_semaphore, #tpu.memory_space<semaphore_mem>>) src(%dma_wait3A_129 : memref<64x128xf32, #tpu.memory_space<hbm>>) dst(%dma_wait3A_126 : memref<64x128xf32, #tpu.memory_space<vmem>>)
        %add3A_130 = arith.constant 3 : i32
        %add3A_131 = arith.addi %add3A_89, %add3A_130 : i32
        %lt3A_132 = arith.cmpi slt, %add3A_131, %add3A_8 : i32
        %convert_element_type3A_133 = arith.extui %lt3A_132 : i1 to i32
        %cond3A_134 = arith.constant 0 : i32
        %cond3A_135 = arith.cmpi ne, %convert_element_type3A_133, %cond3A_134 : i32
        scf.if %cond3A_135 {
          %add3A_156 = arith.constant 3 : i32
          %add3A_157 = arith.addi %add3A_90, %add3A_156 : i32
          %mul3A_158 = arith.constant 128 : i32
          %mul3A_159 = arith.muli %add3A_157, %mul3A_158 : i32
          %dma_start3A_160 = arith.constant 3 : i32
          %dma_start3A_161 = arith.constant 0 : i32
          %dma_start3A_162 = arith.constant 0 : i32
          %dma_start3A_163 = tpu.memref_slice %arg5[%dma_start3A_160, %dma_start3A_161, %dma_start3A_162] : memref<4x64x136xf32, #tpu.memory_space<vmem>> -> memref<1x64x128xf32, #tpu.memory_space<vmem>>
          %dma_start3A_164 = tpu.memref_squeeze %dma_start3A_163 : memref<1x64x128xf32, #tpu.memory_space<vmem>> -> memref<64x128xf32, #tpu.memory_space<vmem>>
          %dma_start3A_165 = arith.constant 0 : i32
          %dma_start3A_166 = tpu.memref_slice %arg2[%dma_start3A_165, %mul3A_159] : memref<64x1000000xf32, #tpu.memory_space<hbm>> -> memref<64x128xf32, #tpu.memory_space<hbm>>
          %dma_start3A_167 = arith.constant 0 : i32
          %dma_start3A_168 = arith.constant 0 : i32
          %dma_start3A_169 = tpu.memref_slice %arg5[%dma_start3A_160, %dma_start3A_167, %dma_start3A_168] : memref<4x64x136xf32, #tpu.memory_space<vmem>> -> memref<1x64x128xf32, #tpu.memory_space<vmem>>
          %dma_start3A_170 = tpu.memref_squeeze %dma_start3A_169 : memref<1x64x128xf32, #tpu.memory_space<vmem>> -> memref<64x128xf32, #tpu.memory_space<vmem>>
          %dma_start3A_171 = arith.constant 0 : i32
          %dma_start3A_172 = tpu.memref_slice %arg2[%dma_start3A_171, %mul3A_159] : memref<64x1000000xf32, #tpu.memory_space<hbm>> -> memref<64x128xf32, #tpu.memory_space<hbm>>
          tpu.enqueue_dma source(%dma_start3A_172 : memref<64x128xf32, #tpu.memory_space<hbm>>) target(%dma_start3A_170 : memref<64x128xf32, #tpu.memory_space<vmem>>) target_semaphore(%arg10 : memref<!tpu.dma_semaphore, #tpu.memory_space<semaphore_mem>>)
        } else {
        }
        %ge3A = arith.constant 4 : i32
        %ge3A_136 = arith.cmpi sge, %add3A_89, %ge3A : i32
        %convert_element_type3A_137 = arith.extui %ge3A_136 : i1 to i32
        %cond3A_138 = arith.constant 0 : i32
        %cond3A_139 = arith.cmpi ne, %convert_element_type3A_137, %cond3A_138 : i32
        scf.if %cond3A_139 {
          %dma_wait3A_156 = arith.constant 0 : i32
          %dma_wait3A_157 = arith.constant 0 : i32
          %dma_wait3A_158 = arith.constant 0 : i32
          %dma_wait3A_159 = tpu.memref_slice %arg6[%dma_wait3A_156, %dma_wait3A_157, %dma_wait3A_158] : memref<4x64x128xf32, #tpu.memory_space<vmem>> -> memref<1x64x128xf32, #tpu.memory_space<vmem>>
          %dma_wait3A_160 = tpu.memref_squeeze %dma_wait3A_159 : memref<1x64x128xf32, #tpu.memory_space<vmem>> -> memref<64x128xf32, #tpu.memory_space<vmem>>
          %dma_wait3A_161 = arith.constant 0 : i32
          %dma_wait3A_162 = arith.constant 0 : i32
          %dma_wait3A_163 = tpu.memref_slice %arg4[%dma_wait3A_161, %dma_wait3A_162] : memref<500000x128xf32, #tpu.memory_space<hbm>> -> memref<64x128xf32, #tpu.memory_space<hbm>>
          %dma_wait3A_164 = arith.constant 0 : i32
          %dma_wait3A_165 = arith.constant 0 : i32
          %dma_wait3A_166 = tpu.memref_slice %arg4[%dma_wait3A_164, %dma_wait3A_165] : memref<500000x128xf32, #tpu.memory_space<hbm>> -> memref<64x128xf32, #tpu.memory_space<hbm>>
          %dma_wait3A_167 = arith.constant 0 : i32
          %dma_wait3A_168 = arith.constant 0 : i32
          %dma_wait3A_169 = tpu.memref_slice %arg6[%dma_wait3A_156, %dma_wait3A_167, %dma_wait3A_168] : memref<4x64x128xf32, #tpu.memory_space<vmem>> -> memref<1x64x128xf32, #tpu.memory_space<vmem>>
          %dma_wait3A_170 = tpu.memref_squeeze %dma_wait3A_169 : memref<1x64x128xf32, #tpu.memory_space<vmem>> -> memref<64x128xf32, #tpu.memory_space<vmem>>
          tpu.wait_dma2 semaphore(%arg11 : memref<!tpu.dma_semaphore, #tpu.memory_space<semaphore_mem>>) src(%dma_wait3A_170 : memref<64x128xf32, #tpu.memory_space<vmem>>) dst(%dma_wait3A_166 : memref<64x128xf32, #tpu.memory_space<hbm>>)
        } else {
        }
        %parallel_loop3A = arith.constant 0 : i32
        %parallel_loop3A_140 = arith.constant 64 : i32
        %parallel_loop3A_141 = arith.constant 1 : i32
        scf.for %parallel_loop3A_156 = %parallel_loop3A to %parallel_loop3A_140 step %parallel_loop3A_141  : i32 {
          %parallel_loop3A_157 = arith.constant 2 : i32
          %parallel_loop3A_158 = arith.muli %parallel_loop3A_157, %parallel_loop3A_156 : i32
          %parallel_loop3A_159 = vector.broadcast %parallel_loop3A_158 : i32 to vector<16xi32>
          %parallel_loop3A_160 = arith.constant 0 : i32
          %parallel_loop3A_161 = vector.broadcast %parallel_loop3A_160 : i32 to vector<16xi32>
          %parallel_loop3A_162 = arith.addi %parallel_loop3A_159, %parallel_loop3A_161 : vector<16xi32>
          %parallel_loop3A_163 = arith.constant 0 : i32
          %parallel_loop3A_164 = arith.constant 0 : i32
          %parallel_loop3A_165 = arith.constant 0 : i32
          %parallel_loop3A_166 = tpu.memref_slice %arg5[%parallel_loop3A_163, %parallel_loop3A_164, %parallel_loop3A_165] : memref<4x64x136xf32, #tpu.memory_space<vmem>> -> memref<1x64x136xf32, #tpu.memory_space<vmem>>
          %parallel_loop3A_167 = tpu.memref_squeeze %parallel_loop3A_166 : memref<1x64x136xf32, #tpu.memory_space<vmem>> -> memref<64x136xf32, #tpu.memory_space<vmem>>
          %parallel_loop3A_168 = tpu.vector_load_idx %parallel_loop3A_167[%add3A_12, %parallel_loop3A_162] : memref<64x136xf32, #tpu.memory_space<vmem>>[vector<16xi32>, vector<16xi32>], vector<16xf32>,
          %parallel_loop3A_169 = arith.constant 0 : i32
          %parallel_loop3A_170 = arith.constant 0 : i32
          %parallel_loop3A_171 = arith.constant 0 : i32
          %parallel_loop3A_172 = tpu.memref_slice %arg5[%parallel_loop3A_169, %parallel_loop3A_170, %parallel_loop3A_171] : memref<4x64x136xf32, #tpu.memory_space<vmem>> -> memref<1x64x136xf32, #tpu.memory_space<vmem>>
          %parallel_loop3A_173 = tpu.memref_squeeze %parallel_loop3A_172 : memref<1x64x136xf32, #tpu.memory_space<vmem>> -> memref<64x136xf32, #tpu.memory_space<vmem>>
          %parallel_loop3A_174 = tpu.vector_load_idx %parallel_loop3A_173[%add3A_15, %parallel_loop3A_162] : memref<64x136xf32, #tpu.memory_space<vmem>>[vector<16xi32>, vector<16xi32>], vector<16xf32>,
          %parallel_loop3A_175 = arith.constant 0 : i32
          %parallel_loop3A_176 = arith.constant 0 : i32
          %parallel_loop3A_177 = arith.constant 0 : i32
          %parallel_loop3A_178 = tpu.memref_slice %arg5[%parallel_loop3A_175, %parallel_loop3A_176, %parallel_loop3A_177] : memref<4x64x136xf32, #tpu.memory_space<vmem>> -> memref<1x64x136xf32, #tpu.memory_space<vmem>>
          %parallel_loop3A_179 = tpu.memref_squeeze %parallel_loop3A_178 : memref<1x64x136xf32, #tpu.memory_space<vmem>> -> memref<64x136xf32, #tpu.memory_space<vmem>>
          %parallel_loop3A_180 = tpu.vector_load_idx %parallel_loop3A_179[%add3A_18, %parallel_loop3A_162] : memref<64x136xf32, #tpu.memory_space<vmem>>[vector<16xi32>, vector<16xi32>], vector<16xf32>,
          %parallel_loop3A_181 = arith.constant 0 : i32
          %parallel_loop3A_182 = arith.constant 0 : i32
          %parallel_loop3A_183 = arith.constant 0 : i32
          %parallel_loop3A_184 = tpu.memref_slice %arg5[%parallel_loop3A_181, %parallel_loop3A_182, %parallel_loop3A_183] : memref<4x64x136xf32, #tpu.memory_space<vmem>> -> memref<1x64x136xf32, #tpu.memory_space<vmem>>
          %parallel_loop3A_185 = tpu.memref_squeeze %parallel_loop3A_184 : memref<1x64x136xf32, #tpu.memory_space<vmem>> -> memref<64x136xf32, #tpu.memory_space<vmem>>
          %parallel_loop3A_186 = tpu.vector_load_idx %parallel_loop3A_185[%add3A_21, %parallel_loop3A_162] : memref<64x136xf32, #tpu.memory_space<vmem>>[vector<16xi32>, vector<16xi32>], vector<16xf32>,
          %parallel_loop3A_187 = arith.constant 0 : i32
          %parallel_loop3A_188 = arith.index_cast %parallel_loop3A_187 : i32 to index
          %parallel_loop3A_189 = arith.index_cast %parallel_loop3A_156 : i32 to index
          %parallel_loop3A_190 = arith.constant 0 : index
          %parallel_loop3A_191 = tpu.vector_load %arg6[%parallel_loop3A_188, %parallel_loop3A_189, %parallel_loop3A_190] {strides = array<i32>} : memref<4x64x128xf32, #tpu.memory_space<vmem>>, vector<16xf32>,
          tpu.vector_store %arg6[%parallel_loop3A_188, %parallel_loop3A_189, %parallel_loop3A_190], %parallel_loop3A_168 {strides = array<i32>} : memref<4x64x128xf32, #tpu.memory_space<vmem>>, vector<16xf32>,
          %parallel_loop3A_192 = arith.constant 0 : i32
          %parallel_loop3A_193 = arith.index_cast %parallel_loop3A_192 : i32 to index
          %parallel_loop3A_194 = arith.index_cast %parallel_loop3A_156 : i32 to index
          %parallel_loop3A_195 = arith.constant 16 : index
          %parallel_loop3A_196 = tpu.vector_load %arg6[%parallel_loop3A_193, %parallel_loop3A_194, %parallel_loop3A_195] {strides = array<i32>} : memref<4x64x128xf32, #tpu.memory_space<vmem>>, vector<16xf32>,
          tpu.vector_store %arg6[%parallel_loop3A_193, %parallel_loop3A_194, %parallel_loop3A_195], %parallel_loop3A_174 {strides = array<i32>} : memref<4x64x128xf32, #tpu.memory_space<vmem>>, vector<16xf32>,
          %parallel_loop3A_197 = arith.constant 0 : i32
          %parallel_loop3A_198 = arith.index_cast %parallel_loop3A_197 : i32 to index
          %parallel_loop3A_199 = arith.index_cast %parallel_loop3A_156 : i32 to index
          %parallel_loop3A_200 = arith.constant 32 : index
          %parallel_loop3A_201 = tpu.vector_load %arg6[%parallel_loop3A_198, %parallel_loop3A_199, %parallel_loop3A_200] {strides = array<i32>} : memref<4x64x128xf32, #tpu.memory_space<vmem>>, vector<16xf32>,
          tpu.vector_store %arg6[%parallel_loop3A_198, %parallel_loop3A_199, %parallel_loop3A_200], %parallel_loop3A_180 {strides = array<i32>} : memref<4x64x128xf32, #tpu.memory_space<vmem>>, vector<16xf32>,
          %parallel_loop3A_202 = arith.constant 0 : i32
          %parallel_loop3A_203 = arith.index_cast %parallel_loop3A_202 : i32 to index
          %parallel_loop3A_204 = arith.index_cast %parallel_loop3A_156 : i32 to index
          %parallel_loop3A_205 = arith.constant 48 : index
          %parallel_loop3A_206 = tpu.vector_load %arg6[%parallel_loop3A_203, %parallel_loop3A_204, %parallel_loop3A_205] {strides = array<i32>} : memref<4x64x128xf32, #tpu.memory_space<vmem>>, vector<16xf32>,
          tpu.vector_store %arg6[%parallel_loop3A_203, %parallel_loop3A_204, %parallel_loop3A_205], %parallel_loop3A_186 {strides = array<i32>} : memref<4x64x128xf32, #tpu.memory_space<vmem>>, vector<16xf32>,
          %parallel_loop3A_207 = arith.constant 1 : i32
          %parallel_loop3A_208 = vector.broadcast %parallel_loop3A_207 : i32 to vector<16xi32>
          %parallel_loop3A_209 = arith.addi %parallel_loop3A_159, %parallel_loop3A_208 : vector<16xi32>
          %parallel_loop3A_210 = arith.constant 0 : i32
          %parallel_loop3A_211 = arith.constant 0 : i32
          %parallel_loop3A_212 = arith.constant 0 : i32
          %parallel_loop3A_213 = tpu.memref_slice %arg5[%parallel_loop3A_210, %parallel_loop3A_211, %parallel_loop3A_212] : memref<4x64x136xf32, #tpu.memory_space<vmem>> -> memref<1x64x136xf32, #tpu.memory_space<vmem>>
          %parallel_loop3A_214 = tpu.memref_squeeze %parallel_loop3A_213 : memref<1x64x136xf32, #tpu.memory_space<vmem>> -> memref<64x136xf32, #tpu.memory_space<vmem>>
          %parallel_loop3A_215 = tpu.vector_load_idx %parallel_loop3A_214[%add3A_12, %parallel_loop3A_209] : memref<64x136xf32, #tpu.memory_space<vmem>>[vector<16xi32>, vector<16xi32>], vector<16xf32>,
          %parallel_loop3A_216 = arith.constant 0 : i32
          %parallel_loop3A_217 = arith.constant 0 : i32
          %parallel_loop3A_218 = arith.constant 0 : i32
          %parallel_loop3A_219 = tpu.memref_slice %arg5[%parallel_loop3A_216, %parallel_loop3A_217, %parallel_loop3A_218] : memref<4x64x136xf32, #tpu.memory_space<vmem>> -> memref<1x64x136xf32, #tpu.memory_space<vmem>>
          %parallel_loop3A_220 = tpu.memref_squeeze %parallel_loop3A_219 : memref<1x64x136xf32, #tpu.memory_space<vmem>> -> memref<64x136xf32, #tpu.memory_space<vmem>>
          %parallel_loop3A_221 = tpu.vector_load_idx %parallel_loop3A_220[%add3A_15, %parallel_loop3A_209] : memref<64x136xf32, #tpu.memory_space<vmem>>[vector<16xi32>, vector<16xi32>], vector<16xf32>,
          %parallel_loop3A_222 = arith.constant 0 : i32
          %parallel_loop3A_223 = arith.constant 0 : i32
          %parallel_loop3A_224 = arith.constant 0 : i32
          %parallel_loop3A_225 = tpu.memref_slice %arg5[%parallel_loop3A_222, %parallel_loop3A_223, %parallel_loop3A_224] : memref<4x64x136xf32, #tpu.memory_space<vmem>> -> memref<1x64x136xf32, #tpu.memory_space<vmem>>
          %parallel_loop3A_226 = tpu.memref_squeeze %parallel_loop3A_225 : memref<1x64x136xf32, #tpu.memory_space<vmem>> -> memref<64x136xf32, #tpu.memory_space<vmem>>
          %parallel_loop3A_227 = tpu.vector_load_idx %parallel_loop3A_226[%add3A_18, %parallel_loop3A_209] : memref<64x136xf32, #tpu.memory_space<vmem>>[vector<16xi32>, vector<16xi32>], vector<16xf32>,
          %parallel_loop3A_228 = arith.constant 0 : i32
          %parallel_loop3A_229 = arith.constant 0 : i32
          %parallel_loop3A_230 = arith.constant 0 : i32
          %parallel_loop3A_231 = tpu.memref_slice %arg5[%parallel_loop3A_228, %parallel_loop3A_229, %parallel_loop3A_230] : memref<4x64x136xf32, #tpu.memory_space<vmem>> -> memref<1x64x136xf32, #tpu.memory_space<vmem>>
          %parallel_loop3A_232 = tpu.memref_squeeze %parallel_loop3A_231 : memref<1x64x136xf32, #tpu.memory_space<vmem>> -> memref<64x136xf32, #tpu.memory_space<vmem>>
          %parallel_loop3A_233 = tpu.vector_load_idx %parallel_loop3A_232[%add3A_21, %parallel_loop3A_209] : memref<64x136xf32, #tpu.memory_space<vmem>>[vector<16xi32>, vector<16xi32>], vector<16xf32>,
          %parallel_loop3A_234 = arith.constant 0 : i32
          %parallel_loop3A_235 = arith.index_cast %parallel_loop3A_234 : i32 to index
          %parallel_loop3A_236 = arith.index_cast %parallel_loop3A_156 : i32 to index
          %parallel_loop3A_237 = arith.constant 64 : index
          %parallel_loop3A_238 = tpu.vector_load %arg6[%parallel_loop3A_235, %parallel_loop3A_236, %parallel_loop3A_237] {strides = array<i32>} : memref<4x64x128xf32, #tpu.memory_space<vmem>>, vector<16xf32>,
          tpu.vector_store %arg6[%parallel_loop3A_235, %parallel_loop3A_236, %parallel_loop3A_237], %parallel_loop3A_215 {strides = array<i32>} : memref<4x64x128xf32, #tpu.memory_space<vmem>>, vector<16xf32>,
          %parallel_loop3A_239 = arith.constant 0 : i32
          %parallel_loop3A_240 = arith.index_cast %parallel_loop3A_239 : i32 to index
          %parallel_loop3A_241 = arith.index_cast %parallel_loop3A_156 : i32 to index
          %parallel_loop3A_242 = arith.constant 80 : index
          %parallel_loop3A_243 = tpu.vector_load %arg6[%parallel_loop3A_240, %parallel_loop3A_241, %parallel_loop3A_242] {strides = array<i32>} : memref<4x64x128xf32, #tpu.memory_space<vmem>>, vector<16xf32>,
          tpu.vector_store %arg6[%parallel_loop3A_240, %parallel_loop3A_241, %parallel_loop3A_242], %parallel_loop3A_221 {strides = array<i32>} : memref<4x64x128xf32, #tpu.memory_space<vmem>>, vector<16xf32>,
          %parallel_loop3A_244 = arith.constant 0 : i32
          %parallel_loop3A_245 = arith.index_cast %parallel_loop3A_244 : i32 to index
          %parallel_loop3A_246 = arith.index_cast %parallel_loop3A_156 : i32 to index
          %parallel_loop3A_247 = arith.constant 96 : index
          %parallel_loop3A_248 = tpu.vector_load %arg6[%parallel_loop3A_245, %parallel_loop3A_246, %parallel_loop3A_247] {strides = array<i32>} : memref<4x64x128xf32, #tpu.memory_space<vmem>>, vector<16xf32>,
          tpu.vector_store %arg6[%parallel_loop3A_245, %parallel_loop3A_246, %parallel_loop3A_247], %parallel_loop3A_227 {strides = array<i32>} : memref<4x64x128xf32, #tpu.memory_space<vmem>>, vector<16xf32>,
          %parallel_loop3A_249 = arith.constant 0 : i32
          %parallel_loop3A_250 = arith.index_cast %parallel_loop3A_249 : i32 to index
          %parallel_loop3A_251 = arith.index_cast %parallel_loop3A_156 : i32 to index
          %parallel_loop3A_252 = arith.constant 112 : index
          %parallel_loop3A_253 = tpu.vector_load %arg6[%parallel_loop3A_250, %parallel_loop3A_251, %parallel_loop3A_252] {strides = array<i32>} : memref<4x64x128xf32, #tpu.memory_space<vmem>>, vector<16xf32>,
          tpu.vector_store %arg6[%parallel_loop3A_250, %parallel_loop3A_251, %parallel_loop3A_252], %parallel_loop3A_233 {strides = array<i32>} : memref<4x64x128xf32, #tpu.memory_space<vmem>>, vector<16xf32>,
        } {sc.loop_unroll_factor = 8 : i64, sc.parallel_access}
        %mul3A_142 = arith.constant 64 : i32
        %mul3A_143 = arith.muli %add3A_90, %mul3A_142 : i32
        %dma_start3A = arith.constant 0 : i32
        %dma_start3A_144 = arith.constant 0 : i32
        %dma_start3A_145 = arith.constant 0 : i32
        %dma_start3A_146 = tpu.memref_slice %arg6[%dma_start3A, %dma_start3A_144, %dma_start3A_145] : memref<4x64x128xf32, #tpu.memory_space<vmem>> -> memref<1x64x128xf32, #tpu.memory_space<vmem>>
        %dma_start3A_147 = tpu.memref_squeeze %dma_start3A_146 : memref<1x64x128xf32, #tpu.memory_space<vmem>> -> memref<64x128xf32, #tpu.memory_space<vmem>>
        %dma_start3A_148 = arith.constant 0 : i32
        %dma_start3A_149 = tpu.memref_slice %arg4[%mul3A_143, %dma_start3A_148] : memref<500000x128xf32, #tpu.memory_space<hbm>> -> memref<64x128xf32, #tpu.memory_space<hbm>>
        %dma_start3A_150 = arith.constant 0 : i32
        %dma_start3A_151 = tpu.memref_slice %arg4[%mul3A_143, %dma_start3A_150] : memref<500000x128xf32, #tpu.memory_space<hbm>> -> memref<64x128xf32, #tpu.memory_space<hbm>>
        %dma_start3A_152 = arith.constant 0 : i32
        %dma_start3A_153 = arith.constant 0 : i32
        %dma_start3A_154 = tpu.memref_slice %arg6[%dma_start3A, %dma_start3A_152, %dma_start3A_153] : memref<4x64x128xf32, #tpu.memory_space<vmem>> -> memref<1x64x128xf32, #tpu.memory_space<vmem>>
        %dma_start3A_155 = tpu.memref_squeeze %dma_start3A_154 : memref<1x64x128xf32, #tpu.memory_space<vmem>> -> memref<64x128xf32, #tpu.memory_space<vmem>>
        tpu.enqueue_dma source(%dma_start3A_155 : memref<64x128xf32, #tpu.memory_space<vmem>>) target(%dma_start3A_151 : memref<64x128xf32, #tpu.memory_space<hbm>>) target_semaphore(%arg11 : memref<!tpu.dma_semaphore, #tpu.memory_space<semaphore_mem>>)
      } else {
      }
      %add3A_95 = arith.constant 1 : i32
      %add3A_96 = arith.addi %mul3A_87, %add3A_95 : i32
      %add3A_97 = arith.addi %add3A_4, %add3A_96 : i32
      %lt3A_98 = arith.cmpi slt, %add3A_96, %add3A_8 : i32
      %convert_element_type3A_99 = arith.extui %lt3A_98 : i1 to i32
      %cond3A_100 = arith.constant 0 : i32
      %cond3A_101 = arith.cmpi ne, %convert_element_type3A_99, %cond3A_100 : i32
      scf.if %cond3A_101 {
        %dma_wait3A = arith.constant 1 : i32
        %dma_wait3A_116 = arith.constant 0 : i32
        %dma_wait3A_117 = arith.constant 0 : i32
        %dma_wait3A_118 = tpu.memref_slice %arg5[%dma_wait3A, %dma_wait3A_116, %dma_wait3A_117] : memref<4x64x136xf32, #tpu.memory_space<vmem>> -> memref<1x64x128xf32, #tpu.memory_space<vmem>>
        %dma_wait3A_119 = tpu.memref_squeeze %dma_wait3A_118 : memref<1x64x128xf32, #tpu.memory_space<vmem>> -> memref<64x128xf32, #tpu.memory_space<vmem>>
        %dma_wait3A_120 = arith.constant 0 : i32
        %dma_wait3A_121 = arith.constant 0 : i32
        %dma_wait3A_122 = tpu.memref_slice %arg2[%dma_wait3A_120, %dma_wait3A_121] : memref<64x1000000xf32, #tpu.memory_space<hbm>> -> memref<64x128xf32, #tpu.memory_space<hbm>>
        %dma_wait3A_123 = arith.constant 0 : i32
        %dma_wait3A_124 = arith.constant 0 : i32
        %dma_wait3A_125 = tpu.memref_slice %arg5[%dma_wait3A, %dma_wait3A_123, %dma_wait3A_124] : memref<4x64x136xf32, #tpu.memory_space<vmem>> -> memref<1x64x128xf32, #tpu.memory_space<vmem>>
        %dma_wait3A_126 = tpu.memref_squeeze %dma_wait3A_125 : memref<1x64x128xf32, #tpu.memory_space<vmem>> -> memref<64x128xf32, #tpu.memory_space<vmem>>
        %dma_wait3A_127 = arith.constant 0 : i32
        %dma_wait3A_128 = arith.constant 0 : i32
        %dma_wait3A_129 = tpu.memref_slice %arg2[%dma_wait3A_127, %dma_wait3A_128] : memref<64x1000000xf32, #tpu.memory_space<hbm>> -> memref<64x128xf32, #tpu.memory_space<hbm>>
        tpu.wait_dma2 semaphore(%arg8 : memref<!tpu.dma_semaphore, #tpu.memory_space<semaphore_mem>>) src(%dma_wait3A_129 : memref<64x128xf32, #tpu.memory_space<hbm>>) dst(%dma_wait3A_126 : memref<64x128xf32, #tpu.memory_space<vmem>>)
        %add3A_130 = arith.constant 3 : i32
        %add3A_131 = arith.addi %add3A_96, %add3A_130 : i32
        %lt3A_132 = arith.cmpi slt, %add3A_131, %add3A_8 : i32
        %convert_element_type3A_133 = arith.extui %lt3A_132 : i1 to i32
        %cond3A_134 = arith.constant 0 : i32
        %cond3A_135 = arith.cmpi ne, %convert_element_type3A_133, %cond3A_134 : i32
        scf.if %cond3A_135 {
          %add3A_156 = arith.constant 3 : i32
          %add3A_157 = arith.addi %add3A_97, %add3A_156 : i32
          %mul3A_158 = arith.constant 128 : i32
          %mul3A_159 = arith.muli %add3A_157, %mul3A_158 : i32
          %dma_start3A_160 = arith.constant 0 : i32
          %dma_start3A_161 = arith.constant 0 : i32
          %dma_start3A_162 = arith.constant 0 : i32
          %dma_start3A_163 = tpu.memref_slice %arg5[%dma_start3A_160, %dma_start3A_161, %dma_start3A_162] : memref<4x64x136xf32, #tpu.memory_space<vmem>> -> memref<1x64x128xf32, #tpu.memory_space<vmem>>
          %dma_start3A_164 = tpu.memref_squeeze %dma_start3A_163 : memref<1x64x128xf32, #tpu.memory_space<vmem>> -> memref<64x128xf32, #tpu.memory_space<vmem>>
          %dma_start3A_165 = arith.constant 0 : i32
          %dma_start3A_166 = tpu.memref_slice %arg2[%dma_start3A_165, %mul3A_159] : memref<64x1000000xf32, #tpu.memory_space<hbm>> -> memref<64x128xf32, #tpu.memory_space<hbm>>
          %dma_start3A_167 = arith.constant 0 : i32
          %dma_start3A_168 = arith.constant 0 : i32
          %dma_start3A_169 = tpu.memref_slice %arg5[%dma_start3A_160, %dma_start3A_167, %dma_start3A_168] : memref<4x64x136xf32, #tpu.memory_space<vmem>> -> memref<1x64x128xf32, #tpu.memory_space<vmem>>
          %dma_start3A_170 = tpu.memref_squeeze %dma_start3A_169 : memref<1x64x128xf32, #tpu.memory_space<vmem>> -> memref<64x128xf32, #tpu.memory_space<vmem>>
          %dma_start3A_171 = arith.constant 0 : i32
          %dma_start3A_172 = tpu.memref_slice %arg2[%dma_start3A_171, %mul3A_159] : memref<64x1000000xf32, #tpu.memory_space<hbm>> -> memref<64x128xf32, #tpu.memory_space<hbm>>
          tpu.enqueue_dma source(%dma_start3A_172 : memref<64x128xf32, #tpu.memory_space<hbm>>) target(%dma_start3A_170 : memref<64x128xf32, #tpu.memory_space<vmem>>) target_semaphore(%arg7 : memref<!tpu.dma_semaphore, #tpu.memory_space<semaphore_mem>>)
        } else {
        }
        %ge3A = arith.constant 4 : i32
        %ge3A_136 = arith.cmpi sge, %add3A_96, %ge3A : i32
        %convert_element_type3A_137 = arith.extui %ge3A_136 : i1 to i32
        %cond3A_138 = arith.constant 0 : i32
        %cond3A_139 = arith.cmpi ne, %convert_element_type3A_137, %cond3A_138 : i32
        scf.if %cond3A_139 {
          %dma_wait3A_156 = arith.constant 1 : i32
          %dma_wait3A_157 = arith.constant 0 : i32
          %dma_wait3A_158 = arith.constant 0 : i32
          %dma_wait3A_159 = tpu.memref_slice %arg6[%dma_wait3A_156, %dma_wait3A_157, %dma_wait3A_158] : memref<4x64x128xf32, #tpu.memory_space<vmem>> -> memref<1x64x128xf32, #tpu.memory_space<vmem>>
          %dma_wait3A_160 = tpu.memref_squeeze %dma_wait3A_159 : memref<1x64x128xf32, #tpu.memory_space<vmem>> -> memref<64x128xf32, #tpu.memory_space<vmem>>
          %dma_wait3A_161 = arith.constant 0 : i32
          %dma_wait3A_162 = arith.constant 0 : i32
          %dma_wait3A_163 = tpu.memref_slice %arg4[%dma_wait3A_161, %dma_wait3A_162] : memref<500000x128xf32, #tpu.memory_space<hbm>> -> memref<64x128xf32, #tpu.memory_space<hbm>>
          %dma_wait3A_164 = arith.constant 0 : i32
          %dma_wait3A_165 = arith.constant 0 : i32
          %dma_wait3A_166 = tpu.memref_slice %arg4[%dma_wait3A_164, %dma_wait3A_165] : memref<500000x128xf32, #tpu.memory_space<hbm>> -> memref<64x128xf32, #tpu.memory_space<hbm>>
          %dma_wait3A_167 = arith.constant 0 : i32
          %dma_wait3A_168 = arith.constant 0 : i32
          %dma_wait3A_169 = tpu.memref_slice %arg6[%dma_wait3A_156, %dma_wait3A_167, %dma_wait3A_168] : memref<4x64x128xf32, #tpu.memory_space<vmem>> -> memref<1x64x128xf32, #tpu.memory_space<vmem>>
          %dma_wait3A_170 = tpu.memref_squeeze %dma_wait3A_169 : memref<1x64x128xf32, #tpu.memory_space<vmem>> -> memref<64x128xf32, #tpu.memory_space<vmem>>
          tpu.wait_dma2 semaphore(%arg12 : memref<!tpu.dma_semaphore, #tpu.memory_space<semaphore_mem>>) src(%dma_wait3A_170 : memref<64x128xf32, #tpu.memory_space<vmem>>) dst(%dma_wait3A_166 : memref<64x128xf32, #tpu.memory_space<hbm>>)
        } else {
        }
        %parallel_loop3A = arith.constant 0 : i32
        %parallel_loop3A_140 = arith.constant 64 : i32
        %parallel_loop3A_141 = arith.constant 1 : i32
        scf.for %parallel_loop3A_156 = %parallel_loop3A to %parallel_loop3A_140 step %parallel_loop3A_141  : i32 {
          %parallel_loop3A_157 = arith.constant 2 : i32
          %parallel_loop3A_158 = arith.muli %parallel_loop3A_157, %parallel_loop3A_156 : i32
          %parallel_loop3A_159 = vector.broadcast %parallel_loop3A_158 : i32 to vector<16xi32>
          %parallel_loop3A_160 = arith.constant 0 : i32
          %parallel_loop3A_161 = vector.broadcast %parallel_loop3A_160 : i32 to vector<16xi32>
          %parallel_loop3A_162 = arith.addi %parallel_loop3A_159, %parallel_loop3A_161 : vector<16xi32>
          %parallel_loop3A_163 = arith.constant 1 : i32
          %parallel_loop3A_164 = arith.constant 0 : i32
          %parallel_loop3A_165 = arith.constant 0 : i32
          %parallel_loop3A_166 = tpu.memref_slice %arg5[%parallel_loop3A_163, %parallel_loop3A_164, %parallel_loop3A_165] : memref<4x64x136xf32, #tpu.memory_space<vmem>> -> memref<1x64x136xf32, #tpu.memory_space<vmem>>
          %parallel_loop3A_167 = tpu.memref_squeeze %parallel_loop3A_166 : memref<1x64x136xf32, #tpu.memory_space<vmem>> -> memref<64x136xf32, #tpu.memory_space<vmem>>
          %parallel_loop3A_168 = tpu.vector_load_idx %parallel_loop3A_167[%add3A_12, %parallel_loop3A_162] : memref<64x136xf32, #tpu.memory_space<vmem>>[vector<16xi32>, vector<16xi32>], vector<16xf32>,
          %parallel_loop3A_169 = arith.constant 1 : i32
          %parallel_loop3A_170 = arith.constant 0 : i32
          %parallel_loop3A_171 = arith.constant 0 : i32
          %parallel_loop3A_172 = tpu.memref_slice %arg5[%parallel_loop3A_169, %parallel_loop3A_170, %parallel_loop3A_171] : memref<4x64x136xf32, #tpu.memory_space<vmem>> -> memref<1x64x136xf32, #tpu.memory_space<vmem>>
          %parallel_loop3A_173 = tpu.memref_squeeze %parallel_loop3A_172 : memref<1x64x136xf32, #tpu.memory_space<vmem>> -> memref<64x136xf32, #tpu.memory_space<vmem>>
          %parallel_loop3A_174 = tpu.vector_load_idx %parallel_loop3A_173[%add3A_15, %parallel_loop3A_162] : memref<64x136xf32, #tpu.memory_space<vmem>>[vector<16xi32>, vector<16xi32>], vector<16xf32>,
          %parallel_loop3A_175 = arith.constant 1 : i32
          %parallel_loop3A_176 = arith.constant 0 : i32
          %parallel_loop3A_177 = arith.constant 0 : i32
          %parallel_loop3A_178 = tpu.memref_slice %arg5[%parallel_loop3A_175, %parallel_loop3A_176, %parallel_loop3A_177] : memref<4x64x136xf32, #tpu.memory_space<vmem>> -> memref<1x64x136xf32, #tpu.memory_space<vmem>>
          %parallel_loop3A_179 = tpu.memref_squeeze %parallel_loop3A_178 : memref<1x64x136xf32, #tpu.memory_space<vmem>> -> memref<64x136xf32, #tpu.memory_space<vmem>>
          %parallel_loop3A_180 = tpu.vector_load_idx %parallel_loop3A_179[%add3A_18, %parallel_loop3A_162] : memref<64x136xf32, #tpu.memory_space<vmem>>[vector<16xi32>, vector<16xi32>], vector<16xf32>,
          %parallel_loop3A_181 = arith.constant 1 : i32
          %parallel_loop3A_182 = arith.constant 0 : i32
          %parallel_loop3A_183 = arith.constant 0 : i32
          %parallel_loop3A_184 = tpu.memref_slice %arg5[%parallel_loop3A_181, %parallel_loop3A_182, %parallel_loop3A_183] : memref<4x64x136xf32, #tpu.memory_space<vmem>> -> memref<1x64x136xf32, #tpu.memory_space<vmem>>
          %parallel_loop3A_185 = tpu.memref_squeeze %parallel_loop3A_184 : memref<1x64x136xf32, #tpu.memory_space<vmem>> -> memref<64x136xf32, #tpu.memory_space<vmem>>
          %parallel_loop3A_186 = tpu.vector_load_idx %parallel_loop3A_185[%add3A_21, %parallel_loop3A_162] : memref<64x136xf32, #tpu.memory_space<vmem>>[vector<16xi32>, vector<16xi32>], vector<16xf32>,
          %parallel_loop3A_187 = arith.constant 1 : i32
          %parallel_loop3A_188 = arith.index_cast %parallel_loop3A_187 : i32 to index
          %parallel_loop3A_189 = arith.index_cast %parallel_loop3A_156 : i32 to index
          %parallel_loop3A_190 = arith.constant 0 : index
          %parallel_loop3A_191 = tpu.vector_load %arg6[%parallel_loop3A_188, %parallel_loop3A_189, %parallel_loop3A_190] {strides = array<i32>} : memref<4x64x128xf32, #tpu.memory_space<vmem>>, vector<16xf32>,
          tpu.vector_store %arg6[%parallel_loop3A_188, %parallel_loop3A_189, %parallel_loop3A_190], %parallel_loop3A_168 {strides = array<i32>} : memref<4x64x128xf32, #tpu.memory_space<vmem>>, vector<16xf32>,
          %parallel_loop3A_192 = arith.constant 1 : i32
          %parallel_loop3A_193 = arith.index_cast %parallel_loop3A_192 : i32 to index
          %parallel_loop3A_194 = arith.index_cast %parallel_loop3A_156 : i32 to index
          %parallel_loop3A_195 = arith.constant 16 : index
          %parallel_loop3A_196 = tpu.vector_load %arg6[%parallel_loop3A_193, %parallel_loop3A_194, %parallel_loop3A_195] {strides = array<i32>} : memref<4x64x128xf32, #tpu.memory_space<vmem>>, vector<16xf32>,
          tpu.vector_store %arg6[%parallel_loop3A_193, %parallel_loop3A_194, %parallel_loop3A_195], %parallel_loop3A_174 {strides = array<i32>} : memref<4x64x128xf32, #tpu.memory_space<vmem>>, vector<16xf32>,
          %parallel_loop3A_197 = arith.constant 1 : i32
          %parallel_loop3A_198 = arith.index_cast %parallel_loop3A_197 : i32 to index
          %parallel_loop3A_199 = arith.index_cast %parallel_loop3A_156 : i32 to index
          %parallel_loop3A_200 = arith.constant 32 : index
          %parallel_loop3A_201 = tpu.vector_load %arg6[%parallel_loop3A_198, %parallel_loop3A_199, %parallel_loop3A_200] {strides = array<i32>} : memref<4x64x128xf32, #tpu.memory_space<vmem>>, vector<16xf32>,
          tpu.vector_store %arg6[%parallel_loop3A_198, %parallel_loop3A_199, %parallel_loop3A_200], %parallel_loop3A_180 {strides = array<i32>} : memref<4x64x128xf32, #tpu.memory_space<vmem>>, vector<16xf32>,
          %parallel_loop3A_202 = arith.constant 1 : i32
          %parallel_loop3A_203 = arith.index_cast %parallel_loop3A_202 : i32 to index
          %parallel_loop3A_204 = arith.index_cast %parallel_loop3A_156 : i32 to index
          %parallel_loop3A_205 = arith.constant 48 : index
          %parallel_loop3A_206 = tpu.vector_load %arg6[%parallel_loop3A_203, %parallel_loop3A_204, %parallel_loop3A_205] {strides = array<i32>} : memref<4x64x128xf32, #tpu.memory_space<vmem>>, vector<16xf32>,
          tpu.vector_store %arg6[%parallel_loop3A_203, %parallel_loop3A_204, %parallel_loop3A_205], %parallel_loop3A_186 {strides = array<i32>} : memref<4x64x128xf32, #tpu.memory_space<vmem>>, vector<16xf32>,
          %parallel_loop3A_207 = arith.constant 1 : i32
          %parallel_loop3A_208 = vector.broadcast %parallel_loop3A_207 : i32 to vector<16xi32>
          %parallel_loop3A_209 = arith.addi %parallel_loop3A_159, %parallel_loop3A_208 : vector<16xi32>
          %parallel_loop3A_210 = arith.constant 1 : i32
          %parallel_loop3A_211 = arith.constant 0 : i32
          %parallel_loop3A_212 = arith.constant 0 : i32
          %parallel_loop3A_213 = tpu.memref_slice %arg5[%parallel_loop3A_210, %parallel_loop3A_211, %parallel_loop3A_212] : memref<4x64x136xf32, #tpu.memory_space<vmem>> -> memref<1x64x136xf32, #tpu.memory_space<vmem>>
          %parallel_loop3A_214 = tpu.memref_squeeze %parallel_loop3A_213 : memref<1x64x136xf32, #tpu.memory_space<vmem>> -> memref<64x136xf32, #tpu.memory_space<vmem>>
          %parallel_loop3A_215 = tpu.vector_load_idx %parallel_loop3A_214[%add3A_12, %parallel_loop3A_209] : memref<64x136xf32, #tpu.memory_space<vmem>>[vector<16xi32>, vector<16xi32>], vector<16xf32>,
          %parallel_loop3A_216 = arith.constant 1 : i32
          %parallel_loop3A_217 = arith.constant 0 : i32
          %parallel_loop3A_218 = arith.constant 0 : i32
          %parallel_loop3A_219 = tpu.memref_slice %arg5[%parallel_loop3A_216, %parallel_loop3A_217, %parallel_loop3A_218] : memref<4x64x136xf32, #tpu.memory_space<vmem>> -> memref<1x64x136xf32, #tpu.memory_space<vmem>>
          %parallel_loop3A_220 = tpu.memref_squeeze %parallel_loop3A_219 : memref<1x64x136xf32, #tpu.memory_space<vmem>> -> memref<64x136xf32, #tpu.memory_space<vmem>>
          %parallel_loop3A_221 = tpu.vector_load_idx %parallel_loop3A_220[%add3A_15, %parallel_loop3A_209] : memref<64x136xf32, #tpu.memory_space<vmem>>[vector<16xi32>, vector<16xi32>], vector<16xf32>,
          %parallel_loop3A_222 = arith.constant 1 : i32
          %parallel_loop3A_223 = arith.constant 0 : i32
          %parallel_loop3A_224 = arith.constant 0 : i32
          %parallel_loop3A_225 = tpu.memref_slice %arg5[%parallel_loop3A_222, %parallel_loop3A_223, %parallel_loop3A_224] : memref<4x64x136xf32, #tpu.memory_space<vmem>> -> memref<1x64x136xf32, #tpu.memory_space<vmem>>
          %parallel_loop3A_226 = tpu.memref_squeeze %parallel_loop3A_225 : memref<1x64x136xf32, #tpu.memory_space<vmem>> -> memref<64x136xf32, #tpu.memory_space<vmem>>
          %parallel_loop3A_227 = tpu.vector_load_idx %parallel_loop3A_226[%add3A_18, %parallel_loop3A_209] : memref<64x136xf32, #tpu.memory_space<vmem>>[vector<16xi32>, vector<16xi32>], vector<16xf32>,
          %parallel_loop3A_228 = arith.constant 1 : i32
          %parallel_loop3A_229 = arith.constant 0 : i32
          %parallel_loop3A_230 = arith.constant 0 : i32
          %parallel_loop3A_231 = tpu.memref_slice %arg5[%parallel_loop3A_228, %parallel_loop3A_229, %parallel_loop3A_230] : memref<4x64x136xf32, #tpu.memory_space<vmem>> -> memref<1x64x136xf32, #tpu.memory_space<vmem>>
          %parallel_loop3A_232 = tpu.memref_squeeze %parallel_loop3A_231 : memref<1x64x136xf32, #tpu.memory_space<vmem>> -> memref<64x136xf32, #tpu.memory_space<vmem>>
          %parallel_loop3A_233 = tpu.vector_load_idx %parallel_loop3A_232[%add3A_21, %parallel_loop3A_209] : memref<64x136xf32, #tpu.memory_space<vmem>>[vector<16xi32>, vector<16xi32>], vector<16xf32>,
          %parallel_loop3A_234 = arith.constant 1 : i32
          %parallel_loop3A_235 = arith.index_cast %parallel_loop3A_234 : i32 to index
          %parallel_loop3A_236 = arith.index_cast %parallel_loop3A_156 : i32 to index
          %parallel_loop3A_237 = arith.constant 64 : index
          %parallel_loop3A_238 = tpu.vector_load %arg6[%parallel_loop3A_235, %parallel_loop3A_236, %parallel_loop3A_237] {strides = array<i32>} : memref<4x64x128xf32, #tpu.memory_space<vmem>>, vector<16xf32>,
          tpu.vector_store %arg6[%parallel_loop3A_235, %parallel_loop3A_236, %parallel_loop3A_237], %parallel_loop3A_215 {strides = array<i32>} : memref<4x64x128xf32, #tpu.memory_space<vmem>>, vector<16xf32>,
          %parallel_loop3A_239 = arith.constant 1 : i32
          %parallel_loop3A_240 = arith.index_cast %parallel_loop3A_239 : i32 to index
          %parallel_loop3A_241 = arith.index_cast %parallel_loop3A_156 : i32 to index
          %parallel_loop3A_242 = arith.constant 80 : index
          %parallel_loop3A_243 = tpu.vector_load %arg6[%parallel_loop3A_240, %parallel_loop3A_241, %parallel_loop3A_242] {strides = array<i32>} : memref<4x64x128xf32, #tpu.memory_space<vmem>>, vector<16xf32>,
          tpu.vector_store %arg6[%parallel_loop3A_240, %parallel_loop3A_241, %parallel_loop3A_242], %parallel_loop3A_221 {strides = array<i32>} : memref<4x64x128xf32, #tpu.memory_space<vmem>>, vector<16xf32>,
          %parallel_loop3A_244 = arith.constant 1 : i32
          %parallel_loop3A_245 = arith.index_cast %parallel_loop3A_244 : i32 to index
          %parallel_loop3A_246 = arith.index_cast %parallel_loop3A_156 : i32 to index
          %parallel_loop3A_247 = arith.constant 96 : index
          %parallel_loop3A_248 = tpu.vector_load %arg6[%parallel_loop3A_245, %parallel_loop3A_246, %parallel_loop3A_247] {strides = array<i32>} : memref<4x64x128xf32, #tpu.memory_space<vmem>>, vector<16xf32>,
          tpu.vector_store %arg6[%parallel_loop3A_245, %parallel_loop3A_246, %parallel_loop3A_247], %parallel_loop3A_227 {strides = array<i32>} : memref<4x64x128xf32, #tpu.memory_space<vmem>>, vector<16xf32>,
          %parallel_loop3A_249 = arith.constant 1 : i32
          %parallel_loop3A_250 = arith.index_cast %parallel_loop3A_249 : i32 to index
          %parallel_loop3A_251 = arith.index_cast %parallel_loop3A_156 : i32 to index
          %parallel_loop3A_252 = arith.constant 112 : index
          %parallel_loop3A_253 = tpu.vector_load %arg6[%parallel_loop3A_250, %parallel_loop3A_251, %parallel_loop3A_252] {strides = array<i32>} : memref<4x64x128xf32, #tpu.memory_space<vmem>>, vector<16xf32>,
          tpu.vector_store %arg6[%parallel_loop3A_250, %parallel_loop3A_251, %parallel_loop3A_252], %parallel_loop3A_233 {strides = array<i32>} : memref<4x64x128xf32, #tpu.memory_space<vmem>>, vector<16xf32>,
        } {sc.loop_unroll_factor = 8 : i64, sc.parallel_access}
        %mul3A_142 = arith.constant 64 : i32
        %mul3A_143 = arith.muli %add3A_97, %mul3A_142 : i32
        %dma_start3A = arith.constant 1 : i32
        %dma_start3A_144 = arith.constant 0 : i32
        %dma_start3A_145 = arith.constant 0 : i32
        %dma_start3A_146 = tpu.memref_slice %arg6[%dma_start3A, %dma_start3A_144, %dma_start3A_145] : memref<4x64x128xf32, #tpu.memory_space<vmem>> -> memref<1x64x128xf32, #tpu.memory_space<vmem>>
        %dma_start3A_147 = tpu.memref_squeeze %dma_start3A_146 : memref<1x64x128xf32, #tpu.memory_space<vmem>> -> memref<64x128xf32, #tpu.memory_space<vmem>>
        %dma_start3A_148 = arith.constant 0 : i32
        %dma_start3A_149 = tpu.memref_slice %arg4[%mul3A_143, %dma_start3A_148] : memref<500000x128xf32, #tpu.memory_space<hbm>> -> memref<64x128xf32, #tpu.memory_space<hbm>>
        %dma_start3A_150 = arith.constant 0 : i32
        %dma_start3A_151 = tpu.memref_slice %arg4[%mul3A_143, %dma_start3A_150] : memref<500000x128xf32, #tpu.memory_space<hbm>> -> memref<64x128xf32, #tpu.memory_space<hbm>>
        %dma_start3A_152 = arith.constant 0 : i32
        %dma_start3A_153 = arith.constant 0 : i32
        %dma_start3A_154 = tpu.memref_slice %arg6[%dma_start3A, %dma_start3A_152, %dma_start3A_153] : memref<4x64x128xf32, #tpu.memory_space<vmem>> -> memref<1x64x128xf32, #tpu.memory_space<vmem>>
        %dma_start3A_155 = tpu.memref_squeeze %dma_start3A_154 : memref<1x64x128xf32, #tpu.memory_space<vmem>> -> memref<64x128xf32, #tpu.memory_space<vmem>>
        tpu.enqueue_dma source(%dma_start3A_155 : memref<64x128xf32, #tpu.memory_space<vmem>>) target(%dma_start3A_151 : memref<64x128xf32, #tpu.memory_space<hbm>>) target_semaphore(%arg12 : memref<!tpu.dma_semaphore, #tpu.memory_space<semaphore_mem>>)
      } else {
      }
      %add3A_102 = arith.constant 2 : i32
      %add3A_103 = arith.addi %mul3A_87, %add3A_102 : i32
      %add3A_104 = arith.addi %add3A_4, %add3A_103 : i32
      %lt3A_105 = arith.cmpi slt, %add3A_103, %add3A_8 : i32
      %convert_element_type3A_106 = arith.extui %lt3A_105 : i1 to i32
      %cond3A_107 = arith.constant 0 : i32
      %cond3A_108 = arith.cmpi ne, %convert_element_type3A_106, %cond3A_107 : i32
      scf.if %cond3A_108 {
        %dma_wait3A = arith.constant 2 : i32
        %dma_wait3A_116 = arith.constant 0 : i32
        %dma_wait3A_117 = arith.constant 0 : i32
        %dma_wait3A_118 = tpu.memref_slice %arg5[%dma_wait3A, %dma_wait3A_116, %dma_wait3A_117] : memref<4x64x136xf32, #tpu.memory_space<vmem>> -> memref<1x64x128xf32, #tpu.memory_space<vmem>>
        %dma_wait3A_119 = tpu.memref_squeeze %dma_wait3A_118 : memref<1x64x128xf32, #tpu.memory_space<vmem>> -> memref<64x128xf32, #tpu.memory_space<vmem>>
        %dma_wait3A_120 = arith.constant 0 : i32
        %dma_wait3A_121 = arith.constant 0 : i32
        %dma_wait3A_122 = tpu.memref_slice %arg2[%dma_wait3A_120, %dma_wait3A_121] : memref<64x1000000xf32, #tpu.memory_space<hbm>> -> memref<64x128xf32, #tpu.memory_space<hbm>>
        %dma_wait3A_123 = arith.constant 0 : i32
        %dma_wait3A_124 = arith.constant 0 : i32
        %dma_wait3A_125 = tpu.memref_slice %arg5[%dma_wait3A, %dma_wait3A_123, %dma_wait3A_124] : memref<4x64x136xf32, #tpu.memory_space<vmem>> -> memref<1x64x128xf32, #tpu.memory_space<vmem>>
        %dma_wait3A_126 = tpu.memref_squeeze %dma_wait3A_125 : memref<1x64x128xf32, #tpu.memory_space<vmem>> -> memref<64x128xf32, #tpu.memory_space<vmem>>
        %dma_wait3A_127 = arith.constant 0 : i32
        %dma_wait3A_128 = arith.constant 0 : i32
        %dma_wait3A_129 = tpu.memref_slice %arg2[%dma_wait3A_127, %dma_wait3A_128] : memref<64x1000000xf32, #tpu.memory_space<hbm>> -> memref<64x128xf32, #tpu.memory_space<hbm>>
        tpu.wait_dma2 semaphore(%arg9 : memref<!tpu.dma_semaphore, #tpu.memory_space<semaphore_mem>>) src(%dma_wait3A_129 : memref<64x128xf32, #tpu.memory_space<hbm>>) dst(%dma_wait3A_126 : memref<64x128xf32, #tpu.memory_space<vmem>>)
        %add3A_130 = arith.constant 3 : i32
        %add3A_131 = arith.addi %add3A_103, %add3A_130 : i32
        %lt3A_132 = arith.cmpi slt, %add3A_131, %add3A_8 : i32
        %convert_element_type3A_133 = arith.extui %lt3A_132 : i1 to i32
        %cond3A_134 = arith.constant 0 : i32
        %cond3A_135 = arith.cmpi ne, %convert_element_type3A_133, %cond3A_134 : i32
        scf.if %cond3A_135 {
          %add3A_156 = arith.constant 3 : i32
          %add3A_157 = arith.addi %add3A_104, %add3A_156 : i32
          %mul3A_158 = arith.constant 128 : i32
          %mul3A_159 = arith.muli %add3A_157, %mul3A_158 : i32
          %dma_start3A_160 = arith.constant 1 : i32
          %dma_start3A_161 = arith.constant 0 : i32
          %dma_start3A_162 = arith.constant 0 : i32
          %dma_start3A_163 = tpu.memref_slice %arg5[%dma_start3A_160, %dma_start3A_161, %dma_start3A_162] : memref<4x64x136xf32, #tpu.memory_space<vmem>> -> memref<1x64x128xf32, #tpu.memory_space<vmem>>
          %dma_start3A_164 = tpu.memref_squeeze %dma_start3A_163 : memref<1x64x128xf32, #tpu.memory_space<vmem>> -> memref<64x128xf32, #tpu.memory_space<vmem>>
          %dma_start3A_165 = arith.constant 0 : i32
          %dma_start3A_166 = tpu.memref_slice %arg2[%dma_start3A_165, %mul3A_159] : memref<64x1000000xf32, #tpu.memory_space<hbm>> -> memref<64x128xf32, #tpu.memory_space<hbm>>
          %dma_start3A_167 = arith.constant 0 : i32
          %dma_start3A_168 = arith.constant 0 : i32
          %dma_start3A_169 = tpu.memref_slice %arg5[%dma_start3A_160, %dma_start3A_167, %dma_start3A_168] : memref<4x64x136xf32, #tpu.memory_space<vmem>> -> memref<1x64x128xf32, #tpu.memory_space<vmem>>
          %dma_start3A_170 = tpu.memref_squeeze %dma_start3A_169 : memref<1x64x128xf32, #tpu.memory_space<vmem>> -> memref<64x128xf32, #tpu.memory_space<vmem>>
          %dma_start3A_171 = arith.constant 0 : i32
          %dma_start3A_172 = tpu.memref_slice %arg2[%dma_start3A_171, %mul3A_159] : memref<64x1000000xf32, #tpu.memory_space<hbm>> -> memref<64x128xf32, #tpu.memory_space<hbm>>
          tpu.enqueue_dma source(%dma_start3A_172 : memref<64x128xf32, #tpu.memory_space<hbm>>) target(%dma_start3A_170 : memref<64x128xf32, #tpu.memory_space<vmem>>) target_semaphore(%arg8 : memref<!tpu.dma_semaphore, #tpu.memory_space<semaphore_mem>>)
        } else {
        }
        %ge3A = arith.constant 4 : i32
        %ge3A_136 = arith.cmpi sge, %add3A_103, %ge3A : i32
        %convert_element_type3A_137 = arith.extui %ge3A_136 : i1 to i32
        %cond3A_138 = arith.constant 0 : i32
        %cond3A_139 = arith.cmpi ne, %convert_element_type3A_137, %cond3A_138 : i32
        scf.if %cond3A_139 {
          %dma_wait3A_156 = arith.constant 2 : i32
          %dma_wait3A_157 = arith.constant 0 : i32
          %dma_wait3A_158 = arith.constant 0 : i32
          %dma_wait3A_159 = tpu.memref_slice %arg6[%dma_wait3A_156, %dma_wait3A_157, %dma_wait3A_158] : memref<4x64x128xf32, #tpu.memory_space<vmem>> -> memref<1x64x128xf32, #tpu.memory_space<vmem>>
          %dma_wait3A_160 = tpu.memref_squeeze %dma_wait3A_159 : memref<1x64x128xf32, #tpu.memory_space<vmem>> -> memref<64x128xf32, #tpu.memory_space<vmem>>
          %dma_wait3A_161 = arith.constant 0 : i32
          %dma_wait3A_162 = arith.constant 0 : i32
          %dma_wait3A_163 = tpu.memref_slice %arg4[%dma_wait3A_161, %dma_wait3A_162] : memref<500000x128xf32, #tpu.memory_space<hbm>> -> memref<64x128xf32, #tpu.memory_space<hbm>>
          %dma_wait3A_164 = arith.constant 0 : i32
          %dma_wait3A_165 = arith.constant 0 : i32
          %dma_wait3A_166 = tpu.memref_slice %arg4[%dma_wait3A_164, %dma_wait3A_165] : memref<500000x128xf32, #tpu.memory_space<hbm>> -> memref<64x128xf32, #tpu.memory_space<hbm>>
          %dma_wait3A_167 = arith.constant 0 : i32
          %dma_wait3A_168 = arith.constant 0 : i32
          %dma_wait3A_169 = tpu.memref_slice %arg6[%dma_wait3A_156, %dma_wait3A_167, %dma_wait3A_168] : memref<4x64x128xf32, #tpu.memory_space<vmem>> -> memref<1x64x128xf32, #tpu.memory_space<vmem>>
          %dma_wait3A_170 = tpu.memref_squeeze %dma_wait3A_169 : memref<1x64x128xf32, #tpu.memory_space<vmem>> -> memref<64x128xf32, #tpu.memory_space<vmem>>
          tpu.wait_dma2 semaphore(%arg13 : memref<!tpu.dma_semaphore, #tpu.memory_space<semaphore_mem>>) src(%dma_wait3A_170 : memref<64x128xf32, #tpu.memory_space<vmem>>) dst(%dma_wait3A_166 : memref<64x128xf32, #tpu.memory_space<hbm>>)
        } else {
        }
        %parallel_loop3A = arith.constant 0 : i32
        %parallel_loop3A_140 = arith.constant 64 : i32
        %parallel_loop3A_141 = arith.constant 1 : i32
        scf.for %parallel_loop3A_156 = %parallel_loop3A to %parallel_loop3A_140 step %parallel_loop3A_141  : i32 {
          %parallel_loop3A_157 = arith.constant 2 : i32
          %parallel_loop3A_158 = arith.muli %parallel_loop3A_157, %parallel_loop3A_156 : i32
          %parallel_loop3A_159 = vector.broadcast %parallel_loop3A_158 : i32 to vector<16xi32>
          %parallel_loop3A_160 = arith.constant 0 : i32
          %parallel_loop3A_161 = vector.broadcast %parallel_loop3A_160 : i32 to vector<16xi32>
          %parallel_loop3A_162 = arith.addi %parallel_loop3A_159, %parallel_loop3A_161 : vector<16xi32>
          %parallel_loop3A_163 = arith.constant 2 : i32
          %parallel_loop3A_164 = arith.constant 0 : i32
          %parallel_loop3A_165 = arith.constant 0 : i32
          %parallel_loop3A_166 = tpu.memref_slice %arg5[%parallel_loop3A_163, %parallel_loop3A_164, %parallel_loop3A_165] : memref<4x64x136xf32, #tpu.memory_space<vmem>> -> memref<1x64x136xf32, #tpu.memory_space<vmem>>
          %parallel_loop3A_167 = tpu.memref_squeeze %parallel_loop3A_166 : memref<1x64x136xf32, #tpu.memory_space<vmem>> -> memref<64x136xf32, #tpu.memory_space<vmem>>
          %parallel_loop3A_168 = tpu.vector_load_idx %parallel_loop3A_167[%add3A_12, %parallel_loop3A_162] : memref<64x136xf32, #tpu.memory_space<vmem>>[vector<16xi32>, vector<16xi32>], vector<16xf32>,
          %parallel_loop3A_169 = arith.constant 2 : i32
          %parallel_loop3A_170 = arith.constant 0 : i32
          %parallel_loop3A_171 = arith.constant 0 : i32
          %parallel_loop3A_172 = tpu.memref_slice %arg5[%parallel_loop3A_169, %parallel_loop3A_170, %parallel_loop3A_171] : memref<4x64x136xf32, #tpu.memory_space<vmem>> -> memref<1x64x136xf32, #tpu.memory_space<vmem>>
          %parallel_loop3A_173 = tpu.memref_squeeze %parallel_loop3A_172 : memref<1x64x136xf32, #tpu.memory_space<vmem>> -> memref<64x136xf32, #tpu.memory_space<vmem>>
          %parallel_loop3A_174 = tpu.vector_load_idx %parallel_loop3A_173[%add3A_15, %parallel_loop3A_162] : memref<64x136xf32, #tpu.memory_space<vmem>>[vector<16xi32>, vector<16xi32>], vector<16xf32>,
          %parallel_loop3A_175 = arith.constant 2 : i32
          %parallel_loop3A_176 = arith.constant 0 : i32
          %parallel_loop3A_177 = arith.constant 0 : i32
          %parallel_loop3A_178 = tpu.memref_slice %arg5[%parallel_loop3A_175, %parallel_loop3A_176, %parallel_loop3A_177] : memref<4x64x136xf32, #tpu.memory_space<vmem>> -> memref<1x64x136xf32, #tpu.memory_space<vmem>>
          %parallel_loop3A_179 = tpu.memref_squeeze %parallel_loop3A_178 : memref<1x64x136xf32, #tpu.memory_space<vmem>> -> memref<64x136xf32, #tpu.memory_space<vmem>>
          %parallel_loop3A_180 = tpu.vector_load_idx %parallel_loop3A_179[%add3A_18, %parallel_loop3A_162] : memref<64x136xf32, #tpu.memory_space<vmem>>[vector<16xi32>, vector<16xi32>], vector<16xf32>,
          %parallel_loop3A_181 = arith.constant 2 : i32
          %parallel_loop3A_182 = arith.constant 0 : i32
          %parallel_loop3A_183 = arith.constant 0 : i32
          %parallel_loop3A_184 = tpu.memref_slice %arg5[%parallel_loop3A_181, %parallel_loop3A_182, %parallel_loop3A_183] : memref<4x64x136xf32, #tpu.memory_space<vmem>> -> memref<1x64x136xf32, #tpu.memory_space<vmem>>
          %parallel_loop3A_185 = tpu.memref_squeeze %parallel_loop3A_184 : memref<1x64x136xf32, #tpu.memory_space<vmem>> -> memref<64x136xf32, #tpu.memory_space<vmem>>
          %parallel_loop3A_186 = tpu.vector_load_idx %parallel_loop3A_185[%add3A_21, %parallel_loop3A_162] : memref<64x136xf32, #tpu.memory_space<vmem>>[vector<16xi32>, vector<16xi32>], vector<16xf32>,
          %parallel_loop3A_187 = arith.constant 2 : i32
          %parallel_loop3A_188 = arith.index_cast %parallel_loop3A_187 : i32 to index
          %parallel_loop3A_189 = arith.index_cast %parallel_loop3A_156 : i32 to index
          %parallel_loop3A_190 = arith.constant 0 : index
          %parallel_loop3A_191 = tpu.vector_load %arg6[%parallel_loop3A_188, %parallel_loop3A_189, %parallel_loop3A_190] {strides = array<i32>} : memref<4x64x128xf32, #tpu.memory_space<vmem>>, vector<16xf32>,
          tpu.vector_store %arg6[%parallel_loop3A_188, %parallel_loop3A_189, %parallel_loop3A_190], %parallel_loop3A_168 {strides = array<i32>} : memref<4x64x128xf32, #tpu.memory_space<vmem>>, vector<16xf32>,
          %parallel_loop3A_192 = arith.constant 2 : i32
          %parallel_loop3A_193 = arith.index_cast %parallel_loop3A_192 : i32 to index
          %parallel_loop3A_194 = arith.index_cast %parallel_loop3A_156 : i32 to index
          %parallel_loop3A_195 = arith.constant 16 : index
          %parallel_loop3A_196 = tpu.vector_load %arg6[%parallel_loop3A_193, %parallel_loop3A_194, %parallel_loop3A_195] {strides = array<i32>} : memref<4x64x128xf32, #tpu.memory_space<vmem>>, vector<16xf32>,
          tpu.vector_store %arg6[%parallel_loop3A_193, %parallel_loop3A_194, %parallel_loop3A_195], %parallel_loop3A_174 {strides = array<i32>} : memref<4x64x128xf32, #tpu.memory_space<vmem>>, vector<16xf32>,
          %parallel_loop3A_197 = arith.constant 2 : i32
          %parallel_loop3A_198 = arith.index_cast %parallel_loop3A_197 : i32 to index
          %parallel_loop3A_199 = arith.index_cast %parallel_loop3A_156 : i32 to index
          %parallel_loop3A_200 = arith.constant 32 : index
          %parallel_loop3A_201 = tpu.vector_load %arg6[%parallel_loop3A_198, %parallel_loop3A_199, %parallel_loop3A_200] {strides = array<i32>} : memref<4x64x128xf32, #tpu.memory_space<vmem>>, vector<16xf32>,
          tpu.vector_store %arg6[%parallel_loop3A_198, %parallel_loop3A_199, %parallel_loop3A_200], %parallel_loop3A_180 {strides = array<i32>} : memref<4x64x128xf32, #tpu.memory_space<vmem>>, vector<16xf32>,
          %parallel_loop3A_202 = arith.constant 2 : i32
          %parallel_loop3A_203 = arith.index_cast %parallel_loop3A_202 : i32 to index
          %parallel_loop3A_204 = arith.index_cast %parallel_loop3A_156 : i32 to index
          %parallel_loop3A_205 = arith.constant 48 : index
          %parallel_loop3A_206 = tpu.vector_load %arg6[%parallel_loop3A_203, %parallel_loop3A_204, %parallel_loop3A_205] {strides = array<i32>} : memref<4x64x128xf32, #tpu.memory_space<vmem>>, vector<16xf32>,
          tpu.vector_store %arg6[%parallel_loop3A_203, %parallel_loop3A_204, %parallel_loop3A_205], %parallel_loop3A_186 {strides = array<i32>} : memref<4x64x128xf32, #tpu.memory_space<vmem>>, vector<16xf32>,
          %parallel_loop3A_207 = arith.constant 1 : i32
          %parallel_loop3A_208 = vector.broadcast %parallel_loop3A_207 : i32 to vector<16xi32>
          %parallel_loop3A_209 = arith.addi %parallel_loop3A_159, %parallel_loop3A_208 : vector<16xi32>
          %parallel_loop3A_210 = arith.constant 2 : i32
          %parallel_loop3A_211 = arith.constant 0 : i32
          %parallel_loop3A_212 = arith.constant 0 : i32
          %parallel_loop3A_213 = tpu.memref_slice %arg5[%parallel_loop3A_210, %parallel_loop3A_211, %parallel_loop3A_212] : memref<4x64x136xf32, #tpu.memory_space<vmem>> -> memref<1x64x136xf32, #tpu.memory_space<vmem>>
          %parallel_loop3A_214 = tpu.memref_squeeze %parallel_loop3A_213 : memref<1x64x136xf32, #tpu.memory_space<vmem>> -> memref<64x136xf32, #tpu.memory_space<vmem>>
          %parallel_loop3A_215 = tpu.vector_load_idx %parallel_loop3A_214[%add3A_12, %parallel_loop3A_209] : memref<64x136xf32, #tpu.memory_space<vmem>>[vector<16xi32>, vector<16xi32>], vector<16xf32>,
          %parallel_loop3A_216 = arith.constant 2 : i32
          %parallel_loop3A_217 = arith.constant 0 : i32
          %parallel_loop3A_218 = arith.constant 0 : i32
          %parallel_loop3A_219 = tpu.memref_slice %arg5[%parallel_loop3A_216, %parallel_loop3A_217, %parallel_loop3A_218] : memref<4x64x136xf32, #tpu.memory_space<vmem>> -> memref<1x64x136xf32, #tpu.memory_space<vmem>>
          %parallel_loop3A_220 = tpu.memref_squeeze %parallel_loop3A_219 : memref<1x64x136xf32, #tpu.memory_space<vmem>> -> memref<64x136xf32, #tpu.memory_space<vmem>>
          %parallel_loop3A_221 = tpu.vector_load_idx %parallel_loop3A_220[%add3A_15, %parallel_loop3A_209] : memref<64x136xf32, #tpu.memory_space<vmem>>[vector<16xi32>, vector<16xi32>], vector<16xf32>,
          %parallel_loop3A_222 = arith.constant 2 : i32
          %parallel_loop3A_223 = arith.constant 0 : i32
          %parallel_loop3A_224 = arith.constant 0 : i32
          %parallel_loop3A_225 = tpu.memref_slice %arg5[%parallel_loop3A_222, %parallel_loop3A_223, %parallel_loop3A_224] : memref<4x64x136xf32, #tpu.memory_space<vmem>> -> memref<1x64x136xf32, #tpu.memory_space<vmem>>
          %parallel_loop3A_226 = tpu.memref_squeeze %parallel_loop3A_225 : memref<1x64x136xf32, #tpu.memory_space<vmem>> -> memref<64x136xf32, #tpu.memory_space<vmem>>
          %parallel_loop3A_227 = tpu.vector_load_idx %parallel_loop3A_226[%add3A_18, %parallel_loop3A_209] : memref<64x136xf32, #tpu.memory_space<vmem>>[vector<16xi32>, vector<16xi32>], vector<16xf32>,
          %parallel_loop3A_228 = arith.constant 2 : i32
          %parallel_loop3A_229 = arith.constant 0 : i32
          %parallel_loop3A_230 = arith.constant 0 : i32
          %parallel_loop3A_231 = tpu.memref_slice %arg5[%parallel_loop3A_228, %parallel_loop3A_229, %parallel_loop3A_230] : memref<4x64x136xf32, #tpu.memory_space<vmem>> -> memref<1x64x136xf32, #tpu.memory_space<vmem>>
          %parallel_loop3A_232 = tpu.memref_squeeze %parallel_loop3A_231 : memref<1x64x136xf32, #tpu.memory_space<vmem>> -> memref<64x136xf32, #tpu.memory_space<vmem>>
          %parallel_loop3A_233 = tpu.vector_load_idx %parallel_loop3A_232[%add3A_21, %parallel_loop3A_209] : memref<64x136xf32, #tpu.memory_space<vmem>>[vector<16xi32>, vector<16xi32>], vector<16xf32>,
          %parallel_loop3A_234 = arith.constant 2 : i32
          %parallel_loop3A_235 = arith.index_cast %parallel_loop3A_234 : i32 to index
          %parallel_loop3A_236 = arith.index_cast %parallel_loop3A_156 : i32 to index
          %parallel_loop3A_237 = arith.constant 64 : index
          %parallel_loop3A_238 = tpu.vector_load %arg6[%parallel_loop3A_235, %parallel_loop3A_236, %parallel_loop3A_237] {strides = array<i32>} : memref<4x64x128xf32, #tpu.memory_space<vmem>>, vector<16xf32>,
          tpu.vector_store %arg6[%parallel_loop3A_235, %parallel_loop3A_236, %parallel_loop3A_237], %parallel_loop3A_215 {strides = array<i32>} : memref<4x64x128xf32, #tpu.memory_space<vmem>>, vector<16xf32>,
          %parallel_loop3A_239 = arith.constant 2 : i32
          %parallel_loop3A_240 = arith.index_cast %parallel_loop3A_239 : i32 to index
          %parallel_loop3A_241 = arith.index_cast %parallel_loop3A_156 : i32 to index
          %parallel_loop3A_242 = arith.constant 80 : index
          %parallel_loop3A_243 = tpu.vector_load %arg6[%parallel_loop3A_240, %parallel_loop3A_241, %parallel_loop3A_242] {strides = array<i32>} : memref<4x64x128xf32, #tpu.memory_space<vmem>>, vector<16xf32>,
          tpu.vector_store %arg6[%parallel_loop3A_240, %parallel_loop3A_241, %parallel_loop3A_242], %parallel_loop3A_221 {strides = array<i32>} : memref<4x64x128xf32, #tpu.memory_space<vmem>>, vector<16xf32>,
          %parallel_loop3A_244 = arith.constant 2 : i32
          %parallel_loop3A_245 = arith.index_cast %parallel_loop3A_244 : i32 to index
          %parallel_loop3A_246 = arith.index_cast %parallel_loop3A_156 : i32 to index
          %parallel_loop3A_247 = arith.constant 96 : index
          %parallel_loop3A_248 = tpu.vector_load %arg6[%parallel_loop3A_245, %parallel_loop3A_246, %parallel_loop3A_247] {strides = array<i32>} : memref<4x64x128xf32, #tpu.memory_space<vmem>>, vector<16xf32>,
          tpu.vector_store %arg6[%parallel_loop3A_245, %parallel_loop3A_246, %parallel_loop3A_247], %parallel_loop3A_227 {strides = array<i32>} : memref<4x64x128xf32, #tpu.memory_space<vmem>>, vector<16xf32>,
          %parallel_loop3A_249 = arith.constant 2 : i32
          %parallel_loop3A_250 = arith.index_cast %parallel_loop3A_249 : i32 to index
          %parallel_loop3A_251 = arith.index_cast %parallel_loop3A_156 : i32 to index
          %parallel_loop3A_252 = arith.constant 112 : index
          %parallel_loop3A_253 = tpu.vector_load %arg6[%parallel_loop3A_250, %parallel_loop3A_251, %parallel_loop3A_252] {strides = array<i32>} : memref<4x64x128xf32, #tpu.memory_space<vmem>>, vector<16xf32>,
          tpu.vector_store %arg6[%parallel_loop3A_250, %parallel_loop3A_251, %parallel_loop3A_252], %parallel_loop3A_233 {strides = array<i32>} : memref<4x64x128xf32, #tpu.memory_space<vmem>>, vector<16xf32>,
        } {sc.loop_unroll_factor = 8 : i64, sc.parallel_access}
        %mul3A_142 = arith.constant 64 : i32
        %mul3A_143 = arith.muli %add3A_104, %mul3A_142 : i32
        %dma_start3A = arith.constant 2 : i32
        %dma_start3A_144 = arith.constant 0 : i32
        %dma_start3A_145 = arith.constant 0 : i32
        %dma_start3A_146 = tpu.memref_slice %arg6[%dma_start3A, %dma_start3A_144, %dma_start3A_145] : memref<4x64x128xf32, #tpu.memory_space<vmem>> -> memref<1x64x128xf32, #tpu.memory_space<vmem>>
        %dma_start3A_147 = tpu.memref_squeeze %dma_start3A_146 : memref<1x64x128xf32, #tpu.memory_space<vmem>> -> memref<64x128xf32, #tpu.memory_space<vmem>>
        %dma_start3A_148 = arith.constant 0 : i32
        %dma_start3A_149 = tpu.memref_slice %arg4[%mul3A_143, %dma_start3A_148] : memref<500000x128xf32, #tpu.memory_space<hbm>> -> memref<64x128xf32, #tpu.memory_space<hbm>>
        %dma_start3A_150 = arith.constant 0 : i32
        %dma_start3A_151 = tpu.memref_slice %arg4[%mul3A_143, %dma_start3A_150] : memref<500000x128xf32, #tpu.memory_space<hbm>> -> memref<64x128xf32, #tpu.memory_space<hbm>>
        %dma_start3A_152 = arith.constant 0 : i32
        %dma_start3A_153 = arith.constant 0 : i32
        %dma_start3A_154 = tpu.memref_slice %arg6[%dma_start3A, %dma_start3A_152, %dma_start3A_153] : memref<4x64x128xf32, #tpu.memory_space<vmem>> -> memref<1x64x128xf32, #tpu.memory_space<vmem>>
        %dma_start3A_155 = tpu.memref_squeeze %dma_start3A_154 : memref<1x64x128xf32, #tpu.memory_space<vmem>> -> memref<64x128xf32, #tpu.memory_space<vmem>>
        tpu.enqueue_dma source(%dma_start3A_155 : memref<64x128xf32, #tpu.memory_space<vmem>>) target(%dma_start3A_151 : memref<64x128xf32, #tpu.memory_space<hbm>>) target_semaphore(%arg13 : memref<!tpu.dma_semaphore, #tpu.memory_space<semaphore_mem>>)
      } else {
      }
      %add3A_109 = arith.constant 3 : i32
      %add3A_110 = arith.addi %mul3A_87, %add3A_109 : i32
      %add3A_111 = arith.addi %add3A_4, %add3A_110 : i32
      %lt3A_112 = arith.cmpi slt, %add3A_110, %add3A_8 : i32
      %convert_element_type3A_113 = arith.extui %lt3A_112 : i1 to i32
      %cond3A_114 = arith.constant 0 : i32
      %cond3A_115 = arith.cmpi ne, %convert_element_type3A_113, %cond3A_114 : i32
      scf.if %cond3A_115 {
        %dma_wait3A = arith.constant 3 : i32
        %dma_wait3A_116 = arith.constant 0 : i32
        %dma_wait3A_117 = arith.constant 0 : i32
        %dma_wait3A_118 = tpu.memref_slice %arg5[%dma_wait3A, %dma_wait3A_116, %dma_wait3A_117] : memref<4x64x136xf32, #tpu.memory_space<vmem>> -> memref<1x64x128xf32, #tpu.memory_space<vmem>>
        %dma_wait3A_119 = tpu.memref_squeeze %dma_wait3A_118 : memref<1x64x128xf32, #tpu.memory_space<vmem>> -> memref<64x128xf32, #tpu.memory_space<vmem>>
        %dma_wait3A_120 = arith.constant 0 : i32
        %dma_wait3A_121 = arith.constant 0 : i32
        %dma_wait3A_122 = tpu.memref_slice %arg2[%dma_wait3A_120, %dma_wait3A_121] : memref<64x1000000xf32, #tpu.memory_space<hbm>> -> memref<64x128xf32, #tpu.memory_space<hbm>>
        %dma_wait3A_123 = arith.constant 0 : i32
        %dma_wait3A_124 = arith.constant 0 : i32
        %dma_wait3A_125 = tpu.memref_slice %arg5[%dma_wait3A, %dma_wait3A_123, %dma_wait3A_124] : memref<4x64x136xf32, #tpu.memory_space<vmem>> -> memref<1x64x128xf32, #tpu.memory_space<vmem>>
        %dma_wait3A_126 = tpu.memref_squeeze %dma_wait3A_125 : memref<1x64x128xf32, #tpu.memory_space<vmem>> -> memref<64x128xf32, #tpu.memory_space<vmem>>
        %dma_wait3A_127 = arith.constant 0 : i32
        %dma_wait3A_128 = arith.constant 0 : i32
        %dma_wait3A_129 = tpu.memref_slice %arg2[%dma_wait3A_127, %dma_wait3A_128] : memref<64x1000000xf32, #tpu.memory_space<hbm>> -> memref<64x128xf32, #tpu.memory_space<hbm>>
        tpu.wait_dma2 semaphore(%arg10 : memref<!tpu.dma_semaphore, #tpu.memory_space<semaphore_mem>>) src(%dma_wait3A_129 : memref<64x128xf32, #tpu.memory_space<hbm>>) dst(%dma_wait3A_126 : memref<64x128xf32, #tpu.memory_space<vmem>>)
        %add3A_130 = arith.constant 3 : i32
        %add3A_131 = arith.addi %add3A_110, %add3A_130 : i32
        %lt3A_132 = arith.cmpi slt, %add3A_131, %add3A_8 : i32
        %convert_element_type3A_133 = arith.extui %lt3A_132 : i1 to i32
        %cond3A_134 = arith.constant 0 : i32
        %cond3A_135 = arith.cmpi ne, %convert_element_type3A_133, %cond3A_134 : i32
        scf.if %cond3A_135 {
          %add3A_156 = arith.constant 3 : i32
          %add3A_157 = arith.addi %add3A_111, %add3A_156 : i32
          %mul3A_158 = arith.constant 128 : i32
          %mul3A_159 = arith.muli %add3A_157, %mul3A_158 : i32
          %dma_start3A_160 = arith.constant 2 : i32
          %dma_start3A_161 = arith.constant 0 : i32
          %dma_start3A_162 = arith.constant 0 : i32
          %dma_start3A_163 = tpu.memref_slice %arg5[%dma_start3A_160, %dma_start3A_161, %dma_start3A_162] : memref<4x64x136xf32, #tpu.memory_space<vmem>> -> memref<1x64x128xf32, #tpu.memory_space<vmem>>
          %dma_start3A_164 = tpu.memref_squeeze %dma_start3A_163 : memref<1x64x128xf32, #tpu.memory_space<vmem>> -> memref<64x128xf32, #tpu.memory_space<vmem>>
          %dma_start3A_165 = arith.constant 0 : i32
          %dma_start3A_166 = tpu.memref_slice %arg2[%dma_start3A_165, %mul3A_159] : memref<64x1000000xf32, #tpu.memory_space<hbm>> -> memref<64x128xf32, #tpu.memory_space<hbm>>
          %dma_start3A_167 = arith.constant 0 : i32
          %dma_start3A_168 = arith.constant 0 : i32
          %dma_start3A_169 = tpu.memref_slice %arg5[%dma_start3A_160, %dma_start3A_167, %dma_start3A_168] : memref<4x64x136xf32, #tpu.memory_space<vmem>> -> memref<1x64x128xf32, #tpu.memory_space<vmem>>
          %dma_start3A_170 = tpu.memref_squeeze %dma_start3A_169 : memref<1x64x128xf32, #tpu.memory_space<vmem>> -> memref<64x128xf32, #tpu.memory_space<vmem>>
          %dma_start3A_171 = arith.constant 0 : i32
          %dma_start3A_172 = tpu.memref_slice %arg2[%dma_start3A_171, %mul3A_159] : memref<64x1000000xf32, #tpu.memory_space<hbm>> -> memref<64x128xf32, #tpu.memory_space<hbm>>
          tpu.enqueue_dma source(%dma_start3A_172 : memref<64x128xf32, #tpu.memory_space<hbm>>) target(%dma_start3A_170 : memref<64x128xf32, #tpu.memory_space<vmem>>) target_semaphore(%arg9 : memref<!tpu.dma_semaphore, #tpu.memory_space<semaphore_mem>>)
        } else {
        }
        %ge3A = arith.constant 4 : i32
        %ge3A_136 = arith.cmpi sge, %add3A_110, %ge3A : i32
        %convert_element_type3A_137 = arith.extui %ge3A_136 : i1 to i32
        %cond3A_138 = arith.constant 0 : i32
        %cond3A_139 = arith.cmpi ne, %convert_element_type3A_137, %cond3A_138 : i32
        scf.if %cond3A_139 {
          %dma_wait3A_156 = arith.constant 3 : i32
          %dma_wait3A_157 = arith.constant 0 : i32
          %dma_wait3A_158 = arith.constant 0 : i32
          %dma_wait3A_159 = tpu.memref_slice %arg6[%dma_wait3A_156, %dma_wait3A_157, %dma_wait3A_158] : memref<4x64x128xf32, #tpu.memory_space<vmem>> -> memref<1x64x128xf32, #tpu.memory_space<vmem>>
          %dma_wait3A_160 = tpu.memref_squeeze %dma_wait3A_159 : memref<1x64x128xf32, #tpu.memory_space<vmem>> -> memref<64x128xf32, #tpu.memory_space<vmem>>
          %dma_wait3A_161 = arith.constant 0 : i32
          %dma_wait3A_162 = arith.constant 0 : i32
          %dma_wait3A_163 = tpu.memref_slice %arg4[%dma_wait3A_161, %dma_wait3A_162] : memref<500000x128xf32, #tpu.memory_space<hbm>> -> memref<64x128xf32, #tpu.memory_space<hbm>>
          %dma_wait3A_164 = arith.constant 0 : i32
          %dma_wait3A_165 = arith.constant 0 : i32
          %dma_wait3A_166 = tpu.memref_slice %arg4[%dma_wait3A_164, %dma_wait3A_165] : memref<500000x128xf32, #tpu.memory_space<hbm>> -> memref<64x128xf32, #tpu.memory_space<hbm>>
          %dma_wait3A_167 = arith.constant 0 : i32
          %dma_wait3A_168 = arith.constant 0 : i32
          %dma_wait3A_169 = tpu.memref_slice %arg6[%dma_wait3A_156, %dma_wait3A_167, %dma_wait3A_168] : memref<4x64x128xf32, #tpu.memory_space<vmem>> -> memref<1x64x128xf32, #tpu.memory_space<vmem>>
          %dma_wait3A_170 = tpu.memref_squeeze %dma_wait3A_169 : memref<1x64x128xf32, #tpu.memory_space<vmem>> -> memref<64x128xf32, #tpu.memory_space<vmem>>
          tpu.wait_dma2 semaphore(%arg14 : memref<!tpu.dma_semaphore, #tpu.memory_space<semaphore_mem>>) src(%dma_wait3A_170 : memref<64x128xf32, #tpu.memory_space<vmem>>) dst(%dma_wait3A_166 : memref<64x128xf32, #tpu.memory_space<hbm>>)
        } else {
        }
        %parallel_loop3A = arith.constant 0 : i32
        %parallel_loop3A_140 = arith.constant 64 : i32
        %parallel_loop3A_141 = arith.constant 1 : i32
        scf.for %parallel_loop3A_156 = %parallel_loop3A to %parallel_loop3A_140 step %parallel_loop3A_141  : i32 {
          %parallel_loop3A_157 = arith.constant 2 : i32
          %parallel_loop3A_158 = arith.muli %parallel_loop3A_157, %parallel_loop3A_156 : i32
          %parallel_loop3A_159 = vector.broadcast %parallel_loop3A_158 : i32 to vector<16xi32>
          %parallel_loop3A_160 = arith.constant 0 : i32
          %parallel_loop3A_161 = vector.broadcast %parallel_loop3A_160 : i32 to vector<16xi32>
          %parallel_loop3A_162 = arith.addi %parallel_loop3A_159, %parallel_loop3A_161 : vector<16xi32>
          %parallel_loop3A_163 = arith.constant 3 : i32
          %parallel_loop3A_164 = arith.constant 0 : i32
          %parallel_loop3A_165 = arith.constant 0 : i32
          %parallel_loop3A_166 = tpu.memref_slice %arg5[%parallel_loop3A_163, %parallel_loop3A_164, %parallel_loop3A_165] : memref<4x64x136xf32, #tpu.memory_space<vmem>> -> memref<1x64x136xf32, #tpu.memory_space<vmem>>
          %parallel_loop3A_167 = tpu.memref_squeeze %parallel_loop3A_166 : memref<1x64x136xf32, #tpu.memory_space<vmem>> -> memref<64x136xf32, #tpu.memory_space<vmem>>
          %parallel_loop3A_168 = tpu.vector_load_idx %parallel_loop3A_167[%add3A_12, %parallel_loop3A_162] : memref<64x136xf32, #tpu.memory_space<vmem>>[vector<16xi32>, vector<16xi32>], vector<16xf32>,
          %parallel_loop3A_169 = arith.constant 3 : i32
          %parallel_loop3A_170 = arith.constant 0 : i32
          %parallel_loop3A_171 = arith.constant 0 : i32
          %parallel_loop3A_172 = tpu.memref_slice %arg5[%parallel_loop3A_169, %parallel_loop3A_170, %parallel_loop3A_171] : memref<4x64x136xf32, #tpu.memory_space<vmem>> -> memref<1x64x136xf32, #tpu.memory_space<vmem>>
          %parallel_loop3A_173 = tpu.memref_squeeze %parallel_loop3A_172 : memref<1x64x136xf32, #tpu.memory_space<vmem>> -> memref<64x136xf32, #tpu.memory_space<vmem>>
          %parallel_loop3A_174 = tpu.vector_load_idx %parallel_loop3A_173[%add3A_15, %parallel_loop3A_162] : memref<64x136xf32, #tpu.memory_space<vmem>>[vector<16xi32>, vector<16xi32>], vector<16xf32>,
          %parallel_loop3A_175 = arith.constant 3 : i32
          %parallel_loop3A_176 = arith.constant 0 : i32
          %parallel_loop3A_177 = arith.constant 0 : i32
          %parallel_loop3A_178 = tpu.memref_slice %arg5[%parallel_loop3A_175, %parallel_loop3A_176, %parallel_loop3A_177] : memref<4x64x136xf32, #tpu.memory_space<vmem>> -> memref<1x64x136xf32, #tpu.memory_space<vmem>>
          %parallel_loop3A_179 = tpu.memref_squeeze %parallel_loop3A_178 : memref<1x64x136xf32, #tpu.memory_space<vmem>> -> memref<64x136xf32, #tpu.memory_space<vmem>>
          %parallel_loop3A_180 = tpu.vector_load_idx %parallel_loop3A_179[%add3A_18, %parallel_loop3A_162] : memref<64x136xf32, #tpu.memory_space<vmem>>[vector<16xi32>, vector<16xi32>], vector<16xf32>,
          %parallel_loop3A_181 = arith.constant 3 : i32
          %parallel_loop3A_182 = arith.constant 0 : i32
          %parallel_loop3A_183 = arith.constant 0 : i32
          %parallel_loop3A_184 = tpu.memref_slice %arg5[%parallel_loop3A_181, %parallel_loop3A_182, %parallel_loop3A_183] : memref<4x64x136xf32, #tpu.memory_space<vmem>> -> memref<1x64x136xf32, #tpu.memory_space<vmem>>
          %parallel_loop3A_185 = tpu.memref_squeeze %parallel_loop3A_184 : memref<1x64x136xf32, #tpu.memory_space<vmem>> -> memref<64x136xf32, #tpu.memory_space<vmem>>
          %parallel_loop3A_186 = tpu.vector_load_idx %parallel_loop3A_185[%add3A_21, %parallel_loop3A_162] : memref<64x136xf32, #tpu.memory_space<vmem>>[vector<16xi32>, vector<16xi32>], vector<16xf32>,
          %parallel_loop3A_187 = arith.constant 3 : i32
          %parallel_loop3A_188 = arith.index_cast %parallel_loop3A_187 : i32 to index
          %parallel_loop3A_189 = arith.index_cast %parallel_loop3A_156 : i32 to index
          %parallel_loop3A_190 = arith.constant 0 : index
          %parallel_loop3A_191 = tpu.vector_load %arg6[%parallel_loop3A_188, %parallel_loop3A_189, %parallel_loop3A_190] {strides = array<i32>} : memref<4x64x128xf32, #tpu.memory_space<vmem>>, vector<16xf32>,
          tpu.vector_store %arg6[%parallel_loop3A_188, %parallel_loop3A_189, %parallel_loop3A_190], %parallel_loop3A_168 {strides = array<i32>} : memref<4x64x128xf32, #tpu.memory_space<vmem>>, vector<16xf32>,
          %parallel_loop3A_192 = arith.constant 3 : i32
          %parallel_loop3A_193 = arith.index_cast %parallel_loop3A_192 : i32 to index
          %parallel_loop3A_194 = arith.index_cast %parallel_loop3A_156 : i32 to index
          %parallel_loop3A_195 = arith.constant 16 : index
          %parallel_loop3A_196 = tpu.vector_load %arg6[%parallel_loop3A_193, %parallel_loop3A_194, %parallel_loop3A_195] {strides = array<i32>} : memref<4x64x128xf32, #tpu.memory_space<vmem>>, vector<16xf32>,
          tpu.vector_store %arg6[%parallel_loop3A_193, %parallel_loop3A_194, %parallel_loop3A_195], %parallel_loop3A_174 {strides = array<i32>} : memref<4x64x128xf32, #tpu.memory_space<vmem>>, vector<16xf32>,
          %parallel_loop3A_197 = arith.constant 3 : i32
          %parallel_loop3A_198 = arith.index_cast %parallel_loop3A_197 : i32 to index
          %parallel_loop3A_199 = arith.index_cast %parallel_loop3A_156 : i32 to index
          %parallel_loop3A_200 = arith.constant 32 : index
          %parallel_loop3A_201 = tpu.vector_load %arg6[%parallel_loop3A_198, %parallel_loop3A_199, %parallel_loop3A_200] {strides = array<i32>} : memref<4x64x128xf32, #tpu.memory_space<vmem>>, vector<16xf32>,
          tpu.vector_store %arg6[%parallel_loop3A_198, %parallel_loop3A_199, %parallel_loop3A_200], %parallel_loop3A_180 {strides = array<i32>} : memref<4x64x128xf32, #tpu.memory_space<vmem>>, vector<16xf32>,
          %parallel_loop3A_202 = arith.constant 3 : i32
          %parallel_loop3A_203 = arith.index_cast %parallel_loop3A_202 : i32 to index
          %parallel_loop3A_204 = arith.index_cast %parallel_loop3A_156 : i32 to index
          %parallel_loop3A_205 = arith.constant 48 : index
          %parallel_loop3A_206 = tpu.vector_load %arg6[%parallel_loop3A_203, %parallel_loop3A_204, %parallel_loop3A_205] {strides = array<i32>} : memref<4x64x128xf32, #tpu.memory_space<vmem>>, vector<16xf32>,
          tpu.vector_store %arg6[%parallel_loop3A_203, %parallel_loop3A_204, %parallel_loop3A_205], %parallel_loop3A_186 {strides = array<i32>} : memref<4x64x128xf32, #tpu.memory_space<vmem>>, vector<16xf32>,
          %parallel_loop3A_207 = arith.constant 1 : i32
          %parallel_loop3A_208 = vector.broadcast %parallel_loop3A_207 : i32 to vector<16xi32>
          %parallel_loop3A_209 = arith.addi %parallel_loop3A_159, %parallel_loop3A_208 : vector<16xi32>
          %parallel_loop3A_210 = arith.constant 3 : i32
          %parallel_loop3A_211 = arith.constant 0 : i32
          %parallel_loop3A_212 = arith.constant 0 : i32
          %parallel_loop3A_213 = tpu.memref_slice %arg5[%parallel_loop3A_210, %parallel_loop3A_211, %parallel_loop3A_212] : memref<4x64x136xf32, #tpu.memory_space<vmem>> -> memref<1x64x136xf32, #tpu.memory_space<vmem>>
          %parallel_loop3A_214 = tpu.memref_squeeze %parallel_loop3A_213 : memref<1x64x136xf32, #tpu.memory_space<vmem>> -> memref<64x136xf32, #tpu.memory_space<vmem>>
          %parallel_loop3A_215 = tpu.vector_load_idx %parallel_loop3A_214[%add3A_12, %parallel_loop3A_209] : memref<64x136xf32, #tpu.memory_space<vmem>>[vector<16xi32>, vector<16xi32>], vector<16xf32>,
          %parallel_loop3A_216 = arith.constant 3 : i32
          %parallel_loop3A_217 = arith.constant 0 : i32
          %parallel_loop3A_218 = arith.constant 0 : i32
          %parallel_loop3A_219 = tpu.memref_slice %arg5[%parallel_loop3A_216, %parallel_loop3A_217, %parallel_loop3A_218] : memref<4x64x136xf32, #tpu.memory_space<vmem>> -> memref<1x64x136xf32, #tpu.memory_space<vmem>>
          %parallel_loop3A_220 = tpu.memref_squeeze %parallel_loop3A_219 : memref<1x64x136xf32, #tpu.memory_space<vmem>> -> memref<64x136xf32, #tpu.memory_space<vmem>>
          %parallel_loop3A_221 = tpu.vector_load_idx %parallel_loop3A_220[%add3A_15, %parallel_loop3A_209] : memref<64x136xf32, #tpu.memory_space<vmem>>[vector<16xi32>, vector<16xi32>], vector<16xf32>,
          %parallel_loop3A_222 = arith.constant 3 : i32
          %parallel_loop3A_223 = arith.constant 0 : i32
          %parallel_loop3A_224 = arith.constant 0 : i32
          %parallel_loop3A_225 = tpu.memref_slice %arg5[%parallel_loop3A_222, %parallel_loop3A_223, %parallel_loop3A_224] : memref<4x64x136xf32, #tpu.memory_space<vmem>> -> memref<1x64x136xf32, #tpu.memory_space<vmem>>
          %parallel_loop3A_226 = tpu.memref_squeeze %parallel_loop3A_225 : memref<1x64x136xf32, #tpu.memory_space<vmem>> -> memref<64x136xf32, #tpu.memory_space<vmem>>
          %parallel_loop3A_227 = tpu.vector_load_idx %parallel_loop3A_226[%add3A_18, %parallel_loop3A_209] : memref<64x136xf32, #tpu.memory_space<vmem>>[vector<16xi32>, vector<16xi32>], vector<16xf32>,
          %parallel_loop3A_228 = arith.constant 3 : i32
          %parallel_loop3A_229 = arith.constant 0 : i32
          %parallel_loop3A_230 = arith.constant 0 : i32
          %parallel_loop3A_231 = tpu.memref_slice %arg5[%parallel_loop3A_228, %parallel_loop3A_229, %parallel_loop3A_230] : memref<4x64x136xf32, #tpu.memory_space<vmem>> -> memref<1x64x136xf32, #tpu.memory_space<vmem>>
          %parallel_loop3A_232 = tpu.memref_squeeze %parallel_loop3A_231 : memref<1x64x136xf32, #tpu.memory_space<vmem>> -> memref<64x136xf32, #tpu.memory_space<vmem>>
          %parallel_loop3A_233 = tpu.vector_load_idx %parallel_loop3A_232[%add3A_21, %parallel_loop3A_209] : memref<64x136xf32, #tpu.memory_space<vmem>>[vector<16xi32>, vector<16xi32>], vector<16xf32>,
          %parallel_loop3A_234 = arith.constant 3 : i32
          %parallel_loop3A_235 = arith.index_cast %parallel_loop3A_234 : i32 to index
          %parallel_loop3A_236 = arith.index_cast %parallel_loop3A_156 : i32 to index
          %parallel_loop3A_237 = arith.constant 64 : index
          %parallel_loop3A_238 = tpu.vector_load %arg6[%parallel_loop3A_235, %parallel_loop3A_236, %parallel_loop3A_237] {strides = array<i32>} : memref<4x64x128xf32, #tpu.memory_space<vmem>>, vector<16xf32>,
          tpu.vector_store %arg6[%parallel_loop3A_235, %parallel_loop3A_236, %parallel_loop3A_237], %parallel_loop3A_215 {strides = array<i32>} : memref<4x64x128xf32, #tpu.memory_space<vmem>>, vector<16xf32>,
          %parallel_loop3A_239 = arith.constant 3 : i32
          %parallel_loop3A_240 = arith.index_cast %parallel_loop3A_239 : i32 to index
          %parallel_loop3A_241 = arith.index_cast %parallel_loop3A_156 : i32 to index
          %parallel_loop3A_242 = arith.constant 80 : index
          %parallel_loop3A_243 = tpu.vector_load %arg6[%parallel_loop3A_240, %parallel_loop3A_241, %parallel_loop3A_242] {strides = array<i32>} : memref<4x64x128xf32, #tpu.memory_space<vmem>>, vector<16xf32>,
          tpu.vector_store %arg6[%parallel_loop3A_240, %parallel_loop3A_241, %parallel_loop3A_242], %parallel_loop3A_221 {strides = array<i32>} : memref<4x64x128xf32, #tpu.memory_space<vmem>>, vector<16xf32>,
          %parallel_loop3A_244 = arith.constant 3 : i32
          %parallel_loop3A_245 = arith.index_cast %parallel_loop3A_244 : i32 to index
          %parallel_loop3A_246 = arith.index_cast %parallel_loop3A_156 : i32 to index
          %parallel_loop3A_247 = arith.constant 96 : index
          %parallel_loop3A_248 = tpu.vector_load %arg6[%parallel_loop3A_245, %parallel_loop3A_246, %parallel_loop3A_247] {strides = array<i32>} : memref<4x64x128xf32, #tpu.memory_space<vmem>>, vector<16xf32>,
          tpu.vector_store %arg6[%parallel_loop3A_245, %parallel_loop3A_246, %parallel_loop3A_247], %parallel_loop3A_227 {strides = array<i32>} : memref<4x64x128xf32, #tpu.memory_space<vmem>>, vector<16xf32>,
          %parallel_loop3A_249 = arith.constant 3 : i32
          %parallel_loop3A_250 = arith.index_cast %parallel_loop3A_249 : i32 to index
          %parallel_loop3A_251 = arith.index_cast %parallel_loop3A_156 : i32 to index
          %parallel_loop3A_252 = arith.constant 112 : index
          %parallel_loop3A_253 = tpu.vector_load %arg6[%parallel_loop3A_250, %parallel_loop3A_251, %parallel_loop3A_252] {strides = array<i32>} : memref<4x64x128xf32, #tpu.memory_space<vmem>>, vector<16xf32>,
          tpu.vector_store %arg6[%parallel_loop3A_250, %parallel_loop3A_251, %parallel_loop3A_252], %parallel_loop3A_233 {strides = array<i32>} : memref<4x64x128xf32, #tpu.memory_space<vmem>>, vector<16xf32>,
        } {sc.loop_unroll_factor = 8 : i64, sc.parallel_access}
        %mul3A_142 = arith.constant 64 : i32
        %mul3A_143 = arith.muli %add3A_111, %mul3A_142 : i32
        %dma_start3A = arith.constant 3 : i32
        %dma_start3A_144 = arith.constant 0 : i32
        %dma_start3A_145 = arith.constant 0 : i32
        %dma_start3A_146 = tpu.memref_slice %arg6[%dma_start3A, %dma_start3A_144, %dma_start3A_145] : memref<4x64x128xf32, #tpu.memory_space<vmem>> -> memref<1x64x128xf32, #tpu.memory_space<vmem>>
        %dma_start3A_147 = tpu.memref_squeeze %dma_start3A_146 : memref<1x64x128xf32, #tpu.memory_space<vmem>> -> memref<64x128xf32, #tpu.memory_space<vmem>>
        %dma_start3A_148 = arith.constant 0 : i32
        %dma_start3A_149 = tpu.memref_slice %arg4[%mul3A_143, %dma_start3A_148] : memref<500000x128xf32, #tpu.memory_space<hbm>> -> memref<64x128xf32, #tpu.memory_space<hbm>>
        %dma_start3A_150 = arith.constant 0 : i32
        %dma_start3A_151 = tpu.memref_slice %arg4[%mul3A_143, %dma_start3A_150] : memref<500000x128xf32, #tpu.memory_space<hbm>> -> memref<64x128xf32, #tpu.memory_space<hbm>>
        %dma_start3A_152 = arith.constant 0 : i32
        %dma_start3A_153 = arith.constant 0 : i32
        %dma_start3A_154 = tpu.memref_slice %arg6[%dma_start3A, %dma_start3A_152, %dma_start3A_153] : memref<4x64x128xf32, #tpu.memory_space<vmem>> -> memref<1x64x128xf32, #tpu.memory_space<vmem>>
        %dma_start3A_155 = tpu.memref_squeeze %dma_start3A_154 : memref<1x64x128xf32, #tpu.memory_space<vmem>> -> memref<64x128xf32, #tpu.memory_space<vmem>>
        tpu.enqueue_dma source(%dma_start3A_155 : memref<64x128xf32, #tpu.memory_space<vmem>>) target(%dma_start3A_151 : memref<64x128xf32, #tpu.memory_space<hbm>>) target_semaphore(%arg14 : memref<!tpu.dma_semaphore, #tpu.memory_space<semaphore_mem>>)
      } else {
      }
    }
    %gt3A_65 = arith.constant 0 : i32
    %gt3A_66 = arith.cmpi sgt, %add3A_8, %gt3A_65 : i32
    %convert_element_type3A_67 = arith.extui %gt3A_66 : i1 to i32
    %cond3A_68 = arith.constant 0 : i32
    %cond3A_69 = arith.cmpi ne, %convert_element_type3A_67, %cond3A_68 : i32
    scf.if %cond3A_69 {
      %dma_wait3A = arith.constant 0 : i32
      %dma_wait3A_85 = arith.constant 0 : i32
      %dma_wait3A_86 = arith.constant 0 : i32
      %dma_wait3A_87 = tpu.memref_slice %arg6[%dma_wait3A, %dma_wait3A_85, %dma_wait3A_86] : memref<4x64x128xf32, #tpu.memory_space<vmem>> -> memref<1x64x128xf32, #tpu.memory_space<vmem>>
      %dma_wait3A_88 = tpu.memref_squeeze %dma_wait3A_87 : memref<1x64x128xf32, #tpu.memory_space<vmem>> -> memref<64x128xf32, #tpu.memory_space<vmem>>
      %dma_wait3A_89 = arith.constant 0 : i32
      %dma_wait3A_90 = arith.constant 0 : i32
      %dma_wait3A_91 = tpu.memref_slice %arg4[%dma_wait3A_89, %dma_wait3A_90] : memref<500000x128xf32, #tpu.memory_space<hbm>> -> memref<64x128xf32, #tpu.memory_space<hbm>>
      %dma_wait3A_92 = arith.constant 0 : i32
      %dma_wait3A_93 = arith.constant 0 : i32
      %dma_wait3A_94 = tpu.memref_slice %arg4[%dma_wait3A_92, %dma_wait3A_93] : memref<500000x128xf32, #tpu.memory_space<hbm>> -> memref<64x128xf32, #tpu.memory_space<hbm>>
      %dma_wait3A_95 = arith.constant 0 : i32
      %dma_wait3A_96 = arith.constant 0 : i32
      %dma_wait3A_97 = tpu.memref_slice %arg6[%dma_wait3A, %dma_wait3A_95, %dma_wait3A_96] : memref<4x64x128xf32, #tpu.memory_space<vmem>> -> memref<1x64x128xf32, #tpu.memory_space<vmem>>
      %dma_wait3A_98 = tpu.memref_squeeze %dma_wait3A_97 : memref<1x64x128xf32, #tpu.memory_space<vmem>> -> memref<64x128xf32, #tpu.memory_space<vmem>>
      tpu.wait_dma2 semaphore(%arg11 : memref<!tpu.dma_semaphore, #tpu.memory_space<semaphore_mem>>) src(%dma_wait3A_98 : memref<64x128xf32, #tpu.memory_space<vmem>>) dst(%dma_wait3A_94 : memref<64x128xf32, #tpu.memory_space<hbm>>)
    } else {
    }
    %gt3A_70 = arith.constant 1 : i32
    %gt3A_71 = arith.cmpi sgt, %add3A_8, %gt3A_70 : i32
    %convert_element_type3A_72 = arith.extui %gt3A_71 : i1 to i32
    %cond3A_73 = arith.constant 0 : i32
    %cond3A_74 = arith.cmpi ne, %convert_element_type3A_72, %cond3A_73 : i32
    scf.if %cond3A_74 {
      %dma_wait3A = arith.constant 1 : i32
      %dma_wait3A_85 = arith.constant 0 : i32
      %dma_wait3A_86 = arith.constant 0 : i32
      %dma_wait3A_87 = tpu.memref_slice %arg6[%dma_wait3A, %dma_wait3A_85, %dma_wait3A_86] : memref<4x64x128xf32, #tpu.memory_space<vmem>> -> memref<1x64x128xf32, #tpu.memory_space<vmem>>
      %dma_wait3A_88 = tpu.memref_squeeze %dma_wait3A_87 : memref<1x64x128xf32, #tpu.memory_space<vmem>> -> memref<64x128xf32, #tpu.memory_space<vmem>>
      %dma_wait3A_89 = arith.constant 0 : i32
      %dma_wait3A_90 = arith.constant 0 : i32
      %dma_wait3A_91 = tpu.memref_slice %arg4[%dma_wait3A_89, %dma_wait3A_90] : memref<500000x128xf32, #tpu.memory_space<hbm>> -> memref<64x128xf32, #tpu.memory_space<hbm>>
      %dma_wait3A_92 = arith.constant 0 : i32
      %dma_wait3A_93 = arith.constant 0 : i32
      %dma_wait3A_94 = tpu.memref_slice %arg4[%dma_wait3A_92, %dma_wait3A_93] : memref<500000x128xf32, #tpu.memory_space<hbm>> -> memref<64x128xf32, #tpu.memory_space<hbm>>
      %dma_wait3A_95 = arith.constant 0 : i32
      %dma_wait3A_96 = arith.constant 0 : i32
      %dma_wait3A_97 = tpu.memref_slice %arg6[%dma_wait3A, %dma_wait3A_95, %dma_wait3A_96] : memref<4x64x128xf32, #tpu.memory_space<vmem>> -> memref<1x64x128xf32, #tpu.memory_space<vmem>>
      %dma_wait3A_98 = tpu.memref_squeeze %dma_wait3A_97 : memref<1x64x128xf32, #tpu.memory_space<vmem>> -> memref<64x128xf32, #tpu.memory_space<vmem>>
      tpu.wait_dma2 semaphore(%arg12 : memref<!tpu.dma_semaphore, #tpu.memory_space<semaphore_mem>>) src(%dma_wait3A_98 : memref<64x128xf32, #tpu.memory_space<vmem>>) dst(%dma_wait3A_94 : memref<64x128xf32, #tpu.memory_space<hbm>>)
    } else {
    }
    %gt3A_75 = arith.constant 2 : i32
    %gt3A_76 = arith.cmpi sgt, %add3A_8, %gt3A_75 : i32
    %convert_element_type3A_77 = arith.extui %gt3A_76 : i1 to i32
    %cond3A_78 = arith.constant 0 : i32
    %cond3A_79 = arith.cmpi ne, %convert_element_type3A_77, %cond3A_78 : i32
    scf.if %cond3A_79 {
      %dma_wait3A = arith.constant 2 : i32
      %dma_wait3A_85 = arith.constant 0 : i32
      %dma_wait3A_86 = arith.constant 0 : i32
      %dma_wait3A_87 = tpu.memref_slice %arg6[%dma_wait3A, %dma_wait3A_85, %dma_wait3A_86] : memref<4x64x128xf32, #tpu.memory_space<vmem>> -> memref<1x64x128xf32, #tpu.memory_space<vmem>>
      %dma_wait3A_88 = tpu.memref_squeeze %dma_wait3A_87 : memref<1x64x128xf32, #tpu.memory_space<vmem>> -> memref<64x128xf32, #tpu.memory_space<vmem>>
      %dma_wait3A_89 = arith.constant 0 : i32
      %dma_wait3A_90 = arith.constant 0 : i32
      %dma_wait3A_91 = tpu.memref_slice %arg4[%dma_wait3A_89, %dma_wait3A_90] : memref<500000x128xf32, #tpu.memory_space<hbm>> -> memref<64x128xf32, #tpu.memory_space<hbm>>
      %dma_wait3A_92 = arith.constant 0 : i32
      %dma_wait3A_93 = arith.constant 0 : i32
      %dma_wait3A_94 = tpu.memref_slice %arg4[%dma_wait3A_92, %dma_wait3A_93] : memref<500000x128xf32, #tpu.memory_space<hbm>> -> memref<64x128xf32, #tpu.memory_space<hbm>>
      %dma_wait3A_95 = arith.constant 0 : i32
      %dma_wait3A_96 = arith.constant 0 : i32
      %dma_wait3A_97 = tpu.memref_slice %arg6[%dma_wait3A, %dma_wait3A_95, %dma_wait3A_96] : memref<4x64x128xf32, #tpu.memory_space<vmem>> -> memref<1x64x128xf32, #tpu.memory_space<vmem>>
      %dma_wait3A_98 = tpu.memref_squeeze %dma_wait3A_97 : memref<1x64x128xf32, #tpu.memory_space<vmem>> -> memref<64x128xf32, #tpu.memory_space<vmem>>
      tpu.wait_dma2 semaphore(%arg13 : memref<!tpu.dma_semaphore, #tpu.memory_space<semaphore_mem>>) src(%dma_wait3A_98 : memref<64x128xf32, #tpu.memory_space<vmem>>) dst(%dma_wait3A_94 : memref<64x128xf32, #tpu.memory_space<hbm>>)
    } else {
    }
    %gt3A_80 = arith.constant 3 : i32
    %gt3A_81 = arith.cmpi sgt, %add3A_8, %gt3A_80 : i32
    %convert_element_type3A_82 = arith.extui %gt3A_81 : i1 to i32
    %cond3A_83 = arith.constant 0 : i32
    %cond3A_84 = arith.cmpi ne, %convert_element_type3A_82, %cond3A_83 : i32
    scf.if %cond3A_84 {
      %dma_wait3A = arith.constant 3 : i32
      %dma_wait3A_85 = arith.constant 0 : i32
      %dma_wait3A_86 = arith.constant 0 : i32
      %dma_wait3A_87 = tpu.memref_slice %arg6[%dma_wait3A, %dma_wait3A_85, %dma_wait3A_86] : memref<4x64x128xf32, #tpu.memory_space<vmem>> -> memref<1x64x128xf32, #tpu.memory_space<vmem>>
      %dma_wait3A_88 = tpu.memref_squeeze %dma_wait3A_87 : memref<1x64x128xf32, #tpu.memory_space<vmem>> -> memref<64x128xf32, #tpu.memory_space<vmem>>
      %dma_wait3A_89 = arith.constant 0 : i32
      %dma_wait3A_90 = arith.constant 0 : i32
      %dma_wait3A_91 = tpu.memref_slice %arg4[%dma_wait3A_89, %dma_wait3A_90] : memref<500000x128xf32, #tpu.memory_space<hbm>> -> memref<64x128xf32, #tpu.memory_space<hbm>>
      %dma_wait3A_92 = arith.constant 0 : i32
      %dma_wait3A_93 = arith.constant 0 : i32
      %dma_wait3A_94 = tpu.memref_slice %arg4[%dma_wait3A_92, %dma_wait3A_93] : memref<500000x128xf32, #tpu.memory_space<hbm>> -> memref<64x128xf32, #tpu.memory_space<hbm>>
      %dma_wait3A_95 = arith.constant 0 : i32
      %dma_wait3A_96 = arith.constant 0 : i32
      %dma_wait3A_97 = tpu.memref_slice %arg6[%dma_wait3A, %dma_wait3A_95, %dma_wait3A_96] : memref<4x64x128xf32, #tpu.memory_space<vmem>> -> memref<1x64x128xf32, #tpu.memory_space<vmem>>
      %dma_wait3A_98 = tpu.memref_squeeze %dma_wait3A_97 : memref<1x64x128xf32, #tpu.memory_space<vmem>> -> memref<64x128xf32, #tpu.memory_space<vmem>>
      tpu.wait_dma2 semaphore(%arg14 : memref<!tpu.dma_semaphore, #tpu.memory_space<semaphore_mem>>) src(%dma_wait3A_98 : memref<64x128xf32, #tpu.memory_space<vmem>>) dst(%dma_wait3A_94 : memref<64x128xf32, #tpu.memory_space<hbm>>)
    } else {
    }
    return
  }
}

#map = affine_map<(d0, d1) -> (0)>
#map1 = affine_map<(d0, d1) -> (0, 0)>
module attributes {stable_mosaic.version = 14 : i64} {
  func.func @pool(%arg0: i32, %arg1: i32, %arg2: memref<819200xi32, #tpu.memory_space<hbm>>, %arg3: memref<1000000x64xf32, #tpu.memory_space<hbm>>, %arg4: memref<4096x64xf32, #tpu.memory_space<hbm>>, %arg5: memref<25600xi32, #tpu.memory_space<vmem>>, %arg6: memref<2x200x64xf32, #tpu.memory_space<vmem>>, %arg7: memref<128x64xf32, #tpu.memory_space<vmem>>, %arg8: memref<!tpu.dma_semaphore, #tpu.memory_space<semaphore_mem>>) attributes {dimension_semantics = [#tpu.dimension_semantics<core_parallel>, #tpu.dimension_semantics<subcore_parallel>], iteration_bounds = array<i64: 2, 16>, scalar_prefetch = 0 : i64, scratch_operands = 4 : i64, tpu.core_type = #tpu.core_type<sc_vector_subcore>, window_params = [{transform_indices = #map}, {transform_indices = #map1}, {transform_indices = #map1}]} {
    %mul3A = arith.constant 2 : i32
    %mul3A_0 = arith.muli %arg1, %mul3A : i32
    %add3A = arith.addi %mul3A_0, %arg0 : i32
    %mul3A_1 = arith.constant 128 : i32
    %mul3A_2 = arith.muli %add3A, %mul3A_1 : i32
    %mul3A_3 = arith.constant 200 : i32
    %mul3A_4 = arith.muli %mul3A_2, %mul3A_3 : i32
    "tpu.region"() ({
      %run_scoped3A = tpu.sem_alloc : memref<!tpu.dma_semaphore, #tpu.memory_space<semaphore_mem>>
      %dma_start3A_29 = tpu.memref_slice %arg2[%mul3A_4] : memref<819200xi32, #tpu.memory_space<hbm>> -> memref<25600xi32, #tpu.memory_space<hbm>>
      %dma_start3A_30 = tpu.memref_slice %arg2[%mul3A_4] : memref<819200xi32, #tpu.memory_space<hbm>> -> memref<25600xi32, #tpu.memory_space<hbm>>
      tpu.enqueue_dma source(%dma_start3A_30 : memref<25600xi32, #tpu.memory_space<hbm>>) target(%arg5 : memref<25600xi32, #tpu.memory_space<vmem>>) target_semaphore(%run_scoped3A : memref<!tpu.dma_semaphore, #tpu.memory_space<semaphore_mem>>)
      %dma_wait3A = tpu.memref_slice %arg2[%mul3A_4] : memref<819200xi32, #tpu.memory_space<hbm>> -> memref<25600xi32, #tpu.memory_space<hbm>>
      %dma_wait3A_31 = tpu.memref_slice %arg2[%mul3A_4] : memref<819200xi32, #tpu.memory_space<hbm>> -> memref<25600xi32, #tpu.memory_space<hbm>>
      tpu.wait_dma2 semaphore(%run_scoped3A : memref<!tpu.dma_semaphore, #tpu.memory_space<semaphore_mem>>) src(%dma_wait3A_31 : memref<25600xi32, #tpu.memory_space<hbm>>) dst(%arg5 : memref<25600xi32, #tpu.memory_space<vmem>>)
      tpu.yield
    }) : () -> ()
    %dma_start3A = arith.constant 0 : i32
    %dma_start3A_5 = arith.constant 0 : i32
    %dma_start3A_6 = arith.constant 0 : i32
    %dma_start3A_7 = tpu.memref_slice %arg6[%dma_start3A, %dma_start3A_5, %dma_start3A_6] : memref<2x200x64xf32, #tpu.memory_space<vmem>> -> memref<1x104x64xf32, #tpu.memory_space<vmem>>
    %dma_start3A_8 = tpu.memref_squeeze %dma_start3A_7 : memref<1x104x64xf32, #tpu.memory_space<vmem>> -> memref<104x64xf32, #tpu.memory_space<vmem>>
    %dma_start3A_9 = arith.constant 0 : i32
    %dma_start3A_10 = tpu.memref_slice %arg5[%dma_start3A_9] : memref<25600xi32, #tpu.memory_space<vmem>> -> memref<104xi32, #tpu.memory_space<vmem>>
    %dma_start3A_11 = arith.constant 0 : i32
    %dma_start3A_12 = arith.constant 0 : i32
    %dma_start3A_13 = tpu.memref_slice %arg3[%dma_start3A_11, %dma_start3A_12] : memref<1000000x64xf32, #tpu.memory_space<hbm>> -> memref<1000000x64xf32, #tpu.memory_space<hbm>>
    tpu.enqueue_indirect_dma source(%dma_start3A_13 : memref<1000000x64xf32, #tpu.memory_space<hbm>>) target(%dma_start3A_8 : memref<104x64xf32, #tpu.memory_space<vmem>>) offsets(%dma_start3A_10 : memref<104xi32, #tpu.memory_space<vmem>>) semaphore(%arg8 : memref<!tpu.dma_semaphore, #tpu.memory_space<semaphore_mem>>)
    %dma_start3A_14 = arith.constant 0 : i32
    %dma_start3A_15 = arith.constant 104 : i32
    %dma_start3A_16 = arith.constant 0 : i32
    %dma_start3A_17 = tpu.memref_slice %arg6[%dma_start3A_14, %dma_start3A_15, %dma_start3A_16] : memref<2x200x64xf32, #tpu.memory_space<vmem>> -> memref<1x96x64xf32, #tpu.memory_space<vmem>>
    %dma_start3A_18 = tpu.memref_squeeze %dma_start3A_17 : memref<1x96x64xf32, #tpu.memory_space<vmem>> -> memref<96x64xf32, #tpu.memory_space<vmem>>
    %dma_start3A_19 = arith.constant 104 : i32
    %dma_start3A_20 = tpu.memref_slice %arg5[%dma_start3A_19] : memref<25600xi32, #tpu.memory_space<vmem>> -> memref<96xi32, #tpu.memory_space<vmem>>
    %dma_start3A_21 = arith.constant 0 : i32
    %dma_start3A_22 = arith.constant 0 : i32
    %dma_start3A_23 = tpu.memref_slice %arg3[%dma_start3A_21, %dma_start3A_22] : memref<1000000x64xf32, #tpu.memory_space<hbm>> -> memref<1000000x64xf32, #tpu.memory_space<hbm>>
    tpu.enqueue_indirect_dma source(%dma_start3A_23 : memref<1000000x64xf32, #tpu.memory_space<hbm>>) target(%dma_start3A_18 : memref<96x64xf32, #tpu.memory_space<vmem>>) offsets(%dma_start3A_20 : memref<96xi32, #tpu.memory_space<vmem>>) semaphore(%arg8 : memref<!tpu.dma_semaphore, #tpu.memory_space<semaphore_mem>>)
    %scan3A = arith.constant 0 : i32
    %scan3A_24 = arith.constant 0 : i32
    %scan3A_25 = arith.constant 128 : i32
    %scan3A_26 = arith.addi %scan3A_24, %scan3A_25 : i32
    %scan3A_27 = arith.constant 1 : i32
    scf.for %scan3A_29 = %scan3A_24 to %scan3A_26 step %scan3A_27  : i32 {
      %rem3A = arith.constant 2 : i32
      %rem3A_30 = arith.remsi %scan3A_29, %rem3A : i32
      %dma_wait3A = arith.constant 0 : i32
      %dma_wait3A_31 = arith.constant 0 : i32
      %dma_wait3A_32 = tpu.memref_slice %arg6[%rem3A_30, %dma_wait3A, %dma_wait3A_31] : memref<2x200x64xf32, #tpu.memory_space<vmem>> -> memref<1x104x64xf32, #tpu.memory_space<vmem>>
      %dma_wait3A_33 = tpu.memref_squeeze %dma_wait3A_32 : memref<1x104x64xf32, #tpu.memory_space<vmem>> -> memref<104x64xf32, #tpu.memory_space<vmem>>
      %dma_wait3A_34 = arith.constant 0 : i32
      %dma_wait3A_35 = tpu.memref_slice %arg5[%dma_wait3A_34] : memref<25600xi32, #tpu.memory_space<vmem>> -> memref<104xi32, #tpu.memory_space<vmem>>
      %dma_wait3A_36 = arith.constant 0 : i32
      %dma_wait3A_37 = arith.constant 0 : i32
      %dma_wait3A_38 = tpu.memref_slice %arg3[%dma_wait3A_36, %dma_wait3A_37] : memref<1000000x64xf32, #tpu.memory_space<hbm>> -> memref<1000000x64xf32, #tpu.memory_space<hbm>>
      tpu.wait_indirect_dma semaphore(%arg8 : memref<!tpu.dma_semaphore, #tpu.memory_space<semaphore_mem>>) src(%dma_wait3A_38 : memref<1000000x64xf32, #tpu.memory_space<hbm>>) dst(%dma_wait3A_33 : memref<104x64xf32, #tpu.memory_space<vmem>>)
      %dma_wait3A_39 = arith.constant 104 : i32
      %dma_wait3A_40 = arith.constant 0 : i32
      %dma_wait3A_41 = tpu.memref_slice %arg6[%rem3A_30, %dma_wait3A_39, %dma_wait3A_40] : memref<2x200x64xf32, #tpu.memory_space<vmem>> -> memref<1x96x64xf32, #tpu.memory_space<vmem>>
      %dma_wait3A_42 = tpu.memref_squeeze %dma_wait3A_41 : memref<1x96x64xf32, #tpu.memory_space<vmem>> -> memref<96x64xf32, #tpu.memory_space<vmem>>
      %dma_wait3A_43 = arith.constant 0 : i32
      %dma_wait3A_44 = tpu.memref_slice %arg5[%dma_wait3A_43] : memref<25600xi32, #tpu.memory_space<vmem>> -> memref<96xi32, #tpu.memory_space<vmem>>
      %dma_wait3A_45 = arith.constant 0 : i32
      %dma_wait3A_46 = arith.constant 0 : i32
      %dma_wait3A_47 = tpu.memref_slice %arg3[%dma_wait3A_45, %dma_wait3A_46] : memref<1000000x64xf32, #tpu.memory_space<hbm>> -> memref<1000000x64xf32, #tpu.memory_space<hbm>>
      tpu.wait_indirect_dma semaphore(%arg8 : memref<!tpu.dma_semaphore, #tpu.memory_space<semaphore_mem>>) src(%dma_wait3A_47 : memref<1000000x64xf32, #tpu.memory_space<hbm>>) dst(%dma_wait3A_42 : memref<96x64xf32, #tpu.memory_space<vmem>>)
      %add3A_48 = arith.constant 1 : i32
      %add3A_49 = arith.addi %scan3A_29, %add3A_48 : i32
      %lt3A = arith.constant 128 : i32
      %lt3A_50 = arith.cmpi slt, %add3A_49, %lt3A : i32
      %convert_element_type3A = arith.extui %lt3A_50 : i1 to i32
      %cond3A = arith.constant 0 : i32
      %cond3A_51 = arith.cmpi ne, %convert_element_type3A, %cond3A : i32
      scf.if %cond3A_51 {
        %add3A_84 = arith.constant 1 : i32
        %add3A_85 = arith.addi %scan3A_29, %add3A_84 : i32
        %sub3A = arith.constant 1 : i32
        %sub3A_86 = arith.subi %sub3A, %rem3A_30 : i32
        %mul3A_87 = arith.constant 200 : i32
        %mul3A_88 = arith.muli %add3A_85, %mul3A_87 : i32
        %add3A_89 = arith.constant 0 : i32
        %add3A_90 = arith.addi %mul3A_88, %add3A_89 : i32
        %dma_start3A_91 = arith.constant 0 : i32
        %dma_start3A_92 = arith.constant 0 : i32
        %dma_start3A_93 = tpu.memref_slice %arg6[%sub3A_86, %dma_start3A_91, %dma_start3A_92] : memref<2x200x64xf32, #tpu.memory_space<vmem>> -> memref<1x104x64xf32, #tpu.memory_space<vmem>>
        %dma_start3A_94 = tpu.memref_squeeze %dma_start3A_93 : memref<1x104x64xf32, #tpu.memory_space<vmem>> -> memref<104x64xf32, #tpu.memory_space<vmem>>
        %dma_start3A_95 = tpu.memref_slice %arg5[%add3A_90] : memref<25600xi32, #tpu.memory_space<vmem>> -> memref<104xi32, #tpu.memory_space<vmem>>
        %dma_start3A_96 = arith.constant 0 : i32
        %dma_start3A_97 = arith.constant 0 : i32
        %dma_start3A_98 = tpu.memref_slice %arg3[%dma_start3A_96, %dma_start3A_97] : memref<1000000x64xf32, #tpu.memory_space<hbm>> -> memref<1000000x64xf32, #tpu.memory_space<hbm>>
        tpu.enqueue_indirect_dma source(%dma_start3A_98 : memref<1000000x64xf32, #tpu.memory_space<hbm>>) target(%dma_start3A_94 : memref<104x64xf32, #tpu.memory_space<vmem>>) offsets(%dma_start3A_95 : memref<104xi32, #tpu.memory_space<vmem>>) semaphore(%arg8 : memref<!tpu.dma_semaphore, #tpu.memory_space<semaphore_mem>>)
        %mul3A_99 = arith.constant 200 : i32
        %mul3A_100 = arith.muli %add3A_85, %mul3A_99 : i32
        %add3A_101 = arith.constant 104 : i32
        %add3A_102 = arith.addi %mul3A_100, %add3A_101 : i32
        %dma_start3A_103 = arith.constant 104 : i32
        %dma_start3A_104 = arith.constant 0 : i32
        %dma_start3A_105 = tpu.memref_slice %arg6[%sub3A_86, %dma_start3A_103, %dma_start3A_104] : memref<2x200x64xf32, #tpu.memory_space<vmem>> -> memref<1x96x64xf32, #tpu.memory_space<vmem>>
        %dma_start3A_106 = tpu.memref_squeeze %dma_start3A_105 : memref<1x96x64xf32, #tpu.memory_space<vmem>> -> memref<96x64xf32, #tpu.memory_space<vmem>>
        %dma_start3A_107 = tpu.memref_slice %arg5[%add3A_102] : memref<25600xi32, #tpu.memory_space<vmem>> -> memref<96xi32, #tpu.memory_space<vmem>>
        %dma_start3A_108 = arith.constant 0 : i32
        %dma_start3A_109 = arith.constant 0 : i32
        %dma_start3A_110 = tpu.memref_slice %arg3[%dma_start3A_108, %dma_start3A_109] : memref<1000000x64xf32, #tpu.memory_space<hbm>> -> memref<1000000x64xf32, #tpu.memory_space<hbm>>
        tpu.enqueue_indirect_dma source(%dma_start3A_110 : memref<1000000x64xf32, #tpu.memory_space<hbm>>) target(%dma_start3A_106 : memref<96x64xf32, #tpu.memory_space<vmem>>) offsets(%dma_start3A_107 : memref<96xi32, #tpu.memory_space<vmem>>) semaphore(%arg8 : memref<!tpu.dma_semaphore, #tpu.memory_space<semaphore_mem>>)
      } else {
      }
      %broadcast_in_dim3A = arith.constant 0.000000e+00 : f32
      %broadcast_in_dim3A_52 = vector.broadcast %broadcast_in_dim3A : f32 to vector<16xf32>
      %broadcast_in_dim3A_53 = arith.constant 0.000000e+00 : f32
      %broadcast_in_dim3A_54 = vector.broadcast %broadcast_in_dim3A_53 : f32 to vector<16xf32>
      %broadcast_in_dim3A_55 = arith.constant 0.000000e+00 : f32
      %broadcast_in_dim3A_56 = vector.broadcast %broadcast_in_dim3A_55 : f32 to vector<16xf32>
      %broadcast_in_dim3A_57 = arith.constant 0.000000e+00 : f32
      %broadcast_in_dim3A_58 = vector.broadcast %broadcast_in_dim3A_57 : f32 to vector<16xf32>
      %scan3A_59 = arith.constant 0 : i32
      %scan3A_60 = arith.constant 200 : i32
      %scan3A_61 = arith.addi %scan3A_59, %scan3A_60 : i32
      %scan3A_62 = arith.constant 1 : i32
      %scan3A_63:4 = scf.for %scan3A_84 = %scan3A_59 to %scan3A_61 step %scan3A_62 iter_args(%scan3A_85 = %broadcast_in_dim3A_52, %scan3A_86 = %broadcast_in_dim3A_54, %scan3A_87 = %broadcast_in_dim3A_56, %scan3A_88 = %broadcast_in_dim3A_58) -> (vector<16xf32>, vector<16xf32>, vector<16xf32>, vector<16xf32>)  : i32 {
        %get3A = arith.index_cast %rem3A_30 : i32 to index
        %get3A_89 = arith.index_cast %scan3A_84 : i32 to index
        %get3A_90 = arith.constant 0 : index
        %get3A_91 = tpu.vector_load %arg6[%get3A, %get3A_89, %get3A_90] {strides = array<i32>} : memref<2x200x64xf32, #tpu.memory_space<vmem>>, vector<1x1x16xf32>,
        %get3A_92 = vector.shape_cast %get3A_91 : vector<1x1x16xf32> to vector<16xf32>
        %add3A_93 = arith.addf %scan3A_85, %get3A_92 : vector<16xf32>
        %get3A_94 = arith.index_cast %rem3A_30 : i32 to index
        %get3A_95 = arith.index_cast %scan3A_84 : i32 to index
        %get3A_96 = arith.constant 16 : index
        %get3A_97 = tpu.vector_load %arg6[%get3A_94, %get3A_95, %get3A_96] {strides = array<i32>} : memref<2x200x64xf32, #tpu.memory_space<vmem>>, vector<1x1x16xf32>,
        %get3A_98 = vector.shape_cast %get3A_97 : vector<1x1x16xf32> to vector<16xf32>
        %add3A_99 = arith.addf %scan3A_86, %get3A_98 : vector<16xf32>
        %get3A_100 = arith.index_cast %rem3A_30 : i32 to index
        %get3A_101 = arith.index_cast %scan3A_84 : i32 to index
        %get3A_102 = arith.constant 32 : index
        %get3A_103 = tpu.vector_load %arg6[%get3A_100, %get3A_101, %get3A_102] {strides = array<i32>} : memref<2x200x64xf32, #tpu.memory_space<vmem>>, vector<1x1x16xf32>,
        %get3A_104 = vector.shape_cast %get3A_103 : vector<1x1x16xf32> to vector<16xf32>
        %add3A_105 = arith.addf %scan3A_87, %get3A_104 : vector<16xf32>
        %get3A_106 = arith.index_cast %rem3A_30 : i32 to index
        %get3A_107 = arith.index_cast %scan3A_84 : i32 to index
        %get3A_108 = arith.constant 48 : index
        %get3A_109 = tpu.vector_load %arg6[%get3A_106, %get3A_107, %get3A_108] {strides = array<i32>} : memref<2x200x64xf32, #tpu.memory_space<vmem>>, vector<1x1x16xf32>,
        %get3A_110 = vector.shape_cast %get3A_109 : vector<1x1x16xf32> to vector<16xf32>
        %add3A_111 = arith.addf %scan3A_88, %get3A_110 : vector<16xf32>
        scf.yield %add3A_93, %add3A_99, %add3A_105, %add3A_111 : vector<16xf32>, vector<16xf32>, vector<16xf32>, vector<16xf32>
      }
      %scan3A_64 = arith.constant 200 : i32
      %swap3A = arith.index_cast %scan3A_29 : i32 to index
      %swap3A_65 = arith.constant 0 : index
      %swap3A_66 = tpu.vector_load %arg7[%swap3A, %swap3A_65] {strides = array<i32>} : memref<128x64xf32, #tpu.memory_space<vmem>>, vector<1x16xf32>,
      %swap3A_67 = vector.shape_cast %swap3A_66 : vector<1x16xf32> to vector<16xf32>
      %swap3A_68 = vector.shape_cast %scan3A_63#0 : vector<16xf32> to vector<1x16xf32>
      tpu.vector_store %arg7[%swap3A, %swap3A_65], %swap3A_68 {strides = array<i32>} : memref<128x64xf32, #tpu.memory_space<vmem>>, vector<1x16xf32>,
      %swap3A_69 = arith.index_cast %scan3A_29 : i32 to index
      %swap3A_70 = arith.constant 16 : index
      %swap3A_71 = tpu.vector_load %arg7[%swap3A_69, %swap3A_70] {strides = array<i32>} : memref<128x64xf32, #tpu.memory_space<vmem>>, vector<1x16xf32>,
      %swap3A_72 = vector.shape_cast %swap3A_71 : vector<1x16xf32> to vector<16xf32>
      %swap3A_73 = vector.shape_cast %scan3A_63#1 : vector<16xf32> to vector<1x16xf32>
      tpu.vector_store %arg7[%swap3A_69, %swap3A_70], %swap3A_73 {strides = array<i32>} : memref<128x64xf32, #tpu.memory_space<vmem>>, vector<1x16xf32>,
      %swap3A_74 = arith.index_cast %scan3A_29 : i32 to index
      %swap3A_75 = arith.constant 32 : index
      %swap3A_76 = tpu.vector_load %arg7[%swap3A_74, %swap3A_75] {strides = array<i32>} : memref<128x64xf32, #tpu.memory_space<vmem>>, vector<1x16xf32>,
      %swap3A_77 = vector.shape_cast %swap3A_76 : vector<1x16xf32> to vector<16xf32>
      %swap3A_78 = vector.shape_cast %scan3A_63#2 : vector<16xf32> to vector<1x16xf32>
      tpu.vector_store %arg7[%swap3A_74, %swap3A_75], %swap3A_78 {strides = array<i32>} : memref<128x64xf32, #tpu.memory_space<vmem>>, vector<1x16xf32>,
      %swap3A_79 = arith.index_cast %scan3A_29 : i32 to index
      %swap3A_80 = arith.constant 48 : index
      %swap3A_81 = tpu.vector_load %arg7[%swap3A_79, %swap3A_80] {strides = array<i32>} : memref<128x64xf32, #tpu.memory_space<vmem>>, vector<1x16xf32>,
      %swap3A_82 = vector.shape_cast %swap3A_81 : vector<1x16xf32> to vector<16xf32>
      %swap3A_83 = vector.shape_cast %scan3A_63#3 : vector<16xf32> to vector<1x16xf32>
      tpu.vector_store %arg7[%swap3A_79, %swap3A_80], %swap3A_83 {strides = array<i32>} : memref<128x64xf32, #tpu.memory_space<vmem>>, vector<1x16xf32>,
    }
    %scan3A_28 = arith.constant 128 : i32
    "tpu.region"() ({
      %run_scoped3A = tpu.sem_alloc : memref<!tpu.dma_semaphore, #tpu.memory_space<semaphore_mem>>
      %dma_start3A_29 = arith.constant 0 : i32
      %dma_start3A_30 = tpu.memref_slice %arg4[%mul3A_2, %dma_start3A_29] : memref<4096x64xf32, #tpu.memory_space<hbm>> -> memref<128x64xf32, #tpu.memory_space<hbm>>
      %dma_start3A_31 = arith.constant 0 : i32
      %dma_start3A_32 = tpu.memref_slice %arg4[%mul3A_2, %dma_start3A_31] : memref<4096x64xf32, #tpu.memory_space<hbm>> -> memref<128x64xf32, #tpu.memory_space<hbm>>
      tpu.enqueue_dma source(%arg7 : memref<128x64xf32, #tpu.memory_space<vmem>>) target(%dma_start3A_32 : memref<128x64xf32, #tpu.memory_space<hbm>>) target_semaphore(%run_scoped3A : memref<!tpu.dma_semaphore, #tpu.memory_space<semaphore_mem>>)
      %dma_wait3A = arith.constant 0 : i32
      %dma_wait3A_33 = tpu.memref_slice %arg4[%mul3A_2, %dma_wait3A] : memref<4096x64xf32, #tpu.memory_space<hbm>> -> memref<128x64xf32, #tpu.memory_space<hbm>>
      %dma_wait3A_34 = arith.constant 0 : i32
      %dma_wait3A_35 = tpu.memref_slice %arg4[%mul3A_2, %dma_wait3A_34] : memref<4096x64xf32, #tpu.memory_space<hbm>> -> memref<128x64xf32, #tpu.memory_space<hbm>>
      tpu.wait_dma2 semaphore(%run_scoped3A : memref<!tpu.dma_semaphore, #tpu.memory_space<semaphore_mem>>) src(%arg7 : memref<128x64xf32, #tpu.memory_space<vmem>>) dst(%dma_wait3A_35 : memref<128x64xf32, #tpu.memory_space<hbm>>)
      tpu.yield
    }) : () -> ()
    return
  }
}

module attributes {stable_mosaic.version = 14 : i64} {
  func.func @_classifier_body(%arg0: memref<4096x64xf32, #tpu.memory_space<vmem>>, %arg1: memref<30x64xf32, #tpu.memory_space<vmem>>, %arg2: memref<1x30xf32, #tpu.memory_space<vmem>>, %arg3: memref<4096x30xf32, #tpu.memory_space<vmem>>, %arg4: memref<4096x1xi32, #tpu.memory_space<vmem>>) attributes {dimension_semantics = [], scalar_prefetch = 0 : i64, scratch_operands = 0 : i64, tpu.core_type = #tpu.core_type<tc>} {
    %get3A = arith.constant 0 : index
    %get3A_0 = arith.constant 0 : index
    %get3A_1 = vector.load %arg0[%get3A, %get3A_0] : memref<4096x64xf32, #tpu.memory_space<vmem>>, vector<4096x64xf32>
    %div3A = arith.constant 2.000000e+02 : f32
    %div3A_2 = vector.broadcast %div3A : f32 to vector<4096x64xf32>
    %div3A_3 = arith.divf %get3A_1, %div3A_2 : vector<4096x64xf32>
    %get3A_4 = arith.constant 0 : index
    %get3A_5 = arith.constant 0 : index
    %get3A_6 = vector.load %arg1[%get3A_4, %get3A_5] : memref<30x64xf32, #tpu.memory_space<vmem>>, vector<30x64xf32>
    %dot_general3A = arith.constant dense<0.000000e+00> : vector<4096x30xf32>
    %dot_general3A_7 = tpu.matmul %div3A_3, %get3A_6, %dot_general3A {dimension_numbers = #tpu.dot_dimension_numbers<[1], [1], [0], [0], [0, 0, 1, 0], [], []>, transpose_lhs_hint = false} : vector<4096x64xf32>, vector<30x64xf32>, vector<4096x30xf32> -> vector<4096x30xf32>
    %get3A_8 = arith.constant 0 : index
    %get3A_9 = arith.constant 0 : index
    %get3A_10 = vector.load %arg2[%get3A_8, %get3A_9] : memref<1x30xf32, #tpu.memory_space<vmem>>, vector<1x30xf32>
    %add3A = vector.broadcast %get3A_10 : vector<1x30xf32> to vector<4096x30xf32>
    %add3A_11 = arith.addf %dot_general3A_7, %add3A : vector<4096x30xf32>
    %reduce_max3A = arith.constant dense<0xFF800000> : vector<4096xf32>
    %reduce_max3A_12 = vector.multi_reduction <maximumf>, %add3A_11, %reduce_max3A [1] : vector<4096x30xf32> to vector<4096xf32>
    %broadcast_in_dim3A = vector.shape_cast %reduce_max3A_12 : vector<4096xf32> to vector<4096x1xf32>
    %sub3A = vector.broadcast %broadcast_in_dim3A : vector<4096x1xf32> to vector<4096x30xf32>
    %sub3A_13 = arith.subf %add3A_11, %sub3A : vector<4096x30xf32>
    %exp3A = math.exp %sub3A_13 : vector<4096x30xf32>
    %reduce_sum3A = arith.constant dense<0.000000e+00> : vector<4096xf32>
    %reduce_sum3A_14 = vector.multi_reduction <add>, %exp3A, %reduce_sum3A [1] : vector<4096x30xf32> to vector<4096xf32>
    %broadcast_in_dim3A_15 = vector.shape_cast %reduce_sum3A_14 : vector<4096xf32> to vector<4096x1xf32>
    %div3A_16 = vector.broadcast %broadcast_in_dim3A_15 : vector<4096x1xf32> to vector<4096x30xf32>
    %div3A_17 = arith.divf %exp3A, %div3A_16 : vector<4096x30xf32>
    %swap3A = arith.constant 0 : index
    %swap3A_18 = arith.constant 0 : index
    %swap3A_19 = vector.load %arg3[%swap3A, %swap3A_18] : memref<4096x30xf32, #tpu.memory_space<vmem>>, vector<4096x30xf32>
    tpu.vector_store %arg3[%swap3A, %swap3A_18], %div3A_17 {strides = array<i32>} : memref<4096x30xf32, #tpu.memory_space<vmem>>, vector<4096x30xf32>,
    %reduce_max3A_20 = arith.constant dense<0xFF800000> : vector<4096xf32>
    %reduce_max3A_21 = vector.multi_reduction <maximumf>, %div3A_17, %reduce_max3A_20 [1] : vector<4096x30xf32> to vector<4096xf32>
    %broadcast_in_dim3A_22 = vector.shape_cast %reduce_max3A_21 : vector<4096xf32> to vector<4096x1xf32>
    %iota3A = tpu.iota {dimensions = array<i32: 1>} : vector<4096x30xi32>
    %eq3A = vector.broadcast %broadcast_in_dim3A_22 : vector<4096x1xf32> to vector<4096x30xf32>
    %eq3A_23 = arith.cmpf oeq, %div3A_17, %eq3A : vector<4096x30xf32>
    %jit3A = arith.constant 30 : i32
    %broadcast_in_dim3A_24 = vector.broadcast %jit3A : i32 to vector<4096x30xi32>
    %select_n3A = arith.select %eq3A_23, %iota3A, %broadcast_in_dim3A_24 : vector<4096x30xi1>, vector<4096x30xi32>
    %reduce_min3A = arith.constant dense<2147483647> : vector<4096xi32>
    %reduce_min3A_25 = vector.multi_reduction <minsi>, %select_n3A, %reduce_min3A [1] : vector<4096x30xi32> to vector<4096xi32>
    %broadcast_in_dim3A_26 = vector.shape_cast %reduce_min3A_25 : vector<4096xi32> to vector<4096x1xi32>
    %swap3A_27 = arith.constant 0 : index
    %swap3A_28 = arith.constant 0 : index
    %swap3A_29 = vector.load %arg4[%swap3A_27, %swap3A_28] : memref<4096x1xi32, #tpu.memory_space<vmem>>, vector<4096x1xi32>
    tpu.vector_store %arg4[%swap3A_27, %swap3A_28], %broadcast_in_dim3A_26 {strides = array<i32>} : memref<4096x1xi32, #tpu.memory_space<vmem>>, vector<4096x1xi32>,
    return
  }
}

</mosaic_0001>

<sc_bundles>
// kernel: kernel.5.cloned.1.call-start
scs
__scs_entry_jumppad:
0x0: {  	(pc) =	sbr.rel $0x88, $3  }
0x1: {  	(tag) =	ssettag $0x0;
	lr =	simm.s32 $0x1  }
0x2: {  	[smem:$0x3F9D] =	sst lr;
	_ =	strace $0xD0000000  }
0x3: {  	_ = 	snop  }
0x4: {  	_ = 	snop  }
0x5: {  	_ = 	snop  }
0x6: {  	_ = 	snop  }
0x7: {  	_ = 	snop  }
__scs_overlays_trampoline_lowered:
0x8: {  	[smem:$0x3FAC] =	sst s0  }
0x9: {  	[smem:$0x3FAD] =	sst s1  }
0xa: {  	[smem:$0x3FAE] =	sst s2  }
0xb: {  	[smem:$0x3FAF] =	sst s3  }
0xc: {  	[smem:$0x3FB0] =	sst s4  }
0xd: {  	[smem:$0x3FB1] =	sst s5  }
0xe: {  	[smem:$0x3FB2] =	sst s6  }
0xf: {  	[smem:$0x3FB3] =	sst s7  }
0x10: {  	[smem:$0x3FB4] =	sst s8  }
0x11: {  	[smem:$0x3FB5] =	sst s9;
	s0 =	simm.s32 @!p0 $0x0  }
0x12: {  	s1 =	sld [smem:$0x3F9B];
	s0 =	simm.s32 @p0 $0x1  }
0x13: {  	[smem:$0x3FB6] =	sst s0;
	s0 =	simm.s32 @!p1 $0x0  }
0x14: {  	s2 =	sld [smem:$0x3F9A];
	s0 =	simm.s32 @p1 $0x1  }
0x15: {  	[smem:$0x3FB7] =	sst s0;
	s0 =	simm.s32 @!p2 $0x0  }
0x16: {  	s3 =	sld [smem:$0x3FDB];
	s0 =	simm.s32 @p2 $0x1  }
0x17: {  	s4 =	simm.s32 $0x1BF5;
	[smem:$0x3FB9] =	sst s0  }
0x18: {  	s0 =	sld [smem:$0x3F9C];
	_ =	swait.ge [sflag:s4], $0x0  }
0x19: {  	s7 =	sld [smem:$0x3F9D]  }
0x1a: {  	s8 =	sadd.s32 $0xFFFFE003, lr  }
0x1b: {  	s9 =	sadd.s32 $0xFFFFFEF7, lr;
	s5 =	simm.s32 $0xFFFFFFFF;
	p2 =	slt.u32 s8, $0xFFFFF086  }
0x1c: {  	p1 =	slt.u32 s9, $0xF7A;
	s5 =	simm.s32 @!p2 $0x0  }
0x1d: {  	s5 =	simm.s32 @p1 $0x1;
	p0 =	seq.s32 s7, s2  }
0x1e: {  	s7 =	smul.u32 @!p0 $0xF7A, s2;
	p2 =	seq.s32 @!p0 s5, $0x0  }
0x1f: {  	s9 =	smul.u32 $0xF7A, s1;
	s8 =	simm.s32 @!p0 $0x1BF5;
	p2 =	por !p2, p0  }
0x20: {  	[sflag:s8] =	ssyncset.s32 @!p0 $0xFFFFF086;
	s6 =	sadd.s32 @!p0 s3, s7;
	s7 =	simm.s32 @!p0 $0x108  }
0x21: {  	s3 =	sadd.s32 s3, s9;
	s6 =	sadd.s32 @!p0 $0x88, s6;
	s7 =	simm.s32 @p2 $0x1082  }
0x22: {  	[simem:s7], [sflag:s8] =	dma.local @!p0 [hbm:s6], $0xF7A  }
0x23: {  	s9 =	sor.u32 $0xD0000000, s2;
	s6 =	simm.s32 $0x108;
	_ =	swait.ge @!p0 [sflag:s8], $0x0  }
0x24: {  	s3 =	sadd.s32 $0x88, s3;
	s6 =	simm.s32 @!p1 $0x1082;
	[sflag:s4] =	ssyncset.s32 $0xFFFFF086  }
0x25: {  	[simem:s6], [sflag:s4] =	dma.local [hbm:s3], $0xF7A  }
0x26: {  	[smem:$0x3F9D] =	sst s1;
	(tag) =	ssettag s2;
	_ =	strace s9  }
0x27: {  	s1 =	sld [smem:$0x3FAD]  }
0x28: {  	s2 =	sld [smem:$0x3FAE]  }
0x29: {  	s4 =	sld [smem:$0x3FB0]  }
0x2a: {  	p0 =	seq.s32 s5, $0x0;
	s5 =	sld [smem:$0x3FB1]  }
0x2b: {  	s6 =	sld [smem:$0x3FB2]  }
0x2c: {  	s7 =	sld [smem:$0x3FB3]  }
0x2d: {  	s3 =	simm.s32 $0x108;
	s8 =	sld [smem:$0x3FB4]  }
0x2e: {  	s3 =	simm.s32 @!p0 $0x1082;
	s9 =	sld [smem:$0x3FB5]  }
0x2f: {  	lr =	sadd.s32 s0, s3;
	s0 =	sld [smem:$0x3FAC]  }
0x30: {  	s3 =	sld [smem:$0x3FAF]  }
0x31: {  	[smem:$0x3FB8] =	sst s10  }
0x32: {  	s10 =	sld [smem:$0x3FB6];
	_ =	sdelay $0x3  }
0x33: {  	p0 =	seq.s32 s10, $0x1;
	s10 =	sld [smem:$0x3FB8];
	_ =	sdelay $0x3  }
0x34: {  	[smem:$0x3FB8] =	sst s10  }
0x35: {  	s10 =	sld [smem:$0x3FB7];
	_ =	sdelay $0x3  }
0x36: {  	p1 =	seq.s32 s10, $0x1;
	s10 =	sld [smem:$0x3FB8];
	_ =	sdelay $0x3  }
0x37: {  	[smem:$0x3FB8] =	sst s10  }
0x38: {  	s10 =	sld [smem:$0x3FB9]  }
0x39: {  	_ = 	snop;
	(pc) =	sbr.ind lr, $3  }
0x3a: {  	_ = 	snop  }
0x3b: {  	_ = 	snop  }
0x3c: {  	p2 =	seq.s32 s10, $0x1;
	s10 =	sld [smem:$0x3FB8]  }
0x3d: {  	_ =	shalt  }
0x3e: {  	_ =	shalt  }
0x3f: {  	_ =	shalt  }
0x40: {  	_ =	shalt  }
0x41: {  	_ =	shalt  }
0x42: {  	_ =	shalt  }
0x43: {  	_ =	shalt  }
0x44: {  	_ =	shalt  }
0x45: {  	_ =	shalt  }
0x46: {  	_ =	shalt  }
0x47: {  	_ =	shalt  }
0x48: {  	_ =	shalt  }
0x49: {  	_ =	shalt  }
0x4a: {  	_ =	shalt  }
0x4b: {  	_ =	shalt  }
0x4c: {  	_ =	shalt  }
0x4d: {  	_ =	shalt  }
0x4e: {  	_ =	shalt  }
0x4f: {  	_ =	shalt  }
0x50: {  	_ =	shalt  }
0x51: {  	_ =	shalt  }
0x52: {  	_ =	shalt  }
0x53: {  	_ =	shalt  }
0x54: {  	_ =	shalt  }
0x55: {  	_ =	shalt  }
0x56: {  	_ =	shalt  }
0x57: {  	_ =	shalt  }
0x58: {  	_ =	shalt  }
0x59: {  	_ =	shalt  }
0x5a: {  	_ =	shalt  }
0x5b: {  	_ =	shalt  }
0x5c: {  	_ =	shalt  }
0x5d: {  	_ =	shalt  }
0x5e: {  	_ =	shalt  }
0x5f: {  	_ =	shalt  }
0x60: {  	_ =	shalt  }
0x61: {  	_ =	shalt  }
0x62: {  	_ =	shalt  }
0x63: {  	_ =	shalt  }
0x64: {  	_ =	shalt  }
0x65: {  	_ =	shalt  }
0x66: {  	_ =	shalt  }
0x67: {  	_ =	shalt  }
0x68: {  	_ =	shalt  }
0x69: {  	_ =	shalt  }
0x6a: {  	_ =	shalt  }
0x6b: {  	_ =	shalt  }
0x6c: {  	_ =	shalt  }
0x6d: {  	_ =	shalt  }
0x6e: {  	_ =	shalt  }
0x6f: {  	_ =	shalt  }
0x70: {  	_ =	shalt  }
0x71: {  	_ =	shalt  }
0x72: {  	_ =	shalt  }
0x73: {  	_ =	shalt  }
0x74: {  	_ =	shalt  }
0x75: {  	_ =	shalt  }
0x76: {  	_ =	shalt  }
0x77: {  	_ =	shalt  }
0x78: {  	_ =	shalt  }
0x79: {  	_ =	shalt  }
0x7a: {  	_ =	shalt  }
0x7b: {  	_ =	shalt  }
0x7c: {  	_ =	shalt  }
0x7d: {  	_ =	shalt  }
0x7e: {  	_ =	shalt  }
0x7f: {  	_ =	shalt  }
0x80: {  	_ =	shalt  }
0x81: {  	_ =	shalt  }
0x82: {  	_ =	shalt  }
0x83: {  	_ =	shalt  }
0x84: {  	_ =	shalt  }
0x85: {  	_ =	shalt  }
0x86: {  	_ =	shalt  }
0x87: {  	_ =	shalt  }
.Lfunc_end0:
.L_simem_size_0:
called_computation_lowered:
.L_overlay_start_0:
0x88: {  	s2 =	sld [smem:$0x3FD9]  }
0x89: {  	s3 =	sld [smem:$0x3FFE];
	_ =	sdelay $0x1  }
0x8a: {  	s1 =	srdreg.scid  }
0x8b: {  	s0 =	sand.u32 $0x1, s1  }
0x8c: {  	s14 =	sshll.u32 s0, $0xA;
	s2 =	sadd.s32 s3, s2  }
0x8d: {  	s2 =	sadd.s32 s2, s14  }
0x8e: {  	[smem:$0x3FC4] =	sst s2  }
0x8f: {  	_ = 	snop  }
0x90: {  	s2 =	sld [smem:$0x3FD0];
	_ =	sdelay $0x2  }
0x91: {  	s4 =	simm.s32 $0xA;
	s5 =	simm.s32 $0x10;
	s15 =	sld [smem:$0x3FC8]  }
0x92: {  	[smem:s5], [sflag:s4] =	dma.local [hbm:s2], $0x1  }
0x93: {  	_ =	swait.eq [sflag:s4], $0x1  }
0x94: {  	[sflag:s4] =	ssyncset.done $0x0  }
0x95: {  	[sflag:s4] =	ssyncadd.s32 $0xFFFFFFFF  }
0x96: {  	s16 =	sld [smem:$0x10];
	(tm) =	ssettm $0x1  }
0x97: {  	s17 =	sld [smem:$0x3FFB];
	_ =	sdelay $0x3  }
0x98: {  	_ =	strace s17  }
0x99: {  	s4 =	sld [smem:$0x3FFC];
	_ =	sdelay $0x3  }
0x9a: {  	_ =	strace s4  }
0x9b: {  	s4 =	sld [smem:$0x3FFD];
	_ =	sdelay $0x3  }
0x9c: {  	_ =	strace s4  }
0x9d: {  	_ =	strace $0x8FFFFFFF  }
0x9e: {  	s18 =	sld [smem:$0x3FDB];
	_ =	sdelay $0x1  }
0x9f: {  	s19 =	simm.s32 $_scs_section_size  }
0xa0: {  	s6 =	simm.s32 $_size__tile_overlayer_lowered;
	s7 =	simm.s32 $_tile_overlayer_lowered  }
0xa1: {  	s22 =	simm.s32 $0x1BFF;
	s21 =	sshll.u32 s7, $0x1;
	s4 =	sadd.s32 s19, s18  }
0xa2: {  	s8 =	simm.s32 $0x0;
	s20 =	sshll.u32 s6, $0x1;
	s6 =	sadd.s32 s21, s4  }
0xa3: {  	[timem:s8], [sflag:s22] =	dma.local [hbm:s6], s20  }
0xa4: {  	_ =	swait.ge [sflag:s22], s20  }
0xa5: {  	s5 =	ssub.s32 $0x0, s20;
	[sflag:s22] =	ssyncset.done $0x0  }
0xa6: {  	[sflag:s22] =	ssyncadd.s32 s5;
	_ =	sdelay $0x1  }
0xa7: {  	s23 =	simm.s32 $0x1B8B  }
0xa8: {  	_ =	swait.ge [sflag:s23], $0x1  }
0xa9: {  	[sflag:s23] =	ssyncset.done $0x0  }
0xaa: {  	s25 =	simm.s32 $0x1B8E;
	s24 =	sld [smem:$0x3FFE];
	[sflag:s23] =	ssyncadd.s32 $0xFFFFFFFF  }
0xab: {  	s26 =	simm.s32 $execute0_lowered;
	[smem:$0x3FD2] =	sst s25  }
0xac: {  	s6 =	sshll.u32 s26, $0x1;
	_ =	strace $0x80000046;
	[dreg:$0x1] =	wrdreg $0xFFFFFFFF  }
0xad: {  	s28 =	simm.s32 $_size_execute0_lowered;
	s4 =	sadd.s32 s4, s6;
	[dreg:$0x0] =	wrdreg $0x0  }
0xae: {  	s6 =	sshll.u32 s28, $0x1;
	[dreg:$0x2] =	wrdreg s4  }
0xaf: {  	[dreg:$0x3] =	wrdreg s6  }
0xb0: {  	[dreg:$0x4] =	wrdreg $0xC0  }
0xb1: {  	_ =	task [dreg:s8], $0x5FFFF  }
0xb2: {  	[dreg:$0x1] =	wrdreg $0xFFFFFFFF  }
0xb3: {  	[dreg:$0x0] =	wrdreg $0x60  }
0xb4: {  	[dreg:$0x2] =	wrdreg s15  }
0xb5: {  	[dreg:$0x3] =	wrdreg s16  }
0xb6: {  	[dreg:$0x4] =	wrdreg s24  }
0xb7: {  	[dreg:$0x5] =	wrdreg $0x9  }
0xb8: {  	_ =	task.clear_ibuf [dreg:s8], $0x6FFFF;
	_ =	strace $0x90000046  }
0xb9: {  	s29 =	simm.s32 $0x9;
	_ =	strace $0x80000048  }
0xba: {  	_ =	swait.ge [sflag:s29], $0x1  }
0xbb: {  	[sflag:s29] =	ssyncadd.s32 $0xFFFFFFFF  }
0xbc: {  	_ =	strace $0x90000048  }
0xbd: {  	_ =	sfence  }
0xbe: {  	s30 =	sld [smem:$0x0];
	_ =	sdelay $0x2  }
0xbf: {  	s31 =	sshll.u32 s1, $0xD;
	s1 =	sshrl.u32 s1, $0x2  }
0xc0: {  	s3 =	sand.u32 $0x4000, s31;
	s1 =	sadd.s32 s1, s30  }
0xc1: {  	s0 =	sor.u32 s3, s0;
	s1 =	sshll.u32 s1, $0x11  }
0xc2: {  	s0 =	sor.u32 s1, s0  }
0xc3: {  	s0 =	sadd.s32 $0x8F2B, s0  }
0xc4: {  	[sflag:s0] =	ssyncadd.remote.s32 $0x1  }
0xc5: {  	_ =	sfence.sel $0xFFFF  }
0xc6: {  	[dreg:$0x0] =	wrdreg $0xFFFFFFFF;
	(pc) =	sbr.abs _section_cstart, $3  }
0xc7: {  	[dreg:$0x1] =	wrdreg $0xFFFFFFFF  }
0xc8: {  	_ =	task.clear_ibuf [dreg:s8], $0x2FFFF;
	_ =	strace $0x9FFFFFFF  }
0xc9: {  	(tm) =	ssettm $0x7FFFFFFF  }
tec
execute0_lowered:
.L_overlay_start_1:
0x0: {  	(tag) =	ssettag $0x1  }
0x1: {  	v0 =	vimm.s32 $0xB80;
	vm14 =	vcmask $0x300  }
0x2: {  	v1 =	vimm.s32 $0x1B80;
	vm13 =	vcmask $0x704;
	vm12 =	vcmask $0xB08  }
0x3: {  	vm11 =	vcmask $0xF0C;
	vm10 =	vcmask $0x1310;
	vm9 =	vcmask $0x1714  }
0x4: {  	vm8 =	vcmask $0x1B18;
	vm7 =	vcmask $0x1F1C;
	vm6 =	vcmask $0x2320  }
0x5: {  	vm5 =	vcmask $0x2724;
	vm4 =	vcmask $0x2B28;
	vm3 =	vcmask $0x2F2C  }
0x6: {  	vm2 =	vcmask $0x3330;
	vm1 =	vcmask $0x3734;
	vm0 =	vcmask $0x3B38  }
0x7: {  	v2 =	vimm.s32 $0x2B80;
	v3 =	vimm.s32 $0x3B80;
	v4 =	vimm.s32 $0xB81  }
0x8: {  	v5 =	vimm.s32 $0x1B81;
	v6 =	vimm.s32 $0x2B81;
	v7 =	vimm.s32 $0x3B81  }
0x9: {  	v0 =	vsel vm14, $0x0, v0;
	v1 =	vsel vm14, $0x1000, v1;
	v2 =	vsel vm14, $0x2000, v2  }
0xa: {  	v3 =	vsel vm14, $0x3000, v3;
	v4 =	vsel vm14, $0x1, v4;
	v5 =	vsel vm14, $0x1001, v5  }
0xb: {  	v6 =	vsel vm14, $0x2001, v6;
	v7 =	vsel vm14, $0x3001, v7;
	v0 =	vsel vm13, $0x80, v0  }
0xc: {  	v1 =	vsel vm13, $0x1080, v1;
	v2 =	vsel vm13, $0x2080, v2;
	v3 =	vsel vm13, $0x3080, v3  }
0xd: {  	v4 =	vsel vm13, $0x81, v4;
	v5 =	vsel vm13, $0x1081, v5;
	v6 =	vsel vm13, $0x2081, v6  }
0xe: {  	v7 =	vsel vm13, $0x3081, v7;
	v0 =	vsel vm12, $0x100, v0;
	v1 =	vsel vm12, $0x1100, v1  }
0xf: {  	v2 =	vsel vm12, $0x2100, v2;
	v3 =	vsel vm12, $0x3100, v3;
	v4 =	vsel vm12, $0x101, v4  }
0x10: {  	v5 =	vsel vm12, $0x1101, v5;
	v6 =	vsel vm12, $0x2101, v6;
	v7 =	vsel vm12, $0x3101, v7  }
0x11: {  	v0 =	vsel vm11, $0x180, v0;
	v1 =	vsel vm11, $0x1180, v1;
	v2 =	vsel vm11, $0x2180, v2  }
0x12: {  	v3 =	vsel vm11, $0x3180, v3;
	v4 =	vsel vm11, $0x181, v4;
	v5 =	vsel vm11, $0x1181, v5  }
0x13: {  	v6 =	vsel vm11, $0x2181, v6;
	v7 =	vsel vm11, $0x3181, v7;
	v0 =	vsel vm10, $0x200, v0  }
0x14: {  	v1 =	vsel vm10, $0x1200, v1;
	v2 =	vsel vm10, $0x2200, v2;
	v3 =	vsel vm10, $0x3200, v3  }
0x15: {  	v4 =	vsel vm10, $0x201, v4;
	v5 =	vsel vm10, $0x1201, v5;
	v6 =	vsel vm10, $0x2201, v6  }
0x16: {  	v7 =	vsel vm10, $0x3201, v7;
	v0 =	vsel vm9, $0x280, v0;
	v1 =	vsel vm9, $0x1280, v1  }
0x17: {  	v2 =	vsel vm9, $0x2280, v2;
	v3 =	vsel vm9, $0x3280, v3;
	v4 =	vsel vm9, $0x281, v4  }
0x18: {  	v5 =	vsel vm9, $0x1281, v5;
	v6 =	vsel vm9, $0x2281, v6;
	v7 =	vsel vm9, $0x3281, v7  }
0x19: {  	v0 =	vsel vm8, $0x300, v0;
	v1 =	vsel vm8, $0x1300, v1;
	v2 =	vsel vm8, $0x2300, v2  }
0x1a: {  	v3 =	vsel vm8, $0x3300, v3;
	v4 =	vsel vm8, $0x301, v4;
	v5 =	vsel vm8, $0x1301, v5  }
0x1b: {  	v6 =	vsel vm8, $0x2301, v6;
	v7 =	vsel vm8, $0x3301, v7;
	v0 =	vsel vm7, $0x380, v0  }
0x1c: {  	s0 =	rddreg [dreg:$0x0];
	v1 =	vsel vm7, $0x1380, v1;
	v2 =	vsel vm7, $0x2380, v2;
	v3 =	vsel vm7, $0x3380, v3  }
0x1d: {  	s1 =	rddreg [dreg:$0x2];
	v4 =	vsel vm7, $0x381, v4;
	v5 =	vsel vm7, $0x1381, v5;
	v6 =	vsel vm7, $0x2381, v6  }
0x1e: {  	s2 =	srdreg.scid;
	s10 =	stileid.u32;
	s4 =	simm.s32 $0x0;
	v7 =	vsel vm7, $0x3381, v7;
	v0 =	vsel vm6, $0x800, v0;
	v1 =	vsel vm6, $0x1800, v1  }
0x1f: {  	s8 =	simm.s32 $0x3E;
	s31 =	simm.s32 $0x4000;
	s28 =	simm.s32 $0x8000;
	v2 =	vsel vm6, $0x2800, v2;
	v3 =	vsel vm6, $0x3800, v3;
	v4 =	vsel vm6, $0x801, v4  }
0x20: {  	s29 =	simm.s32 $0x2;
	s17 =	simm.s32 $0xC000;
	s2 =	sand.u32 $0x1, s2;
	v5 =	vsel vm6, $0x1801, v5;
	v6 =	vsel vm6, $0x2801, v6;
	v7 =	vsel vm6, $0x3801, v7  }
0x21: {  	s3 =	sshll.u32 s10, $0x1;
	[smem:$0x7FF] =	sst s4;
	s5 =	sadd.s32 $0xC00, s1;
	v0 =	vsel vm5, $0x880, v0;
	v1 =	vsel vm5, $0x1880, v1;
	v2 =	vsel vm5, $0x2880, v2  }
0x22: {  	s1 =	sadd.s32 $0x7A1C00, s1;
	s6 =	ssub.s32 $0x2, s2;
	s2 =	sor.u32 s2, s3;
	v3 =	vsel vm5, $0x3880, v3;
	v4 =	vsel vm5, $0x881, v4;
	v5 =	vsel vm5, $0x1881, v5  }
0x23: {  	p0 =	slt.u32 s10, $0x2;
	_ =	strace $0x80000047;
	s7 =	smul.u32 $0xF4, s2;
	v6 =	vsel vm5, $0x2881, v6;
	v7 =	vsel vm5, $0x3881, v7;
	v0 =	vsel vm4, $0x900, v0  }
0x24: {  	[dreg:$0x4] =	wrdreg s1;
	s19 =	sshrl.u32 s6, $0x1;
	s20 =	smin.u32 s2, $0x4;
	v1 =	vsel vm4, $0x1900, v1;
	v2 =	vsel vm4, $0x2900, v2;
	v3 =	vsel vm4, $0x3900, v3  }
0x25: {  	s8 =	simm.s32 @!p0 $0x3D;
	s3 =	ssub.s32 s6, s19;
	s6 =	sadd.s32 s20, s7;
	v4 =	vsel vm4, $0x901, v4;
	v5 =	vsel vm4, $0x1901, v5;
	v6 =	vsel vm4, $0x2901, v6  }
0x26: {  	s7 =	simm.s32 $0xF5;
	s26 =	smax.u32 s3, $0x1;
	s20 =	simm.s32 $0x16000;
	v7 =	vsel vm4, $0x3901, v7;
	v0 =	vsel vm3, $0x980, v0;
	v1 =	vsel vm3, $0x1980, v1  }
0x27: {  	s7 =	simm.s32 @!p0 $0xF4;
	s9 =	sshll.u32 s6, $0x7;
	p0 =	sne.s32 s2, $0x0;
	v2 =	vsel vm3, $0x2980, v2;
	v3 =	vsel vm3, $0x3980, v3;
	v4 =	vsel vm3, $0x981, v4  }
0x28: {  	[dreg:$0xc] =	wrdreg s26;
	s9 =	sadd.s32 s0, s9;
	s1 =	sshll.u32 @!p0 s10, $0x6;
	v5 =	vsel vm3, $0x1981, v5;
	v6 =	vsel vm3, $0x2981, v6;
	v7 =	vsel vm3, $0x3981, v7  }
0x29: {  	s2 =	simm.s32 $0x3;
	s1 =	sor.u32 @!p0 $0x1C09, s1;
	[dreg:$0x5] =	wrdreg s9;
	v0 =	vsel vm2, $0xA00, v0;
	v1 =	vsel vm2, $0x1A00, v1;
	v2 =	vsel vm2, $0x2A00, v2  }
0x2a: {  	s11 =	sadd.s32 $0xFFFFFFFD, s7;
	s21 =	sadd.s32 $0xF4280, s9;
	[dreg:$0x6] =	wrdreg s1;
	v3 =	vsel vm2, $0x3A00, v3;
	v4 =	vsel vm2, $0xA01, v4;
	v5 =	vsel vm2, $0x1A01, v5  }
0x2b: {  	s12 =	sadd.s32 $0xFFFFFFFC, s7;
	s22 =	sadd.s32 $0x80, s9;
	[dreg:$0x7] =	wrdreg s21;
	v6 =	vsel vm2, $0x2A01, v6;
	v7 =	vsel vm2, $0x3A01, v7;
	v0 =	vsel vm1, $0xA80, v0  }
.Ltmp0:
0x2c: {  	s23 =	sadd.s32 $0x1E8500, s9;
	[dreg:$0x8] =	wrdreg s22;
	v1 =	vsel vm1, $0x1A80, v1;
	v2 =	vsel vm1, $0x2A80, v2;
	v3 =	vsel vm1, $0x3A80, v3;
	(pc) =	sbr.rel .LBB2_1-.Ltmp0, $4  }
0x2d: {  	s13 =	sadd.s32 $0xFFFFFFFB, s7;
	s24 =	sadd.s32 $0x100, s9;
	[dreg:$0x9] =	wrdreg s23;
	v4 =	vsel vm1, $0xA81, v4;
	v5 =	vsel vm1, $0x1A81, v5;
	v6 =	vsel vm1, $0x2A81, v6  }
0x2e: {  	s14 =	sadd.s32 $0xFFFFFFFA, s7;
	s25 =	sadd.s32 $0x2DC780, s9;
	[dreg:$0xa] =	wrdreg s24;
	v7 =	vsel vm1, $0x3A81, v7;
	v0 =	vsel vm0, $0xB00, v0;
	v1 =	vsel vm0, $0x1B00, v1  }
0x2f: {  	s10 =	simm.s32 $0x0;
	s30 =	sadd.s32 $0x3D0A00, s9;
	[dreg:$0xb] =	wrdreg s25;
	v2 =	vsel vm0, $0x2B00, v2;
	v3 =	vsel vm0, $0x3B00, v3;
	v4 =	vsel vm0, $0xB01, v4  }
0x30: {  	[dreg:$0xd] =	wrdreg s30;
	s23 =	simm.s32 $0x1;
	s1 =	simm.s32 $0x4;
	v5 =	vsel vm0, $0x1B01, v5;
	v6 =	vsel vm0, $0x2B01, v6;
	v7 =	vsel vm0, $0x3B01, v7  }
.LBB2_19:
0x31: {  	s3 =	simm.s32 $0x5  }
0x32: {  	_ =	swait.ge [sflag:s3], $0x2000  }
0x33: {  	[sflag:s3] =	ssyncset.done $0x0  }
0x34: {  	s25 =	simm.s32 $0x6;
	[sflag:s3] =	ssyncadd.s32 $0xFFFFE000  }
0x35: {  	_ =	swait.ge [sflag:s25], $0x2000  }
0x36: {  	[sflag:s25] =	ssyncset.done $0x0  }
0x37: {  	s26 =	simm.s32 $0x7;
	[sflag:s25] =	ssyncadd.s32 $0xFFFFE000  }
0x38: {  	_ =	swait.ge [sflag:s26], $0x2000  }
0x39: {  	[sflag:s26] =	ssyncset.done $0x0  }
0x3a: {  	s9 =	simm.s32 $0x8;
	[sflag:s26] =	ssyncadd.s32 $0xFFFFE000  }
0x3b: {  	_ =	swait.ge [sflag:s9], $0x2000  }
0x3c: {  	s10 =	rddreg [dreg:$0xe]  }
0x3d: {  	s30 =	rddreg [dreg:$0xc];
	s10 =	sadd.s32 $0x1, s10  }
0x3e: {  	p1 =	sne.s32 s10, s30  }
.Ltmp1:
0x3f: {  	_ = 	snop;
	(pc) =	sbr.rel @!p1 .LBB2_20-.Ltmp1, $3  }
0x40: {  	_ =	sdelay $0x1  }
0x41: {  	[sflag:s9] =	ssyncset.done $0x0  }
0x42: {  	[sflag:s9] =	ssyncadd.s32 $0xFFFFE000  }
.LBB2_1:
0x43: {  	[dreg:$0xe] =	wrdreg s10  }
0x44: {  	s3 =	rddreg [dreg:$0x1]  }
0x45: {  	s9 =	rddreg [dreg:$0x4]  }
0x46: {  	s10 =	rddreg [dreg:$0x6]  }
0x47: {  	[hbm:s9], [sflag:s10] =	dma.local @!p0 [hbm:s3], $0x200  }
0x48: {  	s3 =	simm.s32 @!p0 $0x9  }
0x49: {  	_ =	swait.ge @!p0 [sflag:s3], $0x200  }
0x4a: {  	[sflag:s3] =	ssyncset.done @!p0 $0x0  }
0x4b: {  	s9 =	rddreg [dreg:$0x5];
	[sflag:s3] =	ssyncadd.s32 @!p0 $0xFFFFFE00  }
0x4c: {  	[tilespmem:s4], [sflag:$0x1] =	stream.linear.gather [hbm4b:s9+s4], $0x400, $0x38;
	[tilespmem:$0x18000] =	vst v63  }
0x4d: {  	s30 =	simm.s32 $0x800;
	s26 =	rddreg [dreg:$0x7]  }
0x4e: {  	[tilespmem:s30], [sflag:$0x1] =	stream.linear.gather [hbm4b:s26+s4], $0x400, $0x38;
	[tilespmem:$0x18000] =	vst v63  }
0x4f: {  	s16 =	simm.s32 $0x1000;
	s15 =	rddreg [dreg:$0x9]  }
0x50: {  	[tilespmem:s16], [sflag:$0x1] =	stream.linear.gather [hbm4b:s15+s4], $0x400, $0x38;
	[tilespmem:$0x18000] =	vst v63  }
0x51: {  	s19 =	simm.s32 $0x1800;
	s18 =	rddreg [dreg:$0xb]  }
0x52: {  	[tilespmem:s19], [sflag:$0x1] =	stream.linear.gather [hbm4b:s18+s4], $0x400, $0x38;
	[tilespmem:$0x18000] =	vst v63  }
0x53: {  	s22 =	simm.s32 $0x2000;
	s21 =	rddreg [dreg:$0xd]  }
0x54: {  	[tilespmem:s22], [sflag:$0x1] =	stream.linear.gather [hbm4b:s21+s4], $0x400, $0x38;
	[tilespmem:$0x18000] =	vst v63  }
0x55: {  	s25 =	simm.s32 $0x2800;
	s24 =	sadd.s32 $0x4C4C80, s9  }
0x56: {  	[tilespmem:s25], [sflag:$0x1] =	stream.linear.gather [hbm4b:s24+s4], $0x400, $0x38;
	[tilespmem:$0x18000] =	vst v63  }
0x57: {  	s26 =	sadd.s32 $0x5B8F00, s9;
	s30 =	simm.s32 $0x3000  }
0x58: {  	[tilespmem:s30], [sflag:$0x1] =	stream.linear.gather [hbm4b:s26+s4], $0x400, $0x38;
	[tilespmem:$0x18000] =	vst v63  }
0x59: {  	s15 =	sadd.s32 $0x6AD180, s9;
	s16 =	simm.s32 $0x3800  }
0x5a: {  	[tilespmem:s16], [sflag:$0x1] =	stream.linear.gather [hbm4b:s15+s4], $0x400, $0x38;
	[tilespmem:$0x18000] =	vst v63  }
0x5b: {  	s9 =	rddreg [dreg:$0x8]  }
0x5c: {  	[tilespmem:s31], [sflag:$0x2] =	stream.linear.gather [hbm4b:s9+s4], $0x400, $0x38;
	[tilespmem:$0x18000] =	vst v63  }
0x5d: {  	s18 =	sadd.s32 $0xF4280, s9;
	s19 =	simm.s32 $0x4800  }
0x5e: {  	[tilespmem:s19], [sflag:$0x2] =	stream.linear.gather [hbm4b:s18+s4], $0x400, $0x38;
	[tilespmem:$0x18000] =	vst v63  }
0x5f: {  	s21 =	sadd.s32 $0x1E8500, s9;
	s22 =	simm.s32 $0x5000  }
0x60: {  	[tilespmem:s22], [sflag:$0x2] =	stream.linear.gather [hbm4b:s21+s4], $0x400, $0x38;
	[tilespmem:$0x18000] =	vst v63  }
0x61: {  	s24 =	sadd.s32 $0x2DC780, s9;
	s25 =	simm.s32 $0x5800  }
0x62: {  	[tilespmem:s25], [sflag:$0x2] =	stream.linear.gather [hbm4b:s24+s4], $0x400, $0x38;
	[tilespmem:$0x18000] =	vst v63  }
0x63: {  	s26 =	sadd.s32 $0x3D0A00, s9;
	s30 =	simm.s32 $0x6000  }
0x64: {  	[tilespmem:s30], [sflag:$0x2] =	stream.linear.gather [hbm4b:s26+s4], $0x400, $0x38;
	[tilespmem:$0x18000] =	vst v63  }
0x65: {  	s15 =	sadd.s32 $0x4C4C80, s9;
	s16 =	simm.s32 $0x6800  }
0x66: {  	[tilespmem:s16], [sflag:$0x2] =	stream.linear.gather [hbm4b:s15+s4], $0x400, $0x38;
	[tilespmem:$0x18000] =	vst v63  }
0x67: {  	s18 =	sadd.s32 $0x5B8F00, s9;
	s19 =	simm.s32 $0x7000  }
0x68: {  	[tilespmem:s19], [sflag:$0x2] =	stream.linear.gather [hbm4b:s18+s4], $0x400, $0x38;
	[tilespmem:$0x18000] =	vst v63  }
0x69: {  	s21 =	sadd.s32 $0x6AD180, s9;
	s22 =	simm.s32 $0x7800  }
0x6a: {  	[tilespmem:s22], [sflag:$0x2] =	stream.linear.gather [hbm4b:s21+s4], $0x400, $0x38;
	[tilespmem:$0x18000] =	vst v63  }
0x6b: {  	s9 =	rddreg [dreg:$0xa]  }
0x6c: {  	[tilespmem:s28], [sflag:$0x3] =	stream.linear.gather [hbm4b:s9+s4], $0x400, $0x38;
	[tilespmem:$0x18000] =	vst v63  }
0x6d: {  	s24 =	sadd.s32 $0xF4280, s9;
	s25 =	simm.s32 $0x8800  }
0x6e: {  	[tilespmem:s25], [sflag:$0x3] =	stream.linear.gather [hbm4b:s24+s4], $0x400, $0x38;
	[tilespmem:$0x18000] =	vst v63  }
0x6f: {  	s26 =	sadd.s32 $0x1E8500, s9;
	s30 =	simm.s32 $0x9000  }
0x70: {  	[tilespmem:s30], [sflag:$0x3] =	stream.linear.gather [hbm4b:s26+s4], $0x400, $0x38;
	[tilespmem:$0x18000] =	vst v63  }
0x71: {  	s15 =	sadd.s32 $0x2DC780, s9;
	s16 =	simm.s32 $0x9800  }
0x72: {  	[tilespmem:s16], [sflag:$0x3] =	stream.linear.gather [hbm4b:s15+s4], $0x400, $0x38;
	[tilespmem:$0x18000] =	vst v63  }
0x73: {  	s18 =	sadd.s32 $0x3D0A00, s9;
	s19 =	simm.s32 $0xA000  }
0x74: {  	[tilespmem:s19], [sflag:$0x3] =	stream.linear.gather [hbm4b:s18+s4], $0x400, $0x38;
	[tilespmem:$0x18000] =	vst v63  }
0x75: {  	s21 =	sadd.s32 $0x4C4C80, s9;
	s22 =	simm.s32 $0xA800  }
0x76: {  	[tilespmem:s22], [sflag:$0x3] =	stream.linear.gather [hbm4b:s21+s4], $0x400, $0x38;
	[tilespmem:$0x18000] =	vst v63  }
.Ltmp2:
0x77: {  	_ = 	snop;
	(pc) =	sbr.rel .LBB2_2-.Ltmp2, $4  }
0x78: {  	s24 =	sadd.s32 $0x5B8F00, s9;
	s25 =	simm.s32 $0xB000  }
0x79: {  	[tilespmem:s25], [sflag:$0x3] =	stream.linear.gather [hbm4b:s24+s4], $0x400, $0x38;
	[tilespmem:$0x18000] =	vst v63  }
0x7a: {  	s26 =	sadd.s32 $0x6AD180, s9;
	s30 =	simm.s32 $0xB800;
	s24 =	simm.s32 $0x0  }
0x7b: {  	[tilespmem:s30], [sflag:$0x3] =	stream.linear.gather [hbm4b:s26+s4], $0x400, $0x38;
	[tilespmem:$0x18000] =	vst v63  }
.LBB2_18:
0x7c: {  	s24 =	sadd.s32 $0x1, s24  }
0x7d: {  	p1 =	sne.s32 s24, s8  }
.Ltmp3:
0x7e: {  	_ = 	snop;
	(pc) =	sbr.rel @!p1 .LBB2_19-.Ltmp3, $1  }
0x7f: {  	_ =	sdelay $0x3  }
.LBB2_2:
0x80: {  	s25 =	sshll.u32 s24, $0x2  }
0x81: {  	p1 =	sge.u32 s25, s7  }
.Ltmp4:
0x82: {  	_ = 	snop;
	(pc) =	sbr.rel @p1 .LBB2_6-.Ltmp4, $1  }
0x83: {  	_ =	sdelay $0x3  }
0x84: {  	s9 =	sadd.s32 s6, s25;
	p1 =	sge.u32 s25, s11  }
0x85: {  	s3 =	sshll.u32 @!p1 s9, $0x7  }
0x86: {  	_ =	swait.ge [sflag:s23], $0x2000;
	s3 =	sand.u32 @!p1 $0x1FFFFF80, s3  }
0x87: {  	[sflag:s23] =	ssyncset.done $0x0;
	s15 =	simm.s32 @!p1 $0x0;
	s3 =	sadd.s32 @!p1 s0, s3  }
0x88: {  	s16 =	simm.s32 @!p1 $0xC000;
	[sflag:s23] =	ssyncadd.s32 $0xFFFFE000;
	s10 =	sadd.s32 @!p1 $0x180, s3  }
0x89: {  	[tilespmem:s16], [sflag:$0x4] =	stream.linear.gather @!p1 [hbm4b:s10+s15], $0x400, $0x38;
	[tilespmem:$0x18000] =	vst v63  }
0x8a: {  	s10 =	sadd.s32 @!p1 $0xF4400, s3;
	s16 =	simm.s32 @!p1 $0xC800  }
0x8b: {  	[tilespmem:s16], [sflag:$0x4] =	stream.linear.gather @!p1 [hbm4b:s10+s15], $0x400, $0x38;
	[tilespmem:$0x18000] =	vst v63  }
0x8c: {  	s10 =	sadd.s32 @!p1 $0x1E8680, s3;
	s16 =	simm.s32 @!p1 $0xD000  }
0x8d: {  	[tilespmem:s16], [sflag:$0x4] =	stream.linear.gather @!p1 [hbm4b:s10+s15], $0x400, $0x38;
	[tilespmem:$0x18000] =	vst v63  }
0x8e: {  	s10 =	sadd.s32 @!p1 $0x2DC900, s3;
	s16 =	simm.s32 @!p1 $0xD800  }
0x8f: {  	[tilespmem:s16], [sflag:$0x4] =	stream.linear.gather @!p1 [hbm4b:s10+s15], $0x400, $0x38;
	[tilespmem:$0x18000] =	vst v63  }
0x90: {  	s10 =	sadd.s32 @!p1 $0x3D0B80, s3;
	s16 =	simm.s32 @!p1 $0xE000  }
0x91: {  	[tilespmem:s16], [sflag:$0x4] =	stream.linear.gather @!p1 [hbm4b:s10+s15], $0x400, $0x38;
	[tilespmem:$0x18000] =	vst v63  }
0x92: {  	s10 =	sadd.s32 @!p1 $0x4C4E00, s3;
	s16 =	simm.s32 @!p1 $0xE800  }
0x93: {  	[tilespmem:s16], [sflag:$0x4] =	stream.linear.gather @!p1 [hbm4b:s10+s15], $0x400, $0x38;
	[tilespmem:$0x18000] =	vst v63  }
0x94: {  	s10 =	sadd.s32 @!p1 $0x5B9080, s3;
	s16 =	simm.s32 @!p1 $0xF000  }
0x95: {  	[tilespmem:s16], [sflag:$0x4] =	stream.linear.gather @!p1 [hbm4b:s10+s15], $0x400, $0x38;
	[tilespmem:$0x18000] =	vst v63  }
0x96: {  	s26 =	simm.s32 $0xE;
	s3 =	sadd.s32 @!p1 $0x6AD300, s3;
	s10 =	simm.s32 @!p1 $0xF800  }
0x97: {  	[tilespmem:s10], [sflag:$0x4] =	stream.linear.gather @!p1 [hbm4b:s3+s15], $0x400, $0x38;
	[tilespmem:$0x18000] =	vst v63  }
0x98: {  	v8 =	vor.u32 s26, v0;
	p1 =	seq.s32 s25, $0x0  }
0x99: {  	v9 =	vor.u32 s26, v1;
	s10 =	simm.s32 @!p1 $0x5  }
0x9a: {  	v10 =	vor.u32 s26, v2;
	_ =	swait.ge @!p1 [sflag:s10], $0x2000  }
0x9b: {  	s18 =	simm.s32 $0x2;
	v11 =	vor.u32 s26, v3;
	[sflag:s10] =	ssyncset.done @!p1 $0x0  }
0x9c: {  	v12 =	vor.u32 s18, v0;
	[sflag:s10] =	ssyncadd.s32 @!p1 $0xFFFFE000  }
0x9d: {  	v13 =	vor.u32 s18, v1;
	v8 =	vld.idx.msk [tilespmem:v8+s4+$0x0], $0xffff  }
0x9e: {  	v14 =	vor.u32 s18, v2;
	v9 =	vld.idx.msk [tilespmem:v9+s4+$0x0], $0xffff  }
0x9f: {  	v15 =	vor.u32 s18, v3;
	s16 =	simm.s32 $0x4;
	v10 =	vld.idx.msk [tilespmem:v10+s4+$0x0], $0xffff  }
0xa0: {  	v16 =	vor.u32 s16, v0;
	v11 =	vld.idx.msk [tilespmem:v11+s4+$0x0], $0xffff  }
0xa1: {  	v17 =	vor.u32 s16, v1;
	v12 =	vld.idx.msk [tilespmem:v12+s4+$0x0], $0xffff  }
0xa2: {  	v19 =	vor.u32 s16, v2;
	s15 =	simm.s32 $0x10200;
	v13 =	vld.idx.msk [tilespmem:v13+s4+$0x0], $0xffff  }
0xa3: {  	v18 =	vor.u32 s26, v7;
	v14 =	vld.idx.msk [tilespmem:v14+s4+$0x0], $0xffff;
	[tilespmem:s15+$0x180] =	vst v8  }
0xa4: {  	s30 =	simm.s32 $0x6;
	v15 =	vld.idx.msk [tilespmem:v15+s4+$0x0], $0xffff;
	v8 =	vor.u32 s16, v3;
	[tilespmem:s15+$0x190] =	vst v9  }
0xa5: {  	v16 =	vld.idx.msk [tilespmem:v16+s4+$0x0], $0xffff;
	v9 =	vor.u32 s30, v0;
	[tilespmem:s15+$0x1A0] =	vst v10  }
0xa6: {  	v10 =	vld.idx.msk [tilespmem:v17+s4+$0x0], $0xffff;
	[tilespmem:s15+$0x1B0] =	vst v11;
	v11 =	vor.u32 s26, v4  }
0xa7: {  	v17 =	vor.u32 s26, v5;
	[tilespmem:s15+$0xFFFFFE80] =	vst v12;
	v12 =	vld.idx.msk [tilespmem:v19+s4+$0x0], $0xffff  }
0xa8: {  	v19 =	vor.u32 s26, v6;
	v18 =	vld.idx.msk [tilespmem:v18+s4+$0x0], $0xffff  }
0xa9: {  	[tilespmem:s15+$0xFFFFFE90] =	vst v13;
	v13 =	vor.u32 s30, v2;
	v8 =	vld.idx.msk [tilespmem:v8+s4+$0x0], $0xffff  }
0xaa: {  	v20 =	vor.u32 s30, v1;
	[tilespmem:s15+$0xFFFFFEA0] =	vst v14;
	v9 =	vld.idx.msk [tilespmem:v9+s4+$0x0], $0xffff  }
0xab: {  	s19 =	simm.s32 $0x0;
	v14 =	vor.u32 s30, v3;
	[tilespmem:s15+$0xFFFFFEB0] =	vst v15;
	v11 =	vld.idx.msk [tilespmem:v11+s4+$0x0], $0xffff  }
0xac: {  	s21 =	simm.s32 $0x8;
	v15 =	vor.u32 s19, v1;
	[tilespmem:s15+$0xFFFFFF00] =	vst v16;
	v16 =	vld.idx.msk [tilespmem:v17+s4+$0x0], $0xffff  }
0xad: {  	v17 =	vor.u32 s21, v0;
	[tilespmem:s15+$0xFFFFFF10] =	vst v10;
	v10 =	vld.idx.msk [tilespmem:v19+s4+$0x0], $0xffff  }
0xae: {  	v19 =	vor.u32 s21, v1;
	[tilespmem:s15+$0xFFFFFF20] =	vst v12;
	v12 =	vld.idx.msk [tilespmem:v13+s4+$0x0], $0xffff  }
0xaf: {  	v13 =	vor.u32 s21, v3;
	[tilespmem:s15+$0x1F0] =	vst v18;
	v18 =	vld.idx.msk [tilespmem:v20+s4+$0x0], $0xffff  }
0xb0: {  	s22 =	simm.s32 $0xA;
	v20 =	vor.u32 s21, v2;
	[tilespmem:s15+$0xFFFFFF30] =	vst v8;
	v8 =	vld.idx.msk [tilespmem:v14+s4+$0x0], $0xffff  }
0xb1: {  	v14 =	vld.idx.msk [tilespmem:v15+s4+$0x0], $0xffff;
	v15 =	vor.u32 s22, v0;
	[tilespmem:s15+$0xFFFFFF80] =	vst v9  }
0xb2: {  	v9 =	vor.u32 s22, v1;
	v17 =	vld.idx.msk [tilespmem:v17+s4+$0x0], $0xffff;
	[tilespmem:s15+$0x1C0] =	vst v11  }
0xb3: {  	v11 =	vor.u32 s22, v2;
	v19 =	vld.idx.msk [tilespmem:v19+s4+$0x0], $0xffff;
	[tilespmem:s15+$0x1D0] =	vst v16  }
0xb4: {  	s26 =	simm.s32 $0xC;
	v16 =	vor.u32 s22, v3;
	[tilespmem:s15+$0x1E0] =	vst v10;
	v13 =	vld.idx.msk [tilespmem:v13+s4+$0x0], $0xffff  }
0xb5: {  	v10 =	vor.u32 s26, v0;
	[tilespmem:s15+$0xFFFFFFA0] =	vst v12;
	v20 =	vld.idx.msk [tilespmem:v20+s4+$0x0], $0xffff  }
0xb6: {  	[tilespmem:s15+$0xFFFFFF90] =	vst v18;
	v18 =	vor.u32 s26, v1;
	v12 =	vld.idx.msk [tilespmem:v15+s4+$0x0], $0xffff  }
0xb7: {  	v15 =	vor.u32 s26, v2;
	[tilespmem:s15+$0xFFFFFFB0] =	vst v8;
	v8 =	vld.idx.msk [tilespmem:v9+s4+$0x0], $0xffff  }
0xb8: {  	v9 =	vor.u32 s26, v3;
	[tilespmem:s15+$0x0] =	vst v17;
	v11 =	vld.idx.msk [tilespmem:v11+s4+$0x0], $0xffff  }
0xb9: {  	v17 =	vor.u32 s19, v0;
	[tilespmem:s15+$0x10] =	vst v19;
	v16 =	vld.idx.msk [tilespmem:v16+s4+$0x0], $0xffff  }
0xba: {  	v19 =	vor.u32 s19, v2;
	v10 =	vld.idx.msk [tilespmem:v10+s4+$0x0], $0xffff;
	[tilespmem:s15+$0x30] =	vst v13  }
0xbb: {  	[tilespmem:s15+$0x20] =	vst v20;
	v20 =	vor.u32 s19, v3;
	v13 =	vld.idx.msk [tilespmem:v18+s4+$0x0], $0xffff  }
0xbc: {  	v18 =	vor.u32 s18, v4;
	[tilespmem:s15+$0x80] =	vst v12;
	v12 =	vld.idx.msk [tilespmem:v15+s4+$0x0], $0xffff  }
0xbd: {  	v15 =	vor.u32 s18, v5;
	[tilespmem:s15+$0x90] =	vst v8;
	v8 =	vld.idx.msk [tilespmem:v9+s4+$0x0], $0xffff  }
0xbe: {  	v9 =	vor.u32 s18, v6;
	v17 =	vld.idx.msk [tilespmem:v17+s4+$0x0], $0xffff;
	[tilespmem:s15+$0xA0] =	vst v11  }
0xbf: {  	v11 =	vor.u32 s18, v7;
	v19 =	vld.idx.msk [tilespmem:v19+s4+$0x0], $0xffff;
	[tilespmem:s15+$0xB0] =	vst v16  }
0xc0: {  	v16 =	vor.u32 s16, v4;
	[tilespmem:s15+$0x100] =	vst v10;
	v20 =	vld.idx.msk [tilespmem:v20+s4+$0x0], $0xffff  }
0xc1: {  	v10 =	vor.u32 s16, v5;
	v18 =	vld.idx.msk [tilespmem:v18+s4+$0x0], $0xffff;
	[tilespmem:s15+$0x110] =	vst v13  }
0xc2: {  	v13 =	vor.u32 s16, v6;
	[tilespmem:s15+$0xFFFFFE10] =	vst v14;
	v15 =	vld.idx.msk [tilespmem:v15+s4+$0x0], $0xffff  }
0xc3: {  	[tilespmem:s15+$0x120] =	vst v12;
	v12 =	vor.u32 s16, v7;
	v9 =	vld.idx.msk [tilespmem:v9+s4+$0x0], $0xffff  }
0xc4: {  	[tilespmem:s15+$0x130] =	vst v8;
	v8 =	vor.u32 s30, v4;
	v11 =	vld.idx.msk [tilespmem:v11+s4+$0x0], $0xffff  }
0xc5: {  	[tilespmem:s15+$0xFFFFFE00] =	vst v17;
	v17 =	vor.u32 s30, v5;
	v14 =	vld.idx.msk [tilespmem:v16+s4+$0x0], $0xffff  }
0xc6: {  	v16 =	vor.u32 s30, v6;
	[tilespmem:s15+$0xFFFFFE20] =	vst v19;
	v10 =	vld.idx.msk [tilespmem:v10+s4+$0x0], $0xffff  }
0xc7: {  	v19 =	vor.u32 s30, v7;
	[tilespmem:s15+$0xFFFFFE30] =	vst v20;
	v13 =	vld.idx.msk [tilespmem:v13+s4+$0x0], $0xffff  }
0xc8: {  	v20 =	vor.u32 s21, v4;
	[tilespmem:s15+$0xFFFFFEC0] =	vst v18;
	v12 =	vld.idx.msk [tilespmem:v12+s4+$0x0], $0xffff  }
0xc9: {  	v18 =	vor.u32 s21, v5;
	[tilespmem:s15+$0xFFFFFED0] =	vst v15;
	v8 =	vld.idx.msk [tilespmem:v8+s4+$0x0], $0xffff  }
0xca: {  	v15 =	vor.u32 s21, v6;
	[tilespmem:s15+$0xFFFFFEE0] =	vst v9;
	v9 =	vld.idx.msk [tilespmem:v17+s4+$0x0], $0xffff  }
0xcb: {  	v17 =	vor.u32 s21, v7;
	[tilespmem:s15+$0xFFFFFEF0] =	vst v11;
	v11 =	vld.idx.msk [tilespmem:v16+s4+$0x0], $0xffff  }
0xcc: {  	v16 =	vor.u32 s22, v4;
	[tilespmem:s15+$0xFFFFFF40] =	vst v14;
	v14 =	vld.idx.msk [tilespmem:v19+s4+$0x0], $0xffff  }
0xcd: {  	v19 =	vor.u32 s22, v5;
	[tilespmem:s15+$0xFFFFFF50] =	vst v10;
	v10 =	vld.idx.msk [tilespmem:v20+s4+$0x0], $0xffff  }
0xce: {  	v20 =	vor.u32 s22, v6;
	[tilespmem:s15+$0xFFFFFF60] =	vst v13;
	v13 =	vld.idx.msk [tilespmem:v18+s4+$0x0], $0xffff  }
0xcf: {  	v18 =	vor.u32 s22, v7;
	[tilespmem:s15+$0xFFFFFF70] =	vst v12;
	v12 =	vld.idx.msk [tilespmem:v15+s4+$0x0], $0xffff  }
0xd0: {  	v15 =	vor.u32 s26, v4;
	[tilespmem:s15+$0xFFFFFFC0] =	vst v8;
	v8 =	vld.idx.msk [tilespmem:v17+s4+$0x0], $0xffff  }
0xd1: {  	v22 =	vor.u32 s26, v5;
	[tilespmem:s15+$0xFFFFFFD0] =	vst v9;
	v9 =	vld.idx.msk [tilespmem:v16+s4+$0x0], $0xffff  }
0xd2: {  	v16 =	vor.u32 s26, v6;
	[tilespmem:s15+$0xFFFFFFE0] =	vst v11;
	v21 =	vld.idx.msk [tilespmem:v19+s4+$0x0], $0xffff  }
0xd3: {  	v23 =	vor.u32 s26, v7;
	[tilespmem:s15+$0xFFFFFFF0] =	vst v14;
	v19 =	vld.idx.msk [tilespmem:v20+s4+$0x0], $0xffff  }
0xd4: {  	v14 =	vor.u32 s19, v4;
	[tilespmem:s15+$0x40] =	vst v10;
	v18 =	vld.idx.msk [tilespmem:v18+s4+$0x0], $0xffff  }
0xd5: {  	[tilespmem:s15+$0x50] =	vst v13;
	v13 =	vor.u32 s19, v5;
	v17 =	vld.idx.msk [tilespmem:v15+s4+$0x0], $0xffff  }
0xd6: {  	v11 =	vor.u32 s19, v6;
	[tilespmem:s15+$0x60] =	vst v12;
	v12 =	vld.idx.msk [tilespmem:v22+s4+$0x0], $0xffff  }
0xd7: {  	v10 =	vor.u32 s19, v7;
	[tilespmem:s15+$0x70] =	vst v8;
	v16 =	vld.idx.msk [tilespmem:v16+s4+$0x0], $0xffff  }
0xd8: {  	s16 =	simm.s32 $0x0;
	s19 =	simm.s32 $0x10;
	[tilespmem:s15+$0xC0] =	vst v9;
	v15 =	vld.idx.msk [tilespmem:v23+s4+$0x0], $0xffff  }
.LBB2_4:
0xd9: {  	v20 =	vor.u32 s19, v1;
	v9 =	vor.u32 s19, v2;
	v8 =	vor.u32 s19, v3;
	s3 =	sadd.s32 $0x2, s19;
	s26 =	sadd.s32 $0x4, s19;
	s10 =	sadd.s32 $0xE, s19;
	v14 =	vld.idx.msk [tilespmem:v14+s4+$0x0], $0xffff;
	[tilespmem:s15+$0xD0] =	vst v21  }
0xda: {  	s30 =	sadd.s32 $0x6, s19;
	s21 =	sadd.s32 $0x8, s19;
	s18 =	sadd.s32 $0xA, s19;
	v21 =	vor.u32 s3, v0;
	v22 =	vor.u32 s3, v1;
	v23 =	vor.u32 s10, v0;
	v13 =	vld.idx.msk [tilespmem:v13+s4+$0x0], $0xffff;
	[tilespmem:s15+$0xE0] =	vst v19  }
0xdb: {  	s22 =	sadd.s32 $0xC, s19;
	v19 =	vor.u32 s3, v2;
	v24 =	vor.u32 s3, v3;
	v25 =	vor.u32 s10, v1;
	v11 =	vld.idx.msk [tilespmem:v11+s4+$0x0], $0xffff;
	[tilespmem:s15+$0xF0] =	vst v18  }
0xdc: {  	s16 =	sadd.s32 $0x8, s16;
	v27 =	vor.u32 s26, v1;
	v26 =	vor.u32 s10, v2;
	v18 =	vor.u32 s26, v0;
	v10 =	vld.idx.msk [tilespmem:v10+s4+$0x0], $0xffff;
	[tilespmem:s15+$0x140] =	vst v17  }
0xdd: {  	v28 =	vor.u32 s26, v3;
	v29 =	vor.u32 s10, v3;
	p1 =	slt.u32 s16, $0x38;
	v17 =	vor.u32 s26, v2;
	[tilespmem:s15+$0x150] =	vst v12  }
0xde: {  	v32 =	vor.u32 s30, v1;
	v33 =	vor.u32 s30, v2;
	v12 =	vld.idx.msk [tilespmem:v20+s4+$0x0], $0xffff;
	v20 =	vor.u32 s30, v0;
	[tilespmem:s15+$0x160] =	vst v16  }
0xdf: {  	v34 =	vor.u32 s30, v3;
	v35 =	vor.u32 s21, v0;
	v36 =	vor.u32 s21, v1;
	v16 =	vld.idx.msk [tilespmem:v23+s4+$0x0], $0xffff;
	[tilespmem:s15+$0x170] =	vst v15  }
0xe0: {  	v37 =	vor.u32 s21, v2;
	v38 =	vor.u32 s21, v3;
	v39 =	vor.u32 s18, v0;
	v15 =	vld.idx.msk [tilespmem:v25+s4+$0x0], $0xffff;
	[tilespmem:s15+$0xFFFFFE40] =	vst v14  }
0xe1: {  	v40 =	vor.u32 s18, v1;
	v41 =	vor.u32 s18, v2;
	v42 =	vor.u32 s18, v3;
	v14 =	vld.idx.msk [tilespmem:v26+s4+$0x0], $0xffff;
	[tilespmem:s15+$0xFFFFFE50] =	vst v13  }
0xe2: {  	v43 =	vor.u32 s22, v0;
	v44 =	vor.u32 s22, v1;
	v45 =	vor.u32 s22, v2;
	v13 =	vld.idx.msk [tilespmem:v29+s4+$0x0], $0xffff;
	[tilespmem:s15+$0xFFFFFE60] =	vst v11  }
0xe3: {  	v46 =	vor.u32 s19, v0;
	v47 =	vor.u32 s3, v4;
	v48 =	vor.u32 s22, v3;
	v11 =	vld.idx.msk [tilespmem:v21+s4+$0x0], $0xffff  }
0xe4: {  	v49 =	vor.u32 s3, v5;
	v50 =	vor.u32 s3, v6;
	v23 =	vor.u32 s10, v7;
	v22 =	vld.idx.msk [tilespmem:v22+s4+$0x0], $0xffff;
	[tilespmem:s15+$0xFFFFFE70] =	vst v10;
	s15 =	sadd.s32 $0x400, s15  }
0xe5: {  	v51 =	vor.u32 s3, v7;
	v52 =	vor.u32 s26, v4;
	v53 =	vor.u32 s26, v5;
	v10 =	vld.idx.msk [tilespmem:v19+s4+$0x0], $0xffff;
	[tilespmem:s15+$0x180] =	vst v16  }
0xe6: {  	v54 =	vor.u32 s26, v6;
	v31 =	vor.u32 s26, v7;
	v29 =	vor.u32 s30, v4;
	v16 =	vld.idx.msk [tilespmem:v24+s4+$0x0], $0xffff;
	[tilespmem:s15+$0x190] =	vst v15  }
0xe7: {  	v30 =	vor.u32 s30, v5;
	v26 =	vor.u32 s30, v6;
	v21 =	vor.u32 s30, v7;
	v55 =	vld.idx.msk [tilespmem:v18+s4+$0x0], $0xffff;
	[tilespmem:s15+$0x1A0] =	vst v14  }
0xe8: {  	v57 =	vor.u32 s10, v4;
	v24 =	vor.u32 s21, v4;
	v18 =	vor.u32 s21, v5;
	v56 =	vld.idx.msk [tilespmem:v27+s4+$0x0], $0xffff;
	[tilespmem:s15+$0x1B0] =	vst v13  }
0xe9: {  	v58 =	vor.u32 s10, v5;
	v25 =	vor.u32 s21, v6;
	v19 =	vor.u32 s21, v7;
	[tilespmem:s15+$0xFFFFFE80] =	vst v11;
	v59 =	vld.idx.msk [tilespmem:v23+s4+$0x0], $0xffff  }
0xea: {  	v61 =	vor.u32 s10, v6;
	v27 =	vor.u32 s18, v4;
	[tilespmem:s15+$0xFFFFFE90] =	vst v22;
	v60 =	vld.idx.msk [tilespmem:v17+s4+$0x0], $0xffff;
	v22 =	vor.u32 s18, v5  }
0xeb: {  	v23 =	vor.u32 s18, v7;
	v17 =	vor.u32 s22, v4;
	[tilespmem:s15+$0xFFFFFEA0] =	vst v10;
	v62 =	vld.idx.msk [tilespmem:v28+s4+$0x0], $0xffff;
	v28 =	vor.u32 s18, v6  }
0xec: {  	v15 =	vor.u32 s22, v7;
	[tilespmem:s15+$0xFFFFFEB0] =	vst v16;
	v63 =	vld.idx.msk [tilespmem:v20+s4+$0x0], $0xffff;
	v20 =	vor.u32 s22, v5;
	v16 =	vor.u32 s22, v6  }
0xed: {  	v14 =	vor.u32 s19, v4;
	v13 =	vor.u32 s19, v5;
	v11 =	vor.u32 s19, v6;
	[tilespmem:s15+$0xFFFFFF00] =	vst v55;
	v55 =	vld.idx.msk [tilespmem:v57+s4+$0x0], $0xffff  }
0xee: {  	v10 =	vor.u32 s19, v7;
	[tilespmem:s15+$0xFFFFFF10] =	vst v56;
	v56 =	vld.idx.msk [tilespmem:v58+s4+$0x0], $0xffff  }
0xef: {  	v57 =	vld.idx.msk [tilespmem:v61+s4+$0x0], $0xffff;
	[tilespmem:s15+$0x1F0] =	vst v59  }
0xf0: {  	[tilespmem:s15+$0xFFFFFF20] =	vst v60;
	v32 =	vld.idx.msk [tilespmem:v32+s4+$0x0], $0xffff  }
0xf1: {  	[tilespmem:s15+$0xFFFFFF30] =	vst v62;
	v33 =	vld.idx.msk [tilespmem:v33+s4+$0x0], $0xffff  }
0xf2: {  	v34 =	vld.idx.msk [tilespmem:v34+s4+$0x0], $0xffff;
	[tilespmem:s15+$0xFFFFFF80] =	vst v63  }
0xf3: {  	v35 =	vld.idx.msk [tilespmem:v35+s4+$0x0], $0xffff;
	[tilespmem:s15+$0x1C0] =	vst v55  }
0xf4: {  	v36 =	vld.idx.msk [tilespmem:v36+s4+$0x0], $0xffff;
	[tilespmem:s15+$0x1D0] =	vst v56  }
0xf5: {  	v37 =	vld.idx.msk [tilespmem:v37+s4+$0x0], $0xffff;
	[tilespmem:s15+$0x1E0] =	vst v57  }
0xf6: {  	[tilespmem:s15+$0xFFFFFF90] =	vst v32;
	v32 =	vld.idx.msk [tilespmem:v38+s4+$0x0], $0xffff  }
0xf7: {  	[tilespmem:s15+$0xFFFFFFA0] =	vst v33;
	v33 =	vld.idx.msk [tilespmem:v39+s4+$0x0], $0xffff  }
0xf8: {  	[tilespmem:s15+$0xFFFFFFB0] =	vst v34;
	v34 =	vld.idx.msk [tilespmem:v40+s4+$0x0], $0xffff  }
0xf9: {  	[tilespmem:s15+$0x0] =	vst v35;
	v35 =	vld.idx.msk [tilespmem:v41+s4+$0x0], $0xffff  }
0xfa: {  	[tilespmem:s15+$0x10] =	vst v36;
	v36 =	vld.idx.msk [tilespmem:v42+s4+$0x0], $0xffff  }
0xfb: {  	[tilespmem:s15+$0x20] =	vst v37;
	v37 =	vld.idx.msk [tilespmem:v43+s4+$0x0], $0xffff  }
0xfc: {  	[tilespmem:s15+$0x30] =	vst v32;
	v32 =	vld.idx.msk [tilespmem:v44+s4+$0x0], $0xffff  }
0xfd: {  	[tilespmem:s15+$0x80] =	vst v33;
	v33 =	vld.idx.msk [tilespmem:v45+s4+$0x0], $0xffff  }
0xfe: {  	[tilespmem:s15+$0x90] =	vst v34;
	v34 =	vld.idx.msk [tilespmem:v48+s4+$0x0], $0xffff  }
0xff: {  	v38 =	vld.idx.msk [tilespmem:v46+s4+$0x0], $0xffff;
	[tilespmem:s15+$0xA0] =	vst v35  }
0x100: {  	v9 =	vld.idx.msk [tilespmem:v9+s4+$0x0], $0xffff;
	[tilespmem:s15+$0xB0] =	vst v36  }
0x101: {  	v8 =	vld.idx.msk [tilespmem:v8+s4+$0x0], $0xffff;
	[tilespmem:s15+$0x100] =	vst v37  }
0x102: {  	v35 =	vld.idx.msk [tilespmem:v47+s4+$0x0], $0xffff;
	[tilespmem:s15+$0x110] =	vst v32  }
0x103: {  	v32 =	vld.idx.msk [tilespmem:v49+s4+$0x0], $0xffff;
	[tilespmem:s15+$0x120] =	vst v33  }
0x104: {  	v33 =	vld.idx.msk [tilespmem:v50+s4+$0x0], $0xffff;
	[tilespmem:s15+$0x130] =	vst v34  }
0x105: {  	[tilespmem:s15+$0xFFFFFE00] =	vst v38;
	v34 =	vld.idx.msk [tilespmem:v51+s4+$0x0], $0xffff  }
0x106: {  	[tilespmem:s15+$0xFFFFFE10] =	vst v12;
	v12 =	vld.idx.msk [tilespmem:v52+s4+$0x0], $0xffff  }
0x107: {  	[tilespmem:s15+$0xFFFFFE20] =	vst v9;
	v9 =	vld.idx.msk [tilespmem:v53+s4+$0x0], $0xffff  }
0x108: {  	[tilespmem:s15+$0xFFFFFE30] =	vst v8;
	v8 =	vld.idx.msk [tilespmem:v54+s4+$0x0], $0xffff  }
0x109: {  	[tilespmem:s15+$0xFFFFFEC0] =	vst v35;
	v31 =	vld.idx.msk [tilespmem:v31+s4+$0x0], $0xffff  }
0x10a: {  	[tilespmem:s15+$0xFFFFFED0] =	vst v32;
	v29 =	vld.idx.msk [tilespmem:v29+s4+$0x0], $0xffff  }
0x10b: {  	[tilespmem:s15+$0xFFFFFEE0] =	vst v33;
	v30 =	vld.idx.msk [tilespmem:v30+s4+$0x0], $0xffff  }
0x10c: {  	[tilespmem:s15+$0xFFFFFEF0] =	vst v34;
	v26 =	vld.idx.msk [tilespmem:v26+s4+$0x0], $0xffff  }
0x10d: {  	[tilespmem:s15+$0xFFFFFF40] =	vst v12;
	v12 =	vld.idx.msk [tilespmem:v21+s4+$0x0], $0xffff  }
0x10e: {  	[tilespmem:s15+$0xFFFFFF50] =	vst v9;
	v9 =	vld.idx.msk [tilespmem:v24+s4+$0x0], $0xffff  }
0x10f: {  	[tilespmem:s15+$0xFFFFFF60] =	vst v8;
	v8 =	vld.idx.msk [tilespmem:v18+s4+$0x0], $0xffff  }
0x110: {  	[tilespmem:s15+$0xFFFFFF70] =	vst v31;
	v24 =	vld.idx.msk [tilespmem:v25+s4+$0x0], $0xffff  }
0x111: {  	[tilespmem:s15+$0xFFFFFFC0] =	vst v29;
	v25 =	vld.idx.msk [tilespmem:v19+s4+$0x0], $0xffff  }
0x112: {  	[tilespmem:s15+$0xFFFFFFD0] =	vst v30;
	v27 =	vld.idx.msk [tilespmem:v27+s4+$0x0], $0xffff  }
0x113: {  	[tilespmem:s15+$0xFFFFFFE0] =	vst v26;
	v21 =	vld.idx.msk [tilespmem:v22+s4+$0x0], $0xffff  }
0x114: {  	[tilespmem:s15+$0xFFFFFFF0] =	vst v12;
	v19 =	vld.idx.msk [tilespmem:v28+s4+$0x0], $0xffff  }
.Ltmp5:
0x115: {  	[tilespmem:s15+$0x40] =	vst v9;
	v18 =	vld.idx.msk [tilespmem:v23+s4+$0x0], $0xffff;
	(pc) =	sbr.rel @p1 .LBB2_4-.Ltmp5, $4  }
0x116: {  	[tilespmem:s15+$0x50] =	vst v8;
	v17 =	vld.idx.msk [tilespmem:v17+s4+$0x0], $0xffff  }
0x117: {  	[tilespmem:s15+$0x60] =	vst v24;
	v12 =	vld.idx.msk [tilespmem:v20+s4+$0x0], $0xffff  }
0x118: {  	[tilespmem:s15+$0x70] =	vst v25;
	v16 =	vld.idx.msk [tilespmem:v16+s4+$0x0], $0xffff  }
0x119: {  	s19 =	sadd.s32 $0x10, s19;
	[tilespmem:s15+$0xC0] =	vst v27;
	v15 =	vld.idx.msk [tilespmem:v15+s4+$0x0], $0xffff  }
0x11a: {  	_ =	sdelay $0x1  }
0x11b: {  	[tilespmem:s15+$0xD0] =	vst v21  }
0x11c: {  	[tilespmem:s15+$0xE0] =	vst v19  }
0x11d: {  	v8 =	vld.idx.msk [tilespmem:v14+s4+$0x0], $0xffff;
	[tilespmem:s15+$0xF0] =	vst v18  }
0x11e: {  	v9 =	vld.idx.msk [tilespmem:v13+s4+$0x0], $0xffff;
	[tilespmem:s15+$0x140] =	vst v17  }
0x11f: {  	v11 =	vld.idx.msk [tilespmem:v11+s4+$0x0], $0xffff;
	[tilespmem:s15+$0x150] =	vst v12  }
0x120: {  	v10 =	vld.idx.msk [tilespmem:v10+s4+$0x0], $0xffff;
	[tilespmem:s15+$0x160] =	vst v16  }
0x121: {  	[tilespmem:s15+$0x170] =	vst v15  }
0x122: {  	[tilespmem:s15+$0xFFFFFE40] =	vst v8  }
0x123: {  	s3 =	sshll.u32 s9, $0xA;
	[tilespmem:s15+$0xFFFFFE50] =	vst v9  }
0x124: {  	s3 =	sand.u32 $0x1FFFFC00, s3;
	[tilespmem:s15+$0xFFFFFE60] =	vst v11  }
0x125: {  	s30 =	simm.s32 $0x10000;
	s3 =	sadd.s32 s5, s3;
	[tilespmem:s15+$0xFFFFFE70] =	vst v10  }
0x126: {  	[hbm4b:s3+s4] =	stream.linear.scatter [tilespmem:s30], [sflag:$0x5], $0x2000, $0x38;
	[tilespmem:$0x18000] =	vst v63  }
.LBB2_6:
0x127: {  	s3 =	sor.u32 $0x1, s25  }
0x128: {  	p1 =	sge.u32 s3, s7  }
.Ltmp6:
0x129: {  	_ = 	snop;
	(pc) =	sbr.rel @p1 .LBB2_10-.Ltmp6, $1  }
0x12a: {  	_ =	sdelay $0x3  }
0x12b: {  	s9 =	sadd.s32 s6, s3;
	p1 =	sge.u32 s25, s12  }
0x12c: {  	s3 =	sshll.u32 @!p1 s9, $0x7  }
0x12d: {  	_ =	swait.ge [sflag:s29], $0x2000;
	s3 =	sand.u32 @!p1 $0x1FFFFF80, s3  }
0x12e: {  	[sflag:s29] =	ssyncset.done $0x0;
	s3 =	sadd.s32 @!p1 s0, s3  }
0x12f: {  	s15 =	simm.s32 @!p1 $0x0;
	[sflag:s29] =	ssyncadd.s32 $0xFFFFE000;
	s10 =	sadd.s32 @!p1 $0x180, s3  }
0x130: {  	[tilespmem:s15], [sflag:$0x1] =	stream.linear.gather @!p1 [hbm4b:s10+s15], $0x400, $0x38;
	[tilespmem:$0x18000] =	vst v63  }
0x131: {  	s16 =	simm.s32 @!p1 $0x800;
	s10 =	sadd.s32 @!p1 $0xF4400, s3  }
0x132: {  	[tilespmem:s16], [sflag:$0x1] =	stream.linear.gather @!p1 [hbm4b:s10+s15], $0x400, $0x38;
	[tilespmem:$0x18000] =	vst v63  }
0x133: {  	s10 =	sadd.s32 @!p1 $0x1E8680, s3;
	s16 =	simm.s32 @!p1 $0x1000  }
0x134: {  	[tilespmem:s16], [sflag:$0x1] =	stream.linear.gather @!p1 [hbm4b:s10+s15], $0x400, $0x38;
	[tilespmem:$0x18000] =	vst v63  }
0x135: {  	s10 =	sadd.s32 @!p1 $0x2DC900, s3;
	s16 =	simm.s32 @!p1 $0x1800  }
0x136: {  	[tilespmem:s16], [sflag:$0x1] =	stream.linear.gather @!p1 [hbm4b:s10+s15], $0x400, $0x38;
	[tilespmem:$0x18000] =	vst v63  }
0x137: {  	s10 =	sadd.s32 @!p1 $0x3D0B80, s3;
	s16 =	simm.s32 @!p1 $0x2000  }
0x138: {  	[tilespmem:s16], [sflag:$0x1] =	stream.linear.gather @!p1 [hbm4b:s10+s15], $0x400, $0x38;
	[tilespmem:$0x18000] =	vst v63  }
0x139: {  	s10 =	sadd.s32 @!p1 $0x4C4E00, s3;
	s16 =	simm.s32 @!p1 $0x2800  }
0x13a: {  	[tilespmem:s16], [sflag:$0x1] =	stream.linear.gather @!p1 [hbm4b:s10+s15], $0x400, $0x38;
	[tilespmem:$0x18000] =	vst v63  }
0x13b: {  	s10 =	sadd.s32 @!p1 $0x5B9080, s3;
	s16 =	simm.s32 @!p1 $0x3000  }
0x13c: {  	[tilespmem:s16], [sflag:$0x1] =	stream.linear.gather @!p1 [hbm4b:s10+s15], $0x400, $0x38;
	[tilespmem:$0x18000] =	vst v63  }
0x13d: {  	s26 =	simm.s32 $0xE;
	s3 =	sadd.s32 @!p1 $0x6AD300, s3;
	s10 =	simm.s32 @!p1 $0x3800  }
0x13e: {  	[tilespmem:s10], [sflag:$0x1] =	stream.linear.gather @!p1 [hbm4b:s3+s15], $0x400, $0x38;
	[tilespmem:$0x18000] =	vst v63  }
0x13f: {  	v8 =	vor.u32 s26, v0;
	p1 =	seq.s32 s25, $0x0  }
0x140: {  	v9 =	vor.u32 s26, v1;
	s10 =	simm.s32 @!p1 $0x6  }
0x141: {  	v10 =	vor.u32 s26, v2;
	_ =	swait.ge @!p1 [sflag:s10], $0x2000  }
0x142: {  	s18 =	simm.s32 $0x2;
	v11 =	vor.u32 s26, v3;
	[sflag:s10] =	ssyncset.done @!p1 $0x0  }
0x143: {  	v12 =	vor.u32 s18, v0;
	[sflag:s10] =	ssyncadd.s32 @!p1 $0xFFFFE000  }
0x144: {  	v13 =	vor.u32 s18, v1;
	v8 =	vld.idx.msk [tilespmem:v8+s31+$0x0], $0xffff  }
0x145: {  	v14 =	vor.u32 s18, v2;
	v9 =	vld.idx.msk [tilespmem:v9+s31+$0x0], $0xffff  }
0x146: {  	v15 =	vor.u32 s18, v3;
	s16 =	simm.s32 $0x4;
	v10 =	vld.idx.msk [tilespmem:v10+s31+$0x0], $0xffff  }
0x147: {  	v16 =	vor.u32 s16, v0;
	v11 =	vld.idx.msk [tilespmem:v11+s31+$0x0], $0xffff  }
0x148: {  	v17 =	vor.u32 s16, v1;
	v12 =	vld.idx.msk [tilespmem:v12+s31+$0x0], $0xffff  }
0x149: {  	v19 =	vor.u32 s16, v2;
	s15 =	simm.s32 $0x123F0;
	v13 =	vld.idx.msk [tilespmem:v13+s31+$0x0], $0xffff  }
0x14a: {  	v18 =	vor.u32 s26, v7;
	v14 =	vld.idx.msk [tilespmem:v14+s31+$0x0], $0xffff;
	[tilespmem:s15+$0xFFFFFF90] =	vst v8  }
0x14b: {  	s30 =	simm.s32 $0x6;
	v15 =	vld.idx.msk [tilespmem:v15+s31+$0x0], $0xffff;
	v8 =	vor.u32 s16, v3;
	[tilespmem:s15+$0xFFFFFFA0] =	vst v9  }
0x14c: {  	v16 =	vld.idx.msk [tilespmem:v16+s31+$0x0], $0xffff;
	v9 =	vor.u32 s30, v0;
	[tilespmem:s15+$0xFFFFFFB0] =	vst v10  }
0x14d: {  	v10 =	vld.idx.msk [tilespmem:v17+s31+$0x0], $0xffff;
	[tilespmem:s15+$0xFFFFFFC0] =	vst v11;
	v11 =	vor.u32 s26, v4  }
0x14e: {  	v17 =	vor.u32 s26, v5;
	[tilespmem:s15+$0xFFFFFC90] =	vst v12;
	v12 =	vld.idx.msk [tilespmem:v19+s31+$0x0], $0xffff  }
0x14f: {  	v19 =	vor.u32 s26, v6;
	v18 =	vld.idx.msk [tilespmem:v18+s31+$0x0], $0xffff  }
0x150: {  	[tilespmem:s15+$0xFFFFFCA0] =	vst v13;
	v13 =	vor.u32 s30, v2;
	v8 =	vld.idx.msk [tilespmem:v8+s31+$0x0], $0xffff  }
0x151: {  	v20 =	vor.u32 s30, v1;
	[tilespmem:s15+$0xFFFFFCB0] =	vst v14;
	v9 =	vld.idx.msk [tilespmem:v9+s31+$0x0], $0xffff  }
0x152: {  	s19 =	simm.s32 $0x0;
	v14 =	vor.u32 s30, v3;
	[tilespmem:s15+$0xFFFFFCC0] =	vst v15;
	v11 =	vld.idx.msk [tilespmem:v11+s31+$0x0], $0xffff  }
0x153: {  	s21 =	simm.s32 $0x8;
	v15 =	vor.u32 s19, v1;
	[tilespmem:s15+$0xFFFFFD10] =	vst v16;
	v16 =	vld.idx.msk [tilespmem:v17+s31+$0x0], $0xffff  }
0x154: {  	v17 =	vor.u32 s21, v0;
	[tilespmem:s15+$0xFFFFFD20] =	vst v10;
	v10 =	vld.idx.msk [tilespmem:v19+s31+$0x0], $0xffff  }
0x155: {  	v19 =	vor.u32 s21, v1;
	[tilespmem:s15+$0xFFFFFD30] =	vst v12;
	v12 =	vld.idx.msk [tilespmem:v13+s31+$0x0], $0xffff  }
0x156: {  	v13 =	vor.u32 s21, v3;
	[tilespmem:s15+$0x0] =	vst v18;
	v18 =	vld.idx.msk [tilespmem:v20+s31+$0x0], $0xffff  }
0x157: {  	s22 =	simm.s32 $0xA;
	v20 =	vor.u32 s21, v2;
	[tilespmem:s15+$0xFFFFFD40] =	vst v8;
	v8 =	vld.idx.msk [tilespmem:v14+s31+$0x0], $0xffff  }
0x158: {  	v14 =	vld.idx.msk [tilespmem:v15+s31+$0x0], $0xffff;
	v15 =	vor.u32 s22, v0;
	[tilespmem:s15+$0xFFFFFD90] =	vst v9  }
0x159: {  	v9 =	vor.u32 s22, v1;
	v17 =	vld.idx.msk [tilespmem:v17+s31+$0x0], $0xffff;
	[tilespmem:s15+$0xFFFFFFD0] =	vst v11  }
0x15a: {  	v11 =	vor.u32 s22, v2;
	v19 =	vld.idx.msk [tilespmem:v19+s31+$0x0], $0xffff;
	[tilespmem:s15+$0xFFFFFFE0] =	vst v16  }
0x15b: {  	s26 =	simm.s32 $0xC;
	v16 =	vor.u32 s22, v3;
	[tilespmem:s15+$0xFFFFFFF0] =	vst v10;
	v13 =	vld.idx.msk [tilespmem:v13+s31+$0x0], $0xffff  }
0x15c: {  	v10 =	vor.u32 s26, v0;
	[tilespmem:s15+$0xFFFFFDB0] =	vst v12;
	v20 =	vld.idx.msk [tilespmem:v20+s31+$0x0], $0xffff  }
0x15d: {  	[tilespmem:s15+$0xFFFFFDA0] =	vst v18;
	v18 =	vor.u32 s26, v1;
	v12 =	vld.idx.msk [tilespmem:v15+s31+$0x0], $0xffff  }
0x15e: {  	v15 =	vor.u32 s26, v2;
	[tilespmem:s15+$0xFFFFFDC0] =	vst v8;
	v8 =	vld.idx.msk [tilespmem:v9+s31+$0x0], $0xffff  }
0x15f: {  	v9 =	vor.u32 s26, v3;
	[tilespmem:s15+$0xFFFFFE10] =	vst v17;
	v11 =	vld.idx.msk [tilespmem:v11+s31+$0x0], $0xffff  }
0x160: {  	v17 =	vor.u32 s19, v0;
	[tilespmem:s15+$0xFFFFFE20] =	vst v19;
	v16 =	vld.idx.msk [tilespmem:v16+s31+$0x0], $0xffff  }
0x161: {  	v19 =	vor.u32 s19, v2;
	v10 =	vld.idx.msk [tilespmem:v10+s31+$0x0], $0xffff;
	[tilespmem:s15+$0xFFFFFE40] =	vst v13  }
0x162: {  	[tilespmem:s15+$0xFFFFFE30] =	vst v20;
	v20 =	vor.u32 s19, v3;
	v13 =	vld.idx.msk [tilespmem:v18+s31+$0x0], $0xffff  }
0x163: {  	v18 =	vor.u32 s18, v4;
	[tilespmem:s15+$0xFFFFFE90] =	vst v12;
	v12 =	vld.idx.msk [tilespmem:v15+s31+$0x0], $0xffff  }
0x164: {  	v15 =	vor.u32 s18, v5;
	[tilespmem:s15+$0xFFFFFEA0] =	vst v8;
	v8 =	vld.idx.msk [tilespmem:v9+s31+$0x0], $0xffff  }
0x165: {  	v9 =	vor.u32 s18, v6;
	v17 =	vld.idx.msk [tilespmem:v17+s31+$0x0], $0xffff;
	[tilespmem:s15+$0xFFFFFEB0] =	vst v11  }
0x166: {  	v11 =	vor.u32 s18, v7;
	v19 =	vld.idx.msk [tilespmem:v19+s31+$0x0], $0xffff;
	[tilespmem:s15+$0xFFFFFEC0] =	vst v16  }
0x167: {  	v16 =	vor.u32 s16, v4;
	[tilespmem:s15+$0xFFFFFF10] =	vst v10;
	v20 =	vld.idx.msk [tilespmem:v20+s31+$0x0], $0xffff  }
0x168: {  	v10 =	vor.u32 s16, v5;
	v18 =	vld.idx.msk [tilespmem:v18+s31+$0x0], $0xffff;
	[tilespmem:s15+$0xFFFFFF20] =	vst v13  }
0x169: {  	v13 =	vor.u32 s16, v6;
	[tilespmem:s15+$0xFFFFFC20] =	vst v14;
	v15 =	vld.idx.msk [tilespmem:v15+s31+$0x0], $0xffff  }
0x16a: {  	[tilespmem:s15+$0xFFFFFF30] =	vst v12;
	v12 =	vor.u32 s16, v7;
	v9 =	vld.idx.msk [tilespmem:v9+s31+$0x0], $0xffff  }
0x16b: {  	[tilespmem:s15+$0xFFFFFF40] =	vst v8;
	v8 =	vor.u32 s30, v4;
	v11 =	vld.idx.msk [tilespmem:v11+s31+$0x0], $0xffff  }
0x16c: {  	[tilespmem:s15+$0xFFFFFC10] =	vst v17;
	v17 =	vor.u32 s30, v5;
	v14 =	vld.idx.msk [tilespmem:v16+s31+$0x0], $0xffff  }
0x16d: {  	v16 =	vor.u32 s30, v6;
	[tilespmem:s15+$0xFFFFFC30] =	vst v19;
	v10 =	vld.idx.msk [tilespmem:v10+s31+$0x0], $0xffff  }
0x16e: {  	v19 =	vor.u32 s30, v7;
	[tilespmem:s15+$0xFFFFFC40] =	vst v20;
	v13 =	vld.idx.msk [tilespmem:v13+s31+$0x0], $0xffff  }
0x16f: {  	v20 =	vor.u32 s21, v4;
	[tilespmem:s15+$0xFFFFFCD0] =	vst v18;
	v12 =	vld.idx.msk [tilespmem:v12+s31+$0x0], $0xffff  }
0x170: {  	v18 =	vor.u32 s21, v5;
	[tilespmem:s15+$0xFFFFFCE0] =	vst v15;
	v8 =	vld.idx.msk [tilespmem:v8+s31+$0x0], $0xffff  }
0x171: {  	v15 =	vor.u32 s21, v6;
	[tilespmem:s15+$0xFFFFFCF0] =	vst v9;
	v9 =	vld.idx.msk [tilespmem:v17+s31+$0x0], $0xffff  }
0x172: {  	v17 =	vor.u32 s21, v7;
	[tilespmem:s15+$0xFFFFFD00] =	vst v11;
	v11 =	vld.idx.msk [tilespmem:v16+s31+$0x0], $0xffff  }
0x173: {  	v16 =	vor.u32 s22, v4;
	[tilespmem:s15+$0xFFFFFD50] =	vst v14;
	v14 =	vld.idx.msk [tilespmem:v19+s31+$0x0], $0xffff  }
0x174: {  	v19 =	vor.u32 s22, v5;
	[tilespmem:s15+$0xFFFFFD60] =	vst v10;
	v10 =	vld.idx.msk [tilespmem:v20+s31+$0x0], $0xffff  }
0x175: {  	v20 =	vor.u32 s22, v6;
	[tilespmem:s15+$0xFFFFFD70] =	vst v13;
	v13 =	vld.idx.msk [tilespmem:v18+s31+$0x0], $0xffff  }
0x176: {  	v18 =	vor.u32 s22, v7;
	[tilespmem:s15+$0xFFFFFD80] =	vst v12;
	v12 =	vld.idx.msk [tilespmem:v15+s31+$0x0], $0xffff  }
0x177: {  	v15 =	vor.u32 s26, v4;
	[tilespmem:s15+$0xFFFFFDD0] =	vst v8;
	v8 =	vld.idx.msk [tilespmem:v17+s31+$0x0], $0xffff  }
0x178: {  	v22 =	vor.u32 s26, v5;
	[tilespmem:s15+$0xFFFFFDE0] =	vst v9;
	v9 =	vld.idx.msk [tilespmem:v16+s31+$0x0], $0xffff  }
0x179: {  	v16 =	vor.u32 s26, v6;
	[tilespmem:s15+$0xFFFFFDF0] =	vst v11;
	v21 =	vld.idx.msk [tilespmem:v19+s31+$0x0], $0xffff  }
0x17a: {  	v23 =	vor.u32 s26, v7;
	[tilespmem:s15+$0xFFFFFE00] =	vst v14;
	v19 =	vld.idx.msk [tilespmem:v20+s31+$0x0], $0xffff  }
0x17b: {  	v14 =	vor.u32 s19, v4;
	[tilespmem:s15+$0xFFFFFE50] =	vst v10;
	v18 =	vld.idx.msk [tilespmem:v18+s31+$0x0], $0xffff  }
0x17c: {  	[tilespmem:s15+$0xFFFFFE60] =	vst v13;
	v13 =	vor.u32 s19, v5;
	v17 =	vld.idx.msk [tilespmem:v15+s31+$0x0], $0xffff  }
0x17d: {  	v11 =	vor.u32 s19, v6;
	[tilespmem:s15+$0xFFFFFE70] =	vst v12;
	v12 =	vld.idx.msk [tilespmem:v22+s31+$0x0], $0xffff  }
0x17e: {  	v10 =	vor.u32 s19, v7;
	[tilespmem:s15+$0xFFFFFE80] =	vst v8;
	v16 =	vld.idx.msk [tilespmem:v16+s31+$0x0], $0xffff  }
0x17f: {  	s16 =	simm.s32 $0x0;
	s19 =	simm.s32 $0x10;
	[tilespmem:s15+$0xFFFFFED0] =	vst v9;
	v15 =	vld.idx.msk [tilespmem:v23+s31+$0x0], $0xffff  }
.LBB2_8:
0x180: {  	v20 =	vor.u32 s19, v1;
	v9 =	vor.u32 s19, v2;
	v8 =	vor.u32 s19, v3;
	s3 =	sadd.s32 $0x2, s19;
	s26 =	sadd.s32 $0x4, s19;
	s10 =	sadd.s32 $0xE, s19;
	v14 =	vld.idx.msk [tilespmem:v14+s31+$0x0], $0xffff;
	[tilespmem:s15+$0xFFFFFEE0] =	vst v21  }
0x181: {  	s30 =	sadd.s32 $0x6, s19;
	s21 =	sadd.s32 $0x8, s19;
	s18 =	sadd.s32 $0xA, s19;
	v21 =	vor.u32 s3, v0;
	v22 =	vor.u32 s3, v1;
	v23 =	vor.u32 s10, v0;
	v13 =	vld.idx.msk [tilespmem:v13+s31+$0x0], $0xffff;
	[tilespmem:s15+$0xFFFFFEF0] =	vst v19  }
0x182: {  	s22 =	sadd.s32 $0xC, s19;
	v19 =	vor.u32 s3, v2;
	v24 =	vor.u32 s3, v3;
	v25 =	vor.u32 s10, v1;
	v11 =	vld.idx.msk [tilespmem:v11+s31+$0x0], $0xffff;
	[tilespmem:s15+$0xFFFFFF00] =	vst v18  }
0x183: {  	s16 =	sadd.s32 $0x8, s16;
	v27 =	vor.u32 s26, v1;
	v26 =	vor.u32 s10, v2;
	v18 =	vor.u32 s26, v0;
	v10 =	vld.idx.msk [tilespmem:v10+s31+$0x0], $0xffff;
	[tilespmem:s15+$0xFFFFFF50] =	vst v17  }
0x184: {  	v28 =	vor.u32 s26, v3;
	v29 =	vor.u32 s10, v3;
	p1 =	slt.u32 s16, $0x38;
	v17 =	vor.u32 s26, v2;
	[tilespmem:s15+$0xFFFFFF60] =	vst v12  }
0x185: {  	v32 =	vor.u32 s30, v1;
	v33 =	vor.u32 s30, v2;
	v12 =	vld.idx.msk [tilespmem:v20+s31+$0x0], $0xffff;
	v20 =	vor.u32 s30, v0;
	[tilespmem:s15+$0xFFFFFF70] =	vst v16  }
0x186: {  	v34 =	vor.u32 s30, v3;
	v35 =	vor.u32 s21, v0;
	v36 =	vor.u32 s21, v1;
	v16 =	vld.idx.msk [tilespmem:v23+s31+$0x0], $0xffff;
	[tilespmem:s15+$0xFFFFFF80] =	vst v15  }
0x187: {  	v37 =	vor.u32 s21, v2;
	v38 =	vor.u32 s21, v3;
	v39 =	vor.u32 s18, v0;
	v15 =	vld.idx.msk [tilespmem:v25+s31+$0x0], $0xffff;
	[tilespmem:s15+$0xFFFFFC50] =	vst v14  }
0x188: {  	v40 =	vor.u32 s18, v1;
	v41 =	vor.u32 s18, v2;
	v42 =	vor.u32 s18, v3;
	v14 =	vld.idx.msk [tilespmem:v26+s31+$0x0], $0xffff;
	[tilespmem:s15+$0xFFFFFC60] =	vst v13  }
0x189: {  	v43 =	vor.u32 s22, v0;
	v44 =	vor.u32 s22, v1;
	v45 =	vor.u32 s22, v2;
	v13 =	vld.idx.msk [tilespmem:v29+s31+$0x0], $0xffff;
	[tilespmem:s15+$0xFFFFFC70] =	vst v11  }
0x18a: {  	v46 =	vor.u32 s19, v0;
	v47 =	vor.u32 s3, v4;
	v48 =	vor.u32 s22, v3;
	v11 =	vld.idx.msk [tilespmem:v21+s31+$0x0], $0xffff  }
0x18b: {  	v49 =	vor.u32 s3, v5;
	v50 =	vor.u32 s3, v6;
	v23 =	vor.u32 s10, v7;
	v22 =	vld.idx.msk [tilespmem:v22+s31+$0x0], $0xffff;
	[tilespmem:s15+$0xFFFFFC80] =	vst v10;
	s15 =	sadd.s32 $0x400, s15  }
0x18c: {  	v51 =	vor.u32 s3, v7;
	v52 =	vor.u32 s26, v4;
	v53 =	vor.u32 s26, v5;
	v10 =	vld.idx.msk [tilespmem:v19+s31+$0x0], $0xffff;
	[tilespmem:s15+$0xFFFFFF90] =	vst v16  }
0x18d: {  	v54 =	vor.u32 s26, v6;
	v31 =	vor.u32 s26, v7;
	v29 =	vor.u32 s30, v4;
	v16 =	vld.idx.msk [tilespmem:v24+s31+$0x0], $0xffff;
	[tilespmem:s15+$0xFFFFFFA0] =	vst v15  }
0x18e: {  	v30 =	vor.u32 s30, v5;
	v26 =	vor.u32 s30, v6;
	v21 =	vor.u32 s30, v7;
	v55 =	vld.idx.msk [tilespmem:v18+s31+$0x0], $0xffff;
	[tilespmem:s15+$0xFFFFFFB0] =	vst v14  }
0x18f: {  	v57 =	vor.u32 s10, v4;
	v24 =	vor.u32 s21, v4;
	v18 =	vor.u32 s21, v5;
	v56 =	vld.idx.msk [tilespmem:v27+s31+$0x0], $0xffff;
	[tilespmem:s15+$0xFFFFFFC0] =	vst v13  }
0x190: {  	v58 =	vor.u32 s10, v5;
	v25 =	vor.u32 s21, v6;
	v19 =	vor.u32 s21, v7;
	[tilespmem:s15+$0xFFFFFC90] =	vst v11;
	v59 =	vld.idx.msk [tilespmem:v23+s31+$0x0], $0xffff  }
0x191: {  	v61 =	vor.u32 s10, v6;
	v27 =	vor.u32 s18, v4;
	[tilespmem:s15+$0xFFFFFCA0] =	vst v22;
	v60 =	vld.idx.msk [tilespmem:v17+s31+$0x0], $0xffff;
	v22 =	vor.u32 s18, v5  }
0x192: {  	v23 =	vor.u32 s18, v7;
	v17 =	vor.u32 s22, v4;
	[tilespmem:s15+$0xFFFFFCB0] =	vst v10;
	v62 =	vld.idx.msk [tilespmem:v28+s31+$0x0], $0xffff;
	v28 =	vor.u32 s18, v6  }
0x193: {  	v15 =	vor.u32 s22, v7;
	[tilespmem:s15+$0xFFFFFCC0] =	vst v16;
	v63 =	vld.idx.msk [tilespmem:v20+s31+$0x0], $0xffff;
	v20 =	vor.u32 s22, v5;
	v16 =	vor.u32 s22, v6  }
0x194: {  	v14 =	vor.u32 s19, v4;
	v13 =	vor.u32 s19, v5;
	v11 =	vor.u32 s19, v6;
	[tilespmem:s15+$0xFFFFFD10] =	vst v55;
	v55 =	vld.idx.msk [tilespmem:v57+s31+$0x0], $0xffff  }
0x195: {  	v10 =	vor.u32 s19, v7;
	[tilespmem:s15+$0xFFFFFD20] =	vst v56;
	v56 =	vld.idx.msk [tilespmem:v58+s31+$0x0], $0xffff  }
0x196: {  	v57 =	vld.idx.msk [tilespmem:v61+s31+$0x0], $0xffff;
	[tilespmem:s15+$0x0] =	vst v59  }
0x197: {  	[tilespmem:s15+$0xFFFFFD30] =	vst v60;
	v32 =	vld.idx.msk [tilespmem:v32+s31+$0x0], $0xffff  }
0x198: {  	[tilespmem:s15+$0xFFFFFD40] =	vst v62;
	v33 =	vld.idx.msk [tilespmem:v33+s31+$0x0], $0xffff  }
0x199: {  	v34 =	vld.idx.msk [tilespmem:v34+s31+$0x0], $0xffff;
	[tilespmem:s15+$0xFFFFFD90] =	vst v63  }
0x19a: {  	v35 =	vld.idx.msk [tilespmem:v35+s31+$0x0], $0xffff;
	[tilespmem:s15+$0xFFFFFFD0] =	vst v55  }
0x19b: {  	v36 =	vld.idx.msk [tilespmem:v36+s31+$0x0], $0xffff;
	[tilespmem:s15+$0xFFFFFFE0] =	vst v56  }
0x19c: {  	v37 =	vld.idx.msk [tilespmem:v37+s31+$0x0], $0xffff;
	[tilespmem:s15+$0xFFFFFFF0] =	vst v57  }
0x19d: {  	[tilespmem:s15+$0xFFFFFDA0] =	vst v32;
	v32 =	vld.idx.msk [tilespmem:v38+s31+$0x0], $0xffff  }
0x19e: {  	[tilespmem:s15+$0xFFFFFDB0] =	vst v33;
	v33 =	vld.idx.msk [tilespmem:v39+s31+$0x0], $0xffff  }
0x19f: {  	[tilespmem:s15+$0xFFFFFDC0] =	vst v34;
	v34 =	vld.idx.msk [tilespmem:v40+s31+$0x0], $0xffff  }
0x1a0: {  	[tilespmem:s15+$0xFFFFFE10] =	vst v35;
	v35 =	vld.idx.msk [tilespmem:v41+s31+$0x0], $0xffff  }
0x1a1: {  	[tilespmem:s15+$0xFFFFFE20] =	vst v36;
	v36 =	vld.idx.msk [tilespmem:v42+s31+$0x0], $0xffff  }
0x1a2: {  	[tilespmem:s15+$0xFFFFFE30] =	vst v37;
	v37 =	vld.idx.msk [tilespmem:v43+s31+$0x0], $0xffff  }
0x1a3: {  	[tilespmem:s15+$0xFFFFFE40] =	vst v32;
	v32 =	vld.idx.msk [tilespmem:v44+s31+$0x0], $0xffff  }
0x1a4: {  	[tilespmem:s15+$0xFFFFFE90] =	vst v33;
	v33 =	vld.idx.msk [tilespmem:v45+s31+$0x0], $0xffff  }
0x1a5: {  	[tilespmem:s15+$0xFFFFFEA0] =	vst v34;
	v34 =	vld.idx.msk [tilespmem:v48+s31+$0x0], $0xffff  }
0x1a6: {  	v38 =	vld.idx.msk [tilespmem:v46+s31+$0x0], $0xffff;
	[tilespmem:s15+$0xFFFFFEB0] =	vst v35  }
0x1a7: {  	v9 =	vld.idx.msk [tilespmem:v9+s31+$0x0], $0xffff;
	[tilespmem:s15+$0xFFFFFEC0] =	vst v36  }
0x1a8: {  	v8 =	vld.idx.msk [tilespmem:v8+s31+$0x0], $0xffff;
	[tilespmem:s15+$0xFFFFFF10] =	vst v37  }
0x1a9: {  	v35 =	vld.idx.msk [tilespmem:v47+s31+$0x0], $0xffff;
	[tilespmem:s15+$0xFFFFFF20] =	vst v32  }
0x1aa: {  	v32 =	vld.idx.msk [tilespmem:v49+s31+$0x0], $0xffff;
	[tilespmem:s15+$0xFFFFFF30] =	vst v33  }
0x1ab: {  	v33 =	vld.idx.msk [tilespmem:v50+s31+$0x0], $0xffff;
	[tilespmem:s15+$0xFFFFFF40] =	vst v34  }
0x1ac: {  	[tilespmem:s15+$0xFFFFFC10] =	vst v38;
	v34 =	vld.idx.msk [tilespmem:v51+s31+$0x0], $0xffff  }
0x1ad: {  	[tilespmem:s15+$0xFFFFFC20] =	vst v12;
	v12 =	vld.idx.msk [tilespmem:v52+s31+$0x0], $0xffff  }
0x1ae: {  	[tilespmem:s15+$0xFFFFFC30] =	vst v9;
	v9 =	vld.idx.msk [tilespmem:v53+s31+$0x0], $0xffff  }
0x1af: {  	[tilespmem:s15+$0xFFFFFC40] =	vst v8;
	v8 =	vld.idx.msk [tilespmem:v54+s31+$0x0], $0xffff  }
0x1b0: {  	[tilespmem:s15+$0xFFFFFCD0] =	vst v35;
	v31 =	vld.idx.msk [tilespmem:v31+s31+$0x0], $0xffff  }
0x1b1: {  	[tilespmem:s15+$0xFFFFFCE0] =	vst v32;
	v29 =	vld.idx.msk [tilespmem:v29+s31+$0x0], $0xffff  }
0x1b2: {  	[tilespmem:s15+$0xFFFFFCF0] =	vst v33;
	v30 =	vld.idx.msk [tilespmem:v30+s31+$0x0], $0xffff  }
0x1b3: {  	[tilespmem:s15+$0xFFFFFD00] =	vst v34;
	v26 =	vld.idx.msk [tilespmem:v26+s31+$0x0], $0xffff  }
0x1b4: {  	[tilespmem:s15+$0xFFFFFD50] =	vst v12;
	v12 =	vld.idx.msk [tilespmem:v21+s31+$0x0], $0xffff  }
0x1b5: {  	[tilespmem:s15+$0xFFFFFD60] =	vst v9;
	v9 =	vld.idx.msk [tilespmem:v24+s31+$0x0], $0xffff  }
0x1b6: {  	[tilespmem:s15+$0xFFFFFD70] =	vst v8;
	v8 =	vld.idx.msk [tilespmem:v18+s31+$0x0], $0xffff  }
0x1b7: {  	[tilespmem:s15+$0xFFFFFD80] =	vst v31;
	v24 =	vld.idx.msk [tilespmem:v25+s31+$0x0], $0xffff  }
0x1b8: {  	[tilespmem:s15+$0xFFFFFDD0] =	vst v29;
	v25 =	vld.idx.msk [tilespmem:v19+s31+$0x0], $0xffff  }
0x1b9: {  	[tilespmem:s15+$0xFFFFFDE0] =	vst v30;
	v27 =	vld.idx.msk [tilespmem:v27+s31+$0x0], $0xffff  }
0x1ba: {  	[tilespmem:s15+$0xFFFFFDF0] =	vst v26;
	v21 =	vld.idx.msk [tilespmem:v22+s31+$0x0], $0xffff  }
0x1bb: {  	[tilespmem:s15+$0xFFFFFE00] =	vst v12;
	v19 =	vld.idx.msk [tilespmem:v28+s31+$0x0], $0xffff  }
.Ltmp7:
0x1bc: {  	[tilespmem:s15+$0xFFFFFE50] =	vst v9;
	v18 =	vld.idx.msk [tilespmem:v23+s31+$0x0], $0xffff;
	(pc) =	sbr.rel @p1 .LBB2_8-.Ltmp7, $4  }
0x1bd: {  	[tilespmem:s15+$0xFFFFFE60] =	vst v8;
	v17 =	vld.idx.msk [tilespmem:v17+s31+$0x0], $0xffff  }
0x1be: {  	[tilespmem:s15+$0xFFFFFE70] =	vst v24;
	v12 =	vld.idx.msk [tilespmem:v20+s31+$0x0], $0xffff  }
0x1bf: {  	[tilespmem:s15+$0xFFFFFE80] =	vst v25;
	v16 =	vld.idx.msk [tilespmem:v16+s31+$0x0], $0xffff  }
0x1c0: {  	s19 =	sadd.s32 $0x10, s19;
	[tilespmem:s15+$0xFFFFFED0] =	vst v27;
	v15 =	vld.idx.msk [tilespmem:v15+s31+$0x0], $0xffff  }
0x1c1: {  	_ =	sdelay $0x1  }
0x1c2: {  	[tilespmem:s15+$0xFFFFFEE0] =	vst v21  }
0x1c3: {  	[tilespmem:s15+$0xFFFFFEF0] =	vst v19  }
0x1c4: {  	v8 =	vld.idx.msk [tilespmem:v14+s31+$0x0], $0xffff;
	[tilespmem:s15+$0xFFFFFF00] =	vst v18  }
0x1c5: {  	v9 =	vld.idx.msk [tilespmem:v13+s31+$0x0], $0xffff;
	[tilespmem:s15+$0xFFFFFF50] =	vst v17  }
0x1c6: {  	v11 =	vld.idx.msk [tilespmem:v11+s31+$0x0], $0xffff;
	[tilespmem:s15+$0xFFFFFF60] =	vst v12  }
0x1c7: {  	v10 =	vld.idx.msk [tilespmem:v10+s31+$0x0], $0xffff;
	[tilespmem:s15+$0xFFFFFF70] =	vst v16  }
0x1c8: {  	[tilespmem:s15+$0xFFFFFF80] =	vst v15  }
0x1c9: {  	[tilespmem:s15+$0xFFFFFC50] =	vst v8  }
0x1ca: {  	s3 =	sshll.u32 s9, $0xA;
	[tilespmem:s15+$0xFFFFFC60] =	vst v9  }
0x1cb: {  	s3 =	sand.u32 $0x1FFFFC00, s3;
	[tilespmem:s15+$0xFFFFFC70] =	vst v11  }
0x1cc: {  	s30 =	simm.s32 $0x12000;
	s3 =	sadd.s32 s5, s3;
	[tilespmem:s15+$0xFFFFFC80] =	vst v10  }
0x1cd: {  	[hbm4b:s3+s4] =	stream.linear.scatter [tilespmem:s30], [sflag:$0x6], $0x2000, $0x38;
	[tilespmem:$0x18000] =	vst v63  }
.LBB2_10:
0x1ce: {  	s3 =	sor.u32 $0x2, s25  }
0x1cf: {  	p1 =	sge.u32 s3, s7  }
.Ltmp8:
0x1d0: {  	_ = 	snop;
	(pc) =	sbr.rel @p1 .LBB2_14-.Ltmp8, $1  }
0x1d1: {  	_ =	sdelay $0x3  }
0x1d2: {  	s9 =	sadd.s32 s6, s3;
	p1 =	sge.u32 s25, s13  }
0x1d3: {  	s3 =	sshll.u32 @!p1 s9, $0x7  }
0x1d4: {  	_ =	swait.ge [sflag:s2], $0x2000;
	s3 =	sand.u32 @!p1 $0x1FFFFF80, s3  }
0x1d5: {  	[sflag:s2] =	ssyncset.done $0x0;
	s15 =	simm.s32 @!p1 $0x0;
	s3 =	sadd.s32 @!p1 s0, s3  }
0x1d6: {  	s16 =	simm.s32 @!p1 $0x4000;
	[sflag:s2] =	ssyncadd.s32 $0xFFFFE000;
	s10 =	sadd.s32 @!p1 $0x180, s3  }
0x1d7: {  	[tilespmem:s16], [sflag:$0x2] =	stream.linear.gather @!p1 [hbm4b:s10+s15], $0x400, $0x38;
	[tilespmem:$0x18000] =	vst v63  }
0x1d8: {  	s10 =	sadd.s32 @!p1 $0xF4400, s3;
	s16 =	simm.s32 @!p1 $0x4800  }
0x1d9: {  	[tilespmem:s16], [sflag:$0x2] =	stream.linear.gather @!p1 [hbm4b:s10+s15], $0x400, $0x38;
	[tilespmem:$0x18000] =	vst v63  }
0x1da: {  	s10 =	sadd.s32 @!p1 $0x1E8680, s3;
	s16 =	simm.s32 @!p1 $0x5000  }
0x1db: {  	[tilespmem:s16], [sflag:$0x2] =	stream.linear.gather @!p1 [hbm4b:s10+s15], $0x400, $0x38;
	[tilespmem:$0x18000] =	vst v63  }
0x1dc: {  	s10 =	sadd.s32 @!p1 $0x2DC900, s3;
	s16 =	simm.s32 @!p1 $0x5800  }
0x1dd: {  	[tilespmem:s16], [sflag:$0x2] =	stream.linear.gather @!p1 [hbm4b:s10+s15], $0x400, $0x38;
	[tilespmem:$0x18000] =	vst v63  }
0x1de: {  	s10 =	sadd.s32 @!p1 $0x3D0B80, s3;
	s16 =	simm.s32 @!p1 $0x6000  }
0x1df: {  	[tilespmem:s16], [sflag:$0x2] =	stream.linear.gather @!p1 [hbm4b:s10+s15], $0x400, $0x38;
	[tilespmem:$0x18000] =	vst v63  }
0x1e0: {  	s10 =	sadd.s32 @!p1 $0x4C4E00, s3;
	s16 =	simm.s32 @!p1 $0x6800  }
0x1e1: {  	[tilespmem:s16], [sflag:$0x2] =	stream.linear.gather @!p1 [hbm4b:s10+s15], $0x400, $0x38;
	[tilespmem:$0x18000] =	vst v63  }
0x1e2: {  	s10 =	sadd.s32 @!p1 $0x5B9080, s3;
	s16 =	simm.s32 @!p1 $0x7000  }
0x1e3: {  	[tilespmem:s16], [sflag:$0x2] =	stream.linear.gather @!p1 [hbm4b:s10+s15], $0x400, $0x38;
	[tilespmem:$0x18000] =	vst v63  }
0x1e4: {  	s26 =	simm.s32 $0xC;
	s3 =	sadd.s32 @!p1 $0x6AD300, s3;
	s10 =	simm.s32 @!p1 $0x7800  }
0x1e5: {  	[tilespmem:s10], [sflag:$0x2] =	stream.linear.gather @!p1 [hbm4b:s3+s15], $0x400, $0x38;
	[tilespmem:$0x18000] =	vst v63  }
0x1e6: {  	v8 =	vor.u32 s26, v0;
	p1 =	seq.s32 s25, $0x0  }
0x1e7: {  	v9 =	vor.u32 s26, v1;
	s10 =	simm.s32 @!p1 $0x7  }
0x1e8: {  	v10 =	vor.u32 s26, v2;
	_ =	swait.ge @!p1 [sflag:s10], $0x2000  }
0x1e9: {  	s18 =	simm.s32 $0x0;
	v11 =	vor.u32 s26, v3;
	[sflag:s10] =	ssyncset.done @!p1 $0x0  }
0x1ea: {  	v12 =	vor.u32 s18, v0;
	[sflag:s10] =	ssyncadd.s32 @!p1 $0xFFFFE000  }
0x1eb: {  	v13 =	vor.u32 s18, v1;
	v8 =	vld.idx.msk [tilespmem:v8+s28+$0x0], $0xffff  }
0x1ec: {  	v14 =	vor.u32 s18, v2;
	v9 =	vld.idx.msk [tilespmem:v9+s28+$0x0], $0xffff  }
0x1ed: {  	v15 =	vor.u32 s18, v3;
	s16 =	simm.s32 $0x2;
	v10 =	vld.idx.msk [tilespmem:v10+s28+$0x0], $0xffff  }
0x1ee: {  	v16 =	vor.u32 s16, v0;
	v11 =	vld.idx.msk [tilespmem:v11+s28+$0x0], $0xffff  }
0x1ef: {  	v17 =	vor.u32 s16, v1;
	v12 =	vld.idx.msk [tilespmem:v12+s28+$0x0], $0xffff  }
0x1f0: {  	v19 =	vor.u32 s16, v2;
	s15 =	simm.s32 $0x143F0;
	v13 =	vld.idx.msk [tilespmem:v13+s28+$0x0], $0xffff  }
0x1f1: {  	v18 =	vor.u32 s26, v7;
	v14 =	vld.idx.msk [tilespmem:v14+s28+$0x0], $0xffff;
	[tilespmem:s15+$0xFFFFFF10] =	vst v8  }
0x1f2: {  	s30 =	simm.s32 $0x4;
	v15 =	vld.idx.msk [tilespmem:v15+s28+$0x0], $0xffff;
	v8 =	vor.u32 s16, v3;
	[tilespmem:s15+$0xFFFFFF20] =	vst v9  }
0x1f3: {  	v16 =	vld.idx.msk [tilespmem:v16+s28+$0x0], $0xffff;
	v9 =	vor.u32 s30, v0;
	[tilespmem:s15+$0xFFFFFF30] =	vst v10  }
0x1f4: {  	v10 =	vld.idx.msk [tilespmem:v17+s28+$0x0], $0xffff;
	[tilespmem:s15+$0xFFFFFF40] =	vst v11;
	v11 =	vor.u32 s26, v4  }
0x1f5: {  	v17 =	vor.u32 s26, v5;
	[tilespmem:s15+$0xFFFFFC10] =	vst v12;
	v12 =	vld.idx.msk [tilespmem:v19+s28+$0x0], $0xffff  }
0x1f6: {  	v19 =	vor.u32 s26, v6;
	v18 =	vld.idx.msk [tilespmem:v18+s28+$0x0], $0xffff  }
0x1f7: {  	[tilespmem:s15+$0xFFFFFC20] =	vst v13;
	v13 =	vor.u32 s30, v2;
	v8 =	vld.idx.msk [tilespmem:v8+s28+$0x0], $0xffff  }
0x1f8: {  	v20 =	vor.u32 s30, v1;
	[tilespmem:s15+$0xFFFFFC30] =	vst v14;
	v9 =	vld.idx.msk [tilespmem:v9+s28+$0x0], $0xffff  }
0x1f9: {  	s19 =	simm.s32 $0xE;
	v14 =	vor.u32 s30, v3;
	[tilespmem:s15+$0xFFFFFC40] =	vst v15;
	v11 =	vld.idx.msk [tilespmem:v11+s28+$0x0], $0xffff  }
0x1fa: {  	s21 =	simm.s32 $0x6;
	v15 =	vor.u32 s19, v0;
	[tilespmem:s15+$0xFFFFFC90] =	vst v16;
	v16 =	vld.idx.msk [tilespmem:v17+s28+$0x0], $0xffff  }
0x1fb: {  	v17 =	vor.u32 s21, v0;
	[tilespmem:s15+$0xFFFFFCA0] =	vst v10;
	v10 =	vld.idx.msk [tilespmem:v19+s28+$0x0], $0xffff  }
0x1fc: {  	v19 =	vor.u32 s21, v1;
	[tilespmem:s15+$0xFFFFFCB0] =	vst v12;
	v12 =	vld.idx.msk [tilespmem:v13+s28+$0x0], $0xffff  }
0x1fd: {  	v13 =	vor.u32 s21, v3;
	[tilespmem:s15+$0xFFFFFF80] =	vst v18;
	v18 =	vld.idx.msk [tilespmem:v20+s28+$0x0], $0xffff  }
0x1fe: {  	s22 =	simm.s32 $0x8;
	v20 =	vor.u32 s21, v2;
	[tilespmem:s15+$0xFFFFFCC0] =	vst v8;
	v8 =	vld.idx.msk [tilespmem:v14+s28+$0x0], $0xffff  }
0x1ff: {  	v14 =	vld.idx.msk [tilespmem:v15+s28+$0x0], $0xffff;
	v15 =	vor.u32 s22, v0;
	[tilespmem:s15+$0xFFFFFD10] =	vst v9  }
0x200: {  	v9 =	vor.u32 s22, v1;
	v17 =	vld.idx.msk [tilespmem:v17+s28+$0x0], $0xffff;
	[tilespmem:s15+$0xFFFFFF50] =	vst v11  }
0x201: {  	v11 =	vor.u32 s22, v2;
	v19 =	vld.idx.msk [tilespmem:v19+s28+$0x0], $0xffff;
	[tilespmem:s15+$0xFFFFFF60] =	vst v16  }
0x202: {  	s26 =	simm.s32 $0xA;
	v16 =	vor.u32 s22, v3;
	[tilespmem:s15+$0xFFFFFF70] =	vst v10;
	v13 =	vld.idx.msk [tilespmem:v13+s28+$0x0], $0xffff  }
0x203: {  	v10 =	vor.u32 s26, v0;
	[tilespmem:s15+$0xFFFFFD30] =	vst v12;
	v20 =	vld.idx.msk [tilespmem:v20+s28+$0x0], $0xffff  }
0x204: {  	[tilespmem:s15+$0xFFFFFD20] =	vst v18;
	v18 =	vor.u32 s26, v1;
	v12 =	vld.idx.msk [tilespmem:v15+s28+$0x0], $0xffff  }
0x205: {  	v15 =	vor.u32 s26, v2;
	[tilespmem:s15+$0xFFFFFD40] =	vst v8;
	v8 =	vld.idx.msk [tilespmem:v9+s28+$0x0], $0xffff  }
0x206: {  	v9 =	vor.u32 s26, v3;
	[tilespmem:s15+$0xFFFFFD90] =	vst v17;
	v11 =	vld.idx.msk [tilespmem:v11+s28+$0x0], $0xffff  }
0x207: {  	v17 =	vor.u32 s19, v1;
	[tilespmem:s15+$0xFFFFFDA0] =	vst v19;
	v16 =	vld.idx.msk [tilespmem:v16+s28+$0x0], $0xffff  }
0x208: {  	v19 =	vor.u32 s19, v2;
	v10 =	vld.idx.msk [tilespmem:v10+s28+$0x0], $0xffff;
	[tilespmem:s15+$0xFFFFFDC0] =	vst v13  }
0x209: {  	[tilespmem:s15+$0xFFFFFDB0] =	vst v20;
	v20 =	vor.u32 s19, v3;
	v13 =	vld.idx.msk [tilespmem:v18+s28+$0x0], $0xffff  }
0x20a: {  	v18 =	vor.u32 s18, v4;
	[tilespmem:s15+$0xFFFFFE10] =	vst v12;
	v12 =	vld.idx.msk [tilespmem:v15+s28+$0x0], $0xffff  }
0x20b: {  	v15 =	vor.u32 s18, v5;
	[tilespmem:s15+$0xFFFFFE20] =	vst v8;
	v8 =	vld.idx.msk [tilespmem:v9+s28+$0x0], $0xffff  }
0x20c: {  	v9 =	vor.u32 s18, v6;
	[tilespmem:s15+$0xFFFFFE30] =	vst v11;
	v11 =	vld.idx.msk [tilespmem:v17+s28+$0x0], $0xffff  }
0x20d: {  	v17 =	vor.u32 s18, v7;
	[tilespmem:s15+$0xFFFFFE40] =	vst v16;
	v16 =	vld.idx.msk [tilespmem:v19+s28+$0x0], $0xffff  }
0x20e: {  	v19 =	vor.u32 s16, v4;
	[tilespmem:s15+$0xFFFFFE90] =	vst v10;
	v10 =	vld.idx.msk [tilespmem:v20+s28+$0x0], $0xffff  }
0x20f: {  	v20 =	vor.u32 s16, v5;
	v18 =	vld.idx.msk [tilespmem:v18+s28+$0x0], $0xffff;
	[tilespmem:s15+$0xFFFFFEA0] =	vst v13  }
0x210: {  	v13 =	vor.u32 s16, v6;
	[tilespmem:s15+$0xFFFFFF90] =	vst v14;
	v15 =	vld.idx.msk [tilespmem:v15+s28+$0x0], $0xffff  }
0x211: {  	[tilespmem:s15+$0xFFFFFEB0] =	vst v12;
	v12 =	vor.u32 s16, v7;
	v9 =	vld.idx.msk [tilespmem:v9+s28+$0x0], $0xffff  }
0x212: {  	[tilespmem:s15+$0xFFFFFEC0] =	vst v8;
	v8 =	vor.u32 s30, v4;
	v17 =	vld.idx.msk [tilespmem:v17+s28+$0x0], $0xffff  }
0x213: {  	v14 =	vor.u32 s30, v5;
	v19 =	vld.idx.msk [tilespmem:v19+s28+$0x0], $0xffff;
	[tilespmem:s15+$0xFFFFFFA0] =	vst v11  }
0x214: {  	v11 =	vor.u32 s30, v6;
	[tilespmem:s15+$0xFFFFFFB0] =	vst v16;
	v20 =	vld.idx.msk [tilespmem:v20+s28+$0x0], $0xffff  }
0x215: {  	v16 =	vor.u32 s30, v7;
	v13 =	vld.idx.msk [tilespmem:v13+s28+$0x0], $0xffff;
	[tilespmem:s15+$0xFFFFFFC0] =	vst v10  }
0x216: {  	v10 =	vor.u32 s21, v4;
	[tilespmem:s15+$0xFFFFFC50] =	vst v18;
	v12 =	vld.idx.msk [tilespmem:v12+s28+$0x0], $0xffff  }
0x217: {  	v18 =	vor.u32 s21, v5;
	[tilespmem:s15+$0xFFFFFC60] =	vst v15;
	v8 =	vld.idx.msk [tilespmem:v8+s28+$0x0], $0xffff  }
0x218: {  	[tilespmem:s15+$0xFFFFFC70] =	vst v9;
	v9 =	vld.idx.msk [tilespmem:v14+s28+$0x0], $0xffff;
	v14 =	vor.u32 s21, v7  }
0x219: {  	v15 =	vor.u32 s21, v6;
	[tilespmem:s15+$0xFFFFFC80] =	vst v17;
	v11 =	vld.idx.msk [tilespmem:v11+s28+$0x0], $0xffff  }
0x21a: {  	v17 =	vor.u32 s22, v4;
	[tilespmem:s15+$0xFFFFFCD0] =	vst v19;
	v16 =	vld.idx.msk [tilespmem:v16+s28+$0x0], $0xffff  }
0x21b: {  	v19 =	vor.u32 s22, v5;
	[tilespmem:s15+$0xFFFFFCE0] =	vst v20;
	v10 =	vld.idx.msk [tilespmem:v10+s28+$0x0], $0xffff  }
0x21c: {  	v22 =	vor.u32 s26, v6;
	[tilespmem:s15+$0xFFFFFCF0] =	vst v13;
	v13 =	vld.idx.msk [tilespmem:v18+s28+$0x0], $0xffff  }
0x21d: {  	[tilespmem:s15+$0xFFFFFD50] =	vst v8;
	v8 =	vld.idx.msk [tilespmem:v14+s28+$0x0], $0xffff;
	v14 =	vor.u32 s26, v5  }
0x21e: {  	v20 =	vor.u32 s22, v6;
	[tilespmem:s15+$0xFFFFFD00] =	vst v12;
	v12 =	vld.idx.msk [tilespmem:v15+s28+$0x0], $0xffff  }
0x21f: {  	v18 =	vor.u32 s22, v7;
	[tilespmem:s15+$0xFFFFFD60] =	vst v9;
	v9 =	vld.idx.msk [tilespmem:v17+s28+$0x0], $0xffff  }
0x220: {  	v15 =	vor.u32 s26, v4;
	[tilespmem:s15+$0xFFFFFD70] =	vst v11;
	v21 =	vld.idx.msk [tilespmem:v19+s28+$0x0], $0xffff  }
0x221: {  	v23 =	vor.u32 s26, v7;
	[tilespmem:s15+$0xFFFFFD80] =	vst v16;
	v16 =	vld.idx.msk [tilespmem:v22+s28+$0x0], $0xffff  }
0x222: {  	[tilespmem:s15+$0xFFFFFDE0] =	vst v13;
	v13 =	vld.idx.msk [tilespmem:v14+s28+$0x0], $0xffff;
	v14 =	vor.u32 s19, v4  }
0x223: {  	v19 =	vld.idx.msk [tilespmem:v20+s28+$0x0], $0xffff;
	[tilespmem:s15+$0xFFFFFDF0] =	vst v12;
	v12 =	vor.u32 s19, v5  }
0x224: {  	v11 =	vor.u32 s19, v6;
	[tilespmem:s15+$0xFFFFFDD0] =	vst v10;
	v18 =	vld.idx.msk [tilespmem:v18+s28+$0x0], $0xffff  }
0x225: {  	v10 =	vor.u32 s19, v7;
	v17 =	vld.idx.msk [tilespmem:v15+s28+$0x0], $0xffff;
	[tilespmem:s15+$0xFFFFFE00] =	vst v8  }
0x226: {  	s16 =	simm.s32 $0x0;
	[tilespmem:s15+$0xFFFFFE50] =	vst v9;
	v15 =	vld.idx.msk [tilespmem:v23+s28+$0x0], $0xffff;
	s19 =	simm.s32 $0x1E  }
.LBB2_12:
0x227: {  	s30 =	sadd.s32 $0xFFFFFFF4, s19;
	s26 =	sadd.s32 $0xFFFFFFF6, s19;
	s22 =	sadd.s32 $0xFFFFFFFE, s19;
	v20 =	vor.u32 s19, v0;
	v9 =	vor.u32 s19, v1;
	v8 =	vor.u32 s19, v2;
	[tilespmem:s15+$0xFFFFFE60] =	vst v21;
	v14 =	vld.idx.msk [tilespmem:v14+s28+$0x0], $0xffff  }
0x228: {  	s21 =	sadd.s32 $0xFFFFFFF8, s19;
	s18 =	sadd.s32 $0xFFFFFFFA, s19;
	s10 =	sadd.s32 $0xFFFFFFFC, s19;
	v21 =	vor.u32 s30, v0;
	v22 =	vor.u32 s30, v1;
	v23 =	vor.u32 s22, v0;
	[tilespmem:s15+$0xFFFFFE70] =	vst v19;
	v12 =	vld.idx.msk [tilespmem:v12+s28+$0x0], $0xffff  }
0x229: {  	s3 =	sadd.s32 $0xFFFFFFF2, s19;
	v27 =	vor.u32 s30, v2;
	v28 =	vor.u32 s30, v3;
	v19 =	vor.u32 s22, v1;
	[tilespmem:s15+$0xFFFFFE80] =	vst v18;
	v11 =	vld.idx.msk [tilespmem:v11+s28+$0x0], $0xffff  }
0x22a: {  	s16 =	sadd.s32 $0x8, s16;
	v24 =	vor.u32 s3, v1;
	v25 =	vor.u32 s22, v2;
	v18 =	vor.u32 s3, v0;
	[tilespmem:s15+$0xFFFFFED0] =	vst v17;
	v10 =	vld.idx.msk [tilespmem:v10+s28+$0x0], $0xffff  }
0x22b: {  	v26 =	vor.u32 s3, v3;
	v29 =	vor.u32 s22, v3;
	p1 =	slt.u32 s16, $0x38;
	v17 =	vor.u32 s3, v2;
	[tilespmem:s15+$0xFFFFFEE0] =	vst v13  }
0x22c: {  	v32 =	vor.u32 s26, v0;
	v33 =	vor.u32 s26, v1;
	v34 =	vor.u32 s26, v2;
	v13 =	vld.idx.msk [tilespmem:v20+s28+$0x0], $0xffff;
	[tilespmem:s15+$0xFFFFFEF0] =	vst v16  }
0x22d: {  	v35 =	vor.u32 s26, v3;
	v36 =	vor.u32 s21, v0;
	v37 =	vor.u32 s21, v1;
	v16 =	vld.idx.msk [tilespmem:v23+s28+$0x0], $0xffff;
	[tilespmem:s15+$0xFFFFFF00] =	vst v15  }
0x22e: {  	v38 =	vor.u32 s21, v2;
	v39 =	vor.u32 s21, v3;
	v40 =	vor.u32 s18, v0;
	v15 =	vld.idx.msk [tilespmem:v19+s28+$0x0], $0xffff;
	[tilespmem:s15+$0xFFFFFFD0] =	vst v14  }
0x22f: {  	v41 =	vor.u32 s18, v1;
	v42 =	vor.u32 s18, v2;
	v43 =	vor.u32 s18, v3;
	v14 =	vld.idx.msk [tilespmem:v25+s28+$0x0], $0xffff;
	[tilespmem:s15+$0xFFFFFFE0] =	vst v12  }
0x230: {  	v44 =	vor.u32 s10, v0;
	v45 =	vor.u32 s10, v1;
	v46 =	vor.u32 s10, v2;
	v12 =	vld.idx.msk [tilespmem:v29+s28+$0x0], $0xffff;
	[tilespmem:s15+$0xFFFFFFF0] =	vst v11  }
0x231: {  	v49 =	vor.u32 s19, v3;
	v47 =	vor.u32 s3, v4;
	v48 =	vor.u32 s10, v3;
	v11 =	vld.idx.msk [tilespmem:v18+s28+$0x0], $0xffff  }
0x232: {  	v50 =	vor.u32 s3, v5;
	v51 =	vor.u32 s3, v6;
	v23 =	vor.u32 s22, v7;
	v20 =	vld.idx.msk [tilespmem:v24+s28+$0x0], $0xffff;
	[tilespmem:s15+$0x0] =	vst v10;
	s15 =	sadd.s32 $0x400, s15  }
0x233: {  	v52 =	vor.u32 s3, v7;
	v53 =	vor.u32 s30, v4;
	v54 =	vor.u32 s30, v5;
	v10 =	vld.idx.msk [tilespmem:v17+s28+$0x0], $0xffff;
	[tilespmem:s15+$0xFFFFFF10] =	vst v16  }
0x234: {  	v55 =	vor.u32 s30, v6;
	v31 =	vor.u32 s30, v7;
	v29 =	vor.u32 s26, v4;
	v16 =	vld.idx.msk [tilespmem:v26+s28+$0x0], $0xffff;
	[tilespmem:s15+$0xFFFFFF20] =	vst v15  }
0x235: {  	v30 =	vor.u32 s26, v5;
	v26 =	vor.u32 s26, v6;
	v56 =	vld.idx.msk [tilespmem:v21+s28+$0x0], $0xffff;
	v21 =	vor.u32 s26, v7;
	[tilespmem:s15+$0xFFFFFF30] =	vst v14  }
0x236: {  	v18 =	vor.u32 s21, v5;
	v24 =	vor.u32 s21, v4;
	v57 =	vld.idx.msk [tilespmem:v22+s28+$0x0], $0xffff;
	[tilespmem:s15+$0xFFFFFF40] =	vst v12;
	v12 =	vor.u32 s22, v4  }
0x237: {  	v58 =	vor.u32 s22, v5;
	v19 =	vor.u32 s21, v7;
	v25 =	vor.u32 s21, v6;
	[tilespmem:s15+$0xFFFFFC10] =	vst v11;
	v59 =	vld.idx.msk [tilespmem:v23+s28+$0x0], $0xffff  }
0x238: {  	v61 =	vor.u32 s22, v6;
	v22 =	vor.u32 s18, v5;
	[tilespmem:s15+$0xFFFFFC20] =	vst v20;
	v60 =	vld.idx.msk [tilespmem:v27+s28+$0x0], $0xffff;
	v27 =	vor.u32 s18, v4  }
0x239: {  	v17 =	vor.u32 s10, v4;
	v23 =	vor.u32 s18, v7;
	[tilespmem:s15+$0xFFFFFC30] =	vst v10;
	v62 =	vld.idx.msk [tilespmem:v28+s28+$0x0], $0xffff;
	v28 =	vor.u32 s18, v6  }
0x23a: {  	v15 =	vor.u32 s10, v7;
	v20 =	vor.u32 s10, v5;
	[tilespmem:s15+$0xFFFFFC40] =	vst v16;
	v32 =	vld.idx.msk [tilespmem:v32+s28+$0x0], $0xffff;
	v16 =	vor.u32 s10, v6  }
0x23b: {  	v14 =	vor.u32 s19, v4;
	v11 =	vor.u32 s19, v6;
	[tilespmem:s15+$0xFFFFFC90] =	vst v56;
	v56 =	vld.idx.msk [tilespmem:v12+s28+$0x0], $0xffff;
	v12 =	vor.u32 s19, v5  }
0x23c: {  	v10 =	vor.u32 s19, v7;
	[tilespmem:s15+$0xFFFFFCA0] =	vst v57;
	v57 =	vld.idx.msk [tilespmem:v58+s28+$0x0], $0xffff  }
0x23d: {  	v58 =	vld.idx.msk [tilespmem:v61+s28+$0x0], $0xffff;
	[tilespmem:s15+$0xFFFFFF80] =	vst v59  }
0x23e: {  	[tilespmem:s15+$0xFFFFFCB0] =	vst v60;
	v33 =	vld.idx.msk [tilespmem:v33+s28+$0x0], $0xffff  }
0x23f: {  	[tilespmem:s15+$0xFFFFFCC0] =	vst v62;
	v34 =	vld.idx.msk [tilespmem:v34+s28+$0x0], $0xffff  }
0x240: {  	v35 =	vld.idx.msk [tilespmem:v35+s28+$0x0], $0xffff;
	[tilespmem:s15+$0xFFFFFD10] =	vst v32  }
0x241: {  	v32 =	vld.idx.msk [tilespmem:v36+s28+$0x0], $0xffff;
	[tilespmem:s15+$0xFFFFFF50] =	vst v56  }
0x242: {  	v36 =	vld.idx.msk [tilespmem:v37+s28+$0x0], $0xffff;
	[tilespmem:s15+$0xFFFFFF60] =	vst v57  }
0x243: {  	v37 =	vld.idx.msk [tilespmem:v38+s28+$0x0], $0xffff;
	[tilespmem:s15+$0xFFFFFF70] =	vst v58  }
0x244: {  	[tilespmem:s15+$0xFFFFFD20] =	vst v33;
	v33 =	vld.idx.msk [tilespmem:v39+s28+$0x0], $0xffff  }
0x245: {  	[tilespmem:s15+$0xFFFFFD30] =	vst v34;
	v34 =	vld.idx.msk [tilespmem:v40+s28+$0x0], $0xffff  }
0x246: {  	[tilespmem:s15+$0xFFFFFD40] =	vst v35;
	v35 =	vld.idx.msk [tilespmem:v41+s28+$0x0], $0xffff  }
0x247: {  	[tilespmem:s15+$0xFFFFFD90] =	vst v32;
	v32 =	vld.idx.msk [tilespmem:v42+s28+$0x0], $0xffff  }
0x248: {  	[tilespmem:s15+$0xFFFFFDA0] =	vst v36;
	v36 =	vld.idx.msk [tilespmem:v43+s28+$0x0], $0xffff  }
0x249: {  	[tilespmem:s15+$0xFFFFFDB0] =	vst v37;
	v37 =	vld.idx.msk [tilespmem:v44+s28+$0x0], $0xffff  }
0x24a: {  	[tilespmem:s15+$0xFFFFFDC0] =	vst v33;
	v33 =	vld.idx.msk [tilespmem:v45+s28+$0x0], $0xffff  }
0x24b: {  	[tilespmem:s15+$0xFFFFFE10] =	vst v34;
	v34 =	vld.idx.msk [tilespmem:v46+s28+$0x0], $0xffff  }
0x24c: {  	[tilespmem:s15+$0xFFFFFE20] =	vst v35;
	v35 =	vld.idx.msk [tilespmem:v48+s28+$0x0], $0xffff  }
0x24d: {  	[tilespmem:s15+$0xFFFFFE30] =	vst v32;
	v9 =	vld.idx.msk [tilespmem:v9+s28+$0x0], $0xffff  }
0x24e: {  	[tilespmem:s15+$0xFFFFFE40] =	vst v36;
	v8 =	vld.idx.msk [tilespmem:v8+s28+$0x0], $0xffff  }
0x24f: {  	[tilespmem:s15+$0xFFFFFE90] =	vst v37;
	v32 =	vld.idx.msk [tilespmem:v49+s28+$0x0], $0xffff  }
0x250: {  	v36 =	vld.idx.msk [tilespmem:v47+s28+$0x0], $0xffff;
	[tilespmem:s15+$0xFFFFFEA0] =	vst v33  }
0x251: {  	v33 =	vld.idx.msk [tilespmem:v50+s28+$0x0], $0xffff;
	[tilespmem:s15+$0xFFFFFEB0] =	vst v34  }
0x252: {  	v34 =	vld.idx.msk [tilespmem:v51+s28+$0x0], $0xffff;
	[tilespmem:s15+$0xFFFFFEC0] =	vst v35  }
0x253: {  	v35 =	vld.idx.msk [tilespmem:v52+s28+$0x0], $0xffff;
	[tilespmem:s15+$0xFFFFFF90] =	vst v13  }
0x254: {  	v13 =	vld.idx.msk [tilespmem:v53+s28+$0x0], $0xffff;
	[tilespmem:s15+$0xFFFFFFA0] =	vst v9  }
0x255: {  	v9 =	vld.idx.msk [tilespmem:v54+s28+$0x0], $0xffff;
	[tilespmem:s15+$0xFFFFFFB0] =	vst v8  }
0x256: {  	v8 =	vld.idx.msk [tilespmem:v55+s28+$0x0], $0xffff;
	[tilespmem:s15+$0xFFFFFFC0] =	vst v32  }
0x257: {  	[tilespmem:s15+$0xFFFFFC50] =	vst v36;
	v31 =	vld.idx.msk [tilespmem:v31+s28+$0x0], $0xffff  }
0x258: {  	[tilespmem:s15+$0xFFFFFC60] =	vst v33;
	v29 =	vld.idx.msk [tilespmem:v29+s28+$0x0], $0xffff  }
0x259: {  	[tilespmem:s15+$0xFFFFFC70] =	vst v34;
	v30 =	vld.idx.msk [tilespmem:v30+s28+$0x0], $0xffff  }
0x25a: {  	[tilespmem:s15+$0xFFFFFC80] =	vst v35;
	v26 =	vld.idx.msk [tilespmem:v26+s28+$0x0], $0xffff  }
0x25b: {  	[tilespmem:s15+$0xFFFFFCD0] =	vst v13;
	v13 =	vld.idx.msk [tilespmem:v21+s28+$0x0], $0xffff  }
0x25c: {  	[tilespmem:s15+$0xFFFFFCE0] =	vst v9;
	v9 =	vld.idx.msk [tilespmem:v24+s28+$0x0], $0xffff  }
0x25d: {  	[tilespmem:s15+$0xFFFFFCF0] =	vst v8;
	v8 =	vld.idx.msk [tilespmem:v18+s28+$0x0], $0xffff  }
0x25e: {  	[tilespmem:s15+$0xFFFFFD00] =	vst v31;
	v24 =	vld.idx.msk [tilespmem:v25+s28+$0x0], $0xffff  }
0x25f: {  	[tilespmem:s15+$0xFFFFFD50] =	vst v29;
	v25 =	vld.idx.msk [tilespmem:v19+s28+$0x0], $0xffff  }
0x260: {  	[tilespmem:s15+$0xFFFFFD60] =	vst v30;
	v27 =	vld.idx.msk [tilespmem:v27+s28+$0x0], $0xffff  }
0x261: {  	[tilespmem:s15+$0xFFFFFD70] =	vst v26;
	v21 =	vld.idx.msk [tilespmem:v22+s28+$0x0], $0xffff  }
0x262: {  	[tilespmem:s15+$0xFFFFFD80] =	vst v13;
	v19 =	vld.idx.msk [tilespmem:v28+s28+$0x0], $0xffff  }
.Ltmp9:
0x263: {  	[tilespmem:s15+$0xFFFFFDD0] =	vst v9;
	v18 =	vld.idx.msk [tilespmem:v23+s28+$0x0], $0xffff;
	(pc) =	sbr.rel @p1 .LBB2_12-.Ltmp9, $4  }
0x264: {  	[tilespmem:s15+$0xFFFFFDE0] =	vst v8;
	v17 =	vld.idx.msk [tilespmem:v17+s28+$0x0], $0xffff  }
0x265: {  	[tilespmem:s15+$0xFFFFFDF0] =	vst v24;
	v13 =	vld.idx.msk [tilespmem:v20+s28+$0x0], $0xffff  }
0x266: {  	[tilespmem:s15+$0xFFFFFE00] =	vst v25;
	v16 =	vld.idx.msk [tilespmem:v16+s28+$0x0], $0xffff  }
0x267: {  	s19 =	sadd.s32 $0x10, s19;
	[tilespmem:s15+$0xFFFFFE50] =	vst v27;
	v15 =	vld.idx.msk [tilespmem:v15+s28+$0x0], $0xffff  }
0x268: {  	_ =	sdelay $0x1  }
0x269: {  	[tilespmem:s15+$0xFFFFFE60] =	vst v21  }
0x26a: {  	[tilespmem:s15+$0xFFFFFE70] =	vst v19  }
0x26b: {  	v8 =	vld.idx.msk [tilespmem:v14+s28+$0x0], $0xffff;
	[tilespmem:s15+$0xFFFFFE80] =	vst v18  }
0x26c: {  	v9 =	vld.idx.msk [tilespmem:v12+s28+$0x0], $0xffff;
	[tilespmem:s15+$0xFFFFFED0] =	vst v17  }
0x26d: {  	v11 =	vld.idx.msk [tilespmem:v11+s28+$0x0], $0xffff;
	[tilespmem:s15+$0xFFFFFEE0] =	vst v13  }
0x26e: {  	v10 =	vld.idx.msk [tilespmem:v10+s28+$0x0], $0xffff;
	[tilespmem:s15+$0xFFFFFEF0] =	vst v16  }
0x26f: {  	[tilespmem:s15+$0xFFFFFF00] =	vst v15  }
0x270: {  	[tilespmem:s15+$0xFFFFFFD0] =	vst v8  }
0x271: {  	s3 =	sshll.u32 s9, $0xA;
	[tilespmem:s15+$0xFFFFFFE0] =	vst v9  }
0x272: {  	s3 =	sand.u32 $0x1FFFFC00, s3;
	[tilespmem:s15+$0xFFFFFFF0] =	vst v11  }
0x273: {  	s30 =	simm.s32 $0x14000;
	s3 =	sadd.s32 s5, s3;
	[tilespmem:s15+$0x0] =	vst v10  }
0x274: {  	[hbm4b:s3+s4] =	stream.linear.scatter [tilespmem:s30], [sflag:$0x7], $0x2000, $0x38;
	[tilespmem:$0x18000] =	vst v63  }
.LBB2_14:
0x275: {  	s3 =	sor.u32 $0x3, s25  }
0x276: {  	p1 =	sge.u32 s3, s7  }
.Ltmp10:
0x277: {  	_ = 	snop;
	(pc) =	sbr.rel @p1 .LBB2_18-.Ltmp10, $1  }
0x278: {  	_ =	sdelay $0x3  }
0x279: {  	s9 =	sadd.s32 s6, s3;
	p1 =	sge.u32 s25, s14  }
0x27a: {  	s3 =	sshll.u32 @!p1 s9, $0x7  }
0x27b: {  	_ =	swait.ge [sflag:s1], $0x2000;
	s3 =	sand.u32 @!p1 $0x1FFFFF80, s3  }
0x27c: {  	[sflag:s1] =	ssyncset.done $0x0;
	s15 =	simm.s32 @!p1 $0x0;
	s3 =	sadd.s32 @!p1 s0, s3  }
0x27d: {  	s16 =	simm.s32 @!p1 $0x8000;
	[sflag:s1] =	ssyncadd.s32 $0xFFFFE000;
	s10 =	sadd.s32 @!p1 $0x180, s3  }
0x27e: {  	[tilespmem:s16], [sflag:$0x3] =	stream.linear.gather @!p1 [hbm4b:s10+s15], $0x400, $0x38;
	[tilespmem:$0x18000] =	vst v63  }
0x27f: {  	s10 =	sadd.s32 @!p1 $0xF4400, s3;
	s16 =	simm.s32 @!p1 $0x8800  }
0x280: {  	[tilespmem:s16], [sflag:$0x3] =	stream.linear.gather @!p1 [hbm4b:s10+s15], $0x400, $0x38;
	[tilespmem:$0x18000] =	vst v63  }
0x281: {  	s10 =	sadd.s32 @!p1 $0x1E8680, s3;
	s16 =	simm.s32 @!p1 $0x9000  }
0x282: {  	[tilespmem:s16], [sflag:$0x3] =	stream.linear.gather @!p1 [hbm4b:s10+s15], $0x400, $0x38;
	[tilespmem:$0x18000] =	vst v63  }
0x283: {  	s10 =	sadd.s32 @!p1 $0x2DC900, s3;
	s16 =	simm.s32 @!p1 $0x9800  }
0x284: {  	[tilespmem:s16], [sflag:$0x3] =	stream.linear.gather @!p1 [hbm4b:s10+s15], $0x400, $0x38;
	[tilespmem:$0x18000] =	vst v63  }
0x285: {  	s10 =	sadd.s32 @!p1 $0x3D0B80, s3;
	s16 =	simm.s32 @!p1 $0xA000  }
0x286: {  	[tilespmem:s16], [sflag:$0x3] =	stream.linear.gather @!p1 [hbm4b:s10+s15], $0x400, $0x38;
	[tilespmem:$0x18000] =	vst v63  }
0x287: {  	s10 =	sadd.s32 @!p1 $0x4C4E00, s3;
	s16 =	simm.s32 @!p1 $0xA800  }
0x288: {  	[tilespmem:s16], [sflag:$0x3] =	stream.linear.gather @!p1 [hbm4b:s10+s15], $0x400, $0x38;
	[tilespmem:$0x18000] =	vst v63  }
0x289: {  	s10 =	sadd.s32 @!p1 $0x5B9080, s3;
	s16 =	simm.s32 @!p1 $0xB000  }
0x28a: {  	[tilespmem:s16], [sflag:$0x3] =	stream.linear.gather @!p1 [hbm4b:s10+s15], $0x400, $0x38;
	[tilespmem:$0x18000] =	vst v63  }
0x28b: {  	s22 =	simm.s32 $0xC;
	s3 =	sadd.s32 @!p1 $0x6AD300, s3;
	s10 =	simm.s32 @!p1 $0xB800  }
0x28c: {  	[tilespmem:s10], [sflag:$0x3] =	stream.linear.gather @!p1 [hbm4b:s3+s15], $0x400, $0x38;
	[tilespmem:$0x18000] =	vst v63  }
0x28d: {  	v8 =	vor.u32 s22, v0;
	p1 =	seq.s32 s25, $0x0  }
0x28e: {  	v9 =	vor.u32 s22, v1;
	s10 =	simm.s32 @!p1 $0x8  }
0x28f: {  	v10 =	vor.u32 s22, v2;
	_ =	swait.ge @!p1 [sflag:s10], $0x2000  }
0x290: {  	s18 =	simm.s32 $0x0;
	v11 =	vor.u32 s22, v3;
	[sflag:s10] =	ssyncset.done @!p1 $0x0  }
0x291: {  	v12 =	vor.u32 s18, v0;
	[sflag:s10] =	ssyncadd.s32 @!p1 $0xFFFFE000  }
0x292: {  	v13 =	vor.u32 s18, v1;
	v8 =	vld.idx.msk [tilespmem:v8+s17+$0x0], $0xffff  }
0x293: {  	v14 =	vor.u32 s18, v2;
	v9 =	vld.idx.msk [tilespmem:v9+s17+$0x0], $0xffff  }
0x294: {  	v15 =	vor.u32 s18, v3;
	s25 =	simm.s32 $0x2;
	v10 =	vld.idx.msk [tilespmem:v10+s17+$0x0], $0xffff  }
0x295: {  	v16 =	vor.u32 s25, v0;
	v11 =	vld.idx.msk [tilespmem:v11+s17+$0x0], $0xffff  }
0x296: {  	v17 =	vor.u32 s25, v1;
	v12 =	vld.idx.msk [tilespmem:v12+s17+$0x0], $0xffff  }
0x297: {  	s15 =	simm.s32 $0x163F0;
	v19 =	vor.u32 s25, v2;
	v13 =	vld.idx.msk [tilespmem:v13+s17+$0x0], $0xffff  }
0x298: {  	v18 =	vor.u32 s22, v7;
	v14 =	vld.idx.msk [tilespmem:v14+s17+$0x0], $0xffff;
	[tilespmem:s15+$0xFFFFFF10] =	vst v8  }
0x299: {  	s26 =	simm.s32 $0x4;
	v15 =	vld.idx.msk [tilespmem:v15+s17+$0x0], $0xffff;
	v8 =	vor.u32 s25, v3;
	[tilespmem:s15+$0xFFFFFF20] =	vst v9  }
0x29a: {  	v16 =	vld.idx.msk [tilespmem:v16+s17+$0x0], $0xffff;
	v9 =	vor.u32 s26, v0;
	[tilespmem:s15+$0xFFFFFF30] =	vst v10  }
0x29b: {  	v10 =	vld.idx.msk [tilespmem:v17+s17+$0x0], $0xffff;
	[tilespmem:s15+$0xFFFFFF40] =	vst v11;
	v11 =	vor.u32 s22, v4  }
0x29c: {  	v17 =	vor.u32 s22, v5;
	[tilespmem:s15+$0xFFFFFC10] =	vst v12;
	v12 =	vld.idx.msk [tilespmem:v19+s17+$0x0], $0xffff  }
0x29d: {  	v19 =	vor.u32 s22, v6;
	v18 =	vld.idx.msk [tilespmem:v18+s17+$0x0], $0xffff  }
0x29e: {  	[tilespmem:s15+$0xFFFFFC20] =	vst v13;
	v13 =	vor.u32 s26, v2;
	v8 =	vld.idx.msk [tilespmem:v8+s17+$0x0], $0xffff  }
0x29f: {  	v20 =	vor.u32 s26, v1;
	[tilespmem:s15+$0xFFFFFC30] =	vst v14;
	v9 =	vld.idx.msk [tilespmem:v9+s17+$0x0], $0xffff  }
0x2a0: {  	s19 =	simm.s32 $0xE;
	v14 =	vor.u32 s26, v3;
	[tilespmem:s15+$0xFFFFFC40] =	vst v15;
	v11 =	vld.idx.msk [tilespmem:v11+s17+$0x0], $0xffff  }
0x2a1: {  	s21 =	simm.s32 $0x6;
	v15 =	vor.u32 s19, v0;
	[tilespmem:s15+$0xFFFFFC90] =	vst v16;
	v16 =	vld.idx.msk [tilespmem:v17+s17+$0x0], $0xffff  }
0x2a2: {  	v17 =	vor.u32 s21, v0;
	[tilespmem:s15+$0xFFFFFCA0] =	vst v10;
	v10 =	vld.idx.msk [tilespmem:v19+s17+$0x0], $0xffff  }
0x2a3: {  	v19 =	vor.u32 s21, v1;
	[tilespmem:s15+$0xFFFFFCB0] =	vst v12;
	v12 =	vld.idx.msk [tilespmem:v13+s17+$0x0], $0xffff  }
0x2a4: {  	v13 =	vor.u32 s21, v3;
	[tilespmem:s15+$0xFFFFFF80] =	vst v18;
	v18 =	vld.idx.msk [tilespmem:v20+s17+$0x0], $0xffff  }
0x2a5: {  	s22 =	simm.s32 $0x8;
	v20 =	vor.u32 s21, v2;
	[tilespmem:s15+$0xFFFFFCC0] =	vst v8;
	v8 =	vld.idx.msk [tilespmem:v14+s17+$0x0], $0xffff  }
0x2a6: {  	v14 =	vld.idx.msk [tilespmem:v15+s17+$0x0], $0xffff;
	v15 =	vor.u32 s22, v0;
	[tilespmem:s15+$0xFFFFFD10] =	vst v9  }
0x2a7: {  	v9 =	vor.u32 s22, v1;
	v17 =	vld.idx.msk [tilespmem:v17+s17+$0x0], $0xffff;
	[tilespmem:s15+$0xFFFFFF50] =	vst v11  }
0x2a8: {  	v11 =	vor.u32 s22, v2;
	v19 =	vld.idx.msk [tilespmem:v19+s17+$0x0], $0xffff;
	[tilespmem:s15+$0xFFFFFF60] =	vst v16  }
0x2a9: {  	s30 =	simm.s32 $0xA;
	v16 =	vor.u32 s22, v3;
	[tilespmem:s15+$0xFFFFFF70] =	vst v10;
	v13 =	vld.idx.msk [tilespmem:v13+s17+$0x0], $0xffff  }
0x2aa: {  	v10 =	vor.u32 s30, v0;
	[tilespmem:s15+$0xFFFFFD30] =	vst v12;
	v20 =	vld.idx.msk [tilespmem:v20+s17+$0x0], $0xffff  }
0x2ab: {  	[tilespmem:s15+$0xFFFFFD20] =	vst v18;
	v18 =	vor.u32 s30, v1;
	v12 =	vld.idx.msk [tilespmem:v15+s17+$0x0], $0xffff  }
0x2ac: {  	v15 =	vor.u32 s30, v2;
	[tilespmem:s15+$0xFFFFFD40] =	vst v8;
	v8 =	vld.idx.msk [tilespmem:v9+s17+$0x0], $0xffff  }
0x2ad: {  	v9 =	vor.u32 s30, v3;
	[tilespmem:s15+$0xFFFFFD90] =	vst v17;
	v11 =	vld.idx.msk [tilespmem:v11+s17+$0x0], $0xffff  }
0x2ae: {  	v17 =	vor.u32 s19, v1;
	[tilespmem:s15+$0xFFFFFDA0] =	vst v19;
	v16 =	vld.idx.msk [tilespmem:v16+s17+$0x0], $0xffff  }
0x2af: {  	v19 =	vor.u32 s19, v2;
	v10 =	vld.idx.msk [tilespmem:v10+s17+$0x0], $0xffff;
	[tilespmem:s15+$0xFFFFFDC0] =	vst v13  }
0x2b0: {  	[tilespmem:s15+$0xFFFFFDB0] =	vst v20;
	v20 =	vor.u32 s19, v3;
	v13 =	vld.idx.msk [tilespmem:v18+s17+$0x0], $0xffff  }
0x2b1: {  	v18 =	vor.u32 s18, v4;
	[tilespmem:s15+$0xFFFFFE10] =	vst v12;
	v12 =	vld.idx.msk [tilespmem:v15+s17+$0x0], $0xffff  }
0x2b2: {  	v15 =	vor.u32 s18, v5;
	[tilespmem:s15+$0xFFFFFE20] =	vst v8;
	v8 =	vld.idx.msk [tilespmem:v9+s17+$0x0], $0xffff  }
0x2b3: {  	v9 =	vor.u32 s18, v6;
	[tilespmem:s15+$0xFFFFFE30] =	vst v11;
	v11 =	vld.idx.msk [tilespmem:v17+s17+$0x0], $0xffff  }
0x2b4: {  	v17 =	vor.u32 s18, v7;
	[tilespmem:s15+$0xFFFFFE40] =	vst v16;
	v16 =	vld.idx.msk [tilespmem:v19+s17+$0x0], $0xffff  }
0x2b5: {  	v19 =	vor.u32 s25, v4;
	[tilespmem:s15+$0xFFFFFE90] =	vst v10;
	v10 =	vld.idx.msk [tilespmem:v20+s17+$0x0], $0xffff  }
0x2b6: {  	v20 =	vor.u32 s25, v5;
	v18 =	vld.idx.msk [tilespmem:v18+s17+$0x0], $0xffff;
	[tilespmem:s15+$0xFFFFFEA0] =	vst v13  }
0x2b7: {  	v13 =	vor.u32 s25, v6;
	[tilespmem:s15+$0xFFFFFF90] =	vst v14;
	v15 =	vld.idx.msk [tilespmem:v15+s17+$0x0], $0xffff  }
0x2b8: {  	[tilespmem:s15+$0xFFFFFEB0] =	vst v12;
	v12 =	vor.u32 s25, v7;
	v9 =	vld.idx.msk [tilespmem:v9+s17+$0x0], $0xffff  }
0x2b9: {  	[tilespmem:s15+$0xFFFFFEC0] =	vst v8;
	v8 =	vor.u32 s26, v4;
	v17 =	vld.idx.msk [tilespmem:v17+s17+$0x0], $0xffff  }
0x2ba: {  	v14 =	vor.u32 s26, v5;
	v19 =	vld.idx.msk [tilespmem:v19+s17+$0x0], $0xffff;
	[tilespmem:s15+$0xFFFFFFA0] =	vst v11  }
0x2bb: {  	v11 =	vor.u32 s26, v6;
	[tilespmem:s15+$0xFFFFFFB0] =	vst v16;
	v20 =	vld.idx.msk [tilespmem:v20+s17+$0x0], $0xffff  }
0x2bc: {  	v16 =	vor.u32 s26, v7;
	v13 =	vld.idx.msk [tilespmem:v13+s17+$0x0], $0xffff;
	[tilespmem:s15+$0xFFFFFFC0] =	vst v10  }
0x2bd: {  	v10 =	vor.u32 s21, v4;
	[tilespmem:s15+$0xFFFFFC50] =	vst v18;
	v12 =	vld.idx.msk [tilespmem:v12+s17+$0x0], $0xffff  }
0x2be: {  	v18 =	vor.u32 s21, v5;
	[tilespmem:s15+$0xFFFFFC60] =	vst v15;
	v8 =	vld.idx.msk [tilespmem:v8+s17+$0x0], $0xffff  }
0x2bf: {  	[tilespmem:s15+$0xFFFFFC70] =	vst v9;
	v9 =	vld.idx.msk [tilespmem:v14+s17+$0x0], $0xffff;
	v14 =	vor.u32 s21, v7  }
0x2c0: {  	v15 =	vor.u32 s21, v6;
	[tilespmem:s15+$0xFFFFFC80] =	vst v17;
	v11 =	vld.idx.msk [tilespmem:v11+s17+$0x0], $0xffff  }
0x2c1: {  	v17 =	vor.u32 s22, v4;
	[tilespmem:s15+$0xFFFFFCD0] =	vst v19;
	v16 =	vld.idx.msk [tilespmem:v16+s17+$0x0], $0xffff  }
0x2c2: {  	v19 =	vor.u32 s22, v5;
	[tilespmem:s15+$0xFFFFFCE0] =	vst v20;
	v10 =	vld.idx.msk [tilespmem:v10+s17+$0x0], $0xffff  }
0x2c3: {  	v22 =	vor.u32 s30, v6;
	[tilespmem:s15+$0xFFFFFCF0] =	vst v13;
	v13 =	vld.idx.msk [tilespmem:v18+s17+$0x0], $0xffff  }
0x2c4: {  	[tilespmem:s15+$0xFFFFFD50] =	vst v8;
	v8 =	vld.idx.msk [tilespmem:v14+s17+$0x0], $0xffff;
	v14 =	vor.u32 s30, v5  }
0x2c5: {  	v20 =	vor.u32 s22, v6;
	[tilespmem:s15+$0xFFFFFD00] =	vst v12;
	v12 =	vld.idx.msk [tilespmem:v15+s17+$0x0], $0xffff  }
0x2c6: {  	v18 =	vor.u32 s22, v7;
	[tilespmem:s15+$0xFFFFFD60] =	vst v9;
	v9 =	vld.idx.msk [tilespmem:v17+s17+$0x0], $0xffff  }
0x2c7: {  	v15 =	vor.u32 s30, v4;
	[tilespmem:s15+$0xFFFFFD70] =	vst v11;
	v21 =	vld.idx.msk [tilespmem:v19+s17+$0x0], $0xffff  }
0x2c8: {  	v23 =	vor.u32 s30, v7;
	[tilespmem:s15+$0xFFFFFD80] =	vst v16;
	v16 =	vld.idx.msk [tilespmem:v22+s17+$0x0], $0xffff  }
0x2c9: {  	[tilespmem:s15+$0xFFFFFDE0] =	vst v13;
	v13 =	vld.idx.msk [tilespmem:v14+s17+$0x0], $0xffff;
	v14 =	vor.u32 s19, v4  }
0x2ca: {  	v19 =	vld.idx.msk [tilespmem:v20+s17+$0x0], $0xffff;
	[tilespmem:s15+$0xFFFFFDF0] =	vst v12;
	v12 =	vor.u32 s19, v5  }
0x2cb: {  	v11 =	vor.u32 s19, v6;
	[tilespmem:s15+$0xFFFFFDD0] =	vst v10;
	v18 =	vld.idx.msk [tilespmem:v18+s17+$0x0], $0xffff  }
0x2cc: {  	v10 =	vor.u32 s19, v7;
	v17 =	vld.idx.msk [tilespmem:v15+s17+$0x0], $0xffff;
	[tilespmem:s15+$0xFFFFFE00] =	vst v8  }
0x2cd: {  	s16 =	simm.s32 $0x0;
	[tilespmem:s15+$0xFFFFFE50] =	vst v9;
	v15 =	vld.idx.msk [tilespmem:v23+s17+$0x0], $0xffff;
	s19 =	simm.s32 $0x1E  }
.LBB2_16:
0x2ce: {  	s26 =	sadd.s32 $0xFFFFFFF4, s19;
	s25 =	sadd.s32 $0xFFFFFFF6, s19;
	s22 =	sadd.s32 $0xFFFFFFFE, s19;
	v20 =	vor.u32 s19, v0;
	v9 =	vor.u32 s19, v1;
	v8 =	vor.u32 s19, v2;
	[tilespmem:s15+$0xFFFFFE60] =	vst v21;
	v14 =	vld.idx.msk [tilespmem:v14+s17+$0x0], $0xffff  }
0x2cf: {  	s21 =	sadd.s32 $0xFFFFFFF8, s19;
	s18 =	sadd.s32 $0xFFFFFFFA, s19;
	s10 =	sadd.s32 $0xFFFFFFFC, s19;
	v21 =	vor.u32 s26, v0;
	v22 =	vor.u32 s26, v1;
	v23 =	vor.u32 s22, v0;
	[tilespmem:s15+$0xFFFFFE70] =	vst v19;
	v12 =	vld.idx.msk [tilespmem:v12+s17+$0x0], $0xffff  }
0x2d0: {  	s3 =	sadd.s32 $0xFFFFFFF2, s19;
	v27 =	vor.u32 s26, v2;
	v28 =	vor.u32 s26, v3;
	v19 =	vor.u32 s22, v1;
	[tilespmem:s15+$0xFFFFFE80] =	vst v18;
	v11 =	vld.idx.msk [tilespmem:v11+s17+$0x0], $0xffff  }
0x2d1: {  	s16 =	sadd.s32 $0x8, s16;
	v24 =	vor.u32 s3, v1;
	v25 =	vor.u32 s22, v2;
	v18 =	vor.u32 s3, v0;
	[tilespmem:s15+$0xFFFFFED0] =	vst v17;
	v10 =	vld.idx.msk [tilespmem:v10+s17+$0x0], $0xffff  }
0x2d2: {  	v26 =	vor.u32 s3, v3;
	v29 =	vor.u32 s22, v3;
	p1 =	slt.u32 s16, $0x38;
	v17 =	vor.u32 s3, v2;
	[tilespmem:s15+$0xFFFFFEE0] =	vst v13  }
0x2d3: {  	v32 =	vor.u32 s25, v0;
	v33 =	vor.u32 s25, v1;
	v34 =	vor.u32 s25, v2;
	v13 =	vld.idx.msk [tilespmem:v20+s17+$0x0], $0xffff;
	[tilespmem:s15+$0xFFFFFEF0] =	vst v16  }
0x2d4: {  	v35 =	vor.u32 s25, v3;
	v36 =	vor.u32 s21, v0;
	v37 =	vor.u32 s21, v1;
	v16 =	vld.idx.msk [tilespmem:v23+s17+$0x0], $0xffff;
	[tilespmem:s15+$0xFFFFFF00] =	vst v15  }
0x2d5: {  	v38 =	vor.u32 s21, v2;
	v39 =	vor.u32 s21, v3;
	v40 =	vor.u32 s18, v0;
	v15 =	vld.idx.msk [tilespmem:v19+s17+$0x0], $0xffff;
	[tilespmem:s15+$0xFFFFFFD0] =	vst v14  }
0x2d6: {  	v41 =	vor.u32 s18, v1;
	v42 =	vor.u32 s18, v2;
	v43 =	vor.u32 s18, v3;
	v14 =	vld.idx.msk [tilespmem:v25+s17+$0x0], $0xffff;
	[tilespmem:s15+$0xFFFFFFE0] =	vst v12  }
0x2d7: {  	v44 =	vor.u32 s10, v0;
	v45 =	vor.u32 s10, v1;
	v46 =	vor.u32 s10, v2;
	v12 =	vld.idx.msk [tilespmem:v29+s17+$0x0], $0xffff;
	[tilespmem:s15+$0xFFFFFFF0] =	vst v11  }
0x2d8: {  	v49 =	vor.u32 s19, v3;
	v47 =	vor.u32 s3, v4;
	v48 =	vor.u32 s10, v3;
	v11 =	vld.idx.msk [tilespmem:v18+s17+$0x0], $0xffff  }
0x2d9: {  	v50 =	vor.u32 s3, v5;
	v51 =	vor.u32 s3, v6;
	v23 =	vor.u32 s22, v7;
	v20 =	vld.idx.msk [tilespmem:v24+s17+$0x0], $0xffff;
	[tilespmem:s15+$0x0] =	vst v10;
	s15 =	sadd.s32 $0x400, s15  }
0x2da: {  	v52 =	vor.u32 s3, v7;
	v53 =	vor.u32 s26, v4;
	v54 =	vor.u32 s26, v5;
	v10 =	vld.idx.msk [tilespmem:v17+s17+$0x0], $0xffff;
	[tilespmem:s15+$0xFFFFFF10] =	vst v16  }
0x2db: {  	v55 =	vor.u32 s26, v6;
	v31 =	vor.u32 s26, v7;
	v29 =	vor.u32 s25, v4;
	v16 =	vld.idx.msk [tilespmem:v26+s17+$0x0], $0xffff;
	[tilespmem:s15+$0xFFFFFF20] =	vst v15  }
0x2dc: {  	v30 =	vor.u32 s25, v5;
	v26 =	vor.u32 s25, v6;
	v56 =	vld.idx.msk [tilespmem:v21+s17+$0x0], $0xffff;
	v21 =	vor.u32 s25, v7;
	[tilespmem:s15+$0xFFFFFF30] =	vst v14  }
0x2dd: {  	v18 =	vor.u32 s21, v5;
	v24 =	vor.u32 s21, v4;
	v57 =	vld.idx.msk [tilespmem:v22+s17+$0x0], $0xffff;
	[tilespmem:s15+$0xFFFFFF40] =	vst v12;
	v12 =	vor.u32 s22, v4  }
0x2de: {  	v58 =	vor.u32 s22, v5;
	v19 =	vor.u32 s21, v7;
	v25 =	vor.u32 s21, v6;
	[tilespmem:s15+$0xFFFFFC10] =	vst v11;
	v59 =	vld.idx.msk [tilespmem:v23+s17+$0x0], $0xffff  }
0x2df: {  	v61 =	vor.u32 s22, v6;
	v22 =	vor.u32 s18, v5;
	[tilespmem:s15+$0xFFFFFC20] =	vst v20;
	v60 =	vld.idx.msk [tilespmem:v27+s17+$0x0], $0xffff;
	v27 =	vor.u32 s18, v4  }
0x2e0: {  	v17 =	vor.u32 s10, v4;
	v23 =	vor.u32 s18, v7;
	[tilespmem:s15+$0xFFFFFC30] =	vst v10;
	v62 =	vld.idx.msk [tilespmem:v28+s17+$0x0], $0xffff;
	v28 =	vor.u32 s18, v6  }
0x2e1: {  	v15 =	vor.u32 s10, v7;
	v20 =	vor.u32 s10, v5;
	[tilespmem:s15+$0xFFFFFC40] =	vst v16;
	v32 =	vld.idx.msk [tilespmem:v32+s17+$0x0], $0xffff;
	v16 =	vor.u32 s10, v6  }
0x2e2: {  	v14 =	vor.u32 s19, v4;
	v11 =	vor.u32 s19, v6;
	[tilespmem:s15+$0xFFFFFC90] =	vst v56;
	v56 =	vld.idx.msk [tilespmem:v12+s17+$0x0], $0xffff;
	v12 =	vor.u32 s19, v5  }
0x2e3: {  	v10 =	vor.u32 s19, v7;
	[tilespmem:s15+$0xFFFFFCA0] =	vst v57;
	v57 =	vld.idx.msk [tilespmem:v58+s17+$0x0], $0xffff  }
0x2e4: {  	v58 =	vld.idx.msk [tilespmem:v61+s17+$0x0], $0xffff;
	[tilespmem:s15+$0xFFFFFF80] =	vst v59  }
0x2e5: {  	[tilespmem:s15+$0xFFFFFCB0] =	vst v60;
	v33 =	vld.idx.msk [tilespmem:v33+s17+$0x0], $0xffff  }
0x2e6: {  	[tilespmem:s15+$0xFFFFFCC0] =	vst v62;
	v34 =	vld.idx.msk [tilespmem:v34+s17+$0x0], $0xffff  }
0x2e7: {  	v35 =	vld.idx.msk [tilespmem:v35+s17+$0x0], $0xffff;
	[tilespmem:s15+$0xFFFFFD10] =	vst v32  }
0x2e8: {  	v32 =	vld.idx.msk [tilespmem:v36+s17+$0x0], $0xffff;
	[tilespmem:s15+$0xFFFFFF50] =	vst v56  }
0x2e9: {  	v36 =	vld.idx.msk [tilespmem:v37+s17+$0x0], $0xffff;
	[tilespmem:s15+$0xFFFFFF60] =	vst v57  }
0x2ea: {  	v37 =	vld.idx.msk [tilespmem:v38+s17+$0x0], $0xffff;
	[tilespmem:s15+$0xFFFFFF70] =	vst v58  }
0x2eb: {  	[tilespmem:s15+$0xFFFFFD20] =	vst v33;
	v33 =	vld.idx.msk [tilespmem:v39+s17+$0x0], $0xffff  }
0x2ec: {  	[tilespmem:s15+$0xFFFFFD30] =	vst v34;
	v34 =	vld.idx.msk [tilespmem:v40+s17+$0x0], $0xffff  }
0x2ed: {  	[tilespmem:s15+$0xFFFFFD40] =	vst v35;
	v35 =	vld.idx.msk [tilespmem:v41+s17+$0x0], $0xffff  }
0x2ee: {  	[tilespmem:s15+$0xFFFFFD90] =	vst v32;
	v32 =	vld.idx.msk [tilespmem:v42+s17+$0x0], $0xffff  }
0x2ef: {  	[tilespmem:s15+$0xFFFFFDA0] =	vst v36;
	v36 =	vld.idx.msk [tilespmem:v43+s17+$0x0], $0xffff  }
0x2f0: {  	[tilespmem:s15+$0xFFFFFDB0] =	vst v37;
	v37 =	vld.idx.msk [tilespmem:v44+s17+$0x0], $0xffff  }
0x2f1: {  	[tilespmem:s15+$0xFFFFFDC0] =	vst v33;
	v33 =	vld.idx.msk [tilespmem:v45+s17+$0x0], $0xffff  }
0x2f2: {  	[tilespmem:s15+$0xFFFFFE10] =	vst v34;
	v34 =	vld.idx.msk [tilespmem:v46+s17+$0x0], $0xffff  }
0x2f3: {  	[tilespmem:s15+$0xFFFFFE20] =	vst v35;
	v35 =	vld.idx.msk [tilespmem:v48+s17+$0x0], $0xffff  }
0x2f4: {  	[tilespmem:s15+$0xFFFFFE30] =	vst v32;
	v9 =	vld.idx.msk [tilespmem:v9+s17+$0x0], $0xffff  }
0x2f5: {  	[tilespmem:s15+$0xFFFFFE40] =	vst v36;
	v8 =	vld.idx.msk [tilespmem:v8+s17+$0x0], $0xffff  }
0x2f6: {  	[tilespmem:s15+$0xFFFFFE90] =	vst v37;
	v32 =	vld.idx.msk [tilespmem:v49+s17+$0x0], $0xffff  }
0x2f7: {  	v36 =	vld.idx.msk [tilespmem:v47+s17+$0x0], $0xffff;
	[tilespmem:s15+$0xFFFFFEA0] =	vst v33  }
0x2f8: {  	v33 =	vld.idx.msk [tilespmem:v50+s17+$0x0], $0xffff;
	[tilespmem:s15+$0xFFFFFEB0] =	vst v34  }
0x2f9: {  	v34 =	vld.idx.msk [tilespmem:v51+s17+$0x0], $0xffff;
	[tilespmem:s15+$0xFFFFFEC0] =	vst v35  }
0x2fa: {  	v35 =	vld.idx.msk [tilespmem:v52+s17+$0x0], $0xffff;
	[tilespmem:s15+$0xFFFFFF90] =	vst v13  }
0x2fb: {  	v13 =	vld.idx.msk [tilespmem:v53+s17+$0x0], $0xffff;
	[tilespmem:s15+$0xFFFFFFA0] =	vst v9  }
0x2fc: {  	v9 =	vld.idx.msk [tilespmem:v54+s17+$0x0], $0xffff;
	[tilespmem:s15+$0xFFFFFFB0] =	vst v8  }
0x2fd: {  	v8 =	vld.idx.msk [tilespmem:v55+s17+$0x0], $0xffff;
	[tilespmem:s15+$0xFFFFFFC0] =	vst v32  }
0x2fe: {  	[tilespmem:s15+$0xFFFFFC50] =	vst v36;
	v31 =	vld.idx.msk [tilespmem:v31+s17+$0x0], $0xffff  }
0x2ff: {  	[tilespmem:s15+$0xFFFFFC60] =	vst v33;
	v29 =	vld.idx.msk [tilespmem:v29+s17+$0x0], $0xffff  }
0x300: {  	[tilespmem:s15+$0xFFFFFC70] =	vst v34;
	v30 =	vld.idx.msk [tilespmem:v30+s17+$0x0], $0xffff  }
0x301: {  	[tilespmem:s15+$0xFFFFFC80] =	vst v35;
	v26 =	vld.idx.msk [tilespmem:v26+s17+$0x0], $0xffff  }
0x302: {  	[tilespmem:s15+$0xFFFFFCD0] =	vst v13;
	v13 =	vld.idx.msk [tilespmem:v21+s17+$0x0], $0xffff  }
0x303: {  	[tilespmem:s15+$0xFFFFFCE0] =	vst v9;
	v9 =	vld.idx.msk [tilespmem:v24+s17+$0x0], $0xffff  }
0x304: {  	[tilespmem:s15+$0xFFFFFCF0] =	vst v8;
	v8 =	vld.idx.msk [tilespmem:v18+s17+$0x0], $0xffff  }
0x305: {  	[tilespmem:s15+$0xFFFFFD00] =	vst v31;
	v24 =	vld.idx.msk [tilespmem:v25+s17+$0x0], $0xffff  }
0x306: {  	[tilespmem:s15+$0xFFFFFD50] =	vst v29;
	v25 =	vld.idx.msk [tilespmem:v19+s17+$0x0], $0xffff  }
0x307: {  	[tilespmem:s15+$0xFFFFFD60] =	vst v30;
	v27 =	vld.idx.msk [tilespmem:v27+s17+$0x0], $0xffff  }
0x308: {  	[tilespmem:s15+$0xFFFFFD70] =	vst v26;
	v21 =	vld.idx.msk [tilespmem:v22+s17+$0x0], $0xffff  }
0x309: {  	[tilespmem:s15+$0xFFFFFD80] =	vst v13;
	v19 =	vld.idx.msk [tilespmem:v28+s17+$0x0], $0xffff  }
.Ltmp11:
0x30a: {  	[tilespmem:s15+$0xFFFFFDD0] =	vst v9;
	v18 =	vld.idx.msk [tilespmem:v23+s17+$0x0], $0xffff;
	(pc) =	sbr.rel @p1 .LBB2_16-.Ltmp11, $4  }
0x30b: {  	[tilespmem:s15+$0xFFFFFDE0] =	vst v8;
	v17 =	vld.idx.msk [tilespmem:v17+s17+$0x0], $0xffff  }
0x30c: {  	[tilespmem:s15+$0xFFFFFDF0] =	vst v24;
	v13 =	vld.idx.msk [tilespmem:v20+s17+$0x0], $0xffff  }
0x30d: {  	[tilespmem:s15+$0xFFFFFE00] =	vst v25;
	v16 =	vld.idx.msk [tilespmem:v16+s17+$0x0], $0xffff  }
0x30e: {  	s19 =	sadd.s32 $0x10, s19;
	[tilespmem:s15+$0xFFFFFE50] =	vst v27;
	v15 =	vld.idx.msk [tilespmem:v15+s17+$0x0], $0xffff  }
0x30f: {  	_ =	sdelay $0x1  }
0x310: {  	[tilespmem:s15+$0xFFFFFE60] =	vst v21  }
0x311: {  	[tilespmem:s15+$0xFFFFFE70] =	vst v19  }
0x312: {  	v8 =	vld.idx.msk [tilespmem:v14+s17+$0x0], $0xffff;
	[tilespmem:s15+$0xFFFFFE80] =	vst v18  }
0x313: {  	v9 =	vld.idx.msk [tilespmem:v12+s17+$0x0], $0xffff;
	[tilespmem:s15+$0xFFFFFED0] =	vst v17  }
0x314: {  	v11 =	vld.idx.msk [tilespmem:v11+s17+$0x0], $0xffff;
	[tilespmem:s15+$0xFFFFFEE0] =	vst v13  }
0x315: {  	v10 =	vld.idx.msk [tilespmem:v10+s17+$0x0], $0xffff;
	[tilespmem:s15+$0xFFFFFEF0] =	vst v16  }
0x316: {  	[tilespmem:s15+$0xFFFFFF00] =	vst v15  }
.Ltmp12:
0x317: {  	[tilespmem:s15+$0xFFFFFFD0] =	vst v8;
	(pc) =	sbr.rel .LBB2_18-.Ltmp12, $4  }
0x318: {  	s3 =	sshll.u32 s9, $0xA;
	[tilespmem:s15+$0xFFFFFFE0] =	vst v9  }
0x319: {  	s3 =	sand.u32 $0x1FFFFC00, s3;
	[tilespmem:s15+$0xFFFFFFF0] =	vst v11  }
0x31a: {  	s3 =	sadd.s32 s5, s3;
	[tilespmem:s15+$0x0] =	vst v10  }
0x31b: {  	[hbm4b:s3+s4] =	stream.linear.scatter [tilespmem:s20], [sflag:$0x8], $0x2000, $0x38;
	[tilespmem:$0x18000] =	vst v63  }
.LBB2_20:
0x31c: {  	_ =	sfence.sel $0x180000  }
0x31d: {  	[bflag:$0x0] =	sbarrier.arrive $0xFFFF  }
0x31e: {  	_ =	strace $0x90000047  }
0x31f: {  	s0 =	stileid.u32;
	[bflag:$0x2] =	sbarrier.arrive $0xFFFF  }
0x320: {  	p0 =	sne.s32 s0, $0x0;
	s0 =	rddreg [dreg:$0x3]  }
0x321: {  	s0 =	sadd.s32 @!p0 $0x100000, s0  }
0x322: {  	[sflag:s0] =	ssyncadd.tile.s32 @!p0 $0x1;
	_ =	shalt  }
.Lfunc_end2:
_tile_overlayer_lowered:
.L_overlay_start_2:
0x323: {  	(tag) =	ssettag $0x2  }
0x324: {  	s0 =	rddreg [dreg:$0x0];
	s2 =	stileid.u32  }
0x325: {  	s1 =	rddreg [dreg:$0x1];
	p0 =	sne.s32 s2, $0x0  }
0x326: {  	s3 =	rddreg [dreg:$0x2];
	[bflag:$0x3] =	sbarrier.arrive $0xFFFF;
	s2 =	simm.s32 @!p0 $0x1C09  }
0x327: {  	[timem:s3], [sflag:s2] =	dma.local @!p0 [hbm:s0], s1  }
0x328: {  	s0 =	simm.s32 @!p0 $0x9  }
0x329: {  	_ =	swait.ge @!p0 [sflag:s0], s1  }
0x32a: {  	s1 =	ssub.s32 @!p0 $0x0, s1;
	[sflag:s0] =	ssyncset.done @!p0 $0x0  }
0x32b: {  	[sflag:s0] =	ssyncadd.s32 @!p0 s1  }
0x32c: {  	[bflag:$0x3] =	sbarrier.arrive $0xFFFF  }
0x32d: {  	_ =	shalt  }

// kernel: kernel.8.cloned.1.call-start
scs
__scs_entry_jumppad:
0x0: {  	(pc) =	sbr.rel $0x88, $3  }
0x1: {  	(tag) =	ssettag $0x0;
	lr =	simm.s32 $0x1  }
0x2: {  	[smem:$0x3F9D] =	sst lr;
	_ =	strace $0xD0000000  }
0x3: {  	_ = 	snop  }
0x4: {  	_ = 	snop  }
0x5: {  	_ = 	snop  }
0x6: {  	_ = 	snop  }
0x7: {  	_ = 	snop  }
__scs_overlays_trampoline_lowered:
0x8: {  	[smem:$0x3FAC] =	sst s0  }
0x9: {  	[smem:$0x3FAD] =	sst s1  }
0xa: {  	[smem:$0x3FAE] =	sst s2  }
0xb: {  	[smem:$0x3FAF] =	sst s3  }
0xc: {  	[smem:$0x3FB0] =	sst s4  }
0xd: {  	[smem:$0x3FB1] =	sst s5  }
0xe: {  	[smem:$0x3FB2] =	sst s6  }
0xf: {  	[smem:$0x3FB3] =	sst s7  }
0x10: {  	[smem:$0x3FB4] =	sst s8  }
0x11: {  	[smem:$0x3FB5] =	sst s9;
	s0 =	simm.s32 @!p0 $0x0  }
0x12: {  	s1 =	sld [smem:$0x3F9B];
	s0 =	simm.s32 @p0 $0x1  }
0x13: {  	[smem:$0x3FB6] =	sst s0;
	s0 =	simm.s32 @!p1 $0x0  }
0x14: {  	s2 =	sld [smem:$0x3F9A];
	s0 =	simm.s32 @p1 $0x1  }
0x15: {  	[smem:$0x3FB7] =	sst s0;
	s0 =	simm.s32 @!p2 $0x0  }
0x16: {  	s3 =	sld [smem:$0x3FDB];
	s0 =	simm.s32 @p2 $0x1  }
0x17: {  	s4 =	simm.s32 $0x1BF5;
	[smem:$0x3FB9] =	sst s0  }
0x18: {  	s0 =	sld [smem:$0x3F9C];
	_ =	swait.ge [sflag:s4], $0x0  }
0x19: {  	s7 =	sld [smem:$0x3F9D]  }
0x1a: {  	s8 =	sadd.s32 $0xFFFFE003, lr  }
0x1b: {  	s9 =	sadd.s32 $0xFFFFFEF7, lr;
	s5 =	simm.s32 $0xFFFFFFFF;
	p2 =	slt.u32 s8, $0xFFFFF086  }
0x1c: {  	p1 =	slt.u32 s9, $0xF7A;
	s5 =	simm.s32 @!p2 $0x0  }
0x1d: {  	s5 =	simm.s32 @p1 $0x1;
	p0 =	seq.s32 s7, s2  }
0x1e: {  	s7 =	smul.u32 @!p0 $0xF7A, s2;
	p2 =	seq.s32 @!p0 s5, $0x0  }
0x1f: {  	s9 =	smul.u32 $0xF7A, s1;
	s8 =	simm.s32 @!p0 $0x1BF5;
	p2 =	por !p2, p0  }
0x20: {  	[sflag:s8] =	ssyncset.s32 @!p0 $0xFFFFF086;
	s6 =	sadd.s32 @!p0 s3, s7;
	s7 =	simm.s32 @!p0 $0x108  }
0x21: {  	s3 =	sadd.s32 s3, s9;
	s6 =	sadd.s32 @!p0 $0x88, s6;
	s7 =	simm.s32 @p2 $0x1082  }
0x22: {  	[simem:s7], [sflag:s8] =	dma.local @!p0 [hbm:s6], $0xF7A  }
0x23: {  	s9 =	sor.u32 $0xD0000000, s2;
	s6 =	simm.s32 $0x108;
	_ =	swait.ge @!p0 [sflag:s8], $0x0  }
0x24: {  	s3 =	sadd.s32 $0x88, s3;
	s6 =	simm.s32 @!p1 $0x1082;
	[sflag:s4] =	ssyncset.s32 $0xFFFFF086  }
0x25: {  	[simem:s6], [sflag:s4] =	dma.local [hbm:s3], $0xF7A  }
0x26: {  	[smem:$0x3F9D] =	sst s1;
	(tag) =	ssettag s2;
	_ =	strace s9  }
0x27: {  	s1 =	sld [smem:$0x3FAD]  }
0x28: {  	s2 =	sld [smem:$0x3FAE]  }
0x29: {  	s4 =	sld [smem:$0x3FB0]  }
0x2a: {  	p0 =	seq.s32 s5, $0x0;
	s5 =	sld [smem:$0x3FB1]  }
0x2b: {  	s6 =	sld [smem:$0x3FB2]  }
0x2c: {  	s7 =	sld [smem:$0x3FB3]  }
0x2d: {  	s3 =	simm.s32 $0x108;
	s8 =	sld [smem:$0x3FB4]  }
0x2e: {  	s3 =	simm.s32 @!p0 $0x1082;
	s9 =	sld [smem:$0x3FB5]  }
0x2f: {  	lr =	sadd.s32 s0, s3;
	s0 =	sld [smem:$0x3FAC]  }
0x30: {  	s3 =	sld [smem:$0x3FAF]  }
0x31: {  	[smem:$0x3FB8] =	sst s10  }
0x32: {  	s10 =	sld [smem:$0x3FB6];
	_ =	sdelay $0x3  }
0x33: {  	p0 =	seq.s32 s10, $0x1;
	s10 =	sld [smem:$0x3FB8];
	_ =	sdelay $0x3  }
0x34: {  	[smem:$0x3FB8] =	sst s10  }
0x35: {  	s10 =	sld [smem:$0x3FB7];
	_ =	sdelay $0x3  }
0x36: {  	p1 =	seq.s32 s10, $0x1;
	s10 =	sld [smem:$0x3FB8];
	_ =	sdelay $0x3  }
0x37: {  	[smem:$0x3FB8] =	sst s10  }
0x38: {  	s10 =	sld [smem:$0x3FB9]  }
0x39: {  	_ = 	snop;
	(pc) =	sbr.ind lr, $3  }
0x3a: {  	_ = 	snop  }
0x3b: {  	_ = 	snop  }
0x3c: {  	p2 =	seq.s32 s10, $0x1;
	s10 =	sld [smem:$0x3FB8]  }
0x3d: {  	_ =	shalt  }
0x3e: {  	_ =	shalt  }
0x3f: {  	_ =	shalt  }
0x40: {  	_ =	shalt  }
0x41: {  	_ =	shalt  }
0x42: {  	_ =	shalt  }
0x43: {  	_ =	shalt  }
0x44: {  	_ =	shalt  }
0x45: {  	_ =	shalt  }
0x46: {  	_ =	shalt  }
0x47: {  	_ =	shalt  }
0x48: {  	_ =	shalt  }
0x49: {  	_ =	shalt  }
0x4a: {  	_ =	shalt  }
0x4b: {  	_ =	shalt  }
0x4c: {  	_ =	shalt  }
0x4d: {  	_ =	shalt  }
0x4e: {  	_ =	shalt  }
0x4f: {  	_ =	shalt  }
0x50: {  	_ =	shalt  }
0x51: {  	_ =	shalt  }
0x52: {  	_ =	shalt  }
0x53: {  	_ =	shalt  }
0x54: {  	_ =	shalt  }
0x55: {  	_ =	shalt  }
0x56: {  	_ =	shalt  }
0x57: {  	_ =	shalt  }
0x58: {  	_ =	shalt  }
0x59: {  	_ =	shalt  }
0x5a: {  	_ =	shalt  }
0x5b: {  	_ =	shalt  }
0x5c: {  	_ =	shalt  }
0x5d: {  	_ =	shalt  }
0x5e: {  	_ =	shalt  }
0x5f: {  	_ =	shalt  }
0x60: {  	_ =	shalt  }
0x61: {  	_ =	shalt  }
0x62: {  	_ =	shalt  }
0x63: {  	_ =	shalt  }
0x64: {  	_ =	shalt  }
0x65: {  	_ =	shalt  }
0x66: {  	_ =	shalt  }
0x67: {  	_ =	shalt  }
0x68: {  	_ =	shalt  }
0x69: {  	_ =	shalt  }
0x6a: {  	_ =	shalt  }
0x6b: {  	_ =	shalt  }
0x6c: {  	_ =	shalt  }
0x6d: {  	_ =	shalt  }
0x6e: {  	_ =	shalt  }
0x6f: {  	_ =	shalt  }
0x70: {  	_ =	shalt  }
0x71: {  	_ =	shalt  }
0x72: {  	_ =	shalt  }
0x73: {  	_ =	shalt  }
0x74: {  	_ =	shalt  }
0x75: {  	_ =	shalt  }
0x76: {  	_ =	shalt  }
0x77: {  	_ =	shalt  }
0x78: {  	_ =	shalt  }
0x79: {  	_ =	shalt  }
0x7a: {  	_ =	shalt  }
0x7b: {  	_ =	shalt  }
0x7c: {  	_ =	shalt  }
0x7d: {  	_ =	shalt  }
0x7e: {  	_ =	shalt  }
0x7f: {  	_ =	shalt  }
0x80: {  	_ =	shalt  }
0x81: {  	_ =	shalt  }
0x82: {  	_ =	shalt  }
0x83: {  	_ =	shalt  }
0x84: {  	_ =	shalt  }
0x85: {  	_ =	shalt  }
0x86: {  	_ =	shalt  }
0x87: {  	_ =	shalt  }
.Lfunc_end0:
.L_simem_size_0:
called_computation.1_lowered:
.L_overlay_start_0:
0x88: {  	s2 =	sld [smem:$0x3FD9]  }
0x89: {  	s3 =	sld [smem:$0x3FFE];
	_ =	sdelay $0x1  }
0x8a: {  	s1 =	srdreg.scid  }
0x8b: {  	s0 =	sand.u32 $0x1, s1  }
0x8c: {  	s16 =	sshll.u32 s0, $0xA;
	s2 =	sadd.s32 s3, s2  }
0x8d: {  	s2 =	sadd.s32 s2, s16  }
0x8e: {  	[smem:$0x3FC4] =	sst s2  }
0x8f: {  	_ = 	snop  }
0x90: {  	(tm) =	ssettm $0x1  }
0x91: {  	s17 =	sld [smem:$0x3FFB];
	_ =	sdelay $0x3  }
0x92: {  	_ =	strace s17  }
0x93: {  	s2 =	sld [smem:$0x3FFC];
	_ =	sdelay $0x3  }
0x94: {  	_ =	strace s2  }
0x95: {  	s2 =	sld [smem:$0x3FFD];
	_ =	sdelay $0x3  }
0x96: {  	_ =	strace s2  }
0x97: {  	_ =	strace $0x8FFFFFFF  }
0x98: {  	s18 =	sld [smem:$0x3FDB];
	_ =	sdelay $0x1  }
0x99: {  	s19 =	simm.s32 $_scs_section_size  }
0x9a: {  	s4 =	simm.s32 $_size__tile_overlayer_lowered;
	s5 =	simm.s32 $_tile_overlayer_lowered  }
0x9b: {  	s22 =	simm.s32 $0x1BFF;
	s21 =	sshll.u32 s5, $0x1;
	s2 =	sadd.s32 s19, s18  }
0x9c: {  	s6 =	simm.s32 $0x0;
	s20 =	sshll.u32 s4, $0x1;
	s4 =	sadd.s32 s21, s2  }
0x9d: {  	[timem:s6], [sflag:s22] =	dma.local [hbm:s4], s20  }
0x9e: {  	_ =	swait.ge [sflag:s22], s20  }
0x9f: {  	s3 =	ssub.s32 $0x0, s20;
	[sflag:s22] =	ssyncset.done $0x0  }
0xa0: {  	[sflag:s22] =	ssyncadd.s32 s3;
	_ =	sdelay $0x1  }
0xa1: {  	s23 =	simm.s32 $0x1B8B  }
0xa2: {  	_ =	swait.ge [sflag:s23], $0x1  }
0xa3: {  	[sflag:s23] =	ssyncset.done $0x0  }
0xa4: {  	s25 =	simm.s32 $0x1B8E;
	s24 =	sld [smem:$0x3FFE];
	[sflag:s23] =	ssyncadd.s32 $0xFFFFFFFF  }
0xa5: {  	s26 =	simm.s32 $execute0_lowered;
	[smem:$0x3FD2] =	sst s25  }
0xa6: {  	s4 =	sshll.u32 s26, $0x1;
	_ =	strace $0x80000049;
	[dreg:$0x1] =	wrdreg $0xFFFFFFFF  }
0xa7: {  	s28 =	simm.s32 $_size_execute0_lowered;
	s2 =	sadd.s32 s2, s4;
	[dreg:$0x0] =	wrdreg $0x0  }
0xa8: {  	s4 =	sshll.u32 s28, $0x1;
	[dreg:$0x2] =	wrdreg s2  }
0xa9: {  	[dreg:$0x3] =	wrdreg s4  }
0xaa: {  	[dreg:$0x4] =	wrdreg $0xC0  }
0xab: {  	_ =	task [dreg:s6], $0x5FFFF  }
0xac: {  	[dreg:$0x1] =	wrdreg $0xFFFFFFFF  }
0xad: {  	[dreg:$0x0] =	wrdreg $0x60  }
0xae: {  	[dreg:$0x2] =	wrdreg s24  }
0xaf: {  	[dreg:$0x3] =	wrdreg $0x9  }
0xb0: {  	_ =	task.clear_ibuf [dreg:s6], $0x4FFFF;
	_ =	strace $0x90000049  }
0xb1: {  	s29 =	simm.s32 $0x9;
	_ =	strace $0x8000004B  }
0xb2: {  	_ =	swait.ge [sflag:s29], $0x1  }
0xb3: {  	[sflag:s29] =	ssyncadd.s32 $0xFFFFFFFF  }
0xb4: {  	_ =	strace $0x9000004B  }
0xb5: {  	_ =	sfence  }
0xb6: {  	s30 =	sld [smem:$0x0];
	_ =	sdelay $0x2  }
0xb7: {  	s31 =	sshll.u32 s1, $0xD;
	s1 =	sshrl.u32 s1, $0x2  }
0xb8: {  	s3 =	sand.u32 $0x4000, s31;
	s1 =	sadd.s32 s1, s30  }
0xb9: {  	s0 =	sor.u32 s3, s0;
	s1 =	sshll.u32 s1, $0x11  }
0xba: {  	s0 =	sor.u32 s1, s0  }
0xbb: {  	s0 =	sadd.s32 $0x8F2B, s0  }
0xbc: {  	[sflag:s0] =	ssyncadd.remote.s32 $0x1  }
0xbd: {  	_ =	sfence.sel $0xFFFF  }
0xbe: {  	[dreg:$0x0] =	wrdreg $0xFFFFFFFF;
	(pc) =	sbr.abs _section_cstart, $3  }
0xbf: {  	[dreg:$0x1] =	wrdreg $0xFFFFFFFF  }
0xc0: {  	_ =	task.clear_ibuf [dreg:s6], $0x2FFFF;
	_ =	strace $0x9FFFFFFF  }
0xc1: {  	(tm) =	ssettm $0x7FFFFFFF  }
tec
execute0_lowered:
.L_overlay_start_1:
0x0: {  	(tag) =	ssettag $0x1  }
0x1: {  	s1 =	srdreg.scid;
	s0 =	stileid.u32  }
0x2: {  	s4 =	rddreg [dreg:$0x0];
	s2 =	simm.s32 $0x0;
	s8 =	simm.s32 $0x68  }
0x3: {  	s9 =	simm.s32 $0x6400;
	s10 =	simm.s32 $0x60;
	s11 =	simm.s32 $0x7E00  }
0x4: {  	s12 =	simm.s32 $0x1;
	s13 =	simm.s32 $0xC800;
	s14 =	simm.s32 $0x0  }
0x5: {  	s3 =	sand.u32 $0x1, s1;
	s5 =	sshll.u32 s0, $0x1;
	[smem:$0x7FF] =	sst s2  }
0x6: {  	s1 =	rddreg [dreg:$0x1];
	s5 =	sor.u32 s3, s5;
	_ =	strace $0x8000004A  }
0x7: {  	s7 =	ssub.s32 $0x2, s3;
	s6 =	smul.u32 $0xC80, s5;
	s5 =	sshll.u32 s5, $0xA  }
0x8: {  	s3 =	sadd.s32 $0xC00, s4;
	s31 =	sshrl.u32 s7, $0x1;
	s5 =	sadd.s32 s5, s4  }
0x9: {  	s7 =	ssub.s32 s7, s31;
	s6 =	sadd.s32 s6, s4;
	s5 =	sadd.s32 $0x7BAE00, s5  }
0xa: {  	s4 =	sadd.s32 $0x7A1E00, s6;
	s6 =	smax.u32 s7, $0x1;
	s7 =	simm.s32 $0x2  }
.LBB2_1:
0xb: {  	[tilespmem:s2], [sflag:$0x2] =	stream.linear.gather [hbm4b:s4+s2], $0x6400, $0x38;
	[tilespmem:$0xE800] =	vst v63  }
0xc: {  	_ =	swait.ge [sflag:s7], $0x6400  }
0xd: {  	[sflag:s7] =	ssyncset.done $0x0  }
0xe: {  	[sflag:s7] =	ssyncadd.s32 $0xFFFF9C00  }
0xf: {  	[tilespmem:s9], [sflag:$0x1] =	stream.indirect.gather [hbm4b:s3+s8], $0x40, s2, s8, $0xb8;
	[tilespmem:$0xE800] =	vst v63  }
0x10: {  	p0 =	por $0x0, $0x0;
	s15 =	simm.s32 $0x0  }
0x11: {  	[tilespmem:s11], [sflag:$0x1] =	stream.indirect.gather [hbm4b:s3+s10], $0x40, s8, s10, $0xb8;
	[tilespmem:$0xE800] =	vst v63  }
.LBB2_2:
0x12: {  	s16 =	simm.s32 $0x1  }
0x13: {  	_ =	swait.ge [sflag:s12], $0x1A00;
	s17 =	sand.u32 $0x1, s15;
	s16 =	simm.s32 @!p0 $0x0  }
0x14: {  	p1 =	seq.s32 s15, $0x7F;
	[sflag:s12] =	ssyncset.done $0x0;
	s18 =	smul.u32 $0xC800, s16  }
0x15: {  	s31 =	simm.s32 $0x0;
	s17 =	sxor.u32 @!p1 $0x1, s17;
	[sflag:s12] =	ssyncadd.s32 $0xFFFFE600  }
0x16: {  	s16 =	sadd.s32 $0x1, s15;
	s17 =	smul.u32 @!p1 $0xC800, s17;
	s18 =	sshrl.u32 s18, $0x2  }
0x17: {  	_ =	swait.ge [sflag:s12], $0x1800;
	s19 =	smul.u32 @!p1 $0x320, s16;
	s18 =	sadd.s32 $0x6420, s18  }
0x18: {  	s21 =	simm.s32 @!p1 $0x68;
	[sflag:s12] =	ssyncset.done $0x0;
	s17 =	sshrl.u32 @!p1 s17, $0x2;
	v0 =	vmov s18  }
0x19: {  	[sflag:s12] =	ssyncadd.s32 $0xFFFFE800;
	s20 =	sadd.s32 @!p1 $0x6400, s17;
	s19 =	sshra.s32 @!p1 s19, $0x2  }
0x1a: {  	[tilespmem:s20], [sflag:$0x1] =	stream.indirect.gather @!p1 [hbm4b:s3+s21], $0x40, s19, s21, $0xb8;
	[tilespmem:$0xE800] =	vst v63  }
0x1b: {  	s17 =	sadd.s32 @!p1 $0x7E00, s17;
	s18 =	sadd.s32 @!p1 $0x68, s19;
	s19 =	simm.s32 @!p1 $0x60  }
0x1c: {  	[tilespmem:s17], [sflag:$0x1] =	stream.indirect.gather @!p1 [hbm4b:s3+s19], $0x40, s18, s19, $0xb8;
	[tilespmem:$0xE800] =	vst v63  }
0x1d: {  	v1 =	vld.idx.msk [tilespmem:v0+s31+$0x10 ss:$0x1], $0xffff  }
0x1e: {  	v3 =	vld.idx.msk [tilespmem:v0+s31+$0xFFFFFFE0 ss:$0x1], $0xffff  }
0x1f: {  	v2 =	vimm.f32 $0.0e+00;
	v4 =	vld.idx.msk [tilespmem:v0+s31+$0xFFFFFFF0 ss:$0x1], $0xffff  }
0x20: {  	v8 =	vimm.f32 $0.0e+00;
	v7 =	vimm.f32 $0.0e+00;
	v6 =	vimm.f32 $0.0e+00;
	s17 =	simm.s32 $0x100;
	v5 =	vld.idx.msk [tilespmem:v0+s31+$0x0 ss:$0x1], $0xffff  }
.LBB2_3:
0x21: {  	p1 =	sne.s32 s17, $0xC700  }
.Ltmp0:
0x22: {  	s18 =	sshra.s32 s17, $0x2;
	s17 =	sadd.s32 $0x100, s17;
	(pc) =	sbr.rel @p1 .LBB2_3-.Ltmp0, $4  }
0x23: {  	v2 =	vadd.f32 v1, v2;
	v1 =	vld.idx.msk [tilespmem:v0+s18+$0x10 ss:$0x1], $0xffff  }
0x24: {  	v8 =	vadd.f32 v3, v8;
	v3 =	vld.idx.msk [tilespmem:v0+s18+$0xFFFFFFE0 ss:$0x1], $0xffff  }
0x25: {  	v7 =	vadd.f32 v4, v7;
	v4 =	vld.idx.msk [tilespmem:v0+s18+$0xFFFFFFF0 ss:$0x1], $0xffff  }
0x26: {  	v6 =	vadd.f32 v5, v6;
	v5 =	vld.idx.msk [tilespmem:v0+s18+$0x0 ss:$0x1], $0xffff  }
0x27: {  	_ = 	snop  }
0x28: {  	s15 =	sshll.u32 s15, $0x6;
	p1 =	sne.s32 s16, $0x80;
	v63 =	vadd.f32 v1, v2  }
.Ltmp1:
0x29: {  	s15 =	sand.u32 $0x3FFFFFC0, s15;
	v0 =	vadd.f32 v3, v8;
	(pc) =	sbr.rel @p1 .LBB2_2-.Ltmp1, $4  }
0x2a: {  	v61 =	vadd.f32 v4, v7;
	[tilespmem:s15+$0xC830] =	vst v63  }
0x2b: {  	v62 =	vadd.f32 v5, v6;
	[tilespmem:s15+$0xC800] =	vst v0  }
0x2c: {  	[tilespmem:s15+$0xC810] =	vst v61  }
0x2d: {  	p0 =	por !p0, !p0;
	[tilespmem:s15+$0xC820] =	vst v62;
	s15 =	smov.u32 s16  }
0x2e: {  	s14 =	sadd.s32 $0x1, s14  }
0x2f: {  	p0 =	sne.s32 s14, s6  }
.Ltmp2:
0x30: {  	_ = 	snop;
	(pc) =	sbr.rel @p0 .LBB2_1-.Ltmp2, $4  }
0x31: {  	[hbm4b:s5+s2] =	stream.linear.scatter [tilespmem:s13], [sflag:$0x2], $0x2000, $0x38;
	[tilespmem:$0xE800] =	vst v63  }
0x32: {  	_ =	swait.ge [sflag:s7], $0x2000  }
0x33: {  	[sflag:s7] =	ssyncset.done $0x0  }
0x34: {  	[sflag:s7] =	ssyncadd.s32 $0xFFFFE000  }
0x35: {  	_ =	sfence.sel $0x180000  }
0x36: {  	[bflag:$0x0] =	sbarrier.arrive $0xFFFF  }
0x37: {  	p0 =	sne.s32 s0, $0x0;
	_ =	strace $0x9000004A  }
0x38: {  	s0 =	sadd.s32 @!p0 $0x100000, s1;
	[bflag:$0x2] =	sbarrier.arrive $0xFFFF  }
0x39: {  	[sflag:s0] =	ssyncadd.tile.s32 @!p0 $0x1;
	_ =	shalt  }
.Lfunc_end2:
_tile_overlayer_lowered:
.L_overlay_start_2:
0x3a: {  	(tag) =	ssettag $0x2  }
0x3b: {  	s0 =	rddreg [dreg:$0x0];
	s2 =	stileid.u32  }
0x3c: {  	s1 =	rddreg [dreg:$0x1];
	p0 =	sne.s32 s2, $0x0  }
0x3d: {  	s3 =	rddreg [dreg:$0x2];
	[bflag:$0x3] =	sbarrier.arrive $0xFFFF;
	s2 =	simm.s32 @!p0 $0x1C02  }
0x3e: {  	[timem:s3], [sflag:s2] =	dma.local @!p0 [hbm:s0], s1  }
0x3f: {  	s0 =	simm.s32 @!p0 $0x2  }
0x40: {  	_ =	swait.ge @!p0 [sflag:s0], s1  }
0x41: {  	s1 =	ssub.s32 @!p0 $0x0, s1;
	[sflag:s0] =	ssyncset.done @!p0 $0x0  }
0x42: {  	[sflag:s0] =	ssyncadd.s32 @!p0 s1  }
0x43: {  	[bflag:$0x3] =	sbarrier.arrive $0xFFFF  }
0x44: {  	_ =	shalt  }

</sc_bundles>
